<compile_context>
chip_gen: v7x
topology: tpu7x:2x2x1
jax: 0.10.2.dev20260603
libtpu: 0.0.44.dev20260713+nightly
codegen_flags: <defaults>
</compile_context>

<pallas_src>
import functools

import jax
import jax.numpy as jnp
from jax import lax
from jax.experimental import pallas as pl
from jax.experimental.pallas import tpu as pltpu
from jax.experimental.pallas import tpu_sc as plsc

HEADS = 16
EMBED = 128
INST = 20
N = 343
ROWS = 363
TABLE_ROWS = 2197
TPAD = 2200
TRH = 46
TROWS = HEADS * TRH
TPW = TROWS // 32
BLK = 3 * 8 * 128
SEGS = (0, 6, 12, 18, TPW)


def _repack_body(x_ref, o_ref):
    for c in range(3):
        width = 128 if c < 2 else ROWS - 256
        col = x_ref[:, c].reshape(8 * TRH, 128)
        o_ref[0, 0, :, 128 * c:128 * c + width] = col[:ROWS, :width]


def _sc_body(table_hbm, w_hbm, enc_hbm, out_hbm, table_v, w_v, enc_v, inst_v,
             buf_v, sem_in, sem_out):
    nc = 2
    w = lax.axis_index("s") * nc + lax.axis_index("c")
    h = w // 2
    half = w % 2
    rr0 = half * (8 * TPW)

    c_tab = pltpu.async_copy(table_hbm.at[h], table_v, sem_in)
    c_w = pltpu.async_copy(w_hbm.at[h], w_v, sem_in)
    c_e = pltpu.async_copy(enc_hbm, enc_v, sem_in)

    lane = lax.iota(jnp.int32, 16)
    koff = [None]
    for m in range(1, 23):
        t = jnp.clip(lane + (16 * m - INST), 0, N - 1)
        ki = t // 49
        rem = t - 49 * ki
        kj = rem // 7
        kl = rem - 7 * kj
        koff.append(1098 - (ki * 169 + kj * 13 + kl))

    c_tab.wait()
    c_w.wait()
    c_e.wait()
    wv = [w_v[pl.ds(16 * c, 16)] for c in range(8)]
    lane = lax.iota(jnp.int32, 16)
    lane0 = lane == 0
    for k in range(INST):
        acc = wv[0] * enc_v[pl.ds(k * EMBED, 16)]
        for c in range(1, 8):
            acc = acc + wv[c] * enc_v[pl.ds(k * EMBED + 16 * c, 16)]
        sk = jnp.zeros((16,), jnp.float32) + jnp.sum(acc)
        plsc.store_scatter(inst_v, [jnp.full((16,), k, jnp.int32)], sk,
                           mask=lane0)

    i0 = inst_v[pl.ds(0, 16)]
    i4 = inst_v[pl.ds(4, 16)]
    zero = jnp.zeros((16,), jnp.float32)

    def row_body(k):
        rr = rr0 + k
        base = (k // 8) * BLK + (k % 8) * 128

        def zero_row():
            for m in range(24):
                lt = (16 * m) // 128
                buf_v[pl.ds(base + lt * 1024 + (16 * m) % 128, 16)] = zero

        def data_row():
            q = jnp.minimum(rr, ROWS - 1) - INST
            qi = q // 49
            qrem = q - 49 * qi
            qj = qrem // 7
            qbase = qi * 169 + qj * 13 + (qrem - 7 * qj)
            off = jnp.full((16,), 0, jnp.int32) + qbase
            buf_v[pl.ds(base, 16)] = i0
            for m in range(1, 23):
                lt = (16 * m) // 128
                buf_v[pl.ds(base + lt * 1024 + (16 * m) % 128, 16)] = (
                    plsc.load_gather(table_v, [koff[m] + off]))
            buf_v[pl.ds(base + 4, 16)] = i4

        lax.cond(rr < INST, zero_row, data_row)
        return 0

    copies = []
    for s in range(len(SEGS) - 1):
        t0, t1 = SEGS[s], SEGS[s + 1]
        lax.fori_loop(8 * t0, 8 * t1, lambda k, c: row_body(k), 0)
        copies.append(pltpu.async_copy(
            buf_v.at[pl.ds(t0 * BLK, (t1 - t0) * BLK)],
            out_hbm.at[pl.ds((w * TPW + t0) * BLK, (t1 - t0) * BLK)],
            sem_out))
    for c in copies:
        c.wait()


def kernel(enc, W, table, rel_idx, dim_q, dim_k, dim_i, dim_h, dim_w, dim_d):
    del rel_idx
    tpad = jnp.pad(table.T, ((0, 0), (0, TPAD - TABLE_ROWS)))

    mesh = plsc.VectorSubcoreMesh(core_axis_name="c", subcore_axis_name="s")
    sc = functools.partial(
        pl.kernel,
        out_type=jax.ShapeDtypeStruct((TROWS * BLK,), jnp.float32),
        mesh=mesh,
        compiler_params=pltpu.CompilerParams(
            use_tc_tiling_on_sc=False, needs_layout_passes=False),
        scratch_types=[
            pltpu.VMEM((TPAD,), jnp.float32),
            pltpu.VMEM((EMBED,), jnp.float32),
            pltpu.VMEM((INST * EMBED,), jnp.float32),
            pltpu.VMEM((INST,), jnp.float32),
            pltpu.VMEM((TPW * BLK,), jnp.float32),
            pltpu.SemaphoreType.DMA,
            pltpu.SemaphoreType.DMA,
        ],
    )(_sc_body)
    out = sc(tpad, W, enc.reshape(INST * EMBED))

    return pl.pallas_call(
        _repack_body,
        grid=(HEADS,),
        in_specs=[pl.BlockSpec((TRH, 3, 8, 128), lambda g: (g, 0, 0, 0))],
        out_specs=pl.BlockSpec((1, 1, ROWS, ROWS), lambda g: (0, g, 0, 0)),
        out_shape=jax.ShapeDtypeStruct((1, HEADS, ROWS, ROWS), jnp.float32),
    )(out.reshape(TROWS, 3, 8, 128))

# --- scband reference (transcript-rebuilt; emitter-appended) ---
"""Pipeline reference for scband-deep-instructed-attention-position-scores-legacy-82712480186747 (READ-ONLY COPY).

The authoritative reference and input builder live on the scoring server;
editing this copy changes nothing except your own understanding.
"""

import jax, jax.numpy as jnp
import numpy as np

EMBED_DIM = 128
HEADS = 16
POOL = 2
TPI = 10
WIN = 7


def _rel_pos_index():
    coords = np.stack(np.meshgrid(np.arange(WIN), np.arange(WIN), np.arange(WIN), indexing='ij'))
    flat = coords.reshape(3, -1)
    rel = flat[:, :, None] - flat[:, None, :]
    rel = rel.transpose(1, 2, 0).copy()
    rel[:, :, 0] += WIN - 1
    rel[:, :, 1] += WIN - 1
    rel[:, :, 2] += WIN - 1
    rel[:, :, 0] *= (2 * WIN - 1) * (2 * WIN - 1)
    rel[:, :, 1] *= 2 * WIN - 1
    return jnp.asarray(rel.sum(-1), dtype=jnp.int32)


def setup_inputs(seed: int = 0) -> dict:
    key = jax.random.key(seed)
    k1, k2, k3 = jax.random.split(key, 3)
    enc = jax.random.normal(k1, (POOL, TPI, EMBED_DIM), dtype=jnp.float32) * 0.1
    W = jax.random.normal(k2, (HEADS, EMBED_DIM), dtype=jnp.float32) * 0.1
    table_rows = (2 * WIN - 1) ** 3
    table = jax.random.normal(k3, (table_rows, HEADS), dtype=jnp.float32) * 0.02
    return {
        'enc': enc,
        'W': W,
        'table': table,
        'rel_idx': _rel_pos_index(),
        'dim_q': 363,
        'dim_k': 363,
        'dim_i': 20,
        'dim_h': 7,
        'dim_w': 7,
        'dim_d': 7,
    }


def reference(enc, W, table, rel_idx, dim_q, dim_k, dim_i, dim_h, dim_w, dim_d):
    heads = W.shape[0]
    tpi = enc.shape[1]
    dim_i_s = enc.shape[0] * tpi
    n_instruction_categories = dim_i_s // tpi
    # unique_instruction_bias=True, label_indices=None, n_instruction_categories > 1:
    # concat the first n_instruction_categories per-instruction encodings, add batch dim
    cross_inst_content_embeddings = enc[:n_instruction_categories].reshape(1, n_instruction_categories * tpi, enc.shape[2])
    # einsum('h c, b n c -> b h n')
    cross_inst_content_scores = jnp.einsum('hc,bnc->bhn', W, cross_inst_content_embeddings)
    n_ = rel_idx.shape[0]
    dim_k_s = dim_i_s + n_
    dim_q_s = dim_k_s
    # gather from relative position bias table (embedding lookup)
    rpb = jnp.take(table, rel_idx[:n_, :n_].reshape(-1), axis=0).reshape(n_, n_, heads)
    content_scores = jnp.transpose(rpb, (2, 0, 1))[None]  # () h n m
    b = cross_inst_content_scores.shape[0]
    scores = jnp.zeros((b, heads, dim_q_s, dim_k_s), dtype=jnp.float32)
    scores = scores + 0.0 * jnp.asarray(dim_q + dim_k + dim_i + dim_h + dim_w + dim_d, dtype=jnp.float32)
    # instructions -> content bias block
    inst_block = jnp.broadcast_to(cross_inst_content_scores[:, :, None, :], (b, heads, dim_k_s - dim_i_s, dim_i_s))
    scores = scores.at[:, :, dim_i_s:, :dim_i_s].set(inst_block)
    # content relative-position bias block
    scores = scores.at[:, :, dim_i_s:, dim_i_s:].set(content_scores)
    # pre_scale=False: no scaling
    return scores

if __name__ == "__main__":
    import jax
    _d = setup_inputs()
    print(jax.jit(kernel)(*tuple(_d.values())))

</pallas_src>

<mosaic_0001>
#map = affine_map<(d0, d1) -> (0, 0)>
#map1 = affine_map<(d0, d1) -> (0)>
module attributes {stable_mosaic.version = 14 : i64} {
  func.func @_sc_body(%arg0: i32, %arg1: i32, %arg2: memref<16x2200xf32, #tpu.memory_space<hbm>>, %arg3: memref<16x128xf32, #tpu.memory_space<hbm>>, %arg4: memref<2560xf32, #tpu.memory_space<hbm>>, %arg5: memref<2260992xf32, #tpu.memory_space<hbm>>, %arg6: memref<2200xf32, #tpu.memory_space<vmem>>, %arg7: memref<128xf32, #tpu.memory_space<vmem>>, %arg8: memref<2560xf32, #tpu.memory_space<vmem>>, %arg9: memref<20xf32, #tpu.memory_space<vmem>>, %arg10: memref<70656xf32, #tpu.memory_space<vmem>>, %arg11: memref<!tpu.dma_semaphore, #tpu.memory_space<semaphore_mem>>, %arg12: memref<!tpu.dma_semaphore, #tpu.memory_space<semaphore_mem>>) attributes {dimension_semantics = [#tpu.dimension_semantics<core_parallel>, #tpu.dimension_semantics<subcore_parallel>], iteration_bounds = array<i64: 2, 16>, scalar_prefetch = 0 : i64, scratch_operands = 7 : i64, tpu.core_type = #tpu.core_type<sc_vector_subcore>, window_params = [{transform_indices = #map}, {transform_indices = #map}, {transform_indices = #map1}, {transform_indices = #map1}]} {
    %mul3A = arith.constant 2 : i32
    %mul3A_0 = arith.muli %arg1, %mul3A : i32
    %add3A = arith.addi %mul3A_0, %arg0 : i32
    %jit3A = arith.constant 2 : i32
    %div3A = arith.divsi %add3A, %jit3A : i32
    %sign3A = arith.constant 0 : i32
    %sign3A_1 = arith.cmpi sgt, %add3A, %sign3A : i32
    %sign3A_2 = arith.extui %sign3A_1 : i1 to i32
    %sign3A_3 = arith.constant 0 : i32
    %sign3A_4 = arith.cmpi slt, %add3A, %sign3A_3 : i32
    %sign3A_5 = arith.extui %sign3A_4 : i1 to i32
    %sign3A_6 = arith.subi %sign3A_2, %sign3A_5 : i32
    %sign3A_7 = arith.constant 0 : i32
    %sign3A_8 = arith.cmpi sgt, %jit3A, %sign3A_7 : i32
    %sign3A_9 = arith.extui %sign3A_8 : i1 to i32
    %sign3A_10 = arith.constant 0 : i32
    %sign3A_11 = arith.cmpi slt, %jit3A, %sign3A_10 : i32
    %sign3A_12 = arith.extui %sign3A_11 : i1 to i32
    %sign3A_13 = arith.subi %sign3A_9, %sign3A_12 : i32
    %ne3A = arith.cmpi ne, %sign3A_6, %sign3A_13 : i32
    %rem3A = arith.remsi %add3A, %jit3A : i32
    %ne3A_14 = arith.constant 0 : i32
    %ne3A_15 = arith.cmpi ne, %rem3A, %ne3A_14 : i32
    %and3A = arith.andi %ne3A, %ne3A_15 : i1
    %sub3A = arith.constant 1 : i32
    %sub3A_16 = arith.subi %div3A, %sub3A : i32
    %select_n3A = arith.select %and3A, %sub3A_16, %div3A : i32
    %jit3A_17 = arith.constant 2 : i32
    %eq3A = arith.constant 0 : i32
    %eq3A_18 = arith.cmpi eq, %jit3A_17, %eq3A : i32
    %jit3A_19 = arith.constant 1 : i32
    %select_n3A_20 = arith.select %eq3A_18, %jit3A_19, %jit3A_17 : i32
    %rem3A_21 = arith.remsi %add3A, %select_n3A_20 : i32
    %ne3A_22 = arith.constant 0 : i32
    %ne3A_23 = arith.cmpi ne, %rem3A_21, %ne3A_22 : i32
    %lt3A = arith.constant 0 : i32
    %lt3A_24 = arith.cmpi slt, %rem3A_21, %lt3A : i32
    %lt3A_25 = arith.constant 0 : i32
    %lt3A_26 = arith.cmpi slt, %select_n3A_20, %lt3A_25 : i32
    %ne3A_27 = arith.xori %lt3A_24, %lt3A_26 : i1
    %and3A_28 = arith.andi %ne3A_27, %ne3A_23 : i1
    %add3A_29 = arith.addi %rem3A_21, %select_n3A_20 : i32
    %select_n3A_30 = arith.select %and3A_28, %add3A_29, %rem3A_21 : i32
    %mul3A_31 = arith.constant 184 : i32
    %mul3A_32 = arith.muli %select_n3A_30, %mul3A_31 : i32
    %dma_start3A = arith.constant 0 : i32
    %dma_start3A_33 = tpu.memref_slice %arg2[%select_n3A, %dma_start3A] : memref<16x2200xf32, #tpu.memory_space<hbm>> -> memref<1x2200xf32, #tpu.memory_space<hbm>>
    %dma_start3A_34 = tpu.memref_squeeze %dma_start3A_33 : memref<1x2200xf32, #tpu.memory_space<hbm>> -> memref<2200xf32, #tpu.memory_space<hbm>>
    %dma_start3A_35 = arith.constant 0 : i32
    %dma_start3A_36 = tpu.memref_slice %arg2[%select_n3A, %dma_start3A_35] : memref<16x2200xf32, #tpu.memory_space<hbm>> -> memref<1x2200xf32, #tpu.memory_space<hbm>>
    %dma_start3A_37 = tpu.memref_squeeze %dma_start3A_36 : memref<1x2200xf32, #tpu.memory_space<hbm>> -> memref<2200xf32, #tpu.memory_space<hbm>>
    tpu.enqueue_dma source(%dma_start3A_37 : memref<2200xf32, #tpu.memory_space<hbm>>) target(%arg6 : memref<2200xf32, #tpu.memory_space<vmem>>) target_semaphore(%arg11 : memref<!tpu.dma_semaphore, #tpu.memory_space<semaphore_mem>>)
    %dma_start3A_38 = arith.constant 0 : i32
    %dma_start3A_39 = tpu.memref_slice %arg3[%select_n3A, %dma_start3A_38] : memref<16x128xf32, #tpu.memory_space<hbm>> -> memref<1x128xf32, #tpu.memory_space<hbm>>
    %dma_start3A_40 = tpu.memref_squeeze %dma_start3A_39 : memref<1x128xf32, #tpu.memory_space<hbm>> -> memref<128xf32, #tpu.memory_space<hbm>>
    %dma_start3A_41 = arith.constant 0 : i32
    %dma_start3A_42 = tpu.memref_slice %arg3[%select_n3A, %dma_start3A_41] : memref<16x128xf32, #tpu.memory_space<hbm>> -> memref<1x128xf32, #tpu.memory_space<hbm>>
    %dma_start3A_43 = tpu.memref_squeeze %dma_start3A_42 : memref<1x128xf32, #tpu.memory_space<hbm>> -> memref<128xf32, #tpu.memory_space<hbm>>
    tpu.enqueue_dma source(%dma_start3A_43 : memref<128xf32, #tpu.memory_space<hbm>>) target(%arg7 : memref<128xf32, #tpu.memory_space<vmem>>) target_semaphore(%arg11 : memref<!tpu.dma_semaphore, #tpu.memory_space<semaphore_mem>>)
    tpu.enqueue_dma source(%arg4 : memref<2560xf32, #tpu.memory_space<hbm>>) target(%arg8 : memref<2560xf32, #tpu.memory_space<vmem>>) target_semaphore(%arg11 : memref<!tpu.dma_semaphore, #tpu.memory_space<semaphore_mem>>)
    %iota3A = tpu.iota {dimensions = array<i32: 0>} : vector<16xi32>
    %add3A_44 = arith.constant -4 : i32
    %add3A_45 = vector.broadcast %add3A_44 : i32 to vector<16xi32>
    %add3A_46 = arith.addi %iota3A, %add3A_45 : vector<16xi32>
    %jit3A_47 = arith.constant 0 : i32
    %jit3A_48 = arith.constant 342 : i32
    %max3A = vector.broadcast %jit3A_47 : i32 to vector<16xi32>
    %max3A_49 = arith.maxsi %max3A, %add3A_46 : vector<16xi32>
    %min3A = vector.broadcast %jit3A_48 : i32 to vector<16xi32>
    %min3A_50 = arith.minsi %min3A, %max3A_49 : vector<16xi32>
    %jit3A_51 = arith.constant 49 : i32
    %div3A_52 = vector.broadcast %jit3A_51 : i32 to vector<16xi32>
    %div3A_53 = arith.divsi %min3A_50, %div3A_52 : vector<16xi32>
    %sign3A_54 = arith.constant 0 : i32
    %sign3A_55 = vector.broadcast %sign3A_54 : i32 to vector<16xi32>
    %sign3A_56 = arith.cmpi sgt, %min3A_50, %sign3A_55 : vector<16xi32>
    %sign3A_57 = arith.extui %sign3A_56 : vector<16xi1> to vector<16xi32>
    %sign3A_58 = arith.constant 0 : i32
    %sign3A_59 = vector.broadcast %sign3A_58 : i32 to vector<16xi32>
    %sign3A_60 = arith.cmpi slt, %min3A_50, %sign3A_59 : vector<16xi32>
    %sign3A_61 = arith.extui %sign3A_60 : vector<16xi1> to vector<16xi32>
    %sign3A_62 = arith.subi %sign3A_57, %sign3A_61 : vector<16xi32>
    %sign3A_63 = arith.constant 0 : i32
    %sign3A_64 = arith.cmpi sgt, %jit3A_51, %sign3A_63 : i32
    %sign3A_65 = arith.extui %sign3A_64 : i1 to i32
    %sign3A_66 = arith.constant 0 : i32
    %sign3A_67 = arith.cmpi slt, %jit3A_51, %sign3A_66 : i32
    %sign3A_68 = arith.extui %sign3A_67 : i1 to i32
    %sign3A_69 = arith.subi %sign3A_65, %sign3A_68 : i32
    %ne3A_70 = vector.broadcast %sign3A_69 : i32 to vector<16xi32>
    %ne3A_71 = arith.cmpi ne, %sign3A_62, %ne3A_70 : vector<16xi32>
    %rem3A_72 = vector.broadcast %jit3A_51 : i32 to vector<16xi32>
    %rem3A_73 = arith.remsi %min3A_50, %rem3A_72 : vector<16xi32>
    %ne3A_74 = arith.constant 0 : i32
    %ne3A_75 = vector.broadcast %ne3A_74 : i32 to vector<16xi32>
    %ne3A_76 = arith.cmpi ne, %rem3A_73, %ne3A_75 : vector<16xi32>
    %and3A_77 = arith.andi %ne3A_71, %ne3A_76 : vector<16xi1>
    %sub3A_78 = arith.constant 1 : i32
    %sub3A_79 = vector.broadcast %sub3A_78 : i32 to vector<16xi32>
    %sub3A_80 = arith.subi %div3A_53, %sub3A_79 : vector<16xi32>
    %select_n3A_81 = arith.select %and3A_77, %sub3A_80, %div3A_53 : vector<16xi1>, vector<16xi32>
    %mul3A_82 = arith.constant 49 : i32
    %mul3A_83 = vector.broadcast %mul3A_82 : i32 to vector<16xi32>
    %mul3A_84 = arith.muli %mul3A_83, %select_n3A_81 : vector<16xi32>
    %sub3A_85 = arith.subi %min3A_50, %mul3A_84 : vector<16xi32>
    %jit3A_86 = arith.constant 7 : i32
    %div3A_87 = vector.broadcast %jit3A_86 : i32 to vector<16xi32>
    %div3A_88 = arith.divsi %sub3A_85, %div3A_87 : vector<16xi32>
    %sign3A_89 = arith.constant 0 : i32
    %sign3A_90 = vector.broadcast %sign3A_89 : i32 to vector<16xi32>
    %sign3A_91 = arith.cmpi sgt, %sub3A_85, %sign3A_90 : vector<16xi32>
    %sign3A_92 = arith.extui %sign3A_91 : vector<16xi1> to vector<16xi32>
    %sign3A_93 = arith.constant 0 : i32
    %sign3A_94 = vector.broadcast %sign3A_93 : i32 to vector<16xi32>
    %sign3A_95 = arith.cmpi slt, %sub3A_85, %sign3A_94 : vector<16xi32>
    %sign3A_96 = arith.extui %sign3A_95 : vector<16xi1> to vector<16xi32>
    %sign3A_97 = arith.subi %sign3A_92, %sign3A_96 : vector<16xi32>
    %sign3A_98 = arith.constant 0 : i32
    %sign3A_99 = arith.cmpi sgt, %jit3A_86, %sign3A_98 : i32
    %sign3A_100 = arith.extui %sign3A_99 : i1 to i32
    %sign3A_101 = arith.constant 0 : i32
    %sign3A_102 = arith.cmpi slt, %jit3A_86, %sign3A_101 : i32
    %sign3A_103 = arith.extui %sign3A_102 : i1 to i32
    %sign3A_104 = arith.subi %sign3A_100, %sign3A_103 : i32
    %ne3A_105 = vector.broadcast %sign3A_104 : i32 to vector<16xi32>
    %ne3A_106 = arith.cmpi ne, %sign3A_97, %ne3A_105 : vector<16xi32>
    %rem3A_107 = vector.broadcast %jit3A_86 : i32 to vector<16xi32>
    %rem3A_108 = arith.remsi %sub3A_85, %rem3A_107 : vector<16xi32>
    %ne3A_109 = arith.constant 0 : i32
    %ne3A_110 = vector.broadcast %ne3A_109 : i32 to vector<16xi32>
    %ne3A_111 = arith.cmpi ne, %rem3A_108, %ne3A_110 : vector<16xi32>
    %and3A_112 = arith.andi %ne3A_106, %ne3A_111 : vector<16xi1>
    %sub3A_113 = arith.constant 1 : i32
    %sub3A_114 = vector.broadcast %sub3A_113 : i32 to vector<16xi32>
    %sub3A_115 = arith.subi %div3A_88, %sub3A_114 : vector<16xi32>
    %select_n3A_116 = arith.select %and3A_112, %sub3A_115, %div3A_88 : vector<16xi1>, vector<16xi32>
    %mul3A_117 = arith.constant 7 : i32
    %mul3A_118 = vector.broadcast %mul3A_117 : i32 to vector<16xi32>
    %mul3A_119 = arith.muli %mul3A_118, %select_n3A_116 : vector<16xi32>
    %sub3A_120 = arith.subi %sub3A_85, %mul3A_119 : vector<16xi32>
    %mul3A_121 = arith.constant 169 : i32
    %mul3A_122 = vector.broadcast %mul3A_121 : i32 to vector<16xi32>
    %mul3A_123 = arith.muli %select_n3A_81, %mul3A_122 : vector<16xi32>
    %mul3A_124 = arith.constant 13 : i32
    %mul3A_125 = vector.broadcast %mul3A_124 : i32 to vector<16xi32>
    %mul3A_126 = arith.muli %select_n3A_116, %mul3A_125 : vector<16xi32>
    %add3A_127 = arith.addi %mul3A_123, %mul3A_126 : vector<16xi32>
    %add3A_128 = arith.addi %add3A_127, %sub3A_120 : vector<16xi32>
    %sub3A_129 = arith.constant 1098 : i32
    %sub3A_130 = vector.broadcast %sub3A_129 : i32 to vector<16xi32>
    %sub3A_131 = arith.subi %sub3A_130, %add3A_128 : vector<16xi32>
    %add3A_132 = arith.constant 12 : i32
    %add3A_133 = vector.broadcast %add3A_132 : i32 to vector<16xi32>
    %add3A_134 = arith.addi %iota3A, %add3A_133 : vector<16xi32>
    %jit3A_135 = arith.constant 0 : i32
    %jit3A_136 = arith.constant 342 : i32
    %max3A_137 = vector.broadcast %jit3A_135 : i32 to vector<16xi32>
    %max3A_138 = arith.maxsi %max3A_137, %add3A_134 : vector<16xi32>
    %min3A_139 = vector.broadcast %jit3A_136 : i32 to vector<16xi32>
    %min3A_140 = arith.minsi %min3A_139, %max3A_138 : vector<16xi32>
    %jit3A_141 = arith.constant 49 : i32
    %div3A_142 = vector.broadcast %jit3A_141 : i32 to vector<16xi32>
    %div3A_143 = arith.divsi %min3A_140, %div3A_142 : vector<16xi32>
    %sign3A_144 = arith.constant 0 : i32
    %sign3A_145 = vector.broadcast %sign3A_144 : i32 to vector<16xi32>
    %sign3A_146 = arith.cmpi sgt, %min3A_140, %sign3A_145 : vector<16xi32>
    %sign3A_147 = arith.extui %sign3A_146 : vector<16xi1> to vector<16xi32>
    %sign3A_148 = arith.constant 0 : i32
    %sign3A_149 = vector.broadcast %sign3A_148 : i32 to vector<16xi32>
    %sign3A_150 = arith.cmpi slt, %min3A_140, %sign3A_149 : vector<16xi32>
    %sign3A_151 = arith.extui %sign3A_150 : vector<16xi1> to vector<16xi32>
    %sign3A_152 = arith.subi %sign3A_147, %sign3A_151 : vector<16xi32>
    %sign3A_153 = arith.constant 0 : i32
    %sign3A_154 = arith.cmpi sgt, %jit3A_141, %sign3A_153 : i32
    %sign3A_155 = arith.extui %sign3A_154 : i1 to i32
    %sign3A_156 = arith.constant 0 : i32
    %sign3A_157 = arith.cmpi slt, %jit3A_141, %sign3A_156 : i32
    %sign3A_158 = arith.extui %sign3A_157 : i1 to i32
    %sign3A_159 = arith.subi %sign3A_155, %sign3A_158 : i32
    %ne3A_160 = vector.broadcast %sign3A_159 : i32 to vector<16xi32>
    %ne3A_161 = arith.cmpi ne, %sign3A_152, %ne3A_160 : vector<16xi32>
    %rem3A_162 = vector.broadcast %jit3A_141 : i32 to vector<16xi32>
    %rem3A_163 = arith.remsi %min3A_140, %rem3A_162 : vector<16xi32>
    %ne3A_164 = arith.constant 0 : i32
    %ne3A_165 = vector.broadcast %ne3A_164 : i32 to vector<16xi32>
    %ne3A_166 = arith.cmpi ne, %rem3A_163, %ne3A_165 : vector<16xi32>
    %and3A_167 = arith.andi %ne3A_161, %ne3A_166 : vector<16xi1>
    %sub3A_168 = arith.constant 1 : i32
    %sub3A_169 = vector.broadcast %sub3A_168 : i32 to vector<16xi32>
    %sub3A_170 = arith.subi %div3A_143, %sub3A_169 : vector<16xi32>
    %select_n3A_171 = arith.select %and3A_167, %sub3A_170, %div3A_143 : vector<16xi1>, vector<16xi32>
    %mul3A_172 = arith.constant 49 : i32
    %mul3A_173 = vector.broadcast %mul3A_172 : i32 to vector<16xi32>
    %mul3A_174 = arith.muli %mul3A_173, %select_n3A_171 : vector<16xi32>
    %sub3A_175 = arith.subi %min3A_140, %mul3A_174 : vector<16xi32>
    %jit3A_176 = arith.constant 7 : i32
    %div3A_177 = vector.broadcast %jit3A_176 : i32 to vector<16xi32>
    %div3A_178 = arith.divsi %sub3A_175, %div3A_177 : vector<16xi32>
    %sign3A_179 = arith.constant 0 : i32
    %sign3A_180 = vector.broadcast %sign3A_179 : i32 to vector<16xi32>
    %sign3A_181 = arith.cmpi sgt, %sub3A_175, %sign3A_180 : vector<16xi32>
    %sign3A_182 = arith.extui %sign3A_181 : vector<16xi1> to vector<16xi32>
    %sign3A_183 = arith.constant 0 : i32
    %sign3A_184 = vector.broadcast %sign3A_183 : i32 to vector<16xi32>
    %sign3A_185 = arith.cmpi slt, %sub3A_175, %sign3A_184 : vector<16xi32>
    %sign3A_186 = arith.extui %sign3A_185 : vector<16xi1> to vector<16xi32>
    %sign3A_187 = arith.subi %sign3A_182, %sign3A_186 : vector<16xi32>
    %sign3A_188 = arith.constant 0 : i32
    %sign3A_189 = arith.cmpi sgt, %jit3A_176, %sign3A_188 : i32
    %sign3A_190 = arith.extui %sign3A_189 : i1 to i32
    %sign3A_191 = arith.constant 0 : i32
    %sign3A_192 = arith.cmpi slt, %jit3A_176, %sign3A_191 : i32
    %sign3A_193 = arith.extui %sign3A_192 : i1 to i32
    %sign3A_194 = arith.subi %sign3A_190, %sign3A_193 : i32
    %ne3A_195 = vector.broadcast %sign3A_194 : i32 to vector<16xi32>
    %ne3A_196 = arith.cmpi ne, %sign3A_187, %ne3A_195 : vector<16xi32>
    %rem3A_197 = vector.broadcast %jit3A_176 : i32 to vector<16xi32>
    %rem3A_198 = arith.remsi %sub3A_175, %rem3A_197 : vector<16xi32>
    %ne3A_199 = arith.constant 0 : i32
    %ne3A_200 = vector.broadcast %ne3A_199 : i32 to vector<16xi32>
    %ne3A_201 = arith.cmpi ne, %rem3A_198, %ne3A_200 : vector<16xi32>
    %and3A_202 = arith.andi %ne3A_196, %ne3A_201 : vector<16xi1>
    %sub3A_203 = arith.constant 1 : i32
    %sub3A_204 = vector.broadcast %sub3A_203 : i32 to vector<16xi32>
    %sub3A_205 = arith.subi %div3A_178, %sub3A_204 : vector<16xi32>
    %select_n3A_206 = arith.select %and3A_202, %sub3A_205, %div3A_178 : vector<16xi1>, vector<16xi32>
    %mul3A_207 = arith.constant 7 : i32
    %mul3A_208 = vector.broadcast %mul3A_207 : i32 to vector<16xi32>
    %mul3A_209 = arith.muli %mul3A_208, %select_n3A_206 : vector<16xi32>
    %sub3A_210 = arith.subi %sub3A_175, %mul3A_209 : vector<16xi32>
    %mul3A_211 = arith.constant 169 : i32
    %mul3A_212 = vector.broadcast %mul3A_211 : i32 to vector<16xi32>
    %mul3A_213 = arith.muli %select_n3A_171, %mul3A_212 : vector<16xi32>
    %mul3A_214 = arith.constant 13 : i32
    %mul3A_215 = vector.broadcast %mul3A_214 : i32 to vector<16xi32>
    %mul3A_216 = arith.muli %select_n3A_206, %mul3A_215 : vector<16xi32>
    %add3A_217 = arith.addi %mul3A_213, %mul3A_216 : vector<16xi32>
    %add3A_218 = arith.addi %add3A_217, %sub3A_210 : vector<16xi32>
    %sub3A_219 = arith.constant 1098 : i32
    %sub3A_220 = vector.broadcast %sub3A_219 : i32 to vector<16xi32>
    %sub3A_221 = arith.subi %sub3A_220, %add3A_218 : vector<16xi32>
    %add3A_222 = arith.constant 28 : i32
    %add3A_223 = vector.broadcast %add3A_222 : i32 to vector<16xi32>
    %add3A_224 = arith.addi %iota3A, %add3A_223 : vector<16xi32>
    %jit3A_225 = arith.constant 0 : i32
    %jit3A_226 = arith.constant 342 : i32
    %max3A_227 = vector.broadcast %jit3A_225 : i32 to vector<16xi32>
    %max3A_228 = arith.maxsi %max3A_227, %add3A_224 : vector<16xi32>
    %min3A_229 = vector.broadcast %jit3A_226 : i32 to vector<16xi32>
    %min3A_230 = arith.minsi %min3A_229, %max3A_228 : vector<16xi32>
    %jit3A_231 = arith.constant 49 : i32
    %div3A_232 = vector.broadcast %jit3A_231 : i32 to vector<16xi32>
    %div3A_233 = arith.divsi %min3A_230, %div3A_232 : vector<16xi32>
    %sign3A_234 = arith.constant 0 : i32
    %sign3A_235 = vector.broadcast %sign3A_234 : i32 to vector<16xi32>
    %sign3A_236 = arith.cmpi sgt, %min3A_230, %sign3A_235 : vector<16xi32>
    %sign3A_237 = arith.extui %sign3A_236 : vector<16xi1> to vector<16xi32>
    %sign3A_238 = arith.constant 0 : i32
    %sign3A_239 = vector.broadcast %sign3A_238 : i32 to vector<16xi32>
    %sign3A_240 = arith.cmpi slt, %min3A_230, %sign3A_239 : vector<16xi32>
    %sign3A_241 = arith.extui %sign3A_240 : vector<16xi1> to vector<16xi32>
    %sign3A_242 = arith.subi %sign3A_237, %sign3A_241 : vector<16xi32>
    %sign3A_243 = arith.constant 0 : i32
    %sign3A_244 = arith.cmpi sgt, %jit3A_231, %sign3A_243 : i32
    %sign3A_245 = arith.extui %sign3A_244 : i1 to i32
    %sign3A_246 = arith.constant 0 : i32
    %sign3A_247 = arith.cmpi slt, %jit3A_231, %sign3A_246 : i32
    %sign3A_248 = arith.extui %sign3A_247 : i1 to i32
    %sign3A_249 = arith.subi %sign3A_245, %sign3A_248 : i32
    %ne3A_250 = vector.broadcast %sign3A_249 : i32 to vector<16xi32>
    %ne3A_251 = arith.cmpi ne, %sign3A_242, %ne3A_250 : vector<16xi32>
    %rem3A_252 = vector.broadcast %jit3A_231 : i32 to vector<16xi32>
    %rem3A_253 = arith.remsi %min3A_230, %rem3A_252 : vector<16xi32>
    %ne3A_254 = arith.constant 0 : i32
    %ne3A_255 = vector.broadcast %ne3A_254 : i32 to vector<16xi32>
    %ne3A_256 = arith.cmpi ne, %rem3A_253, %ne3A_255 : vector<16xi32>
    %and3A_257 = arith.andi %ne3A_251, %ne3A_256 : vector<16xi1>
    %sub3A_258 = arith.constant 1 : i32
    %sub3A_259 = vector.broadcast %sub3A_258 : i32 to vector<16xi32>
    %sub3A_260 = arith.subi %div3A_233, %sub3A_259 : vector<16xi32>
    %select_n3A_261 = arith.select %and3A_257, %sub3A_260, %div3A_233 : vector<16xi1>, vector<16xi32>
    %mul3A_262 = arith.constant 49 : i32
    %mul3A_263 = vector.broadcast %mul3A_262 : i32 to vector<16xi32>
    %mul3A_264 = arith.muli %mul3A_263, %select_n3A_261 : vector<16xi32>
    %sub3A_265 = arith.subi %min3A_230, %mul3A_264 : vector<16xi32>
    %jit3A_266 = arith.constant 7 : i32
    %div3A_267 = vector.broadcast %jit3A_266 : i32 to vector<16xi32>
    %div3A_268 = arith.divsi %sub3A_265, %div3A_267 : vector<16xi32>
    %sign3A_269 = arith.constant 0 : i32
    %sign3A_270 = vector.broadcast %sign3A_269 : i32 to vector<16xi32>
    %sign3A_271 = arith.cmpi sgt, %sub3A_265, %sign3A_270 : vector<16xi32>
    %sign3A_272 = arith.extui %sign3A_271 : vector<16xi1> to vector<16xi32>
    %sign3A_273 = arith.constant 0 : i32
    %sign3A_274 = vector.broadcast %sign3A_273 : i32 to vector<16xi32>
    %sign3A_275 = arith.cmpi slt, %sub3A_265, %sign3A_274 : vector<16xi32>
    %sign3A_276 = arith.extui %sign3A_275 : vector<16xi1> to vector<16xi32>
    %sign3A_277 = arith.subi %sign3A_272, %sign3A_276 : vector<16xi32>
    %sign3A_278 = arith.constant 0 : i32
    %sign3A_279 = arith.cmpi sgt, %jit3A_266, %sign3A_278 : i32
    %sign3A_280 = arith.extui %sign3A_279 : i1 to i32
    %sign3A_281 = arith.constant 0 : i32
    %sign3A_282 = arith.cmpi slt, %jit3A_266, %sign3A_281 : i32
    %sign3A_283 = arith.extui %sign3A_282 : i1 to i32
    %sign3A_284 = arith.subi %sign3A_280, %sign3A_283 : i32
    %ne3A_285 = vector.broadcast %sign3A_284 : i32 to vector<16xi32>
    %ne3A_286 = arith.cmpi ne, %sign3A_277, %ne3A_285 : vector<16xi32>
    %rem3A_287 = vector.broadcast %jit3A_266 : i32 to vector<16xi32>
    %rem3A_288 = arith.remsi %sub3A_265, %rem3A_287 : vector<16xi32>
    %ne3A_289 = arith.constant 0 : i32
    %ne3A_290 = vector.broadcast %ne3A_289 : i32 to vector<16xi32>
    %ne3A_291 = arith.cmpi ne, %rem3A_288, %ne3A_290 : vector<16xi32>
    %and3A_292 = arith.andi %ne3A_286, %ne3A_291 : vector<16xi1>
    %sub3A_293 = arith.constant 1 : i32
    %sub3A_294 = vector.broadcast %sub3A_293 : i32 to vector<16xi32>
    %sub3A_295 = arith.subi %div3A_268, %sub3A_294 : vector<16xi32>
    %select_n3A_296 = arith.select %and3A_292, %sub3A_295, %div3A_268 : vector<16xi1>, vector<16xi32>
    %mul3A_297 = arith.constant 7 : i32
    %mul3A_298 = vector.broadcast %mul3A_297 : i32 to vector<16xi32>
    %mul3A_299 = arith.muli %mul3A_298, %select_n3A_296 : vector<16xi32>
    %sub3A_300 = arith.subi %sub3A_265, %mul3A_299 : vector<16xi32>
    %mul3A_301 = arith.constant 169 : i32
    %mul3A_302 = vector.broadcast %mul3A_301 : i32 to vector<16xi32>
    %mul3A_303 = arith.muli %select_n3A_261, %mul3A_302 : vector<16xi32>
    %mul3A_304 = arith.constant 13 : i32
    %mul3A_305 = vector.broadcast %mul3A_304 : i32 to vector<16xi32>
    %mul3A_306 = arith.muli %select_n3A_296, %mul3A_305 : vector<16xi32>
    %add3A_307 = arith.addi %mul3A_303, %mul3A_306 : vector<16xi32>
    %add3A_308 = arith.addi %add3A_307, %sub3A_300 : vector<16xi32>
    %sub3A_309 = arith.constant 1098 : i32
    %sub3A_310 = vector.broadcast %sub3A_309 : i32 to vector<16xi32>
    %sub3A_311 = arith.subi %sub3A_310, %add3A_308 : vector<16xi32>
    %add3A_312 = arith.constant 44 : i32
    %add3A_313 = vector.broadcast %add3A_312 : i32 to vector<16xi32>
    %add3A_314 = arith.addi %iota3A, %add3A_313 : vector<16xi32>
    %jit3A_315 = arith.constant 0 : i32
    %jit3A_316 = arith.constant 342 : i32
    %max3A_317 = vector.broadcast %jit3A_315 : i32 to vector<16xi32>
    %max3A_318 = arith.maxsi %max3A_317, %add3A_314 : vector<16xi32>
    %min3A_319 = vector.broadcast %jit3A_316 : i32 to vector<16xi32>
    %min3A_320 = arith.minsi %min3A_319, %max3A_318 : vector<16xi32>
    %jit3A_321 = arith.constant 49 : i32
    %div3A_322 = vector.broadcast %jit3A_321 : i32 to vector<16xi32>
    %div3A_323 = arith.divsi %min3A_320, %div3A_322 : vector<16xi32>
    %sign3A_324 = arith.constant 0 : i32
    %sign3A_325 = vector.broadcast %sign3A_324 : i32 to vector<16xi32>
    %sign3A_326 = arith.cmpi sgt, %min3A_320, %sign3A_325 : vector<16xi32>
    %sign3A_327 = arith.extui %sign3A_326 : vector<16xi1> to vector<16xi32>
    %sign3A_328 = arith.constant 0 : i32
    %sign3A_329 = vector.broadcast %sign3A_328 : i32 to vector<16xi32>
    %sign3A_330 = arith.cmpi slt, %min3A_320, %sign3A_329 : vector<16xi32>
    %sign3A_331 = arith.extui %sign3A_330 : vector<16xi1> to vector<16xi32>
    %sign3A_332 = arith.subi %sign3A_327, %sign3A_331 : vector<16xi32>
    %sign3A_333 = arith.constant 0 : i32
    %sign3A_334 = arith.cmpi sgt, %jit3A_321, %sign3A_333 : i32
    %sign3A_335 = arith.extui %sign3A_334 : i1 to i32
    %sign3A_336 = arith.constant 0 : i32
    %sign3A_337 = arith.cmpi slt, %jit3A_321, %sign3A_336 : i32
    %sign3A_338 = arith.extui %sign3A_337 : i1 to i32
    %sign3A_339 = arith.subi %sign3A_335, %sign3A_338 : i32
    %ne3A_340 = vector.broadcast %sign3A_339 : i32 to vector<16xi32>
    %ne3A_341 = arith.cmpi ne, %sign3A_332, %ne3A_340 : vector<16xi32>
    %rem3A_342 = vector.broadcast %jit3A_321 : i32 to vector<16xi32>
    %rem3A_343 = arith.remsi %min3A_320, %rem3A_342 : vector<16xi32>
    %ne3A_344 = arith.constant 0 : i32
    %ne3A_345 = vector.broadcast %ne3A_344 : i32 to vector<16xi32>
    %ne3A_346 = arith.cmpi ne, %rem3A_343, %ne3A_345 : vector<16xi32>
    %and3A_347 = arith.andi %ne3A_341, %ne3A_346 : vector<16xi1>
    %sub3A_348 = arith.constant 1 : i32
    %sub3A_349 = vector.broadcast %sub3A_348 : i32 to vector<16xi32>
    %sub3A_350 = arith.subi %div3A_323, %sub3A_349 : vector<16xi32>
    %select_n3A_351 = arith.select %and3A_347, %sub3A_350, %div3A_323 : vector<16xi1>, vector<16xi32>
    %mul3A_352 = arith.constant 49 : i32
    %mul3A_353 = vector.broadcast %mul3A_352 : i32 to vector<16xi32>
    %mul3A_354 = arith.muli %mul3A_353, %select_n3A_351 : vector<16xi32>
    %sub3A_355 = arith.subi %min3A_320, %mul3A_354 : vector<16xi32>
    %jit3A_356 = arith.constant 7 : i32
    %div3A_357 = vector.broadcast %jit3A_356 : i32 to vector<16xi32>
    %div3A_358 = arith.divsi %sub3A_355, %div3A_357 : vector<16xi32>
    %sign3A_359 = arith.constant 0 : i32
    %sign3A_360 = vector.broadcast %sign3A_359 : i32 to vector<16xi32>
    %sign3A_361 = arith.cmpi sgt, %sub3A_355, %sign3A_360 : vector<16xi32>
    %sign3A_362 = arith.extui %sign3A_361 : vector<16xi1> to vector<16xi32>
    %sign3A_363 = arith.constant 0 : i32
    %sign3A_364 = vector.broadcast %sign3A_363 : i32 to vector<16xi32>
    %sign3A_365 = arith.cmpi slt, %sub3A_355, %sign3A_364 : vector<16xi32>
    %sign3A_366 = arith.extui %sign3A_365 : vector<16xi1> to vector<16xi32>
    %sign3A_367 = arith.subi %sign3A_362, %sign3A_366 : vector<16xi32>
    %sign3A_368 = arith.constant 0 : i32
    %sign3A_369 = arith.cmpi sgt, %jit3A_356, %sign3A_368 : i32
    %sign3A_370 = arith.extui %sign3A_369 : i1 to i32
    %sign3A_371 = arith.constant 0 : i32
    %sign3A_372 = arith.cmpi slt, %jit3A_356, %sign3A_371 : i32
    %sign3A_373 = arith.extui %sign3A_372 : i1 to i32
    %sign3A_374 = arith.subi %sign3A_370, %sign3A_373 : i32
    %ne3A_375 = vector.broadcast %sign3A_374 : i32 to vector<16xi32>
    %ne3A_376 = arith.cmpi ne, %sign3A_367, %ne3A_375 : vector<16xi32>
    %rem3A_377 = vector.broadcast %jit3A_356 : i32 to vector<16xi32>
    %rem3A_378 = arith.remsi %sub3A_355, %rem3A_377 : vector<16xi32>
    %ne3A_379 = arith.constant 0 : i32
    %ne3A_380 = vector.broadcast %ne3A_379 : i32 to vector<16xi32>
    %ne3A_381 = arith.cmpi ne, %rem3A_378, %ne3A_380 : vector<16xi32>
    %and3A_382 = arith.andi %ne3A_376, %ne3A_381 : vector<16xi1>
    %sub3A_383 = arith.constant 1 : i32
    %sub3A_384 = vector.broadcast %sub3A_383 : i32 to vector<16xi32>
    %sub3A_385 = arith.subi %div3A_358, %sub3A_384 : vector<16xi32>
    %select_n3A_386 = arith.select %and3A_382, %sub3A_385, %div3A_358 : vector<16xi1>, vector<16xi32>
    %mul3A_387 = arith.constant 7 : i32
    %mul3A_388 = vector.broadcast %mul3A_387 : i32 to vector<16xi32>
    %mul3A_389 = arith.muli %mul3A_388, %select_n3A_386 : vector<16xi32>
    %sub3A_390 = arith.subi %sub3A_355, %mul3A_389 : vector<16xi32>
    %mul3A_391 = arith.constant 169 : i32
    %mul3A_392 = vector.broadcast %mul3A_391 : i32 to vector<16xi32>
    %mul3A_393 = arith.muli %select_n3A_351, %mul3A_392 : vector<16xi32>
    %mul3A_394 = arith.constant 13 : i32
    %mul3A_395 = vector.broadcast %mul3A_394 : i32 to vector<16xi32>
    %mul3A_396 = arith.muli %select_n3A_386, %mul3A_395 : vector<16xi32>
    %add3A_397 = arith.addi %mul3A_393, %mul3A_396 : vector<16xi32>
    %add3A_398 = arith.addi %add3A_397, %sub3A_390 : vector<16xi32>
    %sub3A_399 = arith.constant 1098 : i32
    %sub3A_400 = vector.broadcast %sub3A_399 : i32 to vector<16xi32>
    %sub3A_401 = arith.subi %sub3A_400, %add3A_398 : vector<16xi32>
    %add3A_402 = arith.constant 60 : i32
    %add3A_403 = vector.broadcast %add3A_402 : i32 to vector<16xi32>
    %add3A_404 = arith.addi %iota3A, %add3A_403 : vector<16xi32>
    %jit3A_405 = arith.constant 0 : i32
    %jit3A_406 = arith.constant 342 : i32
    %max3A_407 = vector.broadcast %jit3A_405 : i32 to vector<16xi32>
    %max3A_408 = arith.maxsi %max3A_407, %add3A_404 : vector<16xi32>
    %min3A_409 = vector.broadcast %jit3A_406 : i32 to vector<16xi32>
    %min3A_410 = arith.minsi %min3A_409, %max3A_408 : vector<16xi32>
    %jit3A_411 = arith.constant 49 : i32
    %div3A_412 = vector.broadcast %jit3A_411 : i32 to vector<16xi32>
    %div3A_413 = arith.divsi %min3A_410, %div3A_412 : vector<16xi32>
    %sign3A_414 = arith.constant 0 : i32
    %sign3A_415 = vector.broadcast %sign3A_414 : i32 to vector<16xi32>
    %sign3A_416 = arith.cmpi sgt, %min3A_410, %sign3A_415 : vector<16xi32>
    %sign3A_417 = arith.extui %sign3A_416 : vector<16xi1> to vector<16xi32>
    %sign3A_418 = arith.constant 0 : i32
    %sign3A_419 = vector.broadcast %sign3A_418 : i32 to vector<16xi32>
    %sign3A_420 = arith.cmpi slt, %min3A_410, %sign3A_419 : vector<16xi32>
    %sign3A_421 = arith.extui %sign3A_420 : vector<16xi1> to vector<16xi32>
    %sign3A_422 = arith.subi %sign3A_417, %sign3A_421 : vector<16xi32>
    %sign3A_423 = arith.constant 0 : i32
    %sign3A_424 = arith.cmpi sgt, %jit3A_411, %sign3A_423 : i32
    %sign3A_425 = arith.extui %sign3A_424 : i1 to i32
    %sign3A_426 = arith.constant 0 : i32
    %sign3A_427 = arith.cmpi slt, %jit3A_411, %sign3A_426 : i32
    %sign3A_428 = arith.extui %sign3A_427 : i1 to i32
    %sign3A_429 = arith.subi %sign3A_425, %sign3A_428 : i32
    %ne3A_430 = vector.broadcast %sign3A_429 : i32 to vector<16xi32>
    %ne3A_431 = arith.cmpi ne, %sign3A_422, %ne3A_430 : vector<16xi32>
    %rem3A_432 = vector.broadcast %jit3A_411 : i32 to vector<16xi32>
    %rem3A_433 = arith.remsi %min3A_410, %rem3A_432 : vector<16xi32>
    %ne3A_434 = arith.constant 0 : i32
    %ne3A_435 = vector.broadcast %ne3A_434 : i32 to vector<16xi32>
    %ne3A_436 = arith.cmpi ne, %rem3A_433, %ne3A_435 : vector<16xi32>
    %and3A_437 = arith.andi %ne3A_431, %ne3A_436 : vector<16xi1>
    %sub3A_438 = arith.constant 1 : i32
    %sub3A_439 = vector.broadcast %sub3A_438 : i32 to vector<16xi32>
    %sub3A_440 = arith.subi %div3A_413, %sub3A_439 : vector<16xi32>
    %select_n3A_441 = arith.select %and3A_437, %sub3A_440, %div3A_413 : vector<16xi1>, vector<16xi32>
    %mul3A_442 = arith.constant 49 : i32
    %mul3A_443 = vector.broadcast %mul3A_442 : i32 to vector<16xi32>
    %mul3A_444 = arith.muli %mul3A_443, %select_n3A_441 : vector<16xi32>
    %sub3A_445 = arith.subi %min3A_410, %mul3A_444 : vector<16xi32>
    %jit3A_446 = arith.constant 7 : i32
    %div3A_447 = vector.broadcast %jit3A_446 : i32 to vector<16xi32>
    %div3A_448 = arith.divsi %sub3A_445, %div3A_447 : vector<16xi32>
    %sign3A_449 = arith.constant 0 : i32
    %sign3A_450 = vector.broadcast %sign3A_449 : i32 to vector<16xi32>
    %sign3A_451 = arith.cmpi sgt, %sub3A_445, %sign3A_450 : vector<16xi32>
    %sign3A_452 = arith.extui %sign3A_451 : vector<16xi1> to vector<16xi32>
    %sign3A_453 = arith.constant 0 : i32
    %sign3A_454 = vector.broadcast %sign3A_453 : i32 to vector<16xi32>
    %sign3A_455 = arith.cmpi slt, %sub3A_445, %sign3A_454 : vector<16xi32>
    %sign3A_456 = arith.extui %sign3A_455 : vector<16xi1> to vector<16xi32>
    %sign3A_457 = arith.subi %sign3A_452, %sign3A_456 : vector<16xi32>
    %sign3A_458 = arith.constant 0 : i32
    %sign3A_459 = arith.cmpi sgt, %jit3A_446, %sign3A_458 : i32
    %sign3A_460 = arith.extui %sign3A_459 : i1 to i32
    %sign3A_461 = arith.constant 0 : i32
    %sign3A_462 = arith.cmpi slt, %jit3A_446, %sign3A_461 : i32
    %sign3A_463 = arith.extui %sign3A_462 : i1 to i32
    %sign3A_464 = arith.subi %sign3A_460, %sign3A_463 : i32
    %ne3A_465 = vector.broadcast %sign3A_464 : i32 to vector<16xi32>
    %ne3A_466 = arith.cmpi ne, %sign3A_457, %ne3A_465 : vector<16xi32>
    %rem3A_467 = vector.broadcast %jit3A_446 : i32 to vector<16xi32>
    %rem3A_468 = arith.remsi %sub3A_445, %rem3A_467 : vector<16xi32>
    %ne3A_469 = arith.constant 0 : i32
    %ne3A_470 = vector.broadcast %ne3A_469 : i32 to vector<16xi32>
    %ne3A_471 = arith.cmpi ne, %rem3A_468, %ne3A_470 : vector<16xi32>
    %and3A_472 = arith.andi %ne3A_466, %ne3A_471 : vector<16xi1>
    %sub3A_473 = arith.constant 1 : i32
    %sub3A_474 = vector.broadcast %sub3A_473 : i32 to vector<16xi32>
    %sub3A_475 = arith.subi %div3A_448, %sub3A_474 : vector<16xi32>
    %select_n3A_476 = arith.select %and3A_472, %sub3A_475, %div3A_448 : vector<16xi1>, vector<16xi32>
    %mul3A_477 = arith.constant 7 : i32
    %mul3A_478 = vector.broadcast %mul3A_477 : i32 to vector<16xi32>
    %mul3A_479 = arith.muli %mul3A_478, %select_n3A_476 : vector<16xi32>
    %sub3A_480 = arith.subi %sub3A_445, %mul3A_479 : vector<16xi32>
    %mul3A_481 = arith.constant 169 : i32
    %mul3A_482 = vector.broadcast %mul3A_481 : i32 to vector<16xi32>
    %mul3A_483 = arith.muli %select_n3A_441, %mul3A_482 : vector<16xi32>
    %mul3A_484 = arith.constant 13 : i32
    %mul3A_485 = vector.broadcast %mul3A_484 : i32 to vector<16xi32>
    %mul3A_486 = arith.muli %select_n3A_476, %mul3A_485 : vector<16xi32>
    %add3A_487 = arith.addi %mul3A_483, %mul3A_486 : vector<16xi32>
    %add3A_488 = arith.addi %add3A_487, %sub3A_480 : vector<16xi32>
    %sub3A_489 = arith.constant 1098 : i32
    %sub3A_490 = vector.broadcast %sub3A_489 : i32 to vector<16xi32>
    %sub3A_491 = arith.subi %sub3A_490, %add3A_488 : vector<16xi32>
    %add3A_492 = arith.constant 76 : i32
    %add3A_493 = vector.broadcast %add3A_492 : i32 to vector<16xi32>
    %add3A_494 = arith.addi %iota3A, %add3A_493 : vector<16xi32>
    %jit3A_495 = arith.constant 0 : i32
    %jit3A_496 = arith.constant 342 : i32
    %max3A_497 = vector.broadcast %jit3A_495 : i32 to vector<16xi32>
    %max3A_498 = arith.maxsi %max3A_497, %add3A_494 : vector<16xi32>
    %min3A_499 = vector.broadcast %jit3A_496 : i32 to vector<16xi32>
    %min3A_500 = arith.minsi %min3A_499, %max3A_498 : vector<16xi32>
    %jit3A_501 = arith.constant 49 : i32
    %div3A_502 = vector.broadcast %jit3A_501 : i32 to vector<16xi32>
    %div3A_503 = arith.divsi %min3A_500, %div3A_502 : vector<16xi32>
    %sign3A_504 = arith.constant 0 : i32
    %sign3A_505 = vector.broadcast %sign3A_504 : i32 to vector<16xi32>
    %sign3A_506 = arith.cmpi sgt, %min3A_500, %sign3A_505 : vector<16xi32>
    %sign3A_507 = arith.extui %sign3A_506 : vector<16xi1> to vector<16xi32>
    %sign3A_508 = arith.constant 0 : i32
    %sign3A_509 = vector.broadcast %sign3A_508 : i32 to vector<16xi32>
    %sign3A_510 = arith.cmpi slt, %min3A_500, %sign3A_509 : vector<16xi32>
    %sign3A_511 = arith.extui %sign3A_510 : vector<16xi1> to vector<16xi32>
    %sign3A_512 = arith.subi %sign3A_507, %sign3A_511 : vector<16xi32>
    %sign3A_513 = arith.constant 0 : i32
    %sign3A_514 = arith.cmpi sgt, %jit3A_501, %sign3A_513 : i32
    %sign3A_515 = arith.extui %sign3A_514 : i1 to i32
    %sign3A_516 = arith.constant 0 : i32
    %sign3A_517 = arith.cmpi slt, %jit3A_501, %sign3A_516 : i32
    %sign3A_518 = arith.extui %sign3A_517 : i1 to i32
    %sign3A_519 = arith.subi %sign3A_515, %sign3A_518 : i32
    %ne3A_520 = vector.broadcast %sign3A_519 : i32 to vector<16xi32>
    %ne3A_521 = arith.cmpi ne, %sign3A_512, %ne3A_520 : vector<16xi32>
    %rem3A_522 = vector.broadcast %jit3A_501 : i32 to vector<16xi32>
    %rem3A_523 = arith.remsi %min3A_500, %rem3A_522 : vector<16xi32>
    %ne3A_524 = arith.constant 0 : i32
    %ne3A_525 = vector.broadcast %ne3A_524 : i32 to vector<16xi32>
    %ne3A_526 = arith.cmpi ne, %rem3A_523, %ne3A_525 : vector<16xi32>
    %and3A_527 = arith.andi %ne3A_521, %ne3A_526 : vector<16xi1>
    %sub3A_528 = arith.constant 1 : i32
    %sub3A_529 = vector.broadcast %sub3A_528 : i32 to vector<16xi32>
    %sub3A_530 = arith.subi %div3A_503, %sub3A_529 : vector<16xi32>
    %select_n3A_531 = arith.select %and3A_527, %sub3A_530, %div3A_503 : vector<16xi1>, vector<16xi32>
    %mul3A_532 = arith.constant 49 : i32
    %mul3A_533 = vector.broadcast %mul3A_532 : i32 to vector<16xi32>
    %mul3A_534 = arith.muli %mul3A_533, %select_n3A_531 : vector<16xi32>
    %sub3A_535 = arith.subi %min3A_500, %mul3A_534 : vector<16xi32>
    %jit3A_536 = arith.constant 7 : i32
    %div3A_537 = vector.broadcast %jit3A_536 : i32 to vector<16xi32>
    %div3A_538 = arith.divsi %sub3A_535, %div3A_537 : vector<16xi32>
    %sign3A_539 = arith.constant 0 : i32
    %sign3A_540 = vector.broadcast %sign3A_539 : i32 to vector<16xi32>
    %sign3A_541 = arith.cmpi sgt, %sub3A_535, %sign3A_540 : vector<16xi32>
    %sign3A_542 = arith.extui %sign3A_541 : vector<16xi1> to vector<16xi32>
    %sign3A_543 = arith.constant 0 : i32
    %sign3A_544 = vector.broadcast %sign3A_543 : i32 to vector<16xi32>
    %sign3A_545 = arith.cmpi slt, %sub3A_535, %sign3A_544 : vector<16xi32>
    %sign3A_546 = arith.extui %sign3A_545 : vector<16xi1> to vector<16xi32>
    %sign3A_547 = arith.subi %sign3A_542, %sign3A_546 : vector<16xi32>
    %sign3A_548 = arith.constant 0 : i32
    %sign3A_549 = arith.cmpi sgt, %jit3A_536, %sign3A_548 : i32
    %sign3A_550 = arith.extui %sign3A_549 : i1 to i32
    %sign3A_551 = arith.constant 0 : i32
    %sign3A_552 = arith.cmpi slt, %jit3A_536, %sign3A_551 : i32
    %sign3A_553 = arith.extui %sign3A_552 : i1 to i32
    %sign3A_554 = arith.subi %sign3A_550, %sign3A_553 : i32
    %ne3A_555 = vector.broadcast %sign3A_554 : i32 to vector<16xi32>
    %ne3A_556 = arith.cmpi ne, %sign3A_547, %ne3A_555 : vector<16xi32>
    %rem3A_557 = vector.broadcast %jit3A_536 : i32 to vector<16xi32>
    %rem3A_558 = arith.remsi %sub3A_535, %rem3A_557 : vector<16xi32>
    %ne3A_559 = arith.constant 0 : i32
    %ne3A_560 = vector.broadcast %ne3A_559 : i32 to vector<16xi32>
    %ne3A_561 = arith.cmpi ne, %rem3A_558, %ne3A_560 : vector<16xi32>
    %and3A_562 = arith.andi %ne3A_556, %ne3A_561 : vector<16xi1>
    %sub3A_563 = arith.constant 1 : i32
    %sub3A_564 = vector.broadcast %sub3A_563 : i32 to vector<16xi32>
    %sub3A_565 = arith.subi %div3A_538, %sub3A_564 : vector<16xi32>
    %select_n3A_566 = arith.select %and3A_562, %sub3A_565, %div3A_538 : vector<16xi1>, vector<16xi32>
    %mul3A_567 = arith.constant 7 : i32
    %mul3A_568 = vector.broadcast %mul3A_567 : i32 to vector<16xi32>
    %mul3A_569 = arith.muli %mul3A_568, %select_n3A_566 : vector<16xi32>
    %sub3A_570 = arith.subi %sub3A_535, %mul3A_569 : vector<16xi32>
    %mul3A_571 = arith.constant 169 : i32
    %mul3A_572 = vector.broadcast %mul3A_571 : i32 to vector<16xi32>
    %mul3A_573 = arith.muli %select_n3A_531, %mul3A_572 : vector<16xi32>
    %mul3A_574 = arith.constant 13 : i32
    %mul3A_575 = vector.broadcast %mul3A_574 : i32 to vector<16xi32>
    %mul3A_576 = arith.muli %select_n3A_566, %mul3A_575 : vector<16xi32>
    %add3A_577 = arith.addi %mul3A_573, %mul3A_576 : vector<16xi32>
    %add3A_578 = arith.addi %add3A_577, %sub3A_570 : vector<16xi32>
    %sub3A_579 = arith.constant 1098 : i32
    %sub3A_580 = vector.broadcast %sub3A_579 : i32 to vector<16xi32>
    %sub3A_581 = arith.subi %sub3A_580, %add3A_578 : vector<16xi32>
    %add3A_582 = arith.constant 92 : i32
    %add3A_583 = vector.broadcast %add3A_582 : i32 to vector<16xi32>
    %add3A_584 = arith.addi %iota3A, %add3A_583 : vector<16xi32>
    %jit3A_585 = arith.constant 0 : i32
    %jit3A_586 = arith.constant 342 : i32
    %max3A_587 = vector.broadcast %jit3A_585 : i32 to vector<16xi32>
    %max3A_588 = arith.maxsi %max3A_587, %add3A_584 : vector<16xi32>
    %min3A_589 = vector.broadcast %jit3A_586 : i32 to vector<16xi32>
    %min3A_590 = arith.minsi %min3A_589, %max3A_588 : vector<16xi32>
    %jit3A_591 = arith.constant 49 : i32
    %div3A_592 = vector.broadcast %jit3A_591 : i32 to vector<16xi32>
    %div3A_593 = arith.divsi %min3A_590, %div3A_592 : vector<16xi32>
    %sign3A_594 = arith.constant 0 : i32
    %sign3A_595 = vector.broadcast %sign3A_594 : i32 to vector<16xi32>
    %sign3A_596 = arith.cmpi sgt, %min3A_590, %sign3A_595 : vector<16xi32>
    %sign3A_597 = arith.extui %sign3A_596 : vector<16xi1> to vector<16xi32>
    %sign3A_598 = arith.constant 0 : i32
    %sign3A_599 = vector.broadcast %sign3A_598 : i32 to vector<16xi32>
    %sign3A_600 = arith.cmpi slt, %min3A_590, %sign3A_599 : vector<16xi32>
    %sign3A_601 = arith.extui %sign3A_600 : vector<16xi1> to vector<16xi32>
    %sign3A_602 = arith.subi %sign3A_597, %sign3A_601 : vector<16xi32>
    %sign3A_603 = arith.constant 0 : i32
    %sign3A_604 = arith.cmpi sgt, %jit3A_591, %sign3A_603 : i32
    %sign3A_605 = arith.extui %sign3A_604 : i1 to i32
    %sign3A_606 = arith.constant 0 : i32
    %sign3A_607 = arith.cmpi slt, %jit3A_591, %sign3A_606 : i32
    %sign3A_608 = arith.extui %sign3A_607 : i1 to i32
    %sign3A_609 = arith.subi %sign3A_605, %sign3A_608 : i32
    %ne3A_610 = vector.broadcast %sign3A_609 : i32 to vector<16xi32>
    %ne3A_611 = arith.cmpi ne, %sign3A_602, %ne3A_610 : vector<16xi32>
    %rem3A_612 = vector.broadcast %jit3A_591 : i32 to vector<16xi32>
    %rem3A_613 = arith.remsi %min3A_590, %rem3A_612 : vector<16xi32>
    %ne3A_614 = arith.constant 0 : i32
    %ne3A_615 = vector.broadcast %ne3A_614 : i32 to vector<16xi32>
    %ne3A_616 = arith.cmpi ne, %rem3A_613, %ne3A_615 : vector<16xi32>
    %and3A_617 = arith.andi %ne3A_611, %ne3A_616 : vector<16xi1>
    %sub3A_618 = arith.constant 1 : i32
    %sub3A_619 = vector.broadcast %sub3A_618 : i32 to vector<16xi32>
    %sub3A_620 = arith.subi %div3A_593, %sub3A_619 : vector<16xi32>
    %select_n3A_621 = arith.select %and3A_617, %sub3A_620, %div3A_593 : vector<16xi1>, vector<16xi32>
    %mul3A_622 = arith.constant 49 : i32
    %mul3A_623 = vector.broadcast %mul3A_622 : i32 to vector<16xi32>
    %mul3A_624 = arith.muli %mul3A_623, %select_n3A_621 : vector<16xi32>
    %sub3A_625 = arith.subi %min3A_590, %mul3A_624 : vector<16xi32>
    %jit3A_626 = arith.constant 7 : i32
    %div3A_627 = vector.broadcast %jit3A_626 : i32 to vector<16xi32>
    %div3A_628 = arith.divsi %sub3A_625, %div3A_627 : vector<16xi32>
    %sign3A_629 = arith.constant 0 : i32
    %sign3A_630 = vector.broadcast %sign3A_629 : i32 to vector<16xi32>
    %sign3A_631 = arith.cmpi sgt, %sub3A_625, %sign3A_630 : vector<16xi32>
    %sign3A_632 = arith.extui %sign3A_631 : vector<16xi1> to vector<16xi32>
    %sign3A_633 = arith.constant 0 : i32
    %sign3A_634 = vector.broadcast %sign3A_633 : i32 to vector<16xi32>
    %sign3A_635 = arith.cmpi slt, %sub3A_625, %sign3A_634 : vector<16xi32>
    %sign3A_636 = arith.extui %sign3A_635 : vector<16xi1> to vector<16xi32>
    %sign3A_637 = arith.subi %sign3A_632, %sign3A_636 : vector<16xi32>
    %sign3A_638 = arith.constant 0 : i32
    %sign3A_639 = arith.cmpi sgt, %jit3A_626, %sign3A_638 : i32
    %sign3A_640 = arith.extui %sign3A_639 : i1 to i32
    %sign3A_641 = arith.constant 0 : i32
    %sign3A_642 = arith.cmpi slt, %jit3A_626, %sign3A_641 : i32
    %sign3A_643 = arith.extui %sign3A_642 : i1 to i32
    %sign3A_644 = arith.subi %sign3A_640, %sign3A_643 : i32
    %ne3A_645 = vector.broadcast %sign3A_644 : i32 to vector<16xi32>
    %ne3A_646 = arith.cmpi ne, %sign3A_637, %ne3A_645 : vector<16xi32>
    %rem3A_647 = vector.broadcast %jit3A_626 : i32 to vector<16xi32>
    %rem3A_648 = arith.remsi %sub3A_625, %rem3A_647 : vector<16xi32>
    %ne3A_649 = arith.constant 0 : i32
    %ne3A_650 = vector.broadcast %ne3A_649 : i32 to vector<16xi32>
    %ne3A_651 = arith.cmpi ne, %rem3A_648, %ne3A_650 : vector<16xi32>
    %and3A_652 = arith.andi %ne3A_646, %ne3A_651 : vector<16xi1>
    %sub3A_653 = arith.constant 1 : i32
    %sub3A_654 = vector.broadcast %sub3A_653 : i32 to vector<16xi32>
    %sub3A_655 = arith.subi %div3A_628, %sub3A_654 : vector<16xi32>
    %select_n3A_656 = arith.select %and3A_652, %sub3A_655, %div3A_628 : vector<16xi1>, vector<16xi32>
    %mul3A_657 = arith.constant 7 : i32
    %mul3A_658 = vector.broadcast %mul3A_657 : i32 to vector<16xi32>
    %mul3A_659 = arith.muli %mul3A_658, %select_n3A_656 : vector<16xi32>
    %sub3A_660 = arith.subi %sub3A_625, %mul3A_659 : vector<16xi32>
    %mul3A_661 = arith.constant 169 : i32
    %mul3A_662 = vector.broadcast %mul3A_661 : i32 to vector<16xi32>
    %mul3A_663 = arith.muli %select_n3A_621, %mul3A_662 : vector<16xi32>
    %mul3A_664 = arith.constant 13 : i32
    %mul3A_665 = vector.broadcast %mul3A_664 : i32 to vector<16xi32>
    %mul3A_666 = arith.muli %select_n3A_656, %mul3A_665 : vector<16xi32>
    %add3A_667 = arith.addi %mul3A_663, %mul3A_666 : vector<16xi32>
    %add3A_668 = arith.addi %add3A_667, %sub3A_660 : vector<16xi32>
    %sub3A_669 = arith.constant 1098 : i32
    %sub3A_670 = vector.broadcast %sub3A_669 : i32 to vector<16xi32>
    %sub3A_671 = arith.subi %sub3A_670, %add3A_668 : vector<16xi32>
    %add3A_672 = arith.constant 108 : i32
    %add3A_673 = vector.broadcast %add3A_672 : i32 to vector<16xi32>
    %add3A_674 = arith.addi %iota3A, %add3A_673 : vector<16xi32>
    %jit3A_675 = arith.constant 0 : i32
    %jit3A_676 = arith.constant 342 : i32
    %max3A_677 = vector.broadcast %jit3A_675 : i32 to vector<16xi32>
    %max3A_678 = arith.maxsi %max3A_677, %add3A_674 : vector<16xi32>
    %min3A_679 = vector.broadcast %jit3A_676 : i32 to vector<16xi32>
    %min3A_680 = arith.minsi %min3A_679, %max3A_678 : vector<16xi32>
    %jit3A_681 = arith.constant 49 : i32
    %div3A_682 = vector.broadcast %jit3A_681 : i32 to vector<16xi32>
    %div3A_683 = arith.divsi %min3A_680, %div3A_682 : vector<16xi32>
    %sign3A_684 = arith.constant 0 : i32
    %sign3A_685 = vector.broadcast %sign3A_684 : i32 to vector<16xi32>
    %sign3A_686 = arith.cmpi sgt, %min3A_680, %sign3A_685 : vector<16xi32>
    %sign3A_687 = arith.extui %sign3A_686 : vector<16xi1> to vector<16xi32>
    %sign3A_688 = arith.constant 0 : i32
    %sign3A_689 = vector.broadcast %sign3A_688 : i32 to vector<16xi32>
    %sign3A_690 = arith.cmpi slt, %min3A_680, %sign3A_689 : vector<16xi32>
    %sign3A_691 = arith.extui %sign3A_690 : vector<16xi1> to vector<16xi32>
    %sign3A_692 = arith.subi %sign3A_687, %sign3A_691 : vector<16xi32>
    %sign3A_693 = arith.constant 0 : i32
    %sign3A_694 = arith.cmpi sgt, %jit3A_681, %sign3A_693 : i32
    %sign3A_695 = arith.extui %sign3A_694 : i1 to i32
    %sign3A_696 = arith.constant 0 : i32
    %sign3A_697 = arith.cmpi slt, %jit3A_681, %sign3A_696 : i32
    %sign3A_698 = arith.extui %sign3A_697 : i1 to i32
    %sign3A_699 = arith.subi %sign3A_695, %sign3A_698 : i32
    %ne3A_700 = vector.broadcast %sign3A_699 : i32 to vector<16xi32>
    %ne3A_701 = arith.cmpi ne, %sign3A_692, %ne3A_700 : vector<16xi32>
    %rem3A_702 = vector.broadcast %jit3A_681 : i32 to vector<16xi32>
    %rem3A_703 = arith.remsi %min3A_680, %rem3A_702 : vector<16xi32>
    %ne3A_704 = arith.constant 0 : i32
    %ne3A_705 = vector.broadcast %ne3A_704 : i32 to vector<16xi32>
    %ne3A_706 = arith.cmpi ne, %rem3A_703, %ne3A_705 : vector<16xi32>
    %and3A_707 = arith.andi %ne3A_701, %ne3A_706 : vector<16xi1>
    %sub3A_708 = arith.constant 1 : i32
    %sub3A_709 = vector.broadcast %sub3A_708 : i32 to vector<16xi32>
    %sub3A_710 = arith.subi %div3A_683, %sub3A_709 : vector<16xi32>
    %select_n3A_711 = arith.select %and3A_707, %sub3A_710, %div3A_683 : vector<16xi1>, vector<16xi32>
    %mul3A_712 = arith.constant 49 : i32
    %mul3A_713 = vector.broadcast %mul3A_712 : i32 to vector<16xi32>
    %mul3A_714 = arith.muli %mul3A_713, %select_n3A_711 : vector<16xi32>
    %sub3A_715 = arith.subi %min3A_680, %mul3A_714 : vector<16xi32>
    %jit3A_716 = arith.constant 7 : i32
    %div3A_717 = vector.broadcast %jit3A_716 : i32 to vector<16xi32>
    %div3A_718 = arith.divsi %sub3A_715, %div3A_717 : vector<16xi32>
    %sign3A_719 = arith.constant 0 : i32
    %sign3A_720 = vector.broadcast %sign3A_719 : i32 to vector<16xi32>
    %sign3A_721 = arith.cmpi sgt, %sub3A_715, %sign3A_720 : vector<16xi32>
    %sign3A_722 = arith.extui %sign3A_721 : vector<16xi1> to vector<16xi32>
    %sign3A_723 = arith.constant 0 : i32
    %sign3A_724 = vector.broadcast %sign3A_723 : i32 to vector<16xi32>
    %sign3A_725 = arith.cmpi slt, %sub3A_715, %sign3A_724 : vector<16xi32>
    %sign3A_726 = arith.extui %sign3A_725 : vector<16xi1> to vector<16xi32>
    %sign3A_727 = arith.subi %sign3A_722, %sign3A_726 : vector<16xi32>
    %sign3A_728 = arith.constant 0 : i32
    %sign3A_729 = arith.cmpi sgt, %jit3A_716, %sign3A_728 : i32
    %sign3A_730 = arith.extui %sign3A_729 : i1 to i32
    %sign3A_731 = arith.constant 0 : i32
    %sign3A_732 = arith.cmpi slt, %jit3A_716, %sign3A_731 : i32
    %sign3A_733 = arith.extui %sign3A_732 : i1 to i32
    %sign3A_734 = arith.subi %sign3A_730, %sign3A_733 : i32
    %ne3A_735 = vector.broadcast %sign3A_734 : i32 to vector<16xi32>
    %ne3A_736 = arith.cmpi ne, %sign3A_727, %ne3A_735 : vector<16xi32>
    %rem3A_737 = vector.broadcast %jit3A_716 : i32 to vector<16xi32>
    %rem3A_738 = arith.remsi %sub3A_715, %rem3A_737 : vector<16xi32>
    %ne3A_739 = arith.constant 0 : i32
    %ne3A_740 = vector.broadcast %ne3A_739 : i32 to vector<16xi32>
    %ne3A_741 = arith.cmpi ne, %rem3A_738, %ne3A_740 : vector<16xi32>
    %and3A_742 = arith.andi %ne3A_736, %ne3A_741 : vector<16xi1>
    %sub3A_743 = arith.constant 1 : i32
    %sub3A_744 = vector.broadcast %sub3A_743 : i32 to vector<16xi32>
    %sub3A_745 = arith.subi %div3A_718, %sub3A_744 : vector<16xi32>
    %select_n3A_746 = arith.select %and3A_742, %sub3A_745, %div3A_718 : vector<16xi1>, vector<16xi32>
    %mul3A_747 = arith.constant 7 : i32
    %mul3A_748 = vector.broadcast %mul3A_747 : i32 to vector<16xi32>
    %mul3A_749 = arith.muli %mul3A_748, %select_n3A_746 : vector<16xi32>
    %sub3A_750 = arith.subi %sub3A_715, %mul3A_749 : vector<16xi32>
    %mul3A_751 = arith.constant 169 : i32
    %mul3A_752 = vector.broadcast %mul3A_751 : i32 to vector<16xi32>
    %mul3A_753 = arith.muli %select_n3A_711, %mul3A_752 : vector<16xi32>
    %mul3A_754 = arith.constant 13 : i32
    %mul3A_755 = vector.broadcast %mul3A_754 : i32 to vector<16xi32>
    %mul3A_756 = arith.muli %select_n3A_746, %mul3A_755 : vector<16xi32>
    %add3A_757 = arith.addi %mul3A_753, %mul3A_756 : vector<16xi32>
    %add3A_758 = arith.addi %add3A_757, %sub3A_750 : vector<16xi32>
    %sub3A_759 = arith.constant 1098 : i32
    %sub3A_760 = vector.broadcast %sub3A_759 : i32 to vector<16xi32>
    %sub3A_761 = arith.subi %sub3A_760, %add3A_758 : vector<16xi32>
    %add3A_762 = arith.constant 124 : i32
    %add3A_763 = vector.broadcast %add3A_762 : i32 to vector<16xi32>
    %add3A_764 = arith.addi %iota3A, %add3A_763 : vector<16xi32>
    %jit3A_765 = arith.constant 0 : i32
    %jit3A_766 = arith.constant 342 : i32
    %max3A_767 = vector.broadcast %jit3A_765 : i32 to vector<16xi32>
    %max3A_768 = arith.maxsi %max3A_767, %add3A_764 : vector<16xi32>
    %min3A_769 = vector.broadcast %jit3A_766 : i32 to vector<16xi32>
    %min3A_770 = arith.minsi %min3A_769, %max3A_768 : vector<16xi32>
    %jit3A_771 = arith.constant 49 : i32
    %div3A_772 = vector.broadcast %jit3A_771 : i32 to vector<16xi32>
    %div3A_773 = arith.divsi %min3A_770, %div3A_772 : vector<16xi32>
    %sign3A_774 = arith.constant 0 : i32
    %sign3A_775 = vector.broadcast %sign3A_774 : i32 to vector<16xi32>
    %sign3A_776 = arith.cmpi sgt, %min3A_770, %sign3A_775 : vector<16xi32>
    %sign3A_777 = arith.extui %sign3A_776 : vector<16xi1> to vector<16xi32>
    %sign3A_778 = arith.constant 0 : i32
    %sign3A_779 = vector.broadcast %sign3A_778 : i32 to vector<16xi32>
    %sign3A_780 = arith.cmpi slt, %min3A_770, %sign3A_779 : vector<16xi32>
    %sign3A_781 = arith.extui %sign3A_780 : vector<16xi1> to vector<16xi32>
    %sign3A_782 = arith.subi %sign3A_777, %sign3A_781 : vector<16xi32>
    %sign3A_783 = arith.constant 0 : i32
    %sign3A_784 = arith.cmpi sgt, %jit3A_771, %sign3A_783 : i32
    %sign3A_785 = arith.extui %sign3A_784 : i1 to i32
    %sign3A_786 = arith.constant 0 : i32
    %sign3A_787 = arith.cmpi slt, %jit3A_771, %sign3A_786 : i32
    %sign3A_788 = arith.extui %sign3A_787 : i1 to i32
    %sign3A_789 = arith.subi %sign3A_785, %sign3A_788 : i32
    %ne3A_790 = vector.broadcast %sign3A_789 : i32 to vector<16xi32>
    %ne3A_791 = arith.cmpi ne, %sign3A_782, %ne3A_790 : vector<16xi32>
    %rem3A_792 = vector.broadcast %jit3A_771 : i32 to vector<16xi32>
    %rem3A_793 = arith.remsi %min3A_770, %rem3A_792 : vector<16xi32>
    %ne3A_794 = arith.constant 0 : i32
    %ne3A_795 = vector.broadcast %ne3A_794 : i32 to vector<16xi32>
    %ne3A_796 = arith.cmpi ne, %rem3A_793, %ne3A_795 : vector<16xi32>
    %and3A_797 = arith.andi %ne3A_791, %ne3A_796 : vector<16xi1>
    %sub3A_798 = arith.constant 1 : i32
    %sub3A_799 = vector.broadcast %sub3A_798 : i32 to vector<16xi32>
    %sub3A_800 = arith.subi %div3A_773, %sub3A_799 : vector<16xi32>
    %select_n3A_801 = arith.select %and3A_797, %sub3A_800, %div3A_773 : vector<16xi1>, vector<16xi32>
    %mul3A_802 = arith.constant 49 : i32
    %mul3A_803 = vector.broadcast %mul3A_802 : i32 to vector<16xi32>
    %mul3A_804 = arith.muli %mul3A_803, %select_n3A_801 : vector<16xi32>
    %sub3A_805 = arith.subi %min3A_770, %mul3A_804 : vector<16xi32>
    %jit3A_806 = arith.constant 7 : i32
    %div3A_807 = vector.broadcast %jit3A_806 : i32 to vector<16xi32>
    %div3A_808 = arith.divsi %sub3A_805, %div3A_807 : vector<16xi32>
    %sign3A_809 = arith.constant 0 : i32
    %sign3A_810 = vector.broadcast %sign3A_809 : i32 to vector<16xi32>
    %sign3A_811 = arith.cmpi sgt, %sub3A_805, %sign3A_810 : vector<16xi32>
    %sign3A_812 = arith.extui %sign3A_811 : vector<16xi1> to vector<16xi32>
    %sign3A_813 = arith.constant 0 : i32
    %sign3A_814 = vector.broadcast %sign3A_813 : i32 to vector<16xi32>
    %sign3A_815 = arith.cmpi slt, %sub3A_805, %sign3A_814 : vector<16xi32>
    %sign3A_816 = arith.extui %sign3A_815 : vector<16xi1> to vector<16xi32>
    %sign3A_817 = arith.subi %sign3A_812, %sign3A_816 : vector<16xi32>
    %sign3A_818 = arith.constant 0 : i32
    %sign3A_819 = arith.cmpi sgt, %jit3A_806, %sign3A_818 : i32
    %sign3A_820 = arith.extui %sign3A_819 : i1 to i32
    %sign3A_821 = arith.constant 0 : i32
    %sign3A_822 = arith.cmpi slt, %jit3A_806, %sign3A_821 : i32
    %sign3A_823 = arith.extui %sign3A_822 : i1 to i32
    %sign3A_824 = arith.subi %sign3A_820, %sign3A_823 : i32
    %ne3A_825 = vector.broadcast %sign3A_824 : i32 to vector<16xi32>
    %ne3A_826 = arith.cmpi ne, %sign3A_817, %ne3A_825 : vector<16xi32>
    %rem3A_827 = vector.broadcast %jit3A_806 : i32 to vector<16xi32>
    %rem3A_828 = arith.remsi %sub3A_805, %rem3A_827 : vector<16xi32>
    %ne3A_829 = arith.constant 0 : i32
    %ne3A_830 = vector.broadcast %ne3A_829 : i32 to vector<16xi32>
    %ne3A_831 = arith.cmpi ne, %rem3A_828, %ne3A_830 : vector<16xi32>
    %and3A_832 = arith.andi %ne3A_826, %ne3A_831 : vector<16xi1>
    %sub3A_833 = arith.constant 1 : i32
    %sub3A_834 = vector.broadcast %sub3A_833 : i32 to vector<16xi32>
    %sub3A_835 = arith.subi %div3A_808, %sub3A_834 : vector<16xi32>
    %select_n3A_836 = arith.select %and3A_832, %sub3A_835, %div3A_808 : vector<16xi1>, vector<16xi32>
    %mul3A_837 = arith.constant 7 : i32
    %mul3A_838 = vector.broadcast %mul3A_837 : i32 to vector<16xi32>
    %mul3A_839 = arith.muli %mul3A_838, %select_n3A_836 : vector<16xi32>
    %sub3A_840 = arith.subi %sub3A_805, %mul3A_839 : vector<16xi32>
    %mul3A_841 = arith.constant 169 : i32
    %mul3A_842 = vector.broadcast %mul3A_841 : i32 to vector<16xi32>
    %mul3A_843 = arith.muli %select_n3A_801, %mul3A_842 : vector<16xi32>
    %mul3A_844 = arith.constant 13 : i32
    %mul3A_845 = vector.broadcast %mul3A_844 : i32 to vector<16xi32>
    %mul3A_846 = arith.muli %select_n3A_836, %mul3A_845 : vector<16xi32>
    %add3A_847 = arith.addi %mul3A_843, %mul3A_846 : vector<16xi32>
    %add3A_848 = arith.addi %add3A_847, %sub3A_840 : vector<16xi32>
    %sub3A_849 = arith.constant 1098 : i32
    %sub3A_850 = vector.broadcast %sub3A_849 : i32 to vector<16xi32>
    %sub3A_851 = arith.subi %sub3A_850, %add3A_848 : vector<16xi32>
    %add3A_852 = arith.constant 140 : i32
    %add3A_853 = vector.broadcast %add3A_852 : i32 to vector<16xi32>
    %add3A_854 = arith.addi %iota3A, %add3A_853 : vector<16xi32>
    %jit3A_855 = arith.constant 0 : i32
    %jit3A_856 = arith.constant 342 : i32
    %max3A_857 = vector.broadcast %jit3A_855 : i32 to vector<16xi32>
    %max3A_858 = arith.maxsi %max3A_857, %add3A_854 : vector<16xi32>
    %min3A_859 = vector.broadcast %jit3A_856 : i32 to vector<16xi32>
    %min3A_860 = arith.minsi %min3A_859, %max3A_858 : vector<16xi32>
    %jit3A_861 = arith.constant 49 : i32
    %div3A_862 = vector.broadcast %jit3A_861 : i32 to vector<16xi32>
    %div3A_863 = arith.divsi %min3A_860, %div3A_862 : vector<16xi32>
    %sign3A_864 = arith.constant 0 : i32
    %sign3A_865 = vector.broadcast %sign3A_864 : i32 to vector<16xi32>
    %sign3A_866 = arith.cmpi sgt, %min3A_860, %sign3A_865 : vector<16xi32>
    %sign3A_867 = arith.extui %sign3A_866 : vector<16xi1> to vector<16xi32>
    %sign3A_868 = arith.constant 0 : i32
    %sign3A_869 = vector.broadcast %sign3A_868 : i32 to vector<16xi32>
    %sign3A_870 = arith.cmpi slt, %min3A_860, %sign3A_869 : vector<16xi32>
    %sign3A_871 = arith.extui %sign3A_870 : vector<16xi1> to vector<16xi32>
    %sign3A_872 = arith.subi %sign3A_867, %sign3A_871 : vector<16xi32>
    %sign3A_873 = arith.constant 0 : i32
    %sign3A_874 = arith.cmpi sgt, %jit3A_861, %sign3A_873 : i32
    %sign3A_875 = arith.extui %sign3A_874 : i1 to i32
    %sign3A_876 = arith.constant 0 : i32
    %sign3A_877 = arith.cmpi slt, %jit3A_861, %sign3A_876 : i32
    %sign3A_878 = arith.extui %sign3A_877 : i1 to i32
    %sign3A_879 = arith.subi %sign3A_875, %sign3A_878 : i32
    %ne3A_880 = vector.broadcast %sign3A_879 : i32 to vector<16xi32>
    %ne3A_881 = arith.cmpi ne, %sign3A_872, %ne3A_880 : vector<16xi32>
    %rem3A_882 = vector.broadcast %jit3A_861 : i32 to vector<16xi32>
    %rem3A_883 = arith.remsi %min3A_860, %rem3A_882 : vector<16xi32>
    %ne3A_884 = arith.constant 0 : i32
    %ne3A_885 = vector.broadcast %ne3A_884 : i32 to vector<16xi32>
    %ne3A_886 = arith.cmpi ne, %rem3A_883, %ne3A_885 : vector<16xi32>
    %and3A_887 = arith.andi %ne3A_881, %ne3A_886 : vector<16xi1>
    %sub3A_888 = arith.constant 1 : i32
    %sub3A_889 = vector.broadcast %sub3A_888 : i32 to vector<16xi32>
    %sub3A_890 = arith.subi %div3A_863, %sub3A_889 : vector<16xi32>
    %select_n3A_891 = arith.select %and3A_887, %sub3A_890, %div3A_863 : vector<16xi1>, vector<16xi32>
    %mul3A_892 = arith.constant 49 : i32
    %mul3A_893 = vector.broadcast %mul3A_892 : i32 to vector<16xi32>
    %mul3A_894 = arith.muli %mul3A_893, %select_n3A_891 : vector<16xi32>
    %sub3A_895 = arith.subi %min3A_860, %mul3A_894 : vector<16xi32>
    %jit3A_896 = arith.constant 7 : i32
    %div3A_897 = vector.broadcast %jit3A_896 : i32 to vector<16xi32>
    %div3A_898 = arith.divsi %sub3A_895, %div3A_897 : vector<16xi32>
    %sign3A_899 = arith.constant 0 : i32
    %sign3A_900 = vector.broadcast %sign3A_899 : i32 to vector<16xi32>
    %sign3A_901 = arith.cmpi sgt, %sub3A_895, %sign3A_900 : vector<16xi32>
    %sign3A_902 = arith.extui %sign3A_901 : vector<16xi1> to vector<16xi32>
    %sign3A_903 = arith.constant 0 : i32
    %sign3A_904 = vector.broadcast %sign3A_903 : i32 to vector<16xi32>
    %sign3A_905 = arith.cmpi slt, %sub3A_895, %sign3A_904 : vector<16xi32>
    %sign3A_906 = arith.extui %sign3A_905 : vector<16xi1> to vector<16xi32>
    %sign3A_907 = arith.subi %sign3A_902, %sign3A_906 : vector<16xi32>
    %sign3A_908 = arith.constant 0 : i32
    %sign3A_909 = arith.cmpi sgt, %jit3A_896, %sign3A_908 : i32
    %sign3A_910 = arith.extui %sign3A_909 : i1 to i32
    %sign3A_911 = arith.constant 0 : i32
    %sign3A_912 = arith.cmpi slt, %jit3A_896, %sign3A_911 : i32
    %sign3A_913 = arith.extui %sign3A_912 : i1 to i32
    %sign3A_914 = arith.subi %sign3A_910, %sign3A_913 : i32
    %ne3A_915 = vector.broadcast %sign3A_914 : i32 to vector<16xi32>
    %ne3A_916 = arith.cmpi ne, %sign3A_907, %ne3A_915 : vector<16xi32>
    %rem3A_917 = vector.broadcast %jit3A_896 : i32 to vector<16xi32>
    %rem3A_918 = arith.remsi %sub3A_895, %rem3A_917 : vector<16xi32>
    %ne3A_919 = arith.constant 0 : i32
    %ne3A_920 = vector.broadcast %ne3A_919 : i32 to vector<16xi32>
    %ne3A_921 = arith.cmpi ne, %rem3A_918, %ne3A_920 : vector<16xi32>
    %and3A_922 = arith.andi %ne3A_916, %ne3A_921 : vector<16xi1>
    %sub3A_923 = arith.constant 1 : i32
    %sub3A_924 = vector.broadcast %sub3A_923 : i32 to vector<16xi32>
    %sub3A_925 = arith.subi %div3A_898, %sub3A_924 : vector<16xi32>
    %select_n3A_926 = arith.select %and3A_922, %sub3A_925, %div3A_898 : vector<16xi1>, vector<16xi32>
    %mul3A_927 = arith.constant 7 : i32
    %mul3A_928 = vector.broadcast %mul3A_927 : i32 to vector<16xi32>
    %mul3A_929 = arith.muli %mul3A_928, %select_n3A_926 : vector<16xi32>
    %sub3A_930 = arith.subi %sub3A_895, %mul3A_929 : vector<16xi32>
    %mul3A_931 = arith.constant 169 : i32
    %mul3A_932 = vector.broadcast %mul3A_931 : i32 to vector<16xi32>
    %mul3A_933 = arith.muli %select_n3A_891, %mul3A_932 : vector<16xi32>
    %mul3A_934 = arith.constant 13 : i32
    %mul3A_935 = vector.broadcast %mul3A_934 : i32 to vector<16xi32>
    %mul3A_936 = arith.muli %select_n3A_926, %mul3A_935 : vector<16xi32>
    %add3A_937 = arith.addi %mul3A_933, %mul3A_936 : vector<16xi32>
    %add3A_938 = arith.addi %add3A_937, %sub3A_930 : vector<16xi32>
    %sub3A_939 = arith.constant 1098 : i32
    %sub3A_940 = vector.broadcast %sub3A_939 : i32 to vector<16xi32>
    %sub3A_941 = arith.subi %sub3A_940, %add3A_938 : vector<16xi32>
    %add3A_942 = arith.constant 156 : i32
    %add3A_943 = vector.broadcast %add3A_942 : i32 to vector<16xi32>
    %add3A_944 = arith.addi %iota3A, %add3A_943 : vector<16xi32>
    %jit3A_945 = arith.constant 0 : i32
    %jit3A_946 = arith.constant 342 : i32
    %max3A_947 = vector.broadcast %jit3A_945 : i32 to vector<16xi32>
    %max3A_948 = arith.maxsi %max3A_947, %add3A_944 : vector<16xi32>
    %min3A_949 = vector.broadcast %jit3A_946 : i32 to vector<16xi32>
    %min3A_950 = arith.minsi %min3A_949, %max3A_948 : vector<16xi32>
    %jit3A_951 = arith.constant 49 : i32
    %div3A_952 = vector.broadcast %jit3A_951 : i32 to vector<16xi32>
    %div3A_953 = arith.divsi %min3A_950, %div3A_952 : vector<16xi32>
    %sign3A_954 = arith.constant 0 : i32
    %sign3A_955 = vector.broadcast %sign3A_954 : i32 to vector<16xi32>
    %sign3A_956 = arith.cmpi sgt, %min3A_950, %sign3A_955 : vector<16xi32>
    %sign3A_957 = arith.extui %sign3A_956 : vector<16xi1> to vector<16xi32>
    %sign3A_958 = arith.constant 0 : i32
    %sign3A_959 = vector.broadcast %sign3A_958 : i32 to vector<16xi32>
    %sign3A_960 = arith.cmpi slt, %min3A_950, %sign3A_959 : vector<16xi32>
    %sign3A_961 = arith.extui %sign3A_960 : vector<16xi1> to vector<16xi32>
    %sign3A_962 = arith.subi %sign3A_957, %sign3A_961 : vector<16xi32>
    %sign3A_963 = arith.constant 0 : i32
    %sign3A_964 = arith.cmpi sgt, %jit3A_951, %sign3A_963 : i32
    %sign3A_965 = arith.extui %sign3A_964 : i1 to i32
    %sign3A_966 = arith.constant 0 : i32
    %sign3A_967 = arith.cmpi slt, %jit3A_951, %sign3A_966 : i32
    %sign3A_968 = arith.extui %sign3A_967 : i1 to i32
    %sign3A_969 = arith.subi %sign3A_965, %sign3A_968 : i32
    %ne3A_970 = vector.broadcast %sign3A_969 : i32 to vector<16xi32>
    %ne3A_971 = arith.cmpi ne, %sign3A_962, %ne3A_970 : vector<16xi32>
    %rem3A_972 = vector.broadcast %jit3A_951 : i32 to vector<16xi32>
    %rem3A_973 = arith.remsi %min3A_950, %rem3A_972 : vector<16xi32>
    %ne3A_974 = arith.constant 0 : i32
    %ne3A_975 = vector.broadcast %ne3A_974 : i32 to vector<16xi32>
    %ne3A_976 = arith.cmpi ne, %rem3A_973, %ne3A_975 : vector<16xi32>
    %and3A_977 = arith.andi %ne3A_971, %ne3A_976 : vector<16xi1>
    %sub3A_978 = arith.constant 1 : i32
    %sub3A_979 = vector.broadcast %sub3A_978 : i32 to vector<16xi32>
    %sub3A_980 = arith.subi %div3A_953, %sub3A_979 : vector<16xi32>
    %select_n3A_981 = arith.select %and3A_977, %sub3A_980, %div3A_953 : vector<16xi1>, vector<16xi32>
    %mul3A_982 = arith.constant 49 : i32
    %mul3A_983 = vector.broadcast %mul3A_982 : i32 to vector<16xi32>
    %mul3A_984 = arith.muli %mul3A_983, %select_n3A_981 : vector<16xi32>
    %sub3A_985 = arith.subi %min3A_950, %mul3A_984 : vector<16xi32>
    %jit3A_986 = arith.constant 7 : i32
    %div3A_987 = vector.broadcast %jit3A_986 : i32 to vector<16xi32>
    %div3A_988 = arith.divsi %sub3A_985, %div3A_987 : vector<16xi32>
    %sign3A_989 = arith.constant 0 : i32
    %sign3A_990 = vector.broadcast %sign3A_989 : i32 to vector<16xi32>
    %sign3A_991 = arith.cmpi sgt, %sub3A_985, %sign3A_990 : vector<16xi32>
    %sign3A_992 = arith.extui %sign3A_991 : vector<16xi1> to vector<16xi32>
    %sign3A_993 = arith.constant 0 : i32
    %sign3A_994 = vector.broadcast %sign3A_993 : i32 to vector<16xi32>
    %sign3A_995 = arith.cmpi slt, %sub3A_985, %sign3A_994 : vector<16xi32>
    %sign3A_996 = arith.extui %sign3A_995 : vector<16xi1> to vector<16xi32>
    %sign3A_997 = arith.subi %sign3A_992, %sign3A_996 : vector<16xi32>
    %sign3A_998 = arith.constant 0 : i32
    %sign3A_999 = arith.cmpi sgt, %jit3A_986, %sign3A_998 : i32
    %sign3A_1000 = arith.extui %sign3A_999 : i1 to i32
    %sign3A_1001 = arith.constant 0 : i32
    %sign3A_1002 = arith.cmpi slt, %jit3A_986, %sign3A_1001 : i32
    %sign3A_1003 = arith.extui %sign3A_1002 : i1 to i32
    %sign3A_1004 = arith.subi %sign3A_1000, %sign3A_1003 : i32
    %ne3A_1005 = vector.broadcast %sign3A_1004 : i32 to vector<16xi32>
    %ne3A_1006 = arith.cmpi ne, %sign3A_997, %ne3A_1005 : vector<16xi32>
    %rem3A_1007 = vector.broadcast %jit3A_986 : i32 to vector<16xi32>
    %rem3A_1008 = arith.remsi %sub3A_985, %rem3A_1007 : vector<16xi32>
    %ne3A_1009 = arith.constant 0 : i32
    %ne3A_1010 = vector.broadcast %ne3A_1009 : i32 to vector<16xi32>
    %ne3A_1011 = arith.cmpi ne, %rem3A_1008, %ne3A_1010 : vector<16xi32>
    %and3A_1012 = arith.andi %ne3A_1006, %ne3A_1011 : vector<16xi1>
    %sub3A_1013 = arith.constant 1 : i32
    %sub3A_1014 = vector.broadcast %sub3A_1013 : i32 to vector<16xi32>
    %sub3A_1015 = arith.subi %div3A_988, %sub3A_1014 : vector<16xi32>
    %select_n3A_1016 = arith.select %and3A_1012, %sub3A_1015, %div3A_988 : vector<16xi1>, vector<16xi32>
    %mul3A_1017 = arith.constant 7 : i32
    %mul3A_1018 = vector.broadcast %mul3A_1017 : i32 to vector<16xi32>
    %mul3A_1019 = arith.muli %mul3A_1018, %select_n3A_1016 : vector<16xi32>
    %sub3A_1020 = arith.subi %sub3A_985, %mul3A_1019 : vector<16xi32>
    %mul3A_1021 = arith.constant 169 : i32
    %mul3A_1022 = vector.broadcast %mul3A_1021 : i32 to vector<16xi32>
    %mul3A_1023 = arith.muli %select_n3A_981, %mul3A_1022 : vector<16xi32>
    %mul3A_1024 = arith.constant 13 : i32
    %mul3A_1025 = vector.broadcast %mul3A_1024 : i32 to vector<16xi32>
    %mul3A_1026 = arith.muli %select_n3A_1016, %mul3A_1025 : vector<16xi32>
    %add3A_1027 = arith.addi %mul3A_1023, %mul3A_1026 : vector<16xi32>
    %add3A_1028 = arith.addi %add3A_1027, %sub3A_1020 : vector<16xi32>
    %sub3A_1029 = arith.constant 1098 : i32
    %sub3A_1030 = vector.broadcast %sub3A_1029 : i32 to vector<16xi32>
    %sub3A_1031 = arith.subi %sub3A_1030, %add3A_1028 : vector<16xi32>
    %add3A_1032 = arith.constant 172 : i32
    %add3A_1033 = vector.broadcast %add3A_1032 : i32 to vector<16xi32>
    %add3A_1034 = arith.addi %iota3A, %add3A_1033 : vector<16xi32>
    %jit3A_1035 = arith.constant 0 : i32
    %jit3A_1036 = arith.constant 342 : i32
    %max3A_1037 = vector.broadcast %jit3A_1035 : i32 to vector<16xi32>
    %max3A_1038 = arith.maxsi %max3A_1037, %add3A_1034 : vector<16xi32>
    %min3A_1039 = vector.broadcast %jit3A_1036 : i32 to vector<16xi32>
    %min3A_1040 = arith.minsi %min3A_1039, %max3A_1038 : vector<16xi32>
    %jit3A_1041 = arith.constant 49 : i32
    %div3A_1042 = vector.broadcast %jit3A_1041 : i32 to vector<16xi32>
    %div3A_1043 = arith.divsi %min3A_1040, %div3A_1042 : vector<16xi32>
    %sign3A_1044 = arith.constant 0 : i32
    %sign3A_1045 = vector.broadcast %sign3A_1044 : i32 to vector<16xi32>
    %sign3A_1046 = arith.cmpi sgt, %min3A_1040, %sign3A_1045 : vector<16xi32>
    %sign3A_1047 = arith.extui %sign3A_1046 : vector<16xi1> to vector<16xi32>
    %sign3A_1048 = arith.constant 0 : i32
    %sign3A_1049 = vector.broadcast %sign3A_1048 : i32 to vector<16xi32>
    %sign3A_1050 = arith.cmpi slt, %min3A_1040, %sign3A_1049 : vector<16xi32>
    %sign3A_1051 = arith.extui %sign3A_1050 : vector<16xi1> to vector<16xi32>
    %sign3A_1052 = arith.subi %sign3A_1047, %sign3A_1051 : vector<16xi32>
    %sign3A_1053 = arith.constant 0 : i32
    %sign3A_1054 = arith.cmpi sgt, %jit3A_1041, %sign3A_1053 : i32
    %sign3A_1055 = arith.extui %sign3A_1054 : i1 to i32
    %sign3A_1056 = arith.constant 0 : i32
    %sign3A_1057 = arith.cmpi slt, %jit3A_1041, %sign3A_1056 : i32
    %sign3A_1058 = arith.extui %sign3A_1057 : i1 to i32
    %sign3A_1059 = arith.subi %sign3A_1055, %sign3A_1058 : i32
    %ne3A_1060 = vector.broadcast %sign3A_1059 : i32 to vector<16xi32>
    %ne3A_1061 = arith.cmpi ne, %sign3A_1052, %ne3A_1060 : vector<16xi32>
    %rem3A_1062 = vector.broadcast %jit3A_1041 : i32 to vector<16xi32>
    %rem3A_1063 = arith.remsi %min3A_1040, %rem3A_1062 : vector<16xi32>
    %ne3A_1064 = arith.constant 0 : i32
    %ne3A_1065 = vector.broadcast %ne3A_1064 : i32 to vector<16xi32>
    %ne3A_1066 = arith.cmpi ne, %rem3A_1063, %ne3A_1065 : vector<16xi32>
    %and3A_1067 = arith.andi %ne3A_1061, %ne3A_1066 : vector<16xi1>
    %sub3A_1068 = arith.constant 1 : i32
    %sub3A_1069 = vector.broadcast %sub3A_1068 : i32 to vector<16xi32>
    %sub3A_1070 = arith.subi %div3A_1043, %sub3A_1069 : vector<16xi32>
    %select_n3A_1071 = arith.select %and3A_1067, %sub3A_1070, %div3A_1043 : vector<16xi1>, vector<16xi32>
    %mul3A_1072 = arith.constant 49 : i32
    %mul3A_1073 = vector.broadcast %mul3A_1072 : i32 to vector<16xi32>
    %mul3A_1074 = arith.muli %mul3A_1073, %select_n3A_1071 : vector<16xi32>
    %sub3A_1075 = arith.subi %min3A_1040, %mul3A_1074 : vector<16xi32>
    %jit3A_1076 = arith.constant 7 : i32
    %div3A_1077 = vector.broadcast %jit3A_1076 : i32 to vector<16xi32>
    %div3A_1078 = arith.divsi %sub3A_1075, %div3A_1077 : vector<16xi32>
    %sign3A_1079 = arith.constant 0 : i32
    %sign3A_1080 = vector.broadcast %sign3A_1079 : i32 to vector<16xi32>
    %sign3A_1081 = arith.cmpi sgt, %sub3A_1075, %sign3A_1080 : vector<16xi32>
    %sign3A_1082 = arith.extui %sign3A_1081 : vector<16xi1> to vector<16xi32>
    %sign3A_1083 = arith.constant 0 : i32
    %sign3A_1084 = vector.broadcast %sign3A_1083 : i32 to vector<16xi32>
    %sign3A_1085 = arith.cmpi slt, %sub3A_1075, %sign3A_1084 : vector<16xi32>
    %sign3A_1086 = arith.extui %sign3A_1085 : vector<16xi1> to vector<16xi32>
    %sign3A_1087 = arith.subi %sign3A_1082, %sign3A_1086 : vector<16xi32>
    %sign3A_1088 = arith.constant 0 : i32
    %sign3A_1089 = arith.cmpi sgt, %jit3A_1076, %sign3A_1088 : i32
    %sign3A_1090 = arith.extui %sign3A_1089 : i1 to i32
    %sign3A_1091 = arith.constant 0 : i32
    %sign3A_1092 = arith.cmpi slt, %jit3A_1076, %sign3A_1091 : i32
    %sign3A_1093 = arith.extui %sign3A_1092 : i1 to i32
    %sign3A_1094 = arith.subi %sign3A_1090, %sign3A_1093 : i32
    %ne3A_1095 = vector.broadcast %sign3A_1094 : i32 to vector<16xi32>
    %ne3A_1096 = arith.cmpi ne, %sign3A_1087, %ne3A_1095 : vector<16xi32>
    %rem3A_1097 = vector.broadcast %jit3A_1076 : i32 to vector<16xi32>
    %rem3A_1098 = arith.remsi %sub3A_1075, %rem3A_1097 : vector<16xi32>
    %ne3A_1099 = arith.constant 0 : i32
    %ne3A_1100 = vector.broadcast %ne3A_1099 : i32 to vector<16xi32>
    %ne3A_1101 = arith.cmpi ne, %rem3A_1098, %ne3A_1100 : vector<16xi32>
    %and3A_1102 = arith.andi %ne3A_1096, %ne3A_1101 : vector<16xi1>
    %sub3A_1103 = arith.constant 1 : i32
    %sub3A_1104 = vector.broadcast %sub3A_1103 : i32 to vector<16xi32>
    %sub3A_1105 = arith.subi %div3A_1078, %sub3A_1104 : vector<16xi32>
    %select_n3A_1106 = arith.select %and3A_1102, %sub3A_1105, %div3A_1078 : vector<16xi1>, vector<16xi32>
    %mul3A_1107 = arith.constant 7 : i32
    %mul3A_1108 = vector.broadcast %mul3A_1107 : i32 to vector<16xi32>
    %mul3A_1109 = arith.muli %mul3A_1108, %select_n3A_1106 : vector<16xi32>
    %sub3A_1110 = arith.subi %sub3A_1075, %mul3A_1109 : vector<16xi32>
    %mul3A_1111 = arith.constant 169 : i32
    %mul3A_1112 = vector.broadcast %mul3A_1111 : i32 to vector<16xi32>
    %mul3A_1113 = arith.muli %select_n3A_1071, %mul3A_1112 : vector<16xi32>
    %mul3A_1114 = arith.constant 13 : i32
    %mul3A_1115 = vector.broadcast %mul3A_1114 : i32 to vector<16xi32>
    %mul3A_1116 = arith.muli %select_n3A_1106, %mul3A_1115 : vector<16xi32>
    %add3A_1117 = arith.addi %mul3A_1113, %mul3A_1116 : vector<16xi32>
    %add3A_1118 = arith.addi %add3A_1117, %sub3A_1110 : vector<16xi32>
    %sub3A_1119 = arith.constant 1098 : i32
    %sub3A_1120 = vector.broadcast %sub3A_1119 : i32 to vector<16xi32>
    %sub3A_1121 = arith.subi %sub3A_1120, %add3A_1118 : vector<16xi32>
    %add3A_1122 = arith.constant 188 : i32
    %add3A_1123 = vector.broadcast %add3A_1122 : i32 to vector<16xi32>
    %add3A_1124 = arith.addi %iota3A, %add3A_1123 : vector<16xi32>
    %jit3A_1125 = arith.constant 0 : i32
    %jit3A_1126 = arith.constant 342 : i32
    %max3A_1127 = vector.broadcast %jit3A_1125 : i32 to vector<16xi32>
    %max3A_1128 = arith.maxsi %max3A_1127, %add3A_1124 : vector<16xi32>
    %min3A_1129 = vector.broadcast %jit3A_1126 : i32 to vector<16xi32>
    %min3A_1130 = arith.minsi %min3A_1129, %max3A_1128 : vector<16xi32>
    %jit3A_1131 = arith.constant 49 : i32
    %div3A_1132 = vector.broadcast %jit3A_1131 : i32 to vector<16xi32>
    %div3A_1133 = arith.divsi %min3A_1130, %div3A_1132 : vector<16xi32>
    %sign3A_1134 = arith.constant 0 : i32
    %sign3A_1135 = vector.broadcast %sign3A_1134 : i32 to vector<16xi32>
    %sign3A_1136 = arith.cmpi sgt, %min3A_1130, %sign3A_1135 : vector<16xi32>
    %sign3A_1137 = arith.extui %sign3A_1136 : vector<16xi1> to vector<16xi32>
    %sign3A_1138 = arith.constant 0 : i32
    %sign3A_1139 = vector.broadcast %sign3A_1138 : i32 to vector<16xi32>
    %sign3A_1140 = arith.cmpi slt, %min3A_1130, %sign3A_1139 : vector<16xi32>
    %sign3A_1141 = arith.extui %sign3A_1140 : vector<16xi1> to vector<16xi32>
    %sign3A_1142 = arith.subi %sign3A_1137, %sign3A_1141 : vector<16xi32>
    %sign3A_1143 = arith.constant 0 : i32
    %sign3A_1144 = arith.cmpi sgt, %jit3A_1131, %sign3A_1143 : i32
    %sign3A_1145 = arith.extui %sign3A_1144 : i1 to i32
    %sign3A_1146 = arith.constant 0 : i32
    %sign3A_1147 = arith.cmpi slt, %jit3A_1131, %sign3A_1146 : i32
    %sign3A_1148 = arith.extui %sign3A_1147 : i1 to i32
    %sign3A_1149 = arith.subi %sign3A_1145, %sign3A_1148 : i32
    %ne3A_1150 = vector.broadcast %sign3A_1149 : i32 to vector<16xi32>
    %ne3A_1151 = arith.cmpi ne, %sign3A_1142, %ne3A_1150 : vector<16xi32>
    %rem3A_1152 = vector.broadcast %jit3A_1131 : i32 to vector<16xi32>
    %rem3A_1153 = arith.remsi %min3A_1130, %rem3A_1152 : vector<16xi32>
    %ne3A_1154 = arith.constant 0 : i32
    %ne3A_1155 = vector.broadcast %ne3A_1154 : i32 to vector<16xi32>
    %ne3A_1156 = arith.cmpi ne, %rem3A_1153, %ne3A_1155 : vector<16xi32>
    %and3A_1157 = arith.andi %ne3A_1151, %ne3A_1156 : vector<16xi1>
    %sub3A_1158 = arith.constant 1 : i32
    %sub3A_1159 = vector.broadcast %sub3A_1158 : i32 to vector<16xi32>
    %sub3A_1160 = arith.subi %div3A_1133, %sub3A_1159 : vector<16xi32>
    %select_n3A_1161 = arith.select %and3A_1157, %sub3A_1160, %div3A_1133 : vector<16xi1>, vector<16xi32>
    %mul3A_1162 = arith.constant 49 : i32
    %mul3A_1163 = vector.broadcast %mul3A_1162 : i32 to vector<16xi32>
    %mul3A_1164 = arith.muli %mul3A_1163, %select_n3A_1161 : vector<16xi32>
    %sub3A_1165 = arith.subi %min3A_1130, %mul3A_1164 : vector<16xi32>
    %jit3A_1166 = arith.constant 7 : i32
    %div3A_1167 = vector.broadcast %jit3A_1166 : i32 to vector<16xi32>
    %div3A_1168 = arith.divsi %sub3A_1165, %div3A_1167 : vector<16xi32>
    %sign3A_1169 = arith.constant 0 : i32
    %sign3A_1170 = vector.broadcast %sign3A_1169 : i32 to vector<16xi32>
    %sign3A_1171 = arith.cmpi sgt, %sub3A_1165, %sign3A_1170 : vector<16xi32>
    %sign3A_1172 = arith.extui %sign3A_1171 : vector<16xi1> to vector<16xi32>
    %sign3A_1173 = arith.constant 0 : i32
    %sign3A_1174 = vector.broadcast %sign3A_1173 : i32 to vector<16xi32>
    %sign3A_1175 = arith.cmpi slt, %sub3A_1165, %sign3A_1174 : vector<16xi32>
    %sign3A_1176 = arith.extui %sign3A_1175 : vector<16xi1> to vector<16xi32>
    %sign3A_1177 = arith.subi %sign3A_1172, %sign3A_1176 : vector<16xi32>
    %sign3A_1178 = arith.constant 0 : i32
    %sign3A_1179 = arith.cmpi sgt, %jit3A_1166, %sign3A_1178 : i32
    %sign3A_1180 = arith.extui %sign3A_1179 : i1 to i32
    %sign3A_1181 = arith.constant 0 : i32
    %sign3A_1182 = arith.cmpi slt, %jit3A_1166, %sign3A_1181 : i32
    %sign3A_1183 = arith.extui %sign3A_1182 : i1 to i32
    %sign3A_1184 = arith.subi %sign3A_1180, %sign3A_1183 : i32
    %ne3A_1185 = vector.broadcast %sign3A_1184 : i32 to vector<16xi32>
    %ne3A_1186 = arith.cmpi ne, %sign3A_1177, %ne3A_1185 : vector<16xi32>
    %rem3A_1187 = vector.broadcast %jit3A_1166 : i32 to vector<16xi32>
    %rem3A_1188 = arith.remsi %sub3A_1165, %rem3A_1187 : vector<16xi32>
    %ne3A_1189 = arith.constant 0 : i32
    %ne3A_1190 = vector.broadcast %ne3A_1189 : i32 to vector<16xi32>
    %ne3A_1191 = arith.cmpi ne, %rem3A_1188, %ne3A_1190 : vector<16xi32>
    %and3A_1192 = arith.andi %ne3A_1186, %ne3A_1191 : vector<16xi1>
    %sub3A_1193 = arith.constant 1 : i32
    %sub3A_1194 = vector.broadcast %sub3A_1193 : i32 to vector<16xi32>
    %sub3A_1195 = arith.subi %div3A_1168, %sub3A_1194 : vector<16xi32>
    %select_n3A_1196 = arith.select %and3A_1192, %sub3A_1195, %div3A_1168 : vector<16xi1>, vector<16xi32>
    %mul3A_1197 = arith.constant 7 : i32
    %mul3A_1198 = vector.broadcast %mul3A_1197 : i32 to vector<16xi32>
    %mul3A_1199 = arith.muli %mul3A_1198, %select_n3A_1196 : vector<16xi32>
    %sub3A_1200 = arith.subi %sub3A_1165, %mul3A_1199 : vector<16xi32>
    %mul3A_1201 = arith.constant 169 : i32
    %mul3A_1202 = vector.broadcast %mul3A_1201 : i32 to vector<16xi32>
    %mul3A_1203 = arith.muli %select_n3A_1161, %mul3A_1202 : vector<16xi32>
    %mul3A_1204 = arith.constant 13 : i32
    %mul3A_1205 = vector.broadcast %mul3A_1204 : i32 to vector<16xi32>
    %mul3A_1206 = arith.muli %select_n3A_1196, %mul3A_1205 : vector<16xi32>
    %add3A_1207 = arith.addi %mul3A_1203, %mul3A_1206 : vector<16xi32>
    %add3A_1208 = arith.addi %add3A_1207, %sub3A_1200 : vector<16xi32>
    %sub3A_1209 = arith.constant 1098 : i32
    %sub3A_1210 = vector.broadcast %sub3A_1209 : i32 to vector<16xi32>
    %sub3A_1211 = arith.subi %sub3A_1210, %add3A_1208 : vector<16xi32>
    %add3A_1212 = arith.constant 204 : i32
    %add3A_1213 = vector.broadcast %add3A_1212 : i32 to vector<16xi32>
    %add3A_1214 = arith.addi %iota3A, %add3A_1213 : vector<16xi32>
    %jit3A_1215 = arith.constant 0 : i32
    %jit3A_1216 = arith.constant 342 : i32
    %max3A_1217 = vector.broadcast %jit3A_1215 : i32 to vector<16xi32>
    %max3A_1218 = arith.maxsi %max3A_1217, %add3A_1214 : vector<16xi32>
    %min3A_1219 = vector.broadcast %jit3A_1216 : i32 to vector<16xi32>
    %min3A_1220 = arith.minsi %min3A_1219, %max3A_1218 : vector<16xi32>
    %jit3A_1221 = arith.constant 49 : i32
    %div3A_1222 = vector.broadcast %jit3A_1221 : i32 to vector<16xi32>
    %div3A_1223 = arith.divsi %min3A_1220, %div3A_1222 : vector<16xi32>
    %sign3A_1224 = arith.constant 0 : i32
    %sign3A_1225 = vector.broadcast %sign3A_1224 : i32 to vector<16xi32>
    %sign3A_1226 = arith.cmpi sgt, %min3A_1220, %sign3A_1225 : vector<16xi32>
    %sign3A_1227 = arith.extui %sign3A_1226 : vector<16xi1> to vector<16xi32>
    %sign3A_1228 = arith.constant 0 : i32
    %sign3A_1229 = vector.broadcast %sign3A_1228 : i32 to vector<16xi32>
    %sign3A_1230 = arith.cmpi slt, %min3A_1220, %sign3A_1229 : vector<16xi32>
    %sign3A_1231 = arith.extui %sign3A_1230 : vector<16xi1> to vector<16xi32>
    %sign3A_1232 = arith.subi %sign3A_1227, %sign3A_1231 : vector<16xi32>
    %sign3A_1233 = arith.constant 0 : i32
    %sign3A_1234 = arith.cmpi sgt, %jit3A_1221, %sign3A_1233 : i32
    %sign3A_1235 = arith.extui %sign3A_1234 : i1 to i32
    %sign3A_1236 = arith.constant 0 : i32
    %sign3A_1237 = arith.cmpi slt, %jit3A_1221, %sign3A_1236 : i32
    %sign3A_1238 = arith.extui %sign3A_1237 : i1 to i32
    %sign3A_1239 = arith.subi %sign3A_1235, %sign3A_1238 : i32
    %ne3A_1240 = vector.broadcast %sign3A_1239 : i32 to vector<16xi32>
    %ne3A_1241 = arith.cmpi ne, %sign3A_1232, %ne3A_1240 : vector<16xi32>
    %rem3A_1242 = vector.broadcast %jit3A_1221 : i32 to vector<16xi32>
    %rem3A_1243 = arith.remsi %min3A_1220, %rem3A_1242 : vector<16xi32>
    %ne3A_1244 = arith.constant 0 : i32
    %ne3A_1245 = vector.broadcast %ne3A_1244 : i32 to vector<16xi32>
    %ne3A_1246 = arith.cmpi ne, %rem3A_1243, %ne3A_1245 : vector<16xi32>
    %and3A_1247 = arith.andi %ne3A_1241, %ne3A_1246 : vector<16xi1>
    %sub3A_1248 = arith.constant 1 : i32
    %sub3A_1249 = vector.broadcast %sub3A_1248 : i32 to vector<16xi32>
    %sub3A_1250 = arith.subi %div3A_1223, %sub3A_1249 : vector<16xi32>
    %select_n3A_1251 = arith.select %and3A_1247, %sub3A_1250, %div3A_1223 : vector<16xi1>, vector<16xi32>
    %mul3A_1252 = arith.constant 49 : i32
    %mul3A_1253 = vector.broadcast %mul3A_1252 : i32 to vector<16xi32>
    %mul3A_1254 = arith.muli %mul3A_1253, %select_n3A_1251 : vector<16xi32>
    %sub3A_1255 = arith.subi %min3A_1220, %mul3A_1254 : vector<16xi32>
    %jit3A_1256 = arith.constant 7 : i32
    %div3A_1257 = vector.broadcast %jit3A_1256 : i32 to vector<16xi32>
    %div3A_1258 = arith.divsi %sub3A_1255, %div3A_1257 : vector<16xi32>
    %sign3A_1259 = arith.constant 0 : i32
    %sign3A_1260 = vector.broadcast %sign3A_1259 : i32 to vector<16xi32>
    %sign3A_1261 = arith.cmpi sgt, %sub3A_1255, %sign3A_1260 : vector<16xi32>
    %sign3A_1262 = arith.extui %sign3A_1261 : vector<16xi1> to vector<16xi32>
    %sign3A_1263 = arith.constant 0 : i32
    %sign3A_1264 = vector.broadcast %sign3A_1263 : i32 to vector<16xi32>
    %sign3A_1265 = arith.cmpi slt, %sub3A_1255, %sign3A_1264 : vector<16xi32>
    %sign3A_1266 = arith.extui %sign3A_1265 : vector<16xi1> to vector<16xi32>
    %sign3A_1267 = arith.subi %sign3A_1262, %sign3A_1266 : vector<16xi32>
    %sign3A_1268 = arith.constant 0 : i32
    %sign3A_1269 = arith.cmpi sgt, %jit3A_1256, %sign3A_1268 : i32
    %sign3A_1270 = arith.extui %sign3A_1269 : i1 to i32
    %sign3A_1271 = arith.constant 0 : i32
    %sign3A_1272 = arith.cmpi slt, %jit3A_1256, %sign3A_1271 : i32
    %sign3A_1273 = arith.extui %sign3A_1272 : i1 to i32
    %sign3A_1274 = arith.subi %sign3A_1270, %sign3A_1273 : i32
    %ne3A_1275 = vector.broadcast %sign3A_1274 : i32 to vector<16xi32>
    %ne3A_1276 = arith.cmpi ne, %sign3A_1267, %ne3A_1275 : vector<16xi32>
    %rem3A_1277 = vector.broadcast %jit3A_1256 : i32 to vector<16xi32>
    %rem3A_1278 = arith.remsi %sub3A_1255, %rem3A_1277 : vector<16xi32>
    %ne3A_1279 = arith.constant 0 : i32
    %ne3A_1280 = vector.broadcast %ne3A_1279 : i32 to vector<16xi32>
    %ne3A_1281 = arith.cmpi ne, %rem3A_1278, %ne3A_1280 : vector<16xi32>
    %and3A_1282 = arith.andi %ne3A_1276, %ne3A_1281 : vector<16xi1>
    %sub3A_1283 = arith.constant 1 : i32
    %sub3A_1284 = vector.broadcast %sub3A_1283 : i32 to vector<16xi32>
    %sub3A_1285 = arith.subi %div3A_1258, %sub3A_1284 : vector<16xi32>
    %select_n3A_1286 = arith.select %and3A_1282, %sub3A_1285, %div3A_1258 : vector<16xi1>, vector<16xi32>
    %mul3A_1287 = arith.constant 7 : i32
    %mul3A_1288 = vector.broadcast %mul3A_1287 : i32 to vector<16xi32>
    %mul3A_1289 = arith.muli %mul3A_1288, %select_n3A_1286 : vector<16xi32>
    %sub3A_1290 = arith.subi %sub3A_1255, %mul3A_1289 : vector<16xi32>
    %mul3A_1291 = arith.constant 169 : i32
    %mul3A_1292 = vector.broadcast %mul3A_1291 : i32 to vector<16xi32>
    %mul3A_1293 = arith.muli %select_n3A_1251, %mul3A_1292 : vector<16xi32>
    %mul3A_1294 = arith.constant 13 : i32
    %mul3A_1295 = vector.broadcast %mul3A_1294 : i32 to vector<16xi32>
    %mul3A_1296 = arith.muli %select_n3A_1286, %mul3A_1295 : vector<16xi32>
    %add3A_1297 = arith.addi %mul3A_1293, %mul3A_1296 : vector<16xi32>
    %add3A_1298 = arith.addi %add3A_1297, %sub3A_1290 : vector<16xi32>
    %sub3A_1299 = arith.constant 1098 : i32
    %sub3A_1300 = vector.broadcast %sub3A_1299 : i32 to vector<16xi32>
    %sub3A_1301 = arith.subi %sub3A_1300, %add3A_1298 : vector<16xi32>
    %add3A_1302 = arith.constant 220 : i32
    %add3A_1303 = vector.broadcast %add3A_1302 : i32 to vector<16xi32>
    %add3A_1304 = arith.addi %iota3A, %add3A_1303 : vector<16xi32>
    %jit3A_1305 = arith.constant 0 : i32
    %jit3A_1306 = arith.constant 342 : i32
    %max3A_1307 = vector.broadcast %jit3A_1305 : i32 to vector<16xi32>
    %max3A_1308 = arith.maxsi %max3A_1307, %add3A_1304 : vector<16xi32>
    %min3A_1309 = vector.broadcast %jit3A_1306 : i32 to vector<16xi32>
    %min3A_1310 = arith.minsi %min3A_1309, %max3A_1308 : vector<16xi32>
    %jit3A_1311 = arith.constant 49 : i32
    %div3A_1312 = vector.broadcast %jit3A_1311 : i32 to vector<16xi32>
    %div3A_1313 = arith.divsi %min3A_1310, %div3A_1312 : vector<16xi32>
    %sign3A_1314 = arith.constant 0 : i32
    %sign3A_1315 = vector.broadcast %sign3A_1314 : i32 to vector<16xi32>
    %sign3A_1316 = arith.cmpi sgt, %min3A_1310, %sign3A_1315 : vector<16xi32>
    %sign3A_1317 = arith.extui %sign3A_1316 : vector<16xi1> to vector<16xi32>
    %sign3A_1318 = arith.constant 0 : i32
    %sign3A_1319 = vector.broadcast %sign3A_1318 : i32 to vector<16xi32>
    %sign3A_1320 = arith.cmpi slt, %min3A_1310, %sign3A_1319 : vector<16xi32>
    %sign3A_1321 = arith.extui %sign3A_1320 : vector<16xi1> to vector<16xi32>
    %sign3A_1322 = arith.subi %sign3A_1317, %sign3A_1321 : vector<16xi32>
    %sign3A_1323 = arith.constant 0 : i32
    %sign3A_1324 = arith.cmpi sgt, %jit3A_1311, %sign3A_1323 : i32
    %sign3A_1325 = arith.extui %sign3A_1324 : i1 to i32
    %sign3A_1326 = arith.constant 0 : i32
    %sign3A_1327 = arith.cmpi slt, %jit3A_1311, %sign3A_1326 : i32
    %sign3A_1328 = arith.extui %sign3A_1327 : i1 to i32
    %sign3A_1329 = arith.subi %sign3A_1325, %sign3A_1328 : i32
    %ne3A_1330 = vector.broadcast %sign3A_1329 : i32 to vector<16xi32>
    %ne3A_1331 = arith.cmpi ne, %sign3A_1322, %ne3A_1330 : vector<16xi32>
    %rem3A_1332 = vector.broadcast %jit3A_1311 : i32 to vector<16xi32>
    %rem3A_1333 = arith.remsi %min3A_1310, %rem3A_1332 : vector<16xi32>
    %ne3A_1334 = arith.constant 0 : i32
    %ne3A_1335 = vector.broadcast %ne3A_1334 : i32 to vector<16xi32>
    %ne3A_1336 = arith.cmpi ne, %rem3A_1333, %ne3A_1335 : vector<16xi32>
    %and3A_1337 = arith.andi %ne3A_1331, %ne3A_1336 : vector<16xi1>
    %sub3A_1338 = arith.constant 1 : i32
    %sub3A_1339 = vector.broadcast %sub3A_1338 : i32 to vector<16xi32>
    %sub3A_1340 = arith.subi %div3A_1313, %sub3A_1339 : vector<16xi32>
    %select_n3A_1341 = arith.select %and3A_1337, %sub3A_1340, %div3A_1313 : vector<16xi1>, vector<16xi32>
    %mul3A_1342 = arith.constant 49 : i32
    %mul3A_1343 = vector.broadcast %mul3A_1342 : i32 to vector<16xi32>
    %mul3A_1344 = arith.muli %mul3A_1343, %select_n3A_1341 : vector<16xi32>
    %sub3A_1345 = arith.subi %min3A_1310, %mul3A_1344 : vector<16xi32>
    %jit3A_1346 = arith.constant 7 : i32
    %div3A_1347 = vector.broadcast %jit3A_1346 : i32 to vector<16xi32>
    %div3A_1348 = arith.divsi %sub3A_1345, %div3A_1347 : vector<16xi32>
    %sign3A_1349 = arith.constant 0 : i32
    %sign3A_1350 = vector.broadcast %sign3A_1349 : i32 to vector<16xi32>
    %sign3A_1351 = arith.cmpi sgt, %sub3A_1345, %sign3A_1350 : vector<16xi32>
    %sign3A_1352 = arith.extui %sign3A_1351 : vector<16xi1> to vector<16xi32>
    %sign3A_1353 = arith.constant 0 : i32
    %sign3A_1354 = vector.broadcast %sign3A_1353 : i32 to vector<16xi32>
    %sign3A_1355 = arith.cmpi slt, %sub3A_1345, %sign3A_1354 : vector<16xi32>
    %sign3A_1356 = arith.extui %sign3A_1355 : vector<16xi1> to vector<16xi32>
    %sign3A_1357 = arith.subi %sign3A_1352, %sign3A_1356 : vector<16xi32>
    %sign3A_1358 = arith.constant 0 : i32
    %sign3A_1359 = arith.cmpi sgt, %jit3A_1346, %sign3A_1358 : i32
    %sign3A_1360 = arith.extui %sign3A_1359 : i1 to i32
    %sign3A_1361 = arith.constant 0 : i32
    %sign3A_1362 = arith.cmpi slt, %jit3A_1346, %sign3A_1361 : i32
    %sign3A_1363 = arith.extui %sign3A_1362 : i1 to i32
    %sign3A_1364 = arith.subi %sign3A_1360, %sign3A_1363 : i32
    %ne3A_1365 = vector.broadcast %sign3A_1364 : i32 to vector<16xi32>
    %ne3A_1366 = arith.cmpi ne, %sign3A_1357, %ne3A_1365 : vector<16xi32>
    %rem3A_1367 = vector.broadcast %jit3A_1346 : i32 to vector<16xi32>
    %rem3A_1368 = arith.remsi %sub3A_1345, %rem3A_1367 : vector<16xi32>
    %ne3A_1369 = arith.constant 0 : i32
    %ne3A_1370 = vector.broadcast %ne3A_1369 : i32 to vector<16xi32>
    %ne3A_1371 = arith.cmpi ne, %rem3A_1368, %ne3A_1370 : vector<16xi32>
    %and3A_1372 = arith.andi %ne3A_1366, %ne3A_1371 : vector<16xi1>
    %sub3A_1373 = arith.constant 1 : i32
    %sub3A_1374 = vector.broadcast %sub3A_1373 : i32 to vector<16xi32>
    %sub3A_1375 = arith.subi %div3A_1348, %sub3A_1374 : vector<16xi32>
    %select_n3A_1376 = arith.select %and3A_1372, %sub3A_1375, %div3A_1348 : vector<16xi1>, vector<16xi32>
    %mul3A_1377 = arith.constant 7 : i32
    %mul3A_1378 = vector.broadcast %mul3A_1377 : i32 to vector<16xi32>
    %mul3A_1379 = arith.muli %mul3A_1378, %select_n3A_1376 : vector<16xi32>
    %sub3A_1380 = arith.subi %sub3A_1345, %mul3A_1379 : vector<16xi32>
    %mul3A_1381 = arith.constant 169 : i32
    %mul3A_1382 = vector.broadcast %mul3A_1381 : i32 to vector<16xi32>
    %mul3A_1383 = arith.muli %select_n3A_1341, %mul3A_1382 : vector<16xi32>
    %mul3A_1384 = arith.constant 13 : i32
    %mul3A_1385 = vector.broadcast %mul3A_1384 : i32 to vector<16xi32>
    %mul3A_1386 = arith.muli %select_n3A_1376, %mul3A_1385 : vector<16xi32>
    %add3A_1387 = arith.addi %mul3A_1383, %mul3A_1386 : vector<16xi32>
    %add3A_1388 = arith.addi %add3A_1387, %sub3A_1380 : vector<16xi32>
    %sub3A_1389 = arith.constant 1098 : i32
    %sub3A_1390 = vector.broadcast %sub3A_1389 : i32 to vector<16xi32>
    %sub3A_1391 = arith.subi %sub3A_1390, %add3A_1388 : vector<16xi32>
    %add3A_1392 = arith.constant 236 : i32
    %add3A_1393 = vector.broadcast %add3A_1392 : i32 to vector<16xi32>
    %add3A_1394 = arith.addi %iota3A, %add3A_1393 : vector<16xi32>
    %jit3A_1395 = arith.constant 0 : i32
    %jit3A_1396 = arith.constant 342 : i32
    %max3A_1397 = vector.broadcast %jit3A_1395 : i32 to vector<16xi32>
    %max3A_1398 = arith.maxsi %max3A_1397, %add3A_1394 : vector<16xi32>
    %min3A_1399 = vector.broadcast %jit3A_1396 : i32 to vector<16xi32>
    %min3A_1400 = arith.minsi %min3A_1399, %max3A_1398 : vector<16xi32>
    %jit3A_1401 = arith.constant 49 : i32
    %div3A_1402 = vector.broadcast %jit3A_1401 : i32 to vector<16xi32>
    %div3A_1403 = arith.divsi %min3A_1400, %div3A_1402 : vector<16xi32>
    %sign3A_1404 = arith.constant 0 : i32
    %sign3A_1405 = vector.broadcast %sign3A_1404 : i32 to vector<16xi32>
    %sign3A_1406 = arith.cmpi sgt, %min3A_1400, %sign3A_1405 : vector<16xi32>
    %sign3A_1407 = arith.extui %sign3A_1406 : vector<16xi1> to vector<16xi32>
    %sign3A_1408 = arith.constant 0 : i32
    %sign3A_1409 = vector.broadcast %sign3A_1408 : i32 to vector<16xi32>
    %sign3A_1410 = arith.cmpi slt, %min3A_1400, %sign3A_1409 : vector<16xi32>
    %sign3A_1411 = arith.extui %sign3A_1410 : vector<16xi1> to vector<16xi32>
    %sign3A_1412 = arith.subi %sign3A_1407, %sign3A_1411 : vector<16xi32>
    %sign3A_1413 = arith.constant 0 : i32
    %sign3A_1414 = arith.cmpi sgt, %jit3A_1401, %sign3A_1413 : i32
    %sign3A_1415 = arith.extui %sign3A_1414 : i1 to i32
    %sign3A_1416 = arith.constant 0 : i32
    %sign3A_1417 = arith.cmpi slt, %jit3A_1401, %sign3A_1416 : i32
    %sign3A_1418 = arith.extui %sign3A_1417 : i1 to i32
    %sign3A_1419 = arith.subi %sign3A_1415, %sign3A_1418 : i32
    %ne3A_1420 = vector.broadcast %sign3A_1419 : i32 to vector<16xi32>
    %ne3A_1421 = arith.cmpi ne, %sign3A_1412, %ne3A_1420 : vector<16xi32>
    %rem3A_1422 = vector.broadcast %jit3A_1401 : i32 to vector<16xi32>
    %rem3A_1423 = arith.remsi %min3A_1400, %rem3A_1422 : vector<16xi32>
    %ne3A_1424 = arith.constant 0 : i32
    %ne3A_1425 = vector.broadcast %ne3A_1424 : i32 to vector<16xi32>
    %ne3A_1426 = arith.cmpi ne, %rem3A_1423, %ne3A_1425 : vector<16xi32>
    %and3A_1427 = arith.andi %ne3A_1421, %ne3A_1426 : vector<16xi1>
    %sub3A_1428 = arith.constant 1 : i32
    %sub3A_1429 = vector.broadcast %sub3A_1428 : i32 to vector<16xi32>
    %sub3A_1430 = arith.subi %div3A_1403, %sub3A_1429 : vector<16xi32>
    %select_n3A_1431 = arith.select %and3A_1427, %sub3A_1430, %div3A_1403 : vector<16xi1>, vector<16xi32>
    %mul3A_1432 = arith.constant 49 : i32
    %mul3A_1433 = vector.broadcast %mul3A_1432 : i32 to vector<16xi32>
    %mul3A_1434 = arith.muli %mul3A_1433, %select_n3A_1431 : vector<16xi32>
    %sub3A_1435 = arith.subi %min3A_1400, %mul3A_1434 : vector<16xi32>
    %jit3A_1436 = arith.constant 7 : i32
    %div3A_1437 = vector.broadcast %jit3A_1436 : i32 to vector<16xi32>
    %div3A_1438 = arith.divsi %sub3A_1435, %div3A_1437 : vector<16xi32>
    %sign3A_1439 = arith.constant 0 : i32
    %sign3A_1440 = vector.broadcast %sign3A_1439 : i32 to vector<16xi32>
    %sign3A_1441 = arith.cmpi sgt, %sub3A_1435, %sign3A_1440 : vector<16xi32>
    %sign3A_1442 = arith.extui %sign3A_1441 : vector<16xi1> to vector<16xi32>
    %sign3A_1443 = arith.constant 0 : i32
    %sign3A_1444 = vector.broadcast %sign3A_1443 : i32 to vector<16xi32>
    %sign3A_1445 = arith.cmpi slt, %sub3A_1435, %sign3A_1444 : vector<16xi32>
    %sign3A_1446 = arith.extui %sign3A_1445 : vector<16xi1> to vector<16xi32>
    %sign3A_1447 = arith.subi %sign3A_1442, %sign3A_1446 : vector<16xi32>
    %sign3A_1448 = arith.constant 0 : i32
    %sign3A_1449 = arith.cmpi sgt, %jit3A_1436, %sign3A_1448 : i32
    %sign3A_1450 = arith.extui %sign3A_1449 : i1 to i32
    %sign3A_1451 = arith.constant 0 : i32
    %sign3A_1452 = arith.cmpi slt, %jit3A_1436, %sign3A_1451 : i32
    %sign3A_1453 = arith.extui %sign3A_1452 : i1 to i32
    %sign3A_1454 = arith.subi %sign3A_1450, %sign3A_1453 : i32
    %ne3A_1455 = vector.broadcast %sign3A_1454 : i32 to vector<16xi32>
    %ne3A_1456 = arith.cmpi ne, %sign3A_1447, %ne3A_1455 : vector<16xi32>
    %rem3A_1457 = vector.broadcast %jit3A_1436 : i32 to vector<16xi32>
    %rem3A_1458 = arith.remsi %sub3A_1435, %rem3A_1457 : vector<16xi32>
    %ne3A_1459 = arith.constant 0 : i32
    %ne3A_1460 = vector.broadcast %ne3A_1459 : i32 to vector<16xi32>
    %ne3A_1461 = arith.cmpi ne, %rem3A_1458, %ne3A_1460 : vector<16xi32>
    %and3A_1462 = arith.andi %ne3A_1456, %ne3A_1461 : vector<16xi1>
    %sub3A_1463 = arith.constant 1 : i32
    %sub3A_1464 = vector.broadcast %sub3A_1463 : i32 to vector<16xi32>
    %sub3A_1465 = arith.subi %div3A_1438, %sub3A_1464 : vector<16xi32>
    %select_n3A_1466 = arith.select %and3A_1462, %sub3A_1465, %div3A_1438 : vector<16xi1>, vector<16xi32>
    %mul3A_1467 = arith.constant 7 : i32
    %mul3A_1468 = vector.broadcast %mul3A_1467 : i32 to vector<16xi32>
    %mul3A_1469 = arith.muli %mul3A_1468, %select_n3A_1466 : vector<16xi32>
    %sub3A_1470 = arith.subi %sub3A_1435, %mul3A_1469 : vector<16xi32>
    %mul3A_1471 = arith.constant 169 : i32
    %mul3A_1472 = vector.broadcast %mul3A_1471 : i32 to vector<16xi32>
    %mul3A_1473 = arith.muli %select_n3A_1431, %mul3A_1472 : vector<16xi32>
    %mul3A_1474 = arith.constant 13 : i32
    %mul3A_1475 = vector.broadcast %mul3A_1474 : i32 to vector<16xi32>
    %mul3A_1476 = arith.muli %select_n3A_1466, %mul3A_1475 : vector<16xi32>
    %add3A_1477 = arith.addi %mul3A_1473, %mul3A_1476 : vector<16xi32>
    %add3A_1478 = arith.addi %add3A_1477, %sub3A_1470 : vector<16xi32>
    %sub3A_1479 = arith.constant 1098 : i32
    %sub3A_1480 = vector.broadcast %sub3A_1479 : i32 to vector<16xi32>
    %sub3A_1481 = arith.subi %sub3A_1480, %add3A_1478 : vector<16xi32>
    %add3A_1482 = arith.constant 252 : i32
    %add3A_1483 = vector.broadcast %add3A_1482 : i32 to vector<16xi32>
    %add3A_1484 = arith.addi %iota3A, %add3A_1483 : vector<16xi32>
    %jit3A_1485 = arith.constant 0 : i32
    %jit3A_1486 = arith.constant 342 : i32
    %max3A_1487 = vector.broadcast %jit3A_1485 : i32 to vector<16xi32>
    %max3A_1488 = arith.maxsi %max3A_1487, %add3A_1484 : vector<16xi32>
    %min3A_1489 = vector.broadcast %jit3A_1486 : i32 to vector<16xi32>
    %min3A_1490 = arith.minsi %min3A_1489, %max3A_1488 : vector<16xi32>
    %jit3A_1491 = arith.constant 49 : i32
    %div3A_1492 = vector.broadcast %jit3A_1491 : i32 to vector<16xi32>
    %div3A_1493 = arith.divsi %min3A_1490, %div3A_1492 : vector<16xi32>
    %sign3A_1494 = arith.constant 0 : i32
    %sign3A_1495 = vector.broadcast %sign3A_1494 : i32 to vector<16xi32>
    %sign3A_1496 = arith.cmpi sgt, %min3A_1490, %sign3A_1495 : vector<16xi32>
    %sign3A_1497 = arith.extui %sign3A_1496 : vector<16xi1> to vector<16xi32>
    %sign3A_1498 = arith.constant 0 : i32
    %sign3A_1499 = vector.broadcast %sign3A_1498 : i32 to vector<16xi32>
    %sign3A_1500 = arith.cmpi slt, %min3A_1490, %sign3A_1499 : vector<16xi32>
    %sign3A_1501 = arith.extui %sign3A_1500 : vector<16xi1> to vector<16xi32>
    %sign3A_1502 = arith.subi %sign3A_1497, %sign3A_1501 : vector<16xi32>
    %sign3A_1503 = arith.constant 0 : i32
    %sign3A_1504 = arith.cmpi sgt, %jit3A_1491, %sign3A_1503 : i32
    %sign3A_1505 = arith.extui %sign3A_1504 : i1 to i32
    %sign3A_1506 = arith.constant 0 : i32
    %sign3A_1507 = arith.cmpi slt, %jit3A_1491, %sign3A_1506 : i32
    %sign3A_1508 = arith.extui %sign3A_1507 : i1 to i32
    %sign3A_1509 = arith.subi %sign3A_1505, %sign3A_1508 : i32
    %ne3A_1510 = vector.broadcast %sign3A_1509 : i32 to vector<16xi32>
    %ne3A_1511 = arith.cmpi ne, %sign3A_1502, %ne3A_1510 : vector<16xi32>
    %rem3A_1512 = vector.broadcast %jit3A_1491 : i32 to vector<16xi32>
    %rem3A_1513 = arith.remsi %min3A_1490, %rem3A_1512 : vector<16xi32>
    %ne3A_1514 = arith.constant 0 : i32
    %ne3A_1515 = vector.broadcast %ne3A_1514 : i32 to vector<16xi32>
    %ne3A_1516 = arith.cmpi ne, %rem3A_1513, %ne3A_1515 : vector<16xi32>
    %and3A_1517 = arith.andi %ne3A_1511, %ne3A_1516 : vector<16xi1>
    %sub3A_1518 = arith.constant 1 : i32
    %sub3A_1519 = vector.broadcast %sub3A_1518 : i32 to vector<16xi32>
    %sub3A_1520 = arith.subi %div3A_1493, %sub3A_1519 : vector<16xi32>
    %select_n3A_1521 = arith.select %and3A_1517, %sub3A_1520, %div3A_1493 : vector<16xi1>, vector<16xi32>
    %mul3A_1522 = arith.constant 49 : i32
    %mul3A_1523 = vector.broadcast %mul3A_1522 : i32 to vector<16xi32>
    %mul3A_1524 = arith.muli %mul3A_1523, %select_n3A_1521 : vector<16xi32>
    %sub3A_1525 = arith.subi %min3A_1490, %mul3A_1524 : vector<16xi32>
    %jit3A_1526 = arith.constant 7 : i32
    %div3A_1527 = vector.broadcast %jit3A_1526 : i32 to vector<16xi32>
    %div3A_1528 = arith.divsi %sub3A_1525, %div3A_1527 : vector<16xi32>
    %sign3A_1529 = arith.constant 0 : i32
    %sign3A_1530 = vector.broadcast %sign3A_1529 : i32 to vector<16xi32>
    %sign3A_1531 = arith.cmpi sgt, %sub3A_1525, %sign3A_1530 : vector<16xi32>
    %sign3A_1532 = arith.extui %sign3A_1531 : vector<16xi1> to vector<16xi32>
    %sign3A_1533 = arith.constant 0 : i32
    %sign3A_1534 = vector.broadcast %sign3A_1533 : i32 to vector<16xi32>
    %sign3A_1535 = arith.cmpi slt, %sub3A_1525, %sign3A_1534 : vector<16xi32>
    %sign3A_1536 = arith.extui %sign3A_1535 : vector<16xi1> to vector<16xi32>
    %sign3A_1537 = arith.subi %sign3A_1532, %sign3A_1536 : vector<16xi32>
    %sign3A_1538 = arith.constant 0 : i32
    %sign3A_1539 = arith.cmpi sgt, %jit3A_1526, %sign3A_1538 : i32
    %sign3A_1540 = arith.extui %sign3A_1539 : i1 to i32
    %sign3A_1541 = arith.constant 0 : i32
    %sign3A_1542 = arith.cmpi slt, %jit3A_1526, %sign3A_1541 : i32
    %sign3A_1543 = arith.extui %sign3A_1542 : i1 to i32
    %sign3A_1544 = arith.subi %sign3A_1540, %sign3A_1543 : i32
    %ne3A_1545 = vector.broadcast %sign3A_1544 : i32 to vector<16xi32>
    %ne3A_1546 = arith.cmpi ne, %sign3A_1537, %ne3A_1545 : vector<16xi32>
    %rem3A_1547 = vector.broadcast %jit3A_1526 : i32 to vector<16xi32>
    %rem3A_1548 = arith.remsi %sub3A_1525, %rem3A_1547 : vector<16xi32>
    %ne3A_1549 = arith.constant 0 : i32
    %ne3A_1550 = vector.broadcast %ne3A_1549 : i32 to vector<16xi32>
    %ne3A_1551 = arith.cmpi ne, %rem3A_1548, %ne3A_1550 : vector<16xi32>
    %and3A_1552 = arith.andi %ne3A_1546, %ne3A_1551 : vector<16xi1>
    %sub3A_1553 = arith.constant 1 : i32
    %sub3A_1554 = vector.broadcast %sub3A_1553 : i32 to vector<16xi32>
    %sub3A_1555 = arith.subi %div3A_1528, %sub3A_1554 : vector<16xi32>
    %select_n3A_1556 = arith.select %and3A_1552, %sub3A_1555, %div3A_1528 : vector<16xi1>, vector<16xi32>
    %mul3A_1557 = arith.constant 7 : i32
    %mul3A_1558 = vector.broadcast %mul3A_1557 : i32 to vector<16xi32>
    %mul3A_1559 = arith.muli %mul3A_1558, %select_n3A_1556 : vector<16xi32>
    %sub3A_1560 = arith.subi %sub3A_1525, %mul3A_1559 : vector<16xi32>
    %mul3A_1561 = arith.constant 169 : i32
    %mul3A_1562 = vector.broadcast %mul3A_1561 : i32 to vector<16xi32>
    %mul3A_1563 = arith.muli %select_n3A_1521, %mul3A_1562 : vector<16xi32>
    %mul3A_1564 = arith.constant 13 : i32
    %mul3A_1565 = vector.broadcast %mul3A_1564 : i32 to vector<16xi32>
    %mul3A_1566 = arith.muli %select_n3A_1556, %mul3A_1565 : vector<16xi32>
    %add3A_1567 = arith.addi %mul3A_1563, %mul3A_1566 : vector<16xi32>
    %add3A_1568 = arith.addi %add3A_1567, %sub3A_1560 : vector<16xi32>
    %sub3A_1569 = arith.constant 1098 : i32
    %sub3A_1570 = vector.broadcast %sub3A_1569 : i32 to vector<16xi32>
    %sub3A_1571 = arith.subi %sub3A_1570, %add3A_1568 : vector<16xi32>
    %add3A_1572 = arith.constant 268 : i32
    %add3A_1573 = vector.broadcast %add3A_1572 : i32 to vector<16xi32>
    %add3A_1574 = arith.addi %iota3A, %add3A_1573 : vector<16xi32>
    %jit3A_1575 = arith.constant 0 : i32
    %jit3A_1576 = arith.constant 342 : i32
    %max3A_1577 = vector.broadcast %jit3A_1575 : i32 to vector<16xi32>
    %max3A_1578 = arith.maxsi %max3A_1577, %add3A_1574 : vector<16xi32>
    %min3A_1579 = vector.broadcast %jit3A_1576 : i32 to vector<16xi32>
    %min3A_1580 = arith.minsi %min3A_1579, %max3A_1578 : vector<16xi32>
    %jit3A_1581 = arith.constant 49 : i32
    %div3A_1582 = vector.broadcast %jit3A_1581 : i32 to vector<16xi32>
    %div3A_1583 = arith.divsi %min3A_1580, %div3A_1582 : vector<16xi32>
    %sign3A_1584 = arith.constant 0 : i32
    %sign3A_1585 = vector.broadcast %sign3A_1584 : i32 to vector<16xi32>
    %sign3A_1586 = arith.cmpi sgt, %min3A_1580, %sign3A_1585 : vector<16xi32>
    %sign3A_1587 = arith.extui %sign3A_1586 : vector<16xi1> to vector<16xi32>
    %sign3A_1588 = arith.constant 0 : i32
    %sign3A_1589 = vector.broadcast %sign3A_1588 : i32 to vector<16xi32>
    %sign3A_1590 = arith.cmpi slt, %min3A_1580, %sign3A_1589 : vector<16xi32>
    %sign3A_1591 = arith.extui %sign3A_1590 : vector<16xi1> to vector<16xi32>
    %sign3A_1592 = arith.subi %sign3A_1587, %sign3A_1591 : vector<16xi32>
    %sign3A_1593 = arith.constant 0 : i32
    %sign3A_1594 = arith.cmpi sgt, %jit3A_1581, %sign3A_1593 : i32
    %sign3A_1595 = arith.extui %sign3A_1594 : i1 to i32
    %sign3A_1596 = arith.constant 0 : i32
    %sign3A_1597 = arith.cmpi slt, %jit3A_1581, %sign3A_1596 : i32
    %sign3A_1598 = arith.extui %sign3A_1597 : i1 to i32
    %sign3A_1599 = arith.subi %sign3A_1595, %sign3A_1598 : i32
    %ne3A_1600 = vector.broadcast %sign3A_1599 : i32 to vector<16xi32>
    %ne3A_1601 = arith.cmpi ne, %sign3A_1592, %ne3A_1600 : vector<16xi32>
    %rem3A_1602 = vector.broadcast %jit3A_1581 : i32 to vector<16xi32>
    %rem3A_1603 = arith.remsi %min3A_1580, %rem3A_1602 : vector<16xi32>
    %ne3A_1604 = arith.constant 0 : i32
    %ne3A_1605 = vector.broadcast %ne3A_1604 : i32 to vector<16xi32>
    %ne3A_1606 = arith.cmpi ne, %rem3A_1603, %ne3A_1605 : vector<16xi32>
    %and3A_1607 = arith.andi %ne3A_1601, %ne3A_1606 : vector<16xi1>
    %sub3A_1608 = arith.constant 1 : i32
    %sub3A_1609 = vector.broadcast %sub3A_1608 : i32 to vector<16xi32>
    %sub3A_1610 = arith.subi %div3A_1583, %sub3A_1609 : vector<16xi32>
    %select_n3A_1611 = arith.select %and3A_1607, %sub3A_1610, %div3A_1583 : vector<16xi1>, vector<16xi32>
    %mul3A_1612 = arith.constant 49 : i32
    %mul3A_1613 = vector.broadcast %mul3A_1612 : i32 to vector<16xi32>
    %mul3A_1614 = arith.muli %mul3A_1613, %select_n3A_1611 : vector<16xi32>
    %sub3A_1615 = arith.subi %min3A_1580, %mul3A_1614 : vector<16xi32>
    %jit3A_1616 = arith.constant 7 : i32
    %div3A_1617 = vector.broadcast %jit3A_1616 : i32 to vector<16xi32>
    %div3A_1618 = arith.divsi %sub3A_1615, %div3A_1617 : vector<16xi32>
    %sign3A_1619 = arith.constant 0 : i32
    %sign3A_1620 = vector.broadcast %sign3A_1619 : i32 to vector<16xi32>
    %sign3A_1621 = arith.cmpi sgt, %sub3A_1615, %sign3A_1620 : vector<16xi32>
    %sign3A_1622 = arith.extui %sign3A_1621 : vector<16xi1> to vector<16xi32>
    %sign3A_1623 = arith.constant 0 : i32
    %sign3A_1624 = vector.broadcast %sign3A_1623 : i32 to vector<16xi32>
    %sign3A_1625 = arith.cmpi slt, %sub3A_1615, %sign3A_1624 : vector<16xi32>
    %sign3A_1626 = arith.extui %sign3A_1625 : vector<16xi1> to vector<16xi32>
    %sign3A_1627 = arith.subi %sign3A_1622, %sign3A_1626 : vector<16xi32>
    %sign3A_1628 = arith.constant 0 : i32
    %sign3A_1629 = arith.cmpi sgt, %jit3A_1616, %sign3A_1628 : i32
    %sign3A_1630 = arith.extui %sign3A_1629 : i1 to i32
    %sign3A_1631 = arith.constant 0 : i32
    %sign3A_1632 = arith.cmpi slt, %jit3A_1616, %sign3A_1631 : i32
    %sign3A_1633 = arith.extui %sign3A_1632 : i1 to i32
    %sign3A_1634 = arith.subi %sign3A_1630, %sign3A_1633 : i32
    %ne3A_1635 = vector.broadcast %sign3A_1634 : i32 to vector<16xi32>
    %ne3A_1636 = arith.cmpi ne, %sign3A_1627, %ne3A_1635 : vector<16xi32>
    %rem3A_1637 = vector.broadcast %jit3A_1616 : i32 to vector<16xi32>
    %rem3A_1638 = arith.remsi %sub3A_1615, %rem3A_1637 : vector<16xi32>
    %ne3A_1639 = arith.constant 0 : i32
    %ne3A_1640 = vector.broadcast %ne3A_1639 : i32 to vector<16xi32>
    %ne3A_1641 = arith.cmpi ne, %rem3A_1638, %ne3A_1640 : vector<16xi32>
    %and3A_1642 = arith.andi %ne3A_1636, %ne3A_1641 : vector<16xi1>
    %sub3A_1643 = arith.constant 1 : i32
    %sub3A_1644 = vector.broadcast %sub3A_1643 : i32 to vector<16xi32>
    %sub3A_1645 = arith.subi %div3A_1618, %sub3A_1644 : vector<16xi32>
    %select_n3A_1646 = arith.select %and3A_1642, %sub3A_1645, %div3A_1618 : vector<16xi1>, vector<16xi32>
    %mul3A_1647 = arith.constant 7 : i32
    %mul3A_1648 = vector.broadcast %mul3A_1647 : i32 to vector<16xi32>
    %mul3A_1649 = arith.muli %mul3A_1648, %select_n3A_1646 : vector<16xi32>
    %sub3A_1650 = arith.subi %sub3A_1615, %mul3A_1649 : vector<16xi32>
    %mul3A_1651 = arith.constant 169 : i32
    %mul3A_1652 = vector.broadcast %mul3A_1651 : i32 to vector<16xi32>
    %mul3A_1653 = arith.muli %select_n3A_1611, %mul3A_1652 : vector<16xi32>
    %mul3A_1654 = arith.constant 13 : i32
    %mul3A_1655 = vector.broadcast %mul3A_1654 : i32 to vector<16xi32>
    %mul3A_1656 = arith.muli %select_n3A_1646, %mul3A_1655 : vector<16xi32>
    %add3A_1657 = arith.addi %mul3A_1653, %mul3A_1656 : vector<16xi32>
    %add3A_1658 = arith.addi %add3A_1657, %sub3A_1650 : vector<16xi32>
    %sub3A_1659 = arith.constant 1098 : i32
    %sub3A_1660 = vector.broadcast %sub3A_1659 : i32 to vector<16xi32>
    %sub3A_1661 = arith.subi %sub3A_1660, %add3A_1658 : vector<16xi32>
    %add3A_1662 = arith.constant 284 : i32
    %add3A_1663 = vector.broadcast %add3A_1662 : i32 to vector<16xi32>
    %add3A_1664 = arith.addi %iota3A, %add3A_1663 : vector<16xi32>
    %jit3A_1665 = arith.constant 0 : i32
    %jit3A_1666 = arith.constant 342 : i32
    %max3A_1667 = vector.broadcast %jit3A_1665 : i32 to vector<16xi32>
    %max3A_1668 = arith.maxsi %max3A_1667, %add3A_1664 : vector<16xi32>
    %min3A_1669 = vector.broadcast %jit3A_1666 : i32 to vector<16xi32>
    %min3A_1670 = arith.minsi %min3A_1669, %max3A_1668 : vector<16xi32>
    %jit3A_1671 = arith.constant 49 : i32
    %div3A_1672 = vector.broadcast %jit3A_1671 : i32 to vector<16xi32>
    %div3A_1673 = arith.divsi %min3A_1670, %div3A_1672 : vector<16xi32>
    %sign3A_1674 = arith.constant 0 : i32
    %sign3A_1675 = vector.broadcast %sign3A_1674 : i32 to vector<16xi32>
    %sign3A_1676 = arith.cmpi sgt, %min3A_1670, %sign3A_1675 : vector<16xi32>
    %sign3A_1677 = arith.extui %sign3A_1676 : vector<16xi1> to vector<16xi32>
    %sign3A_1678 = arith.constant 0 : i32
    %sign3A_1679 = vector.broadcast %sign3A_1678 : i32 to vector<16xi32>
    %sign3A_1680 = arith.cmpi slt, %min3A_1670, %sign3A_1679 : vector<16xi32>
    %sign3A_1681 = arith.extui %sign3A_1680 : vector<16xi1> to vector<16xi32>
    %sign3A_1682 = arith.subi %sign3A_1677, %sign3A_1681 : vector<16xi32>
    %sign3A_1683 = arith.constant 0 : i32
    %sign3A_1684 = arith.cmpi sgt, %jit3A_1671, %sign3A_1683 : i32
    %sign3A_1685 = arith.extui %sign3A_1684 : i1 to i32
    %sign3A_1686 = arith.constant 0 : i32
    %sign3A_1687 = arith.cmpi slt, %jit3A_1671, %sign3A_1686 : i32
    %sign3A_1688 = arith.extui %sign3A_1687 : i1 to i32
    %sign3A_1689 = arith.subi %sign3A_1685, %sign3A_1688 : i32
    %ne3A_1690 = vector.broadcast %sign3A_1689 : i32 to vector<16xi32>
    %ne3A_1691 = arith.cmpi ne, %sign3A_1682, %ne3A_1690 : vector<16xi32>
    %rem3A_1692 = vector.broadcast %jit3A_1671 : i32 to vector<16xi32>
    %rem3A_1693 = arith.remsi %min3A_1670, %rem3A_1692 : vector<16xi32>
    %ne3A_1694 = arith.constant 0 : i32
    %ne3A_1695 = vector.broadcast %ne3A_1694 : i32 to vector<16xi32>
    %ne3A_1696 = arith.cmpi ne, %rem3A_1693, %ne3A_1695 : vector<16xi32>
    %and3A_1697 = arith.andi %ne3A_1691, %ne3A_1696 : vector<16xi1>
    %sub3A_1698 = arith.constant 1 : i32
    %sub3A_1699 = vector.broadcast %sub3A_1698 : i32 to vector<16xi32>
    %sub3A_1700 = arith.subi %div3A_1673, %sub3A_1699 : vector<16xi32>
    %select_n3A_1701 = arith.select %and3A_1697, %sub3A_1700, %div3A_1673 : vector<16xi1>, vector<16xi32>
    %mul3A_1702 = arith.constant 49 : i32
    %mul3A_1703 = vector.broadcast %mul3A_1702 : i32 to vector<16xi32>
    %mul3A_1704 = arith.muli %mul3A_1703, %select_n3A_1701 : vector<16xi32>
    %sub3A_1705 = arith.subi %min3A_1670, %mul3A_1704 : vector<16xi32>
    %jit3A_1706 = arith.constant 7 : i32
    %div3A_1707 = vector.broadcast %jit3A_1706 : i32 to vector<16xi32>
    %div3A_1708 = arith.divsi %sub3A_1705, %div3A_1707 : vector<16xi32>
    %sign3A_1709 = arith.constant 0 : i32
    %sign3A_1710 = vector.broadcast %sign3A_1709 : i32 to vector<16xi32>
    %sign3A_1711 = arith.cmpi sgt, %sub3A_1705, %sign3A_1710 : vector<16xi32>
    %sign3A_1712 = arith.extui %sign3A_1711 : vector<16xi1> to vector<16xi32>
    %sign3A_1713 = arith.constant 0 : i32
    %sign3A_1714 = vector.broadcast %sign3A_1713 : i32 to vector<16xi32>
    %sign3A_1715 = arith.cmpi slt, %sub3A_1705, %sign3A_1714 : vector<16xi32>
    %sign3A_1716 = arith.extui %sign3A_1715 : vector<16xi1> to vector<16xi32>
    %sign3A_1717 = arith.subi %sign3A_1712, %sign3A_1716 : vector<16xi32>
    %sign3A_1718 = arith.constant 0 : i32
    %sign3A_1719 = arith.cmpi sgt, %jit3A_1706, %sign3A_1718 : i32
    %sign3A_1720 = arith.extui %sign3A_1719 : i1 to i32
    %sign3A_1721 = arith.constant 0 : i32
    %sign3A_1722 = arith.cmpi slt, %jit3A_1706, %sign3A_1721 : i32
    %sign3A_1723 = arith.extui %sign3A_1722 : i1 to i32
    %sign3A_1724 = arith.subi %sign3A_1720, %sign3A_1723 : i32
    %ne3A_1725 = vector.broadcast %sign3A_1724 : i32 to vector<16xi32>
    %ne3A_1726 = arith.cmpi ne, %sign3A_1717, %ne3A_1725 : vector<16xi32>
    %rem3A_1727 = vector.broadcast %jit3A_1706 : i32 to vector<16xi32>
    %rem3A_1728 = arith.remsi %sub3A_1705, %rem3A_1727 : vector<16xi32>
    %ne3A_1729 = arith.constant 0 : i32
    %ne3A_1730 = vector.broadcast %ne3A_1729 : i32 to vector<16xi32>
    %ne3A_1731 = arith.cmpi ne, %rem3A_1728, %ne3A_1730 : vector<16xi32>
    %and3A_1732 = arith.andi %ne3A_1726, %ne3A_1731 : vector<16xi1>
    %sub3A_1733 = arith.constant 1 : i32
    %sub3A_1734 = vector.broadcast %sub3A_1733 : i32 to vector<16xi32>
    %sub3A_1735 = arith.subi %div3A_1708, %sub3A_1734 : vector<16xi32>
    %select_n3A_1736 = arith.select %and3A_1732, %sub3A_1735, %div3A_1708 : vector<16xi1>, vector<16xi32>
    %mul3A_1737 = arith.constant 7 : i32
    %mul3A_1738 = vector.broadcast %mul3A_1737 : i32 to vector<16xi32>
    %mul3A_1739 = arith.muli %mul3A_1738, %select_n3A_1736 : vector<16xi32>
    %sub3A_1740 = arith.subi %sub3A_1705, %mul3A_1739 : vector<16xi32>
    %mul3A_1741 = arith.constant 169 : i32
    %mul3A_1742 = vector.broadcast %mul3A_1741 : i32 to vector<16xi32>
    %mul3A_1743 = arith.muli %select_n3A_1701, %mul3A_1742 : vector<16xi32>
    %mul3A_1744 = arith.constant 13 : i32
    %mul3A_1745 = vector.broadcast %mul3A_1744 : i32 to vector<16xi32>
    %mul3A_1746 = arith.muli %select_n3A_1736, %mul3A_1745 : vector<16xi32>
    %add3A_1747 = arith.addi %mul3A_1743, %mul3A_1746 : vector<16xi32>
    %add3A_1748 = arith.addi %add3A_1747, %sub3A_1740 : vector<16xi32>
    %sub3A_1749 = arith.constant 1098 : i32
    %sub3A_1750 = vector.broadcast %sub3A_1749 : i32 to vector<16xi32>
    %sub3A_1751 = arith.subi %sub3A_1750, %add3A_1748 : vector<16xi32>
    %add3A_1752 = arith.constant 300 : i32
    %add3A_1753 = vector.broadcast %add3A_1752 : i32 to vector<16xi32>
    %add3A_1754 = arith.addi %iota3A, %add3A_1753 : vector<16xi32>
    %jit3A_1755 = arith.constant 0 : i32
    %jit3A_1756 = arith.constant 342 : i32
    %max3A_1757 = vector.broadcast %jit3A_1755 : i32 to vector<16xi32>
    %max3A_1758 = arith.maxsi %max3A_1757, %add3A_1754 : vector<16xi32>
    %min3A_1759 = vector.broadcast %jit3A_1756 : i32 to vector<16xi32>
    %min3A_1760 = arith.minsi %min3A_1759, %max3A_1758 : vector<16xi32>
    %jit3A_1761 = arith.constant 49 : i32
    %div3A_1762 = vector.broadcast %jit3A_1761 : i32 to vector<16xi32>
    %div3A_1763 = arith.divsi %min3A_1760, %div3A_1762 : vector<16xi32>
    %sign3A_1764 = arith.constant 0 : i32
    %sign3A_1765 = vector.broadcast %sign3A_1764 : i32 to vector<16xi32>
    %sign3A_1766 = arith.cmpi sgt, %min3A_1760, %sign3A_1765 : vector<16xi32>
    %sign3A_1767 = arith.extui %sign3A_1766 : vector<16xi1> to vector<16xi32>
    %sign3A_1768 = arith.constant 0 : i32
    %sign3A_1769 = vector.broadcast %sign3A_1768 : i32 to vector<16xi32>
    %sign3A_1770 = arith.cmpi slt, %min3A_1760, %sign3A_1769 : vector<16xi32>
    %sign3A_1771 = arith.extui %sign3A_1770 : vector<16xi1> to vector<16xi32>
    %sign3A_1772 = arith.subi %sign3A_1767, %sign3A_1771 : vector<16xi32>
    %sign3A_1773 = arith.constant 0 : i32
    %sign3A_1774 = arith.cmpi sgt, %jit3A_1761, %sign3A_1773 : i32
    %sign3A_1775 = arith.extui %sign3A_1774 : i1 to i32
    %sign3A_1776 = arith.constant 0 : i32
    %sign3A_1777 = arith.cmpi slt, %jit3A_1761, %sign3A_1776 : i32
    %sign3A_1778 = arith.extui %sign3A_1777 : i1 to i32
    %sign3A_1779 = arith.subi %sign3A_1775, %sign3A_1778 : i32
    %ne3A_1780 = vector.broadcast %sign3A_1779 : i32 to vector<16xi32>
    %ne3A_1781 = arith.cmpi ne, %sign3A_1772, %ne3A_1780 : vector<16xi32>
    %rem3A_1782 = vector.broadcast %jit3A_1761 : i32 to vector<16xi32>
    %rem3A_1783 = arith.remsi %min3A_1760, %rem3A_1782 : vector<16xi32>
    %ne3A_1784 = arith.constant 0 : i32
    %ne3A_1785 = vector.broadcast %ne3A_1784 : i32 to vector<16xi32>
    %ne3A_1786 = arith.cmpi ne, %rem3A_1783, %ne3A_1785 : vector<16xi32>
    %and3A_1787 = arith.andi %ne3A_1781, %ne3A_1786 : vector<16xi1>
    %sub3A_1788 = arith.constant 1 : i32
    %sub3A_1789 = vector.broadcast %sub3A_1788 : i32 to vector<16xi32>
    %sub3A_1790 = arith.subi %div3A_1763, %sub3A_1789 : vector<16xi32>
    %select_n3A_1791 = arith.select %and3A_1787, %sub3A_1790, %div3A_1763 : vector<16xi1>, vector<16xi32>
    %mul3A_1792 = arith.constant 49 : i32
    %mul3A_1793 = vector.broadcast %mul3A_1792 : i32 to vector<16xi32>
    %mul3A_1794 = arith.muli %mul3A_1793, %select_n3A_1791 : vector<16xi32>
    %sub3A_1795 = arith.subi %min3A_1760, %mul3A_1794 : vector<16xi32>
    %jit3A_1796 = arith.constant 7 : i32
    %div3A_1797 = vector.broadcast %jit3A_1796 : i32 to vector<16xi32>
    %div3A_1798 = arith.divsi %sub3A_1795, %div3A_1797 : vector<16xi32>
    %sign3A_1799 = arith.constant 0 : i32
    %sign3A_1800 = vector.broadcast %sign3A_1799 : i32 to vector<16xi32>
    %sign3A_1801 = arith.cmpi sgt, %sub3A_1795, %sign3A_1800 : vector<16xi32>
    %sign3A_1802 = arith.extui %sign3A_1801 : vector<16xi1> to vector<16xi32>
    %sign3A_1803 = arith.constant 0 : i32
    %sign3A_1804 = vector.broadcast %sign3A_1803 : i32 to vector<16xi32>
    %sign3A_1805 = arith.cmpi slt, %sub3A_1795, %sign3A_1804 : vector<16xi32>
    %sign3A_1806 = arith.extui %sign3A_1805 : vector<16xi1> to vector<16xi32>
    %sign3A_1807 = arith.subi %sign3A_1802, %sign3A_1806 : vector<16xi32>
    %sign3A_1808 = arith.constant 0 : i32
    %sign3A_1809 = arith.cmpi sgt, %jit3A_1796, %sign3A_1808 : i32
    %sign3A_1810 = arith.extui %sign3A_1809 : i1 to i32
    %sign3A_1811 = arith.constant 0 : i32
    %sign3A_1812 = arith.cmpi slt, %jit3A_1796, %sign3A_1811 : i32
    %sign3A_1813 = arith.extui %sign3A_1812 : i1 to i32
    %sign3A_1814 = arith.subi %sign3A_1810, %sign3A_1813 : i32
    %ne3A_1815 = vector.broadcast %sign3A_1814 : i32 to vector<16xi32>
    %ne3A_1816 = arith.cmpi ne, %sign3A_1807, %ne3A_1815 : vector<16xi32>
    %rem3A_1817 = vector.broadcast %jit3A_1796 : i32 to vector<16xi32>
    %rem3A_1818 = arith.remsi %sub3A_1795, %rem3A_1817 : vector<16xi32>
    %ne3A_1819 = arith.constant 0 : i32
    %ne3A_1820 = vector.broadcast %ne3A_1819 : i32 to vector<16xi32>
    %ne3A_1821 = arith.cmpi ne, %rem3A_1818, %ne3A_1820 : vector<16xi32>
    %and3A_1822 = arith.andi %ne3A_1816, %ne3A_1821 : vector<16xi1>
    %sub3A_1823 = arith.constant 1 : i32
    %sub3A_1824 = vector.broadcast %sub3A_1823 : i32 to vector<16xi32>
    %sub3A_1825 = arith.subi %div3A_1798, %sub3A_1824 : vector<16xi32>
    %select_n3A_1826 = arith.select %and3A_1822, %sub3A_1825, %div3A_1798 : vector<16xi1>, vector<16xi32>
    %mul3A_1827 = arith.constant 7 : i32
    %mul3A_1828 = vector.broadcast %mul3A_1827 : i32 to vector<16xi32>
    %mul3A_1829 = arith.muli %mul3A_1828, %select_n3A_1826 : vector<16xi32>
    %sub3A_1830 = arith.subi %sub3A_1795, %mul3A_1829 : vector<16xi32>
    %mul3A_1831 = arith.constant 169 : i32
    %mul3A_1832 = vector.broadcast %mul3A_1831 : i32 to vector<16xi32>
    %mul3A_1833 = arith.muli %select_n3A_1791, %mul3A_1832 : vector<16xi32>
    %mul3A_1834 = arith.constant 13 : i32
    %mul3A_1835 = vector.broadcast %mul3A_1834 : i32 to vector<16xi32>
    %mul3A_1836 = arith.muli %select_n3A_1826, %mul3A_1835 : vector<16xi32>
    %add3A_1837 = arith.addi %mul3A_1833, %mul3A_1836 : vector<16xi32>
    %add3A_1838 = arith.addi %add3A_1837, %sub3A_1830 : vector<16xi32>
    %sub3A_1839 = arith.constant 1098 : i32
    %sub3A_1840 = vector.broadcast %sub3A_1839 : i32 to vector<16xi32>
    %sub3A_1841 = arith.subi %sub3A_1840, %add3A_1838 : vector<16xi32>
    %add3A_1842 = arith.constant 316 : i32
    %add3A_1843 = vector.broadcast %add3A_1842 : i32 to vector<16xi32>
    %add3A_1844 = arith.addi %iota3A, %add3A_1843 : vector<16xi32>
    %jit3A_1845 = arith.constant 0 : i32
    %jit3A_1846 = arith.constant 342 : i32
    %max3A_1847 = vector.broadcast %jit3A_1845 : i32 to vector<16xi32>
    %max3A_1848 = arith.maxsi %max3A_1847, %add3A_1844 : vector<16xi32>
    %min3A_1849 = vector.broadcast %jit3A_1846 : i32 to vector<16xi32>
    %min3A_1850 = arith.minsi %min3A_1849, %max3A_1848 : vector<16xi32>
    %jit3A_1851 = arith.constant 49 : i32
    %div3A_1852 = vector.broadcast %jit3A_1851 : i32 to vector<16xi32>
    %div3A_1853 = arith.divsi %min3A_1850, %div3A_1852 : vector<16xi32>
    %sign3A_1854 = arith.constant 0 : i32
    %sign3A_1855 = vector.broadcast %sign3A_1854 : i32 to vector<16xi32>
    %sign3A_1856 = arith.cmpi sgt, %min3A_1850, %sign3A_1855 : vector<16xi32>
    %sign3A_1857 = arith.extui %sign3A_1856 : vector<16xi1> to vector<16xi32>
    %sign3A_1858 = arith.constant 0 : i32
    %sign3A_1859 = vector.broadcast %sign3A_1858 : i32 to vector<16xi32>
    %sign3A_1860 = arith.cmpi slt, %min3A_1850, %sign3A_1859 : vector<16xi32>
    %sign3A_1861 = arith.extui %sign3A_1860 : vector<16xi1> to vector<16xi32>
    %sign3A_1862 = arith.subi %sign3A_1857, %sign3A_1861 : vector<16xi32>
    %sign3A_1863 = arith.constant 0 : i32
    %sign3A_1864 = arith.cmpi sgt, %jit3A_1851, %sign3A_1863 : i32
    %sign3A_1865 = arith.extui %sign3A_1864 : i1 to i32
    %sign3A_1866 = arith.constant 0 : i32
    %sign3A_1867 = arith.cmpi slt, %jit3A_1851, %sign3A_1866 : i32
    %sign3A_1868 = arith.extui %sign3A_1867 : i1 to i32
    %sign3A_1869 = arith.subi %sign3A_1865, %sign3A_1868 : i32
    %ne3A_1870 = vector.broadcast %sign3A_1869 : i32 to vector<16xi32>
    %ne3A_1871 = arith.cmpi ne, %sign3A_1862, %ne3A_1870 : vector<16xi32>
    %rem3A_1872 = vector.broadcast %jit3A_1851 : i32 to vector<16xi32>
    %rem3A_1873 = arith.remsi %min3A_1850, %rem3A_1872 : vector<16xi32>
    %ne3A_1874 = arith.constant 0 : i32
    %ne3A_1875 = vector.broadcast %ne3A_1874 : i32 to vector<16xi32>
    %ne3A_1876 = arith.cmpi ne, %rem3A_1873, %ne3A_1875 : vector<16xi32>
    %and3A_1877 = arith.andi %ne3A_1871, %ne3A_1876 : vector<16xi1>
    %sub3A_1878 = arith.constant 1 : i32
    %sub3A_1879 = vector.broadcast %sub3A_1878 : i32 to vector<16xi32>
    %sub3A_1880 = arith.subi %div3A_1853, %sub3A_1879 : vector<16xi32>
    %select_n3A_1881 = arith.select %and3A_1877, %sub3A_1880, %div3A_1853 : vector<16xi1>, vector<16xi32>
    %mul3A_1882 = arith.constant 49 : i32
    %mul3A_1883 = vector.broadcast %mul3A_1882 : i32 to vector<16xi32>
    %mul3A_1884 = arith.muli %mul3A_1883, %select_n3A_1881 : vector<16xi32>
    %sub3A_1885 = arith.subi %min3A_1850, %mul3A_1884 : vector<16xi32>
    %jit3A_1886 = arith.constant 7 : i32
    %div3A_1887 = vector.broadcast %jit3A_1886 : i32 to vector<16xi32>
    %div3A_1888 = arith.divsi %sub3A_1885, %div3A_1887 : vector<16xi32>
    %sign3A_1889 = arith.constant 0 : i32
    %sign3A_1890 = vector.broadcast %sign3A_1889 : i32 to vector<16xi32>
    %sign3A_1891 = arith.cmpi sgt, %sub3A_1885, %sign3A_1890 : vector<16xi32>
    %sign3A_1892 = arith.extui %sign3A_1891 : vector<16xi1> to vector<16xi32>
    %sign3A_1893 = arith.constant 0 : i32
    %sign3A_1894 = vector.broadcast %sign3A_1893 : i32 to vector<16xi32>
    %sign3A_1895 = arith.cmpi slt, %sub3A_1885, %sign3A_1894 : vector<16xi32>
    %sign3A_1896 = arith.extui %sign3A_1895 : vector<16xi1> to vector<16xi32>
    %sign3A_1897 = arith.subi %sign3A_1892, %sign3A_1896 : vector<16xi32>
    %sign3A_1898 = arith.constant 0 : i32
    %sign3A_1899 = arith.cmpi sgt, %jit3A_1886, %sign3A_1898 : i32
    %sign3A_1900 = arith.extui %sign3A_1899 : i1 to i32
    %sign3A_1901 = arith.constant 0 : i32
    %sign3A_1902 = arith.cmpi slt, %jit3A_1886, %sign3A_1901 : i32
    %sign3A_1903 = arith.extui %sign3A_1902 : i1 to i32
    %sign3A_1904 = arith.subi %sign3A_1900, %sign3A_1903 : i32
    %ne3A_1905 = vector.broadcast %sign3A_1904 : i32 to vector<16xi32>
    %ne3A_1906 = arith.cmpi ne, %sign3A_1897, %ne3A_1905 : vector<16xi32>
    %rem3A_1907 = vector.broadcast %jit3A_1886 : i32 to vector<16xi32>
    %rem3A_1908 = arith.remsi %sub3A_1885, %rem3A_1907 : vector<16xi32>
    %ne3A_1909 = arith.constant 0 : i32
    %ne3A_1910 = vector.broadcast %ne3A_1909 : i32 to vector<16xi32>
    %ne3A_1911 = arith.cmpi ne, %rem3A_1908, %ne3A_1910 : vector<16xi32>
    %and3A_1912 = arith.andi %ne3A_1906, %ne3A_1911 : vector<16xi1>
    %sub3A_1913 = arith.constant 1 : i32
    %sub3A_1914 = vector.broadcast %sub3A_1913 : i32 to vector<16xi32>
    %sub3A_1915 = arith.subi %div3A_1888, %sub3A_1914 : vector<16xi32>
    %select_n3A_1916 = arith.select %and3A_1912, %sub3A_1915, %div3A_1888 : vector<16xi1>, vector<16xi32>
    %mul3A_1917 = arith.constant 7 : i32
    %mul3A_1918 = vector.broadcast %mul3A_1917 : i32 to vector<16xi32>
    %mul3A_1919 = arith.muli %mul3A_1918, %select_n3A_1916 : vector<16xi32>
    %sub3A_1920 = arith.subi %sub3A_1885, %mul3A_1919 : vector<16xi32>
    %mul3A_1921 = arith.constant 169 : i32
    %mul3A_1922 = vector.broadcast %mul3A_1921 : i32 to vector<16xi32>
    %mul3A_1923 = arith.muli %select_n3A_1881, %mul3A_1922 : vector<16xi32>
    %mul3A_1924 = arith.constant 13 : i32
    %mul3A_1925 = vector.broadcast %mul3A_1924 : i32 to vector<16xi32>
    %mul3A_1926 = arith.muli %select_n3A_1916, %mul3A_1925 : vector<16xi32>
    %add3A_1927 = arith.addi %mul3A_1923, %mul3A_1926 : vector<16xi32>
    %add3A_1928 = arith.addi %add3A_1927, %sub3A_1920 : vector<16xi32>
    %sub3A_1929 = arith.constant 1098 : i32
    %sub3A_1930 = vector.broadcast %sub3A_1929 : i32 to vector<16xi32>
    %sub3A_1931 = arith.subi %sub3A_1930, %add3A_1928 : vector<16xi32>
    %add3A_1932 = arith.constant 332 : i32
    %add3A_1933 = vector.broadcast %add3A_1932 : i32 to vector<16xi32>
    %add3A_1934 = arith.addi %iota3A, %add3A_1933 : vector<16xi32>
    %jit3A_1935 = arith.constant 0 : i32
    %jit3A_1936 = arith.constant 342 : i32
    %max3A_1937 = vector.broadcast %jit3A_1935 : i32 to vector<16xi32>
    %max3A_1938 = arith.maxsi %max3A_1937, %add3A_1934 : vector<16xi32>
    %min3A_1939 = vector.broadcast %jit3A_1936 : i32 to vector<16xi32>
    %min3A_1940 = arith.minsi %min3A_1939, %max3A_1938 : vector<16xi32>
    %jit3A_1941 = arith.constant 49 : i32
    %div3A_1942 = vector.broadcast %jit3A_1941 : i32 to vector<16xi32>
    %div3A_1943 = arith.divsi %min3A_1940, %div3A_1942 : vector<16xi32>
    %sign3A_1944 = arith.constant 0 : i32
    %sign3A_1945 = vector.broadcast %sign3A_1944 : i32 to vector<16xi32>
    %sign3A_1946 = arith.cmpi sgt, %min3A_1940, %sign3A_1945 : vector<16xi32>
    %sign3A_1947 = arith.extui %sign3A_1946 : vector<16xi1> to vector<16xi32>
    %sign3A_1948 = arith.constant 0 : i32
    %sign3A_1949 = vector.broadcast %sign3A_1948 : i32 to vector<16xi32>
    %sign3A_1950 = arith.cmpi slt, %min3A_1940, %sign3A_1949 : vector<16xi32>
    %sign3A_1951 = arith.extui %sign3A_1950 : vector<16xi1> to vector<16xi32>
    %sign3A_1952 = arith.subi %sign3A_1947, %sign3A_1951 : vector<16xi32>
    %sign3A_1953 = arith.constant 0 : i32
    %sign3A_1954 = arith.cmpi sgt, %jit3A_1941, %sign3A_1953 : i32
    %sign3A_1955 = arith.extui %sign3A_1954 : i1 to i32
    %sign3A_1956 = arith.constant 0 : i32
    %sign3A_1957 = arith.cmpi slt, %jit3A_1941, %sign3A_1956 : i32
    %sign3A_1958 = arith.extui %sign3A_1957 : i1 to i32
    %sign3A_1959 = arith.subi %sign3A_1955, %sign3A_1958 : i32
    %ne3A_1960 = vector.broadcast %sign3A_1959 : i32 to vector<16xi32>
    %ne3A_1961 = arith.cmpi ne, %sign3A_1952, %ne3A_1960 : vector<16xi32>
    %rem3A_1962 = vector.broadcast %jit3A_1941 : i32 to vector<16xi32>
    %rem3A_1963 = arith.remsi %min3A_1940, %rem3A_1962 : vector<16xi32>
    %ne3A_1964 = arith.constant 0 : i32
    %ne3A_1965 = vector.broadcast %ne3A_1964 : i32 to vector<16xi32>
    %ne3A_1966 = arith.cmpi ne, %rem3A_1963, %ne3A_1965 : vector<16xi32>
    %and3A_1967 = arith.andi %ne3A_1961, %ne3A_1966 : vector<16xi1>
    %sub3A_1968 = arith.constant 1 : i32
    %sub3A_1969 = vector.broadcast %sub3A_1968 : i32 to vector<16xi32>
    %sub3A_1970 = arith.subi %div3A_1943, %sub3A_1969 : vector<16xi32>
    %select_n3A_1971 = arith.select %and3A_1967, %sub3A_1970, %div3A_1943 : vector<16xi1>, vector<16xi32>
    %mul3A_1972 = arith.constant 49 : i32
    %mul3A_1973 = vector.broadcast %mul3A_1972 : i32 to vector<16xi32>
    %mul3A_1974 = arith.muli %mul3A_1973, %select_n3A_1971 : vector<16xi32>
    %sub3A_1975 = arith.subi %min3A_1940, %mul3A_1974 : vector<16xi32>
    %jit3A_1976 = arith.constant 7 : i32
    %div3A_1977 = vector.broadcast %jit3A_1976 : i32 to vector<16xi32>
    %div3A_1978 = arith.divsi %sub3A_1975, %div3A_1977 : vector<16xi32>
    %sign3A_1979 = arith.constant 0 : i32
    %sign3A_1980 = vector.broadcast %sign3A_1979 : i32 to vector<16xi32>
    %sign3A_1981 = arith.cmpi sgt, %sub3A_1975, %sign3A_1980 : vector<16xi32>
    %sign3A_1982 = arith.extui %sign3A_1981 : vector<16xi1> to vector<16xi32>
    %sign3A_1983 = arith.constant 0 : i32
    %sign3A_1984 = vector.broadcast %sign3A_1983 : i32 to vector<16xi32>
    %sign3A_1985 = arith.cmpi slt, %sub3A_1975, %sign3A_1984 : vector<16xi32>
    %sign3A_1986 = arith.extui %sign3A_1985 : vector<16xi1> to vector<16xi32>
    %sign3A_1987 = arith.subi %sign3A_1982, %sign3A_1986 : vector<16xi32>
    %sign3A_1988 = arith.constant 0 : i32
    %sign3A_1989 = arith.cmpi sgt, %jit3A_1976, %sign3A_1988 : i32
    %sign3A_1990 = arith.extui %sign3A_1989 : i1 to i32
    %sign3A_1991 = arith.constant 0 : i32
    %sign3A_1992 = arith.cmpi slt, %jit3A_1976, %sign3A_1991 : i32
    %sign3A_1993 = arith.extui %sign3A_1992 : i1 to i32
    %sign3A_1994 = arith.subi %sign3A_1990, %sign3A_1993 : i32
    %ne3A_1995 = vector.broadcast %sign3A_1994 : i32 to vector<16xi32>
    %ne3A_1996 = arith.cmpi ne, %sign3A_1987, %ne3A_1995 : vector<16xi32>
    %rem3A_1997 = vector.broadcast %jit3A_1976 : i32 to vector<16xi32>
    %rem3A_1998 = arith.remsi %sub3A_1975, %rem3A_1997 : vector<16xi32>
    %ne3A_1999 = arith.constant 0 : i32
    %ne3A_2000 = vector.broadcast %ne3A_1999 : i32 to vector<16xi32>
    %ne3A_2001 = arith.cmpi ne, %rem3A_1998, %ne3A_2000 : vector<16xi32>
    %and3A_2002 = arith.andi %ne3A_1996, %ne3A_2001 : vector<16xi1>
    %sub3A_2003 = arith.constant 1 : i32
    %sub3A_2004 = vector.broadcast %sub3A_2003 : i32 to vector<16xi32>
    %sub3A_2005 = arith.subi %div3A_1978, %sub3A_2004 : vector<16xi32>
    %select_n3A_2006 = arith.select %and3A_2002, %sub3A_2005, %div3A_1978 : vector<16xi1>, vector<16xi32>
    %mul3A_2007 = arith.constant 7 : i32
    %mul3A_2008 = vector.broadcast %mul3A_2007 : i32 to vector<16xi32>
    %mul3A_2009 = arith.muli %mul3A_2008, %select_n3A_2006 : vector<16xi32>
    %sub3A_2010 = arith.subi %sub3A_1975, %mul3A_2009 : vector<16xi32>
    %mul3A_2011 = arith.constant 169 : i32
    %mul3A_2012 = vector.broadcast %mul3A_2011 : i32 to vector<16xi32>
    %mul3A_2013 = arith.muli %select_n3A_1971, %mul3A_2012 : vector<16xi32>
    %mul3A_2014 = arith.constant 13 : i32
    %mul3A_2015 = vector.broadcast %mul3A_2014 : i32 to vector<16xi32>
    %mul3A_2016 = arith.muli %select_n3A_2006, %mul3A_2015 : vector<16xi32>
    %add3A_2017 = arith.addi %mul3A_2013, %mul3A_2016 : vector<16xi32>
    %add3A_2018 = arith.addi %add3A_2017, %sub3A_2010 : vector<16xi32>
    %sub3A_2019 = arith.constant 1098 : i32
    %sub3A_2020 = vector.broadcast %sub3A_2019 : i32 to vector<16xi32>
    %sub3A_2021 = arith.subi %sub3A_2020, %add3A_2018 : vector<16xi32>
    %dma_wait3A = arith.constant 0 : i32
    %dma_wait3A_2022 = tpu.memref_slice %arg2[%select_n3A, %dma_wait3A] : memref<16x2200xf32, #tpu.memory_space<hbm>> -> memref<1x2200xf32, #tpu.memory_space<hbm>>
    %dma_wait3A_2023 = tpu.memref_squeeze %dma_wait3A_2022 : memref<1x2200xf32, #tpu.memory_space<hbm>> -> memref<2200xf32, #tpu.memory_space<hbm>>
    %dma_wait3A_2024 = arith.constant 0 : i32
    %dma_wait3A_2025 = tpu.memref_slice %arg2[%select_n3A, %dma_wait3A_2024] : memref<16x2200xf32, #tpu.memory_space<hbm>> -> memref<1x2200xf32, #tpu.memory_space<hbm>>
    %dma_wait3A_2026 = tpu.memref_squeeze %dma_wait3A_2025 : memref<1x2200xf32, #tpu.memory_space<hbm>> -> memref<2200xf32, #tpu.memory_space<hbm>>
    tpu.wait_dma2 semaphore(%arg11 : memref<!tpu.dma_semaphore, #tpu.memory_space<semaphore_mem>>) src(%dma_wait3A_2026 : memref<2200xf32, #tpu.memory_space<hbm>>) dst(%arg6 : memref<2200xf32, #tpu.memory_space<vmem>>)
    %dma_wait3A_2027 = arith.constant 0 : i32
    %dma_wait3A_2028 = tpu.memref_slice %arg3[%select_n3A, %dma_wait3A_2027] : memref<16x128xf32, #tpu.memory_space<hbm>> -> memref<1x128xf32, #tpu.memory_space<hbm>>
    %dma_wait3A_2029 = tpu.memref_squeeze %dma_wait3A_2028 : memref<1x128xf32, #tpu.memory_space<hbm>> -> memref<128xf32, #tpu.memory_space<hbm>>
    %dma_wait3A_2030 = arith.constant 0 : i32
    %dma_wait3A_2031 = tpu.memref_slice %arg3[%select_n3A, %dma_wait3A_2030] : memref<16x128xf32, #tpu.memory_space<hbm>> -> memref<1x128xf32, #tpu.memory_space<hbm>>
    %dma_wait3A_2032 = tpu.memref_squeeze %dma_wait3A_2031 : memref<1x128xf32, #tpu.memory_space<hbm>> -> memref<128xf32, #tpu.memory_space<hbm>>
    tpu.wait_dma2 semaphore(%arg11 : memref<!tpu.dma_semaphore, #tpu.memory_space<semaphore_mem>>) src(%dma_wait3A_2032 : memref<128xf32, #tpu.memory_space<hbm>>) dst(%arg7 : memref<128xf32, #tpu.memory_space<vmem>>)
    tpu.wait_dma2 semaphore(%arg11 : memref<!tpu.dma_semaphore, #tpu.memory_space<semaphore_mem>>) src(%arg4 : memref<2560xf32, #tpu.memory_space<hbm>>) dst(%arg8 : memref<2560xf32, #tpu.memory_space<vmem>>)
    %get3A = arith.constant 0 : index
    %get3A_2033 = tpu.vector_load %arg7[%get3A] {strides = array<i32>} : memref<128xf32, #tpu.memory_space<vmem>>, vector<16xf32>,
    %get3A_2034 = arith.constant 16 : index
    %get3A_2035 = tpu.vector_load %arg7[%get3A_2034] {strides = array<i32>} : memref<128xf32, #tpu.memory_space<vmem>>, vector<16xf32>,
    %get3A_2036 = arith.constant 32 : index
    %get3A_2037 = tpu.vector_load %arg7[%get3A_2036] {strides = array<i32>} : memref<128xf32, #tpu.memory_space<vmem>>, vector<16xf32>,
    %get3A_2038 = arith.constant 48 : index
    %get3A_2039 = tpu.vector_load %arg7[%get3A_2038] {strides = array<i32>} : memref<128xf32, #tpu.memory_space<vmem>>, vector<16xf32>,
    %get3A_2040 = arith.constant 64 : index
    %get3A_2041 = tpu.vector_load %arg7[%get3A_2040] {strides = array<i32>} : memref<128xf32, #tpu.memory_space<vmem>>, vector<16xf32>,
    %get3A_2042 = arith.constant 80 : index
    %get3A_2043 = tpu.vector_load %arg7[%get3A_2042] {strides = array<i32>} : memref<128xf32, #tpu.memory_space<vmem>>, vector<16xf32>,
    %get3A_2044 = arith.constant 96 : index
    %get3A_2045 = tpu.vector_load %arg7[%get3A_2044] {strides = array<i32>} : memref<128xf32, #tpu.memory_space<vmem>>, vector<16xf32>,
    %get3A_2046 = arith.constant 112 : index
    %get3A_2047 = tpu.vector_load %arg7[%get3A_2046] {strides = array<i32>} : memref<128xf32, #tpu.memory_space<vmem>>, vector<16xf32>,
    %iota3A_2048 = tpu.iota {dimensions = array<i32: 0>} : vector<16xi32>
    %eq3A_2049 = arith.constant 0 : i32
    %eq3A_2050 = vector.broadcast %eq3A_2049 : i32 to vector<16xi32>
    %eq3A_2051 = arith.cmpi eq, %iota3A_2048, %eq3A_2050 : vector<16xi32>
    %get3A_2052 = arith.constant 0 : index
    %get3A_2053 = tpu.vector_load %arg8[%get3A_2052] {strides = array<i32>} : memref<2560xf32, #tpu.memory_space<vmem>>, vector<16xf32>,
    %mul3A_2054 = arith.mulf %get3A_2033, %get3A_2053 : vector<16xf32>
    %get3A_2055 = arith.constant 16 : index
    %get3A_2056 = tpu.vector_load %arg8[%get3A_2055] {strides = array<i32>} : memref<2560xf32, #tpu.memory_space<vmem>>, vector<16xf32>,
    %mul3A_2057 = arith.mulf %get3A_2035, %get3A_2056 : vector<16xf32>
    %add3A_2058 = arith.addf %mul3A_2054, %mul3A_2057 : vector<16xf32>
    %get3A_2059 = arith.constant 32 : index
    %get3A_2060 = tpu.vector_load %arg8[%get3A_2059] {strides = array<i32>} : memref<2560xf32, #tpu.memory_space<vmem>>, vector<16xf32>,
    %mul3A_2061 = arith.mulf %get3A_2037, %get3A_2060 : vector<16xf32>
    %add3A_2062 = arith.addf %add3A_2058, %mul3A_2061 : vector<16xf32>
    %get3A_2063 = arith.constant 48 : index
    %get3A_2064 = tpu.vector_load %arg8[%get3A_2063] {strides = array<i32>} : memref<2560xf32, #tpu.memory_space<vmem>>, vector<16xf32>,
    %mul3A_2065 = arith.mulf %get3A_2039, %get3A_2064 : vector<16xf32>
    %add3A_2066 = arith.addf %add3A_2062, %mul3A_2065 : vector<16xf32>
    %get3A_2067 = arith.constant 64 : index
    %get3A_2068 = tpu.vector_load %arg8[%get3A_2067] {strides = array<i32>} : memref<2560xf32, #tpu.memory_space<vmem>>, vector<16xf32>,
    %mul3A_2069 = arith.mulf %get3A_2041, %get3A_2068 : vector<16xf32>
    %add3A_2070 = arith.addf %add3A_2066, %mul3A_2069 : vector<16xf32>
    %get3A_2071 = arith.constant 80 : index
    %get3A_2072 = tpu.vector_load %arg8[%get3A_2071] {strides = array<i32>} : memref<2560xf32, #tpu.memory_space<vmem>>, vector<16xf32>,
    %mul3A_2073 = arith.mulf %get3A_2043, %get3A_2072 : vector<16xf32>
    %add3A_2074 = arith.addf %add3A_2070, %mul3A_2073 : vector<16xf32>
    %get3A_2075 = arith.constant 96 : index
    %get3A_2076 = tpu.vector_load %arg8[%get3A_2075] {strides = array<i32>} : memref<2560xf32, #tpu.memory_space<vmem>>, vector<16xf32>,
    %mul3A_2077 = arith.mulf %get3A_2045, %get3A_2076 : vector<16xf32>
    %add3A_2078 = arith.addf %add3A_2074, %mul3A_2077 : vector<16xf32>
    %get3A_2079 = arith.constant 112 : index
    %get3A_2080 = tpu.vector_load %arg8[%get3A_2079] {strides = array<i32>} : memref<2560xf32, #tpu.memory_space<vmem>>, vector<16xf32>,
    %mul3A_2081 = arith.mulf %get3A_2047, %get3A_2080 : vector<16xf32>
    %add3A_2082 = arith.addf %add3A_2078, %mul3A_2081 : vector<16xf32>
    %broadcast_in_dim3A = arith.constant 0.000000e+00 : f32
    %broadcast_in_dim3A_2083 = vector.broadcast %broadcast_in_dim3A : f32 to vector<16xf32>
    %reduce_sum3A = arith.constant true
    %reduce_sum3A_2084 = vector.broadcast %reduce_sum3A : i1 to vector<16xi1>
    %reduce_sum3A_2085 = tpu.scan <sum>, %add3A_2082 masked %reduce_sum3A_2084 : vector<16xf32>, vector<16xi1> -> vector<16xf32>
    %reduce_sum3A_2086 = vector.extract %reduce_sum3A_2085[15] : f32 from vector<16xf32>
    %add3A_2087 = vector.broadcast %reduce_sum3A_2086 : f32 to vector<16xf32>
    %add3A_2088 = arith.addf %broadcast_in_dim3A_2083, %add3A_2087 : vector<16xf32>
    %broadcast_in_dim3A_2089 = arith.constant 0 : i32
    %broadcast_in_dim3A_2090 = vector.broadcast %broadcast_in_dim3A_2089 : i32 to vector<16xi32>
    tpu.vector_store_idx %arg9[%broadcast_in_dim3A_2090], %add3A_2088 masked %eq3A_2051 : memref<20xf32, #tpu.memory_space<vmem>>[vector<16xi32>], vector<16xf32>, vector<16xi1>
    %get3A_2091 = arith.constant 128 : index
    %get3A_2092 = tpu.vector_load %arg8[%get3A_2091] {strides = array<i32>} : memref<2560xf32, #tpu.memory_space<vmem>>, vector<16xf32>,
    %mul3A_2093 = arith.mulf %get3A_2033, %get3A_2092 : vector<16xf32>
    %get3A_2094 = arith.constant 144 : index
    %get3A_2095 = tpu.vector_load %arg8[%get3A_2094] {strides = array<i32>} : memref<2560xf32, #tpu.memory_space<vmem>>, vector<16xf32>,
    %mul3A_2096 = arith.mulf %get3A_2035, %get3A_2095 : vector<16xf32>
    %add3A_2097 = arith.addf %mul3A_2093, %mul3A_2096 : vector<16xf32>
    %get3A_2098 = arith.constant 160 : index
    %get3A_2099 = tpu.vector_load %arg8[%get3A_2098] {strides = array<i32>} : memref<2560xf32, #tpu.memory_space<vmem>>, vector<16xf32>,
    %mul3A_2100 = arith.mulf %get3A_2037, %get3A_2099 : vector<16xf32>
    %add3A_2101 = arith.addf %add3A_2097, %mul3A_2100 : vector<16xf32>
    %get3A_2102 = arith.constant 176 : index
    %get3A_2103 = tpu.vector_load %arg8[%get3A_2102] {strides = array<i32>} : memref<2560xf32, #tpu.memory_space<vmem>>, vector<16xf32>,
    %mul3A_2104 = arith.mulf %get3A_2039, %get3A_2103 : vector<16xf32>
    %add3A_2105 = arith.addf %add3A_2101, %mul3A_2104 : vector<16xf32>
    %get3A_2106 = arith.constant 192 : index
    %get3A_2107 = tpu.vector_load %arg8[%get3A_2106] {strides = array<i32>} : memref<2560xf32, #tpu.memory_space<vmem>>, vector<16xf32>,
    %mul3A_2108 = arith.mulf %get3A_2041, %get3A_2107 : vector<16xf32>
    %add3A_2109 = arith.addf %add3A_2105, %mul3A_2108 : vector<16xf32>
    %get3A_2110 = arith.constant 208 : index
    %get3A_2111 = tpu.vector_load %arg8[%get3A_2110] {strides = array<i32>} : memref<2560xf32, #tpu.memory_space<vmem>>, vector<16xf32>,
    %mul3A_2112 = arith.mulf %get3A_2043, %get3A_2111 : vector<16xf32>
    %add3A_2113 = arith.addf %add3A_2109, %mul3A_2112 : vector<16xf32>
    %get3A_2114 = arith.constant 224 : index
    %get3A_2115 = tpu.vector_load %arg8[%get3A_2114] {strides = array<i32>} : memref<2560xf32, #tpu.memory_space<vmem>>, vector<16xf32>,
    %mul3A_2116 = arith.mulf %get3A_2045, %get3A_2115 : vector<16xf32>
    %add3A_2117 = arith.addf %add3A_2113, %mul3A_2116 : vector<16xf32>
    %get3A_2118 = arith.constant 240 : index
    %get3A_2119 = tpu.vector_load %arg8[%get3A_2118] {strides = array<i32>} : memref<2560xf32, #tpu.memory_space<vmem>>, vector<16xf32>,
    %mul3A_2120 = arith.mulf %get3A_2047, %get3A_2119 : vector<16xf32>
    %add3A_2121 = arith.addf %add3A_2117, %mul3A_2120 : vector<16xf32>
    %broadcast_in_dim3A_2122 = arith.constant 0.000000e+00 : f32
    %broadcast_in_dim3A_2123 = vector.broadcast %broadcast_in_dim3A_2122 : f32 to vector<16xf32>
    %reduce_sum3A_2124 = arith.constant true
    %reduce_sum3A_2125 = vector.broadcast %reduce_sum3A_2124 : i1 to vector<16xi1>
    %reduce_sum3A_2126 = tpu.scan <sum>, %add3A_2121 masked %reduce_sum3A_2125 : vector<16xf32>, vector<16xi1> -> vector<16xf32>
    %reduce_sum3A_2127 = vector.extract %reduce_sum3A_2126[15] : f32 from vector<16xf32>
    %add3A_2128 = vector.broadcast %reduce_sum3A_2127 : f32 to vector<16xf32>
    %add3A_2129 = arith.addf %broadcast_in_dim3A_2123, %add3A_2128 : vector<16xf32>
    %broadcast_in_dim3A_2130 = arith.constant 1 : i32
    %broadcast_in_dim3A_2131 = vector.broadcast %broadcast_in_dim3A_2130 : i32 to vector<16xi32>
    tpu.vector_store_idx %arg9[%broadcast_in_dim3A_2131], %add3A_2129 masked %eq3A_2051 : memref<20xf32, #tpu.memory_space<vmem>>[vector<16xi32>], vector<16xf32>, vector<16xi1>
    %get3A_2132 = arith.constant 256 : index
    %get3A_2133 = tpu.vector_load %arg8[%get3A_2132] {strides = array<i32>} : memref<2560xf32, #tpu.memory_space<vmem>>, vector<16xf32>,
    %mul3A_2134 = arith.mulf %get3A_2033, %get3A_2133 : vector<16xf32>
    %get3A_2135 = arith.constant 272 : index
    %get3A_2136 = tpu.vector_load %arg8[%get3A_2135] {strides = array<i32>} : memref<2560xf32, #tpu.memory_space<vmem>>, vector<16xf32>,
    %mul3A_2137 = arith.mulf %get3A_2035, %get3A_2136 : vector<16xf32>
    %add3A_2138 = arith.addf %mul3A_2134, %mul3A_2137 : vector<16xf32>
    %get3A_2139 = arith.constant 288 : index
    %get3A_2140 = tpu.vector_load %arg8[%get3A_2139] {strides = array<i32>} : memref<2560xf32, #tpu.memory_space<vmem>>, vector<16xf32>,
    %mul3A_2141 = arith.mulf %get3A_2037, %get3A_2140 : vector<16xf32>
    %add3A_2142 = arith.addf %add3A_2138, %mul3A_2141 : vector<16xf32>
    %get3A_2143 = arith.constant 304 : index
    %get3A_2144 = tpu.vector_load %arg8[%get3A_2143] {strides = array<i32>} : memref<2560xf32, #tpu.memory_space<vmem>>, vector<16xf32>,
    %mul3A_2145 = arith.mulf %get3A_2039, %get3A_2144 : vector<16xf32>
    %add3A_2146 = arith.addf %add3A_2142, %mul3A_2145 : vector<16xf32>
    %get3A_2147 = arith.constant 320 : index
    %get3A_2148 = tpu.vector_load %arg8[%get3A_2147] {strides = array<i32>} : memref<2560xf32, #tpu.memory_space<vmem>>, vector<16xf32>,
    %mul3A_2149 = arith.mulf %get3A_2041, %get3A_2148 : vector<16xf32>
    %add3A_2150 = arith.addf %add3A_2146, %mul3A_2149 : vector<16xf32>
    %get3A_2151 = arith.constant 336 : index
    %get3A_2152 = tpu.vector_load %arg8[%get3A_2151] {strides = array<i32>} : memref<2560xf32, #tpu.memory_space<vmem>>, vector<16xf32>,
    %mul3A_2153 = arith.mulf %get3A_2043, %get3A_2152 : vector<16xf32>
    %add3A_2154 = arith.addf %add3A_2150, %mul3A_2153 : vector<16xf32>
    %get3A_2155 = arith.constant 352 : index
    %get3A_2156 = tpu.vector_load %arg8[%get3A_2155] {strides = array<i32>} : memref<2560xf32, #tpu.memory_space<vmem>>, vector<16xf32>,
    %mul3A_2157 = arith.mulf %get3A_2045, %get3A_2156 : vector<16xf32>
    %add3A_2158 = arith.addf %add3A_2154, %mul3A_2157 : vector<16xf32>
    %get3A_2159 = arith.constant 368 : index
    %get3A_2160 = tpu.vector_load %arg8[%get3A_2159] {strides = array<i32>} : memref<2560xf32, #tpu.memory_space<vmem>>, vector<16xf32>,
    %mul3A_2161 = arith.mulf %get3A_2047, %get3A_2160 : vector<16xf32>
    %add3A_2162 = arith.addf %add3A_2158, %mul3A_2161 : vector<16xf32>
    %broadcast_in_dim3A_2163 = arith.constant 0.000000e+00 : f32
    %broadcast_in_dim3A_2164 = vector.broadcast %broadcast_in_dim3A_2163 : f32 to vector<16xf32>
    %reduce_sum3A_2165 = arith.constant true
    %reduce_sum3A_2166 = vector.broadcast %reduce_sum3A_2165 : i1 to vector<16xi1>
    %reduce_sum3A_2167 = tpu.scan <sum>, %add3A_2162 masked %reduce_sum3A_2166 : vector<16xf32>, vector<16xi1> -> vector<16xf32>
    %reduce_sum3A_2168 = vector.extract %reduce_sum3A_2167[15] : f32 from vector<16xf32>
    %add3A_2169 = vector.broadcast %reduce_sum3A_2168 : f32 to vector<16xf32>
    %add3A_2170 = arith.addf %broadcast_in_dim3A_2164, %add3A_2169 : vector<16xf32>
    %broadcast_in_dim3A_2171 = arith.constant 2 : i32
    %broadcast_in_dim3A_2172 = vector.broadcast %broadcast_in_dim3A_2171 : i32 to vector<16xi32>
    tpu.vector_store_idx %arg9[%broadcast_in_dim3A_2172], %add3A_2170 masked %eq3A_2051 : memref<20xf32, #tpu.memory_space<vmem>>[vector<16xi32>], vector<16xf32>, vector<16xi1>
    %get3A_2173 = arith.constant 384 : index
    %get3A_2174 = tpu.vector_load %arg8[%get3A_2173] {strides = array<i32>} : memref<2560xf32, #tpu.memory_space<vmem>>, vector<16xf32>,
    %mul3A_2175 = arith.mulf %get3A_2033, %get3A_2174 : vector<16xf32>
    %get3A_2176 = arith.constant 400 : index
    %get3A_2177 = tpu.vector_load %arg8[%get3A_2176] {strides = array<i32>} : memref<2560xf32, #tpu.memory_space<vmem>>, vector<16xf32>,
    %mul3A_2178 = arith.mulf %get3A_2035, %get3A_2177 : vector<16xf32>
    %add3A_2179 = arith.addf %mul3A_2175, %mul3A_2178 : vector<16xf32>
    %get3A_2180 = arith.constant 416 : index
    %get3A_2181 = tpu.vector_load %arg8[%get3A_2180] {strides = array<i32>} : memref<2560xf32, #tpu.memory_space<vmem>>, vector<16xf32>,
    %mul3A_2182 = arith.mulf %get3A_2037, %get3A_2181 : vector<16xf32>
    %add3A_2183 = arith.addf %add3A_2179, %mul3A_2182 : vector<16xf32>
    %get3A_2184 = arith.constant 432 : index
    %get3A_2185 = tpu.vector_load %arg8[%get3A_2184] {strides = array<i32>} : memref<2560xf32, #tpu.memory_space<vmem>>, vector<16xf32>,
    %mul3A_2186 = arith.mulf %get3A_2039, %get3A_2185 : vector<16xf32>
    %add3A_2187 = arith.addf %add3A_2183, %mul3A_2186 : vector<16xf32>
    %get3A_2188 = arith.constant 448 : index
    %get3A_2189 = tpu.vector_load %arg8[%get3A_2188] {strides = array<i32>} : memref<2560xf32, #tpu.memory_space<vmem>>, vector<16xf32>,
    %mul3A_2190 = arith.mulf %get3A_2041, %get3A_2189 : vector<16xf32>
    %add3A_2191 = arith.addf %add3A_2187, %mul3A_2190 : vector<16xf32>
    %get3A_2192 = arith.constant 464 : index
    %get3A_2193 = tpu.vector_load %arg8[%get3A_2192] {strides = array<i32>} : memref<2560xf32, #tpu.memory_space<vmem>>, vector<16xf32>,
    %mul3A_2194 = arith.mulf %get3A_2043, %get3A_2193 : vector<16xf32>
    %add3A_2195 = arith.addf %add3A_2191, %mul3A_2194 : vector<16xf32>
    %get3A_2196 = arith.constant 480 : index
    %get3A_2197 = tpu.vector_load %arg8[%get3A_2196] {strides = array<i32>} : memref<2560xf32, #tpu.memory_space<vmem>>, vector<16xf32>,
    %mul3A_2198 = arith.mulf %get3A_2045, %get3A_2197 : vector<16xf32>
    %add3A_2199 = arith.addf %add3A_2195, %mul3A_2198 : vector<16xf32>
    %get3A_2200 = arith.constant 496 : index
    %get3A_2201 = tpu.vector_load %arg8[%get3A_2200] {strides = array<i32>} : memref<2560xf32, #tpu.memory_space<vmem>>, vector<16xf32>,
    %mul3A_2202 = arith.mulf %get3A_2047, %get3A_2201 : vector<16xf32>
    %add3A_2203 = arith.addf %add3A_2199, %mul3A_2202 : vector<16xf32>
    %broadcast_in_dim3A_2204 = arith.constant 0.000000e+00 : f32
    %broadcast_in_dim3A_2205 = vector.broadcast %broadcast_in_dim3A_2204 : f32 to vector<16xf32>
    %reduce_sum3A_2206 = arith.constant true
    %reduce_sum3A_2207 = vector.broadcast %reduce_sum3A_2206 : i1 to vector<16xi1>
    %reduce_sum3A_2208 = tpu.scan <sum>, %add3A_2203 masked %reduce_sum3A_2207 : vector<16xf32>, vector<16xi1> -> vector<16xf32>
    %reduce_sum3A_2209 = vector.extract %reduce_sum3A_2208[15] : f32 from vector<16xf32>
    %add3A_2210 = vector.broadcast %reduce_sum3A_2209 : f32 to vector<16xf32>
    %add3A_2211 = arith.addf %broadcast_in_dim3A_2205, %add3A_2210 : vector<16xf32>
    %broadcast_in_dim3A_2212 = arith.constant 3 : i32
    %broadcast_in_dim3A_2213 = vector.broadcast %broadcast_in_dim3A_2212 : i32 to vector<16xi32>
    tpu.vector_store_idx %arg9[%broadcast_in_dim3A_2213], %add3A_2211 masked %eq3A_2051 : memref<20xf32, #tpu.memory_space<vmem>>[vector<16xi32>], vector<16xf32>, vector<16xi1>
    %get3A_2214 = arith.constant 512 : index
    %get3A_2215 = tpu.vector_load %arg8[%get3A_2214] {strides = array<i32>} : memref<2560xf32, #tpu.memory_space<vmem>>, vector<16xf32>,
    %mul3A_2216 = arith.mulf %get3A_2033, %get3A_2215 : vector<16xf32>
    %get3A_2217 = arith.constant 528 : index
    %get3A_2218 = tpu.vector_load %arg8[%get3A_2217] {strides = array<i32>} : memref<2560xf32, #tpu.memory_space<vmem>>, vector<16xf32>,
    %mul3A_2219 = arith.mulf %get3A_2035, %get3A_2218 : vector<16xf32>
    %add3A_2220 = arith.addf %mul3A_2216, %mul3A_2219 : vector<16xf32>
    %get3A_2221 = arith.constant 544 : index
    %get3A_2222 = tpu.vector_load %arg8[%get3A_2221] {strides = array<i32>} : memref<2560xf32, #tpu.memory_space<vmem>>, vector<16xf32>,
    %mul3A_2223 = arith.mulf %get3A_2037, %get3A_2222 : vector<16xf32>
    %add3A_2224 = arith.addf %add3A_2220, %mul3A_2223 : vector<16xf32>
    %get3A_2225 = arith.constant 560 : index
    %get3A_2226 = tpu.vector_load %arg8[%get3A_2225] {strides = array<i32>} : memref<2560xf32, #tpu.memory_space<vmem>>, vector<16xf32>,
    %mul3A_2227 = arith.mulf %get3A_2039, %get3A_2226 : vector<16xf32>
    %add3A_2228 = arith.addf %add3A_2224, %mul3A_2227 : vector<16xf32>
    %get3A_2229 = arith.constant 576 : index
    %get3A_2230 = tpu.vector_load %arg8[%get3A_2229] {strides = array<i32>} : memref<2560xf32, #tpu.memory_space<vmem>>, vector<16xf32>,
    %mul3A_2231 = arith.mulf %get3A_2041, %get3A_2230 : vector<16xf32>
    %add3A_2232 = arith.addf %add3A_2228, %mul3A_2231 : vector<16xf32>
    %get3A_2233 = arith.constant 592 : index
    %get3A_2234 = tpu.vector_load %arg8[%get3A_2233] {strides = array<i32>} : memref<2560xf32, #tpu.memory_space<vmem>>, vector<16xf32>,
    %mul3A_2235 = arith.mulf %get3A_2043, %get3A_2234 : vector<16xf32>
    %add3A_2236 = arith.addf %add3A_2232, %mul3A_2235 : vector<16xf32>
    %get3A_2237 = arith.constant 608 : index
    %get3A_2238 = tpu.vector_load %arg8[%get3A_2237] {strides = array<i32>} : memref<2560xf32, #tpu.memory_space<vmem>>, vector<16xf32>,
    %mul3A_2239 = arith.mulf %get3A_2045, %get3A_2238 : vector<16xf32>
    %add3A_2240 = arith.addf %add3A_2236, %mul3A_2239 : vector<16xf32>
    %get3A_2241 = arith.constant 624 : index
    %get3A_2242 = tpu.vector_load %arg8[%get3A_2241] {strides = array<i32>} : memref<2560xf32, #tpu.memory_space<vmem>>, vector<16xf32>,
    %mul3A_2243 = arith.mulf %get3A_2047, %get3A_2242 : vector<16xf32>
    %add3A_2244 = arith.addf %add3A_2240, %mul3A_2243 : vector<16xf32>
    %broadcast_in_dim3A_2245 = arith.constant 0.000000e+00 : f32
    %broadcast_in_dim3A_2246 = vector.broadcast %broadcast_in_dim3A_2245 : f32 to vector<16xf32>
    %reduce_sum3A_2247 = arith.constant true
    %reduce_sum3A_2248 = vector.broadcast %reduce_sum3A_2247 : i1 to vector<16xi1>
    %reduce_sum3A_2249 = tpu.scan <sum>, %add3A_2244 masked %reduce_sum3A_2248 : vector<16xf32>, vector<16xi1> -> vector<16xf32>
    %reduce_sum3A_2250 = vector.extract %reduce_sum3A_2249[15] : f32 from vector<16xf32>
    %add3A_2251 = vector.broadcast %reduce_sum3A_2250 : f32 to vector<16xf32>
    %add3A_2252 = arith.addf %broadcast_in_dim3A_2246, %add3A_2251 : vector<16xf32>
    %broadcast_in_dim3A_2253 = arith.constant 4 : i32
    %broadcast_in_dim3A_2254 = vector.broadcast %broadcast_in_dim3A_2253 : i32 to vector<16xi32>
    tpu.vector_store_idx %arg9[%broadcast_in_dim3A_2254], %add3A_2252 masked %eq3A_2051 : memref<20xf32, #tpu.memory_space<vmem>>[vector<16xi32>], vector<16xf32>, vector<16xi1>
    %get3A_2255 = arith.constant 640 : index
    %get3A_2256 = tpu.vector_load %arg8[%get3A_2255] {strides = array<i32>} : memref<2560xf32, #tpu.memory_space<vmem>>, vector<16xf32>,
    %mul3A_2257 = arith.mulf %get3A_2033, %get3A_2256 : vector<16xf32>
    %get3A_2258 = arith.constant 656 : index
    %get3A_2259 = tpu.vector_load %arg8[%get3A_2258] {strides = array<i32>} : memref<2560xf32, #tpu.memory_space<vmem>>, vector<16xf32>,
    %mul3A_2260 = arith.mulf %get3A_2035, %get3A_2259 : vector<16xf32>
    %add3A_2261 = arith.addf %mul3A_2257, %mul3A_2260 : vector<16xf32>
    %get3A_2262 = arith.constant 672 : index
    %get3A_2263 = tpu.vector_load %arg8[%get3A_2262] {strides = array<i32>} : memref<2560xf32, #tpu.memory_space<vmem>>, vector<16xf32>,
    %mul3A_2264 = arith.mulf %get3A_2037, %get3A_2263 : vector<16xf32>
    %add3A_2265 = arith.addf %add3A_2261, %mul3A_2264 : vector<16xf32>
    %get3A_2266 = arith.constant 688 : index
    %get3A_2267 = tpu.vector_load %arg8[%get3A_2266] {strides = array<i32>} : memref<2560xf32, #tpu.memory_space<vmem>>, vector<16xf32>,
    %mul3A_2268 = arith.mulf %get3A_2039, %get3A_2267 : vector<16xf32>
    %add3A_2269 = arith.addf %add3A_2265, %mul3A_2268 : vector<16xf32>
    %get3A_2270 = arith.constant 704 : index
    %get3A_2271 = tpu.vector_load %arg8[%get3A_2270] {strides = array<i32>} : memref<2560xf32, #tpu.memory_space<vmem>>, vector<16xf32>,
    %mul3A_2272 = arith.mulf %get3A_2041, %get3A_2271 : vector<16xf32>
    %add3A_2273 = arith.addf %add3A_2269, %mul3A_2272 : vector<16xf32>
    %get3A_2274 = arith.constant 720 : index
    %get3A_2275 = tpu.vector_load %arg8[%get3A_2274] {strides = array<i32>} : memref<2560xf32, #tpu.memory_space<vmem>>, vector<16xf32>,
    %mul3A_2276 = arith.mulf %get3A_2043, %get3A_2275 : vector<16xf32>
    %add3A_2277 = arith.addf %add3A_2273, %mul3A_2276 : vector<16xf32>
    %get3A_2278 = arith.constant 736 : index
    %get3A_2279 = tpu.vector_load %arg8[%get3A_2278] {strides = array<i32>} : memref<2560xf32, #tpu.memory_space<vmem>>, vector<16xf32>,
    %mul3A_2280 = arith.mulf %get3A_2045, %get3A_2279 : vector<16xf32>
    %add3A_2281 = arith.addf %add3A_2277, %mul3A_2280 : vector<16xf32>
    %get3A_2282 = arith.constant 752 : index
    %get3A_2283 = tpu.vector_load %arg8[%get3A_2282] {strides = array<i32>} : memref<2560xf32, #tpu.memory_space<vmem>>, vector<16xf32>,
    %mul3A_2284 = arith.mulf %get3A_2047, %get3A_2283 : vector<16xf32>
    %add3A_2285 = arith.addf %add3A_2281, %mul3A_2284 : vector<16xf32>
    %broadcast_in_dim3A_2286 = arith.constant 0.000000e+00 : f32
    %broadcast_in_dim3A_2287 = vector.broadcast %broadcast_in_dim3A_2286 : f32 to vector<16xf32>
    %reduce_sum3A_2288 = arith.constant true
    %reduce_sum3A_2289 = vector.broadcast %reduce_sum3A_2288 : i1 to vector<16xi1>
    %reduce_sum3A_2290 = tpu.scan <sum>, %add3A_2285 masked %reduce_sum3A_2289 : vector<16xf32>, vector<16xi1> -> vector<16xf32>
    %reduce_sum3A_2291 = vector.extract %reduce_sum3A_2290[15] : f32 from vector<16xf32>
    %add3A_2292 = vector.broadcast %reduce_sum3A_2291 : f32 to vector<16xf32>
    %add3A_2293 = arith.addf %broadcast_in_dim3A_2287, %add3A_2292 : vector<16xf32>
    %broadcast_in_dim3A_2294 = arith.constant 5 : i32
    %broadcast_in_dim3A_2295 = vector.broadcast %broadcast_in_dim3A_2294 : i32 to vector<16xi32>
    tpu.vector_store_idx %arg9[%broadcast_in_dim3A_2295], %add3A_2293 masked %eq3A_2051 : memref<20xf32, #tpu.memory_space<vmem>>[vector<16xi32>], vector<16xf32>, vector<16xi1>
    %get3A_2296 = arith.constant 768 : index
    %get3A_2297 = tpu.vector_load %arg8[%get3A_2296] {strides = array<i32>} : memref<2560xf32, #tpu.memory_space<vmem>>, vector<16xf32>,
    %mul3A_2298 = arith.mulf %get3A_2033, %get3A_2297 : vector<16xf32>
    %get3A_2299 = arith.constant 784 : index
    %get3A_2300 = tpu.vector_load %arg8[%get3A_2299] {strides = array<i32>} : memref<2560xf32, #tpu.memory_space<vmem>>, vector<16xf32>,
    %mul3A_2301 = arith.mulf %get3A_2035, %get3A_2300 : vector<16xf32>
    %add3A_2302 = arith.addf %mul3A_2298, %mul3A_2301 : vector<16xf32>
    %get3A_2303 = arith.constant 800 : index
    %get3A_2304 = tpu.vector_load %arg8[%get3A_2303] {strides = array<i32>} : memref<2560xf32, #tpu.memory_space<vmem>>, vector<16xf32>,
    %mul3A_2305 = arith.mulf %get3A_2037, %get3A_2304 : vector<16xf32>
    %add3A_2306 = arith.addf %add3A_2302, %mul3A_2305 : vector<16xf32>
    %get3A_2307 = arith.constant 816 : index
    %get3A_2308 = tpu.vector_load %arg8[%get3A_2307] {strides = array<i32>} : memref<2560xf32, #tpu.memory_space<vmem>>, vector<16xf32>,
    %mul3A_2309 = arith.mulf %get3A_2039, %get3A_2308 : vector<16xf32>
    %add3A_2310 = arith.addf %add3A_2306, %mul3A_2309 : vector<16xf32>
    %get3A_2311 = arith.constant 832 : index
    %get3A_2312 = tpu.vector_load %arg8[%get3A_2311] {strides = array<i32>} : memref<2560xf32, #tpu.memory_space<vmem>>, vector<16xf32>,
    %mul3A_2313 = arith.mulf %get3A_2041, %get3A_2312 : vector<16xf32>
    %add3A_2314 = arith.addf %add3A_2310, %mul3A_2313 : vector<16xf32>
    %get3A_2315 = arith.constant 848 : index
    %get3A_2316 = tpu.vector_load %arg8[%get3A_2315] {strides = array<i32>} : memref<2560xf32, #tpu.memory_space<vmem>>, vector<16xf32>,
    %mul3A_2317 = arith.mulf %get3A_2043, %get3A_2316 : vector<16xf32>
    %add3A_2318 = arith.addf %add3A_2314, %mul3A_2317 : vector<16xf32>
    %get3A_2319 = arith.constant 864 : index
    %get3A_2320 = tpu.vector_load %arg8[%get3A_2319] {strides = array<i32>} : memref<2560xf32, #tpu.memory_space<vmem>>, vector<16xf32>,
    %mul3A_2321 = arith.mulf %get3A_2045, %get3A_2320 : vector<16xf32>
    %add3A_2322 = arith.addf %add3A_2318, %mul3A_2321 : vector<16xf32>
    %get3A_2323 = arith.constant 880 : index
    %get3A_2324 = tpu.vector_load %arg8[%get3A_2323] {strides = array<i32>} : memref<2560xf32, #tpu.memory_space<vmem>>, vector<16xf32>,
    %mul3A_2325 = arith.mulf %get3A_2047, %get3A_2324 : vector<16xf32>
    %add3A_2326 = arith.addf %add3A_2322, %mul3A_2325 : vector<16xf32>
    %broadcast_in_dim3A_2327 = arith.constant 0.000000e+00 : f32
    %broadcast_in_dim3A_2328 = vector.broadcast %broadcast_in_dim3A_2327 : f32 to vector<16xf32>
    %reduce_sum3A_2329 = arith.constant true
    %reduce_sum3A_2330 = vector.broadcast %reduce_sum3A_2329 : i1 to vector<16xi1>
    %reduce_sum3A_2331 = tpu.scan <sum>, %add3A_2326 masked %reduce_sum3A_2330 : vector<16xf32>, vector<16xi1> -> vector<16xf32>
    %reduce_sum3A_2332 = vector.extract %reduce_sum3A_2331[15] : f32 from vector<16xf32>
    %add3A_2333 = vector.broadcast %reduce_sum3A_2332 : f32 to vector<16xf32>
    %add3A_2334 = arith.addf %broadcast_in_dim3A_2328, %add3A_2333 : vector<16xf32>
    %broadcast_in_dim3A_2335 = arith.constant 6 : i32
    %broadcast_in_dim3A_2336 = vector.broadcast %broadcast_in_dim3A_2335 : i32 to vector<16xi32>
    tpu.vector_store_idx %arg9[%broadcast_in_dim3A_2336], %add3A_2334 masked %eq3A_2051 : memref<20xf32, #tpu.memory_space<vmem>>[vector<16xi32>], vector<16xf32>, vector<16xi1>
    %get3A_2337 = arith.constant 896 : index
    %get3A_2338 = tpu.vector_load %arg8[%get3A_2337] {strides = array<i32>} : memref<2560xf32, #tpu.memory_space<vmem>>, vector<16xf32>,
    %mul3A_2339 = arith.mulf %get3A_2033, %get3A_2338 : vector<16xf32>
    %get3A_2340 = arith.constant 912 : index
    %get3A_2341 = tpu.vector_load %arg8[%get3A_2340] {strides = array<i32>} : memref<2560xf32, #tpu.memory_space<vmem>>, vector<16xf32>,
    %mul3A_2342 = arith.mulf %get3A_2035, %get3A_2341 : vector<16xf32>
    %add3A_2343 = arith.addf %mul3A_2339, %mul3A_2342 : vector<16xf32>
    %get3A_2344 = arith.constant 928 : index
    %get3A_2345 = tpu.vector_load %arg8[%get3A_2344] {strides = array<i32>} : memref<2560xf32, #tpu.memory_space<vmem>>, vector<16xf32>,
    %mul3A_2346 = arith.mulf %get3A_2037, %get3A_2345 : vector<16xf32>
    %add3A_2347 = arith.addf %add3A_2343, %mul3A_2346 : vector<16xf32>
    %get3A_2348 = arith.constant 944 : index
    %get3A_2349 = tpu.vector_load %arg8[%get3A_2348] {strides = array<i32>} : memref<2560xf32, #tpu.memory_space<vmem>>, vector<16xf32>,
    %mul3A_2350 = arith.mulf %get3A_2039, %get3A_2349 : vector<16xf32>
    %add3A_2351 = arith.addf %add3A_2347, %mul3A_2350 : vector<16xf32>
    %get3A_2352 = arith.constant 960 : index
    %get3A_2353 = tpu.vector_load %arg8[%get3A_2352] {strides = array<i32>} : memref<2560xf32, #tpu.memory_space<vmem>>, vector<16xf32>,
    %mul3A_2354 = arith.mulf %get3A_2041, %get3A_2353 : vector<16xf32>
    %add3A_2355 = arith.addf %add3A_2351, %mul3A_2354 : vector<16xf32>
    %get3A_2356 = arith.constant 976 : index
    %get3A_2357 = tpu.vector_load %arg8[%get3A_2356] {strides = array<i32>} : memref<2560xf32, #tpu.memory_space<vmem>>, vector<16xf32>,
    %mul3A_2358 = arith.mulf %get3A_2043, %get3A_2357 : vector<16xf32>
    %add3A_2359 = arith.addf %add3A_2355, %mul3A_2358 : vector<16xf32>
    %get3A_2360 = arith.constant 992 : index
    %get3A_2361 = tpu.vector_load %arg8[%get3A_2360] {strides = array<i32>} : memref<2560xf32, #tpu.memory_space<vmem>>, vector<16xf32>,
    %mul3A_2362 = arith.mulf %get3A_2045, %get3A_2361 : vector<16xf32>
    %add3A_2363 = arith.addf %add3A_2359, %mul3A_2362 : vector<16xf32>
    %get3A_2364 = arith.constant 1008 : index
    %get3A_2365 = tpu.vector_load %arg8[%get3A_2364] {strides = array<i32>} : memref<2560xf32, #tpu.memory_space<vmem>>, vector<16xf32>,
    %mul3A_2366 = arith.mulf %get3A_2047, %get3A_2365 : vector<16xf32>
    %add3A_2367 = arith.addf %add3A_2363, %mul3A_2366 : vector<16xf32>
    %broadcast_in_dim3A_2368 = arith.constant 0.000000e+00 : f32
    %broadcast_in_dim3A_2369 = vector.broadcast %broadcast_in_dim3A_2368 : f32 to vector<16xf32>
    %reduce_sum3A_2370 = arith.constant true
    %reduce_sum3A_2371 = vector.broadcast %reduce_sum3A_2370 : i1 to vector<16xi1>
    %reduce_sum3A_2372 = tpu.scan <sum>, %add3A_2367 masked %reduce_sum3A_2371 : vector<16xf32>, vector<16xi1> -> vector<16xf32>
    %reduce_sum3A_2373 = vector.extract %reduce_sum3A_2372[15] : f32 from vector<16xf32>
    %add3A_2374 = vector.broadcast %reduce_sum3A_2373 : f32 to vector<16xf32>
    %add3A_2375 = arith.addf %broadcast_in_dim3A_2369, %add3A_2374 : vector<16xf32>
    %broadcast_in_dim3A_2376 = arith.constant 7 : i32
    %broadcast_in_dim3A_2377 = vector.broadcast %broadcast_in_dim3A_2376 : i32 to vector<16xi32>
    tpu.vector_store_idx %arg9[%broadcast_in_dim3A_2377], %add3A_2375 masked %eq3A_2051 : memref<20xf32, #tpu.memory_space<vmem>>[vector<16xi32>], vector<16xf32>, vector<16xi1>
    %get3A_2378 = arith.constant 1024 : index
    %get3A_2379 = tpu.vector_load %arg8[%get3A_2378] {strides = array<i32>} : memref<2560xf32, #tpu.memory_space<vmem>>, vector<16xf32>,
    %mul3A_2380 = arith.mulf %get3A_2033, %get3A_2379 : vector<16xf32>
    %get3A_2381 = arith.constant 1040 : index
    %get3A_2382 = tpu.vector_load %arg8[%get3A_2381] {strides = array<i32>} : memref<2560xf32, #tpu.memory_space<vmem>>, vector<16xf32>,
    %mul3A_2383 = arith.mulf %get3A_2035, %get3A_2382 : vector<16xf32>
    %add3A_2384 = arith.addf %mul3A_2380, %mul3A_2383 : vector<16xf32>
    %get3A_2385 = arith.constant 1056 : index
    %get3A_2386 = tpu.vector_load %arg8[%get3A_2385] {strides = array<i32>} : memref<2560xf32, #tpu.memory_space<vmem>>, vector<16xf32>,
    %mul3A_2387 = arith.mulf %get3A_2037, %get3A_2386 : vector<16xf32>
    %add3A_2388 = arith.addf %add3A_2384, %mul3A_2387 : vector<16xf32>
    %get3A_2389 = arith.constant 1072 : index
    %get3A_2390 = tpu.vector_load %arg8[%get3A_2389] {strides = array<i32>} : memref<2560xf32, #tpu.memory_space<vmem>>, vector<16xf32>,
    %mul3A_2391 = arith.mulf %get3A_2039, %get3A_2390 : vector<16xf32>
    %add3A_2392 = arith.addf %add3A_2388, %mul3A_2391 : vector<16xf32>
    %get3A_2393 = arith.constant 1088 : index
    %get3A_2394 = tpu.vector_load %arg8[%get3A_2393] {strides = array<i32>} : memref<2560xf32, #tpu.memory_space<vmem>>, vector<16xf32>,
    %mul3A_2395 = arith.mulf %get3A_2041, %get3A_2394 : vector<16xf32>
    %add3A_2396 = arith.addf %add3A_2392, %mul3A_2395 : vector<16xf32>
    %get3A_2397 = arith.constant 1104 : index
    %get3A_2398 = tpu.vector_load %arg8[%get3A_2397] {strides = array<i32>} : memref<2560xf32, #tpu.memory_space<vmem>>, vector<16xf32>,
    %mul3A_2399 = arith.mulf %get3A_2043, %get3A_2398 : vector<16xf32>
    %add3A_2400 = arith.addf %add3A_2396, %mul3A_2399 : vector<16xf32>
    %get3A_2401 = arith.constant 1120 : index
    %get3A_2402 = tpu.vector_load %arg8[%get3A_2401] {strides = array<i32>} : memref<2560xf32, #tpu.memory_space<vmem>>, vector<16xf32>,
    %mul3A_2403 = arith.mulf %get3A_2045, %get3A_2402 : vector<16xf32>
    %add3A_2404 = arith.addf %add3A_2400, %mul3A_2403 : vector<16xf32>
    %get3A_2405 = arith.constant 1136 : index
    %get3A_2406 = tpu.vector_load %arg8[%get3A_2405] {strides = array<i32>} : memref<2560xf32, #tpu.memory_space<vmem>>, vector<16xf32>,
    %mul3A_2407 = arith.mulf %get3A_2047, %get3A_2406 : vector<16xf32>
    %add3A_2408 = arith.addf %add3A_2404, %mul3A_2407 : vector<16xf32>
    %broadcast_in_dim3A_2409 = arith.constant 0.000000e+00 : f32
    %broadcast_in_dim3A_2410 = vector.broadcast %broadcast_in_dim3A_2409 : f32 to vector<16xf32>
    %reduce_sum3A_2411 = arith.constant true
    %reduce_sum3A_2412 = vector.broadcast %reduce_sum3A_2411 : i1 to vector<16xi1>
    %reduce_sum3A_2413 = tpu.scan <sum>, %add3A_2408 masked %reduce_sum3A_2412 : vector<16xf32>, vector<16xi1> -> vector<16xf32>
    %reduce_sum3A_2414 = vector.extract %reduce_sum3A_2413[15] : f32 from vector<16xf32>
    %add3A_2415 = vector.broadcast %reduce_sum3A_2414 : f32 to vector<16xf32>
    %add3A_2416 = arith.addf %broadcast_in_dim3A_2410, %add3A_2415 : vector<16xf32>
    %broadcast_in_dim3A_2417 = arith.constant 8 : i32
    %broadcast_in_dim3A_2418 = vector.broadcast %broadcast_in_dim3A_2417 : i32 to vector<16xi32>
    tpu.vector_store_idx %arg9[%broadcast_in_dim3A_2418], %add3A_2416 masked %eq3A_2051 : memref<20xf32, #tpu.memory_space<vmem>>[vector<16xi32>], vector<16xf32>, vector<16xi1>
    %get3A_2419 = arith.constant 1152 : index
    %get3A_2420 = tpu.vector_load %arg8[%get3A_2419] {strides = array<i32>} : memref<2560xf32, #tpu.memory_space<vmem>>, vector<16xf32>,
    %mul3A_2421 = arith.mulf %get3A_2033, %get3A_2420 : vector<16xf32>
    %get3A_2422 = arith.constant 1168 : index
    %get3A_2423 = tpu.vector_load %arg8[%get3A_2422] {strides = array<i32>} : memref<2560xf32, #tpu.memory_space<vmem>>, vector<16xf32>,
    %mul3A_2424 = arith.mulf %get3A_2035, %get3A_2423 : vector<16xf32>
    %add3A_2425 = arith.addf %mul3A_2421, %mul3A_2424 : vector<16xf32>
    %get3A_2426 = arith.constant 1184 : index
    %get3A_2427 = tpu.vector_load %arg8[%get3A_2426] {strides = array<i32>} : memref<2560xf32, #tpu.memory_space<vmem>>, vector<16xf32>,
    %mul3A_2428 = arith.mulf %get3A_2037, %get3A_2427 : vector<16xf32>
    %add3A_2429 = arith.addf %add3A_2425, %mul3A_2428 : vector<16xf32>
    %get3A_2430 = arith.constant 1200 : index
    %get3A_2431 = tpu.vector_load %arg8[%get3A_2430] {strides = array<i32>} : memref<2560xf32, #tpu.memory_space<vmem>>, vector<16xf32>,
    %mul3A_2432 = arith.mulf %get3A_2039, %get3A_2431 : vector<16xf32>
    %add3A_2433 = arith.addf %add3A_2429, %mul3A_2432 : vector<16xf32>
    %get3A_2434 = arith.constant 1216 : index
    %get3A_2435 = tpu.vector_load %arg8[%get3A_2434] {strides = array<i32>} : memref<2560xf32, #tpu.memory_space<vmem>>, vector<16xf32>,
    %mul3A_2436 = arith.mulf %get3A_2041, %get3A_2435 : vector<16xf32>
    %add3A_2437 = arith.addf %add3A_2433, %mul3A_2436 : vector<16xf32>
    %get3A_2438 = arith.constant 1232 : index
    %get3A_2439 = tpu.vector_load %arg8[%get3A_2438] {strides = array<i32>} : memref<2560xf32, #tpu.memory_space<vmem>>, vector<16xf32>,
    %mul3A_2440 = arith.mulf %get3A_2043, %get3A_2439 : vector<16xf32>
    %add3A_2441 = arith.addf %add3A_2437, %mul3A_2440 : vector<16xf32>
    %get3A_2442 = arith.constant 1248 : index
    %get3A_2443 = tpu.vector_load %arg8[%get3A_2442] {strides = array<i32>} : memref<2560xf32, #tpu.memory_space<vmem>>, vector<16xf32>,
    %mul3A_2444 = arith.mulf %get3A_2045, %get3A_2443 : vector<16xf32>
    %add3A_2445 = arith.addf %add3A_2441, %mul3A_2444 : vector<16xf32>
    %get3A_2446 = arith.constant 1264 : index
    %get3A_2447 = tpu.vector_load %arg8[%get3A_2446] {strides = array<i32>} : memref<2560xf32, #tpu.memory_space<vmem>>, vector<16xf32>,
    %mul3A_2448 = arith.mulf %get3A_2047, %get3A_2447 : vector<16xf32>
    %add3A_2449 = arith.addf %add3A_2445, %mul3A_2448 : vector<16xf32>
    %broadcast_in_dim3A_2450 = arith.constant 0.000000e+00 : f32
    %broadcast_in_dim3A_2451 = vector.broadcast %broadcast_in_dim3A_2450 : f32 to vector<16xf32>
    %reduce_sum3A_2452 = arith.constant true
    %reduce_sum3A_2453 = vector.broadcast %reduce_sum3A_2452 : i1 to vector<16xi1>
    %reduce_sum3A_2454 = tpu.scan <sum>, %add3A_2449 masked %reduce_sum3A_2453 : vector<16xf32>, vector<16xi1> -> vector<16xf32>
    %reduce_sum3A_2455 = vector.extract %reduce_sum3A_2454[15] : f32 from vector<16xf32>
    %add3A_2456 = vector.broadcast %reduce_sum3A_2455 : f32 to vector<16xf32>
    %add3A_2457 = arith.addf %broadcast_in_dim3A_2451, %add3A_2456 : vector<16xf32>
    %broadcast_in_dim3A_2458 = arith.constant 9 : i32
    %broadcast_in_dim3A_2459 = vector.broadcast %broadcast_in_dim3A_2458 : i32 to vector<16xi32>
    tpu.vector_store_idx %arg9[%broadcast_in_dim3A_2459], %add3A_2457 masked %eq3A_2051 : memref<20xf32, #tpu.memory_space<vmem>>[vector<16xi32>], vector<16xf32>, vector<16xi1>
    %get3A_2460 = arith.constant 1280 : index
    %get3A_2461 = tpu.vector_load %arg8[%get3A_2460] {strides = array<i32>} : memref<2560xf32, #tpu.memory_space<vmem>>, vector<16xf32>,
    %mul3A_2462 = arith.mulf %get3A_2033, %get3A_2461 : vector<16xf32>
    %get3A_2463 = arith.constant 1296 : index
    %get3A_2464 = tpu.vector_load %arg8[%get3A_2463] {strides = array<i32>} : memref<2560xf32, #tpu.memory_space<vmem>>, vector<16xf32>,
    %mul3A_2465 = arith.mulf %get3A_2035, %get3A_2464 : vector<16xf32>
    %add3A_2466 = arith.addf %mul3A_2462, %mul3A_2465 : vector<16xf32>
    %get3A_2467 = arith.constant 1312 : index
    %get3A_2468 = tpu.vector_load %arg8[%get3A_2467] {strides = array<i32>} : memref<2560xf32, #tpu.memory_space<vmem>>, vector<16xf32>,
    %mul3A_2469 = arith.mulf %get3A_2037, %get3A_2468 : vector<16xf32>
    %add3A_2470 = arith.addf %add3A_2466, %mul3A_2469 : vector<16xf32>
    %get3A_2471 = arith.constant 1328 : index
    %get3A_2472 = tpu.vector_load %arg8[%get3A_2471] {strides = array<i32>} : memref<2560xf32, #tpu.memory_space<vmem>>, vector<16xf32>,
    %mul3A_2473 = arith.mulf %get3A_2039, %get3A_2472 : vector<16xf32>
    %add3A_2474 = arith.addf %add3A_2470, %mul3A_2473 : vector<16xf32>
    %get3A_2475 = arith.constant 1344 : index
    %get3A_2476 = tpu.vector_load %arg8[%get3A_2475] {strides = array<i32>} : memref<2560xf32, #tpu.memory_space<vmem>>, vector<16xf32>,
    %mul3A_2477 = arith.mulf %get3A_2041, %get3A_2476 : vector<16xf32>
    %add3A_2478 = arith.addf %add3A_2474, %mul3A_2477 : vector<16xf32>
    %get3A_2479 = arith.constant 1360 : index
    %get3A_2480 = tpu.vector_load %arg8[%get3A_2479] {strides = array<i32>} : memref<2560xf32, #tpu.memory_space<vmem>>, vector<16xf32>,
    %mul3A_2481 = arith.mulf %get3A_2043, %get3A_2480 : vector<16xf32>
    %add3A_2482 = arith.addf %add3A_2478, %mul3A_2481 : vector<16xf32>
    %get3A_2483 = arith.constant 1376 : index
    %get3A_2484 = tpu.vector_load %arg8[%get3A_2483] {strides = array<i32>} : memref<2560xf32, #tpu.memory_space<vmem>>, vector<16xf32>,
    %mul3A_2485 = arith.mulf %get3A_2045, %get3A_2484 : vector<16xf32>
    %add3A_2486 = arith.addf %add3A_2482, %mul3A_2485 : vector<16xf32>
    %get3A_2487 = arith.constant 1392 : index
    %get3A_2488 = tpu.vector_load %arg8[%get3A_2487] {strides = array<i32>} : memref<2560xf32, #tpu.memory_space<vmem>>, vector<16xf32>,
    %mul3A_2489 = arith.mulf %get3A_2047, %get3A_2488 : vector<16xf32>
    %add3A_2490 = arith.addf %add3A_2486, %mul3A_2489 : vector<16xf32>
    %broadcast_in_dim3A_2491 = arith.constant 0.000000e+00 : f32
    %broadcast_in_dim3A_2492 = vector.broadcast %broadcast_in_dim3A_2491 : f32 to vector<16xf32>
    %reduce_sum3A_2493 = arith.constant true
    %reduce_sum3A_2494 = vector.broadcast %reduce_sum3A_2493 : i1 to vector<16xi1>
    %reduce_sum3A_2495 = tpu.scan <sum>, %add3A_2490 masked %reduce_sum3A_2494 : vector<16xf32>, vector<16xi1> -> vector<16xf32>
    %reduce_sum3A_2496 = vector.extract %reduce_sum3A_2495[15] : f32 from vector<16xf32>
    %add3A_2497 = vector.broadcast %reduce_sum3A_2496 : f32 to vector<16xf32>
    %add3A_2498 = arith.addf %broadcast_in_dim3A_2492, %add3A_2497 : vector<16xf32>
    %broadcast_in_dim3A_2499 = arith.constant 10 : i32
    %broadcast_in_dim3A_2500 = vector.broadcast %broadcast_in_dim3A_2499 : i32 to vector<16xi32>
    tpu.vector_store_idx %arg9[%broadcast_in_dim3A_2500], %add3A_2498 masked %eq3A_2051 : memref<20xf32, #tpu.memory_space<vmem>>[vector<16xi32>], vector<16xf32>, vector<16xi1>
    %get3A_2501 = arith.constant 1408 : index
    %get3A_2502 = tpu.vector_load %arg8[%get3A_2501] {strides = array<i32>} : memref<2560xf32, #tpu.memory_space<vmem>>, vector<16xf32>,
    %mul3A_2503 = arith.mulf %get3A_2033, %get3A_2502 : vector<16xf32>
    %get3A_2504 = arith.constant 1424 : index
    %get3A_2505 = tpu.vector_load %arg8[%get3A_2504] {strides = array<i32>} : memref<2560xf32, #tpu.memory_space<vmem>>, vector<16xf32>,
    %mul3A_2506 = arith.mulf %get3A_2035, %get3A_2505 : vector<16xf32>
    %add3A_2507 = arith.addf %mul3A_2503, %mul3A_2506 : vector<16xf32>
    %get3A_2508 = arith.constant 1440 : index
    %get3A_2509 = tpu.vector_load %arg8[%get3A_2508] {strides = array<i32>} : memref<2560xf32, #tpu.memory_space<vmem>>, vector<16xf32>,
    %mul3A_2510 = arith.mulf %get3A_2037, %get3A_2509 : vector<16xf32>
    %add3A_2511 = arith.addf %add3A_2507, %mul3A_2510 : vector<16xf32>
    %get3A_2512 = arith.constant 1456 : index
    %get3A_2513 = tpu.vector_load %arg8[%get3A_2512] {strides = array<i32>} : memref<2560xf32, #tpu.memory_space<vmem>>, vector<16xf32>,
    %mul3A_2514 = arith.mulf %get3A_2039, %get3A_2513 : vector<16xf32>
    %add3A_2515 = arith.addf %add3A_2511, %mul3A_2514 : vector<16xf32>
    %get3A_2516 = arith.constant 1472 : index
    %get3A_2517 = tpu.vector_load %arg8[%get3A_2516] {strides = array<i32>} : memref<2560xf32, #tpu.memory_space<vmem>>, vector<16xf32>,
    %mul3A_2518 = arith.mulf %get3A_2041, %get3A_2517 : vector<16xf32>
    %add3A_2519 = arith.addf %add3A_2515, %mul3A_2518 : vector<16xf32>
    %get3A_2520 = arith.constant 1488 : index
    %get3A_2521 = tpu.vector_load %arg8[%get3A_2520] {strides = array<i32>} : memref<2560xf32, #tpu.memory_space<vmem>>, vector<16xf32>,
    %mul3A_2522 = arith.mulf %get3A_2043, %get3A_2521 : vector<16xf32>
    %add3A_2523 = arith.addf %add3A_2519, %mul3A_2522 : vector<16xf32>
    %get3A_2524 = arith.constant 1504 : index
    %get3A_2525 = tpu.vector_load %arg8[%get3A_2524] {strides = array<i32>} : memref<2560xf32, #tpu.memory_space<vmem>>, vector<16xf32>,
    %mul3A_2526 = arith.mulf %get3A_2045, %get3A_2525 : vector<16xf32>
    %add3A_2527 = arith.addf %add3A_2523, %mul3A_2526 : vector<16xf32>
    %get3A_2528 = arith.constant 1520 : index
    %get3A_2529 = tpu.vector_load %arg8[%get3A_2528] {strides = array<i32>} : memref<2560xf32, #tpu.memory_space<vmem>>, vector<16xf32>,
    %mul3A_2530 = arith.mulf %get3A_2047, %get3A_2529 : vector<16xf32>
    %add3A_2531 = arith.addf %add3A_2527, %mul3A_2530 : vector<16xf32>
    %broadcast_in_dim3A_2532 = arith.constant 0.000000e+00 : f32
    %broadcast_in_dim3A_2533 = vector.broadcast %broadcast_in_dim3A_2532 : f32 to vector<16xf32>
    %reduce_sum3A_2534 = arith.constant true
    %reduce_sum3A_2535 = vector.broadcast %reduce_sum3A_2534 : i1 to vector<16xi1>
    %reduce_sum3A_2536 = tpu.scan <sum>, %add3A_2531 masked %reduce_sum3A_2535 : vector<16xf32>, vector<16xi1> -> vector<16xf32>
    %reduce_sum3A_2537 = vector.extract %reduce_sum3A_2536[15] : f32 from vector<16xf32>
    %add3A_2538 = vector.broadcast %reduce_sum3A_2537 : f32 to vector<16xf32>
    %add3A_2539 = arith.addf %broadcast_in_dim3A_2533, %add3A_2538 : vector<16xf32>
    %broadcast_in_dim3A_2540 = arith.constant 11 : i32
    %broadcast_in_dim3A_2541 = vector.broadcast %broadcast_in_dim3A_2540 : i32 to vector<16xi32>
    tpu.vector_store_idx %arg9[%broadcast_in_dim3A_2541], %add3A_2539 masked %eq3A_2051 : memref<20xf32, #tpu.memory_space<vmem>>[vector<16xi32>], vector<16xf32>, vector<16xi1>
    %get3A_2542 = arith.constant 1536 : index
    %get3A_2543 = tpu.vector_load %arg8[%get3A_2542] {strides = array<i32>} : memref<2560xf32, #tpu.memory_space<vmem>>, vector<16xf32>,
    %mul3A_2544 = arith.mulf %get3A_2033, %get3A_2543 : vector<16xf32>
    %get3A_2545 = arith.constant 1552 : index
    %get3A_2546 = tpu.vector_load %arg8[%get3A_2545] {strides = array<i32>} : memref<2560xf32, #tpu.memory_space<vmem>>, vector<16xf32>,
    %mul3A_2547 = arith.mulf %get3A_2035, %get3A_2546 : vector<16xf32>
    %add3A_2548 = arith.addf %mul3A_2544, %mul3A_2547 : vector<16xf32>
    %get3A_2549 = arith.constant 1568 : index
    %get3A_2550 = tpu.vector_load %arg8[%get3A_2549] {strides = array<i32>} : memref<2560xf32, #tpu.memory_space<vmem>>, vector<16xf32>,
    %mul3A_2551 = arith.mulf %get3A_2037, %get3A_2550 : vector<16xf32>
    %add3A_2552 = arith.addf %add3A_2548, %mul3A_2551 : vector<16xf32>
    %get3A_2553 = arith.constant 1584 : index
    %get3A_2554 = tpu.vector_load %arg8[%get3A_2553] {strides = array<i32>} : memref<2560xf32, #tpu.memory_space<vmem>>, vector<16xf32>,
    %mul3A_2555 = arith.mulf %get3A_2039, %get3A_2554 : vector<16xf32>
    %add3A_2556 = arith.addf %add3A_2552, %mul3A_2555 : vector<16xf32>
    %get3A_2557 = arith.constant 1600 : index
    %get3A_2558 = tpu.vector_load %arg8[%get3A_2557] {strides = array<i32>} : memref<2560xf32, #tpu.memory_space<vmem>>, vector<16xf32>,
    %mul3A_2559 = arith.mulf %get3A_2041, %get3A_2558 : vector<16xf32>
    %add3A_2560 = arith.addf %add3A_2556, %mul3A_2559 : vector<16xf32>
    %get3A_2561 = arith.constant 1616 : index
    %get3A_2562 = tpu.vector_load %arg8[%get3A_2561] {strides = array<i32>} : memref<2560xf32, #tpu.memory_space<vmem>>, vector<16xf32>,
    %mul3A_2563 = arith.mulf %get3A_2043, %get3A_2562 : vector<16xf32>
    %add3A_2564 = arith.addf %add3A_2560, %mul3A_2563 : vector<16xf32>
    %get3A_2565 = arith.constant 1632 : index
    %get3A_2566 = tpu.vector_load %arg8[%get3A_2565] {strides = array<i32>} : memref<2560xf32, #tpu.memory_space<vmem>>, vector<16xf32>,
    %mul3A_2567 = arith.mulf %get3A_2045, %get3A_2566 : vector<16xf32>
    %add3A_2568 = arith.addf %add3A_2564, %mul3A_2567 : vector<16xf32>
    %get3A_2569 = arith.constant 1648 : index
    %get3A_2570 = tpu.vector_load %arg8[%get3A_2569] {strides = array<i32>} : memref<2560xf32, #tpu.memory_space<vmem>>, vector<16xf32>,
    %mul3A_2571 = arith.mulf %get3A_2047, %get3A_2570 : vector<16xf32>
    %add3A_2572 = arith.addf %add3A_2568, %mul3A_2571 : vector<16xf32>
    %broadcast_in_dim3A_2573 = arith.constant 0.000000e+00 : f32
    %broadcast_in_dim3A_2574 = vector.broadcast %broadcast_in_dim3A_2573 : f32 to vector<16xf32>
    %reduce_sum3A_2575 = arith.constant true
    %reduce_sum3A_2576 = vector.broadcast %reduce_sum3A_2575 : i1 to vector<16xi1>
    %reduce_sum3A_2577 = tpu.scan <sum>, %add3A_2572 masked %reduce_sum3A_2576 : vector<16xf32>, vector<16xi1> -> vector<16xf32>
    %reduce_sum3A_2578 = vector.extract %reduce_sum3A_2577[15] : f32 from vector<16xf32>
    %add3A_2579 = vector.broadcast %reduce_sum3A_2578 : f32 to vector<16xf32>
    %add3A_2580 = arith.addf %broadcast_in_dim3A_2574, %add3A_2579 : vector<16xf32>
    %broadcast_in_dim3A_2581 = arith.constant 12 : i32
    %broadcast_in_dim3A_2582 = vector.broadcast %broadcast_in_dim3A_2581 : i32 to vector<16xi32>
    tpu.vector_store_idx %arg9[%broadcast_in_dim3A_2582], %add3A_2580 masked %eq3A_2051 : memref<20xf32, #tpu.memory_space<vmem>>[vector<16xi32>], vector<16xf32>, vector<16xi1>
    %get3A_2583 = arith.constant 1664 : index
    %get3A_2584 = tpu.vector_load %arg8[%get3A_2583] {strides = array<i32>} : memref<2560xf32, #tpu.memory_space<vmem>>, vector<16xf32>,
    %mul3A_2585 = arith.mulf %get3A_2033, %get3A_2584 : vector<16xf32>
    %get3A_2586 = arith.constant 1680 : index
    %get3A_2587 = tpu.vector_load %arg8[%get3A_2586] {strides = array<i32>} : memref<2560xf32, #tpu.memory_space<vmem>>, vector<16xf32>,
    %mul3A_2588 = arith.mulf %get3A_2035, %get3A_2587 : vector<16xf32>
    %add3A_2589 = arith.addf %mul3A_2585, %mul3A_2588 : vector<16xf32>
    %get3A_2590 = arith.constant 1696 : index
    %get3A_2591 = tpu.vector_load %arg8[%get3A_2590] {strides = array<i32>} : memref<2560xf32, #tpu.memory_space<vmem>>, vector<16xf32>,
    %mul3A_2592 = arith.mulf %get3A_2037, %get3A_2591 : vector<16xf32>
    %add3A_2593 = arith.addf %add3A_2589, %mul3A_2592 : vector<16xf32>
    %get3A_2594 = arith.constant 1712 : index
    %get3A_2595 = tpu.vector_load %arg8[%get3A_2594] {strides = array<i32>} : memref<2560xf32, #tpu.memory_space<vmem>>, vector<16xf32>,
    %mul3A_2596 = arith.mulf %get3A_2039, %get3A_2595 : vector<16xf32>
    %add3A_2597 = arith.addf %add3A_2593, %mul3A_2596 : vector<16xf32>
    %get3A_2598 = arith.constant 1728 : index
    %get3A_2599 = tpu.vector_load %arg8[%get3A_2598] {strides = array<i32>} : memref<2560xf32, #tpu.memory_space<vmem>>, vector<16xf32>,
    %mul3A_2600 = arith.mulf %get3A_2041, %get3A_2599 : vector<16xf32>
    %add3A_2601 = arith.addf %add3A_2597, %mul3A_2600 : vector<16xf32>
    %get3A_2602 = arith.constant 1744 : index
    %get3A_2603 = tpu.vector_load %arg8[%get3A_2602] {strides = array<i32>} : memref<2560xf32, #tpu.memory_space<vmem>>, vector<16xf32>,
    %mul3A_2604 = arith.mulf %get3A_2043, %get3A_2603 : vector<16xf32>
    %add3A_2605 = arith.addf %add3A_2601, %mul3A_2604 : vector<16xf32>
    %get3A_2606 = arith.constant 1760 : index
    %get3A_2607 = tpu.vector_load %arg8[%get3A_2606] {strides = array<i32>} : memref<2560xf32, #tpu.memory_space<vmem>>, vector<16xf32>,
    %mul3A_2608 = arith.mulf %get3A_2045, %get3A_2607 : vector<16xf32>
    %add3A_2609 = arith.addf %add3A_2605, %mul3A_2608 : vector<16xf32>
    %get3A_2610 = arith.constant 1776 : index
    %get3A_2611 = tpu.vector_load %arg8[%get3A_2610] {strides = array<i32>} : memref<2560xf32, #tpu.memory_space<vmem>>, vector<16xf32>,
    %mul3A_2612 = arith.mulf %get3A_2047, %get3A_2611 : vector<16xf32>
    %add3A_2613 = arith.addf %add3A_2609, %mul3A_2612 : vector<16xf32>
    %broadcast_in_dim3A_2614 = arith.constant 0.000000e+00 : f32
    %broadcast_in_dim3A_2615 = vector.broadcast %broadcast_in_dim3A_2614 : f32 to vector<16xf32>
    %reduce_sum3A_2616 = arith.constant true
    %reduce_sum3A_2617 = vector.broadcast %reduce_sum3A_2616 : i1 to vector<16xi1>
    %reduce_sum3A_2618 = tpu.scan <sum>, %add3A_2613 masked %reduce_sum3A_2617 : vector<16xf32>, vector<16xi1> -> vector<16xf32>
    %reduce_sum3A_2619 = vector.extract %reduce_sum3A_2618[15] : f32 from vector<16xf32>
    %add3A_2620 = vector.broadcast %reduce_sum3A_2619 : f32 to vector<16xf32>
    %add3A_2621 = arith.addf %broadcast_in_dim3A_2615, %add3A_2620 : vector<16xf32>
    %broadcast_in_dim3A_2622 = arith.constant 13 : i32
    %broadcast_in_dim3A_2623 = vector.broadcast %broadcast_in_dim3A_2622 : i32 to vector<16xi32>
    tpu.vector_store_idx %arg9[%broadcast_in_dim3A_2623], %add3A_2621 masked %eq3A_2051 : memref<20xf32, #tpu.memory_space<vmem>>[vector<16xi32>], vector<16xf32>, vector<16xi1>
    %get3A_2624 = arith.constant 1792 : index
    %get3A_2625 = tpu.vector_load %arg8[%get3A_2624] {strides = array<i32>} : memref<2560xf32, #tpu.memory_space<vmem>>, vector<16xf32>,
    %mul3A_2626 = arith.mulf %get3A_2033, %get3A_2625 : vector<16xf32>
    %get3A_2627 = arith.constant 1808 : index
    %get3A_2628 = tpu.vector_load %arg8[%get3A_2627] {strides = array<i32>} : memref<2560xf32, #tpu.memory_space<vmem>>, vector<16xf32>,
    %mul3A_2629 = arith.mulf %get3A_2035, %get3A_2628 : vector<16xf32>
    %add3A_2630 = arith.addf %mul3A_2626, %mul3A_2629 : vector<16xf32>
    %get3A_2631 = arith.constant 1824 : index
    %get3A_2632 = tpu.vector_load %arg8[%get3A_2631] {strides = array<i32>} : memref<2560xf32, #tpu.memory_space<vmem>>, vector<16xf32>,
    %mul3A_2633 = arith.mulf %get3A_2037, %get3A_2632 : vector<16xf32>
    %add3A_2634 = arith.addf %add3A_2630, %mul3A_2633 : vector<16xf32>
    %get3A_2635 = arith.constant 1840 : index
    %get3A_2636 = tpu.vector_load %arg8[%get3A_2635] {strides = array<i32>} : memref<2560xf32, #tpu.memory_space<vmem>>, vector<16xf32>,
    %mul3A_2637 = arith.mulf %get3A_2039, %get3A_2636 : vector<16xf32>
    %add3A_2638 = arith.addf %add3A_2634, %mul3A_2637 : vector<16xf32>
    %get3A_2639 = arith.constant 1856 : index
    %get3A_2640 = tpu.vector_load %arg8[%get3A_2639] {strides = array<i32>} : memref<2560xf32, #tpu.memory_space<vmem>>, vector<16xf32>,
    %mul3A_2641 = arith.mulf %get3A_2041, %get3A_2640 : vector<16xf32>
    %add3A_2642 = arith.addf %add3A_2638, %mul3A_2641 : vector<16xf32>
    %get3A_2643 = arith.constant 1872 : index
    %get3A_2644 = tpu.vector_load %arg8[%get3A_2643] {strides = array<i32>} : memref<2560xf32, #tpu.memory_space<vmem>>, vector<16xf32>,
    %mul3A_2645 = arith.mulf %get3A_2043, %get3A_2644 : vector<16xf32>
    %add3A_2646 = arith.addf %add3A_2642, %mul3A_2645 : vector<16xf32>
    %get3A_2647 = arith.constant 1888 : index
    %get3A_2648 = tpu.vector_load %arg8[%get3A_2647] {strides = array<i32>} : memref<2560xf32, #tpu.memory_space<vmem>>, vector<16xf32>,
    %mul3A_2649 = arith.mulf %get3A_2045, %get3A_2648 : vector<16xf32>
    %add3A_2650 = arith.addf %add3A_2646, %mul3A_2649 : vector<16xf32>
    %get3A_2651 = arith.constant 1904 : index
    %get3A_2652 = tpu.vector_load %arg8[%get3A_2651] {strides = array<i32>} : memref<2560xf32, #tpu.memory_space<vmem>>, vector<16xf32>,
    %mul3A_2653 = arith.mulf %get3A_2047, %get3A_2652 : vector<16xf32>
    %add3A_2654 = arith.addf %add3A_2650, %mul3A_2653 : vector<16xf32>
    %broadcast_in_dim3A_2655 = arith.constant 0.000000e+00 : f32
    %broadcast_in_dim3A_2656 = vector.broadcast %broadcast_in_dim3A_2655 : f32 to vector<16xf32>
    %reduce_sum3A_2657 = arith.constant true
    %reduce_sum3A_2658 = vector.broadcast %reduce_sum3A_2657 : i1 to vector<16xi1>
    %reduce_sum3A_2659 = tpu.scan <sum>, %add3A_2654 masked %reduce_sum3A_2658 : vector<16xf32>, vector<16xi1> -> vector<16xf32>
    %reduce_sum3A_2660 = vector.extract %reduce_sum3A_2659[15] : f32 from vector<16xf32>
    %add3A_2661 = vector.broadcast %reduce_sum3A_2660 : f32 to vector<16xf32>
    %add3A_2662 = arith.addf %broadcast_in_dim3A_2656, %add3A_2661 : vector<16xf32>
    %broadcast_in_dim3A_2663 = arith.constant 14 : i32
    %broadcast_in_dim3A_2664 = vector.broadcast %broadcast_in_dim3A_2663 : i32 to vector<16xi32>
    tpu.vector_store_idx %arg9[%broadcast_in_dim3A_2664], %add3A_2662 masked %eq3A_2051 : memref<20xf32, #tpu.memory_space<vmem>>[vector<16xi32>], vector<16xf32>, vector<16xi1>
    %get3A_2665 = arith.constant 1920 : index
    %get3A_2666 = tpu.vector_load %arg8[%get3A_2665] {strides = array<i32>} : memref<2560xf32, #tpu.memory_space<vmem>>, vector<16xf32>,
    %mul3A_2667 = arith.mulf %get3A_2033, %get3A_2666 : vector<16xf32>
    %get3A_2668 = arith.constant 1936 : index
    %get3A_2669 = tpu.vector_load %arg8[%get3A_2668] {strides = array<i32>} : memref<2560xf32, #tpu.memory_space<vmem>>, vector<16xf32>,
    %mul3A_2670 = arith.mulf %get3A_2035, %get3A_2669 : vector<16xf32>
    %add3A_2671 = arith.addf %mul3A_2667, %mul3A_2670 : vector<16xf32>
    %get3A_2672 = arith.constant 1952 : index
    %get3A_2673 = tpu.vector_load %arg8[%get3A_2672] {strides = array<i32>} : memref<2560xf32, #tpu.memory_space<vmem>>, vector<16xf32>,
    %mul3A_2674 = arith.mulf %get3A_2037, %get3A_2673 : vector<16xf32>
    %add3A_2675 = arith.addf %add3A_2671, %mul3A_2674 : vector<16xf32>
    %get3A_2676 = arith.constant 1968 : index
    %get3A_2677 = tpu.vector_load %arg8[%get3A_2676] {strides = array<i32>} : memref<2560xf32, #tpu.memory_space<vmem>>, vector<16xf32>,
    %mul3A_2678 = arith.mulf %get3A_2039, %get3A_2677 : vector<16xf32>
    %add3A_2679 = arith.addf %add3A_2675, %mul3A_2678 : vector<16xf32>
    %get3A_2680 = arith.constant 1984 : index
    %get3A_2681 = tpu.vector_load %arg8[%get3A_2680] {strides = array<i32>} : memref<2560xf32, #tpu.memory_space<vmem>>, vector<16xf32>,
    %mul3A_2682 = arith.mulf %get3A_2041, %get3A_2681 : vector<16xf32>
    %add3A_2683 = arith.addf %add3A_2679, %mul3A_2682 : vector<16xf32>
    %get3A_2684 = arith.constant 2000 : index
    %get3A_2685 = tpu.vector_load %arg8[%get3A_2684] {strides = array<i32>} : memref<2560xf32, #tpu.memory_space<vmem>>, vector<16xf32>,
    %mul3A_2686 = arith.mulf %get3A_2043, %get3A_2685 : vector<16xf32>
    %add3A_2687 = arith.addf %add3A_2683, %mul3A_2686 : vector<16xf32>
    %get3A_2688 = arith.constant 2016 : index
    %get3A_2689 = tpu.vector_load %arg8[%get3A_2688] {strides = array<i32>} : memref<2560xf32, #tpu.memory_space<vmem>>, vector<16xf32>,
    %mul3A_2690 = arith.mulf %get3A_2045, %get3A_2689 : vector<16xf32>
    %add3A_2691 = arith.addf %add3A_2687, %mul3A_2690 : vector<16xf32>
    %get3A_2692 = arith.constant 2032 : index
    %get3A_2693 = tpu.vector_load %arg8[%get3A_2692] {strides = array<i32>} : memref<2560xf32, #tpu.memory_space<vmem>>, vector<16xf32>,
    %mul3A_2694 = arith.mulf %get3A_2047, %get3A_2693 : vector<16xf32>
    %add3A_2695 = arith.addf %add3A_2691, %mul3A_2694 : vector<16xf32>
    %broadcast_in_dim3A_2696 = arith.constant 0.000000e+00 : f32
    %broadcast_in_dim3A_2697 = vector.broadcast %broadcast_in_dim3A_2696 : f32 to vector<16xf32>
    %reduce_sum3A_2698 = arith.constant true
    %reduce_sum3A_2699 = vector.broadcast %reduce_sum3A_2698 : i1 to vector<16xi1>
    %reduce_sum3A_2700 = tpu.scan <sum>, %add3A_2695 masked %reduce_sum3A_2699 : vector<16xf32>, vector<16xi1> -> vector<16xf32>
    %reduce_sum3A_2701 = vector.extract %reduce_sum3A_2700[15] : f32 from vector<16xf32>
    %add3A_2702 = vector.broadcast %reduce_sum3A_2701 : f32 to vector<16xf32>
    %add3A_2703 = arith.addf %broadcast_in_dim3A_2697, %add3A_2702 : vector<16xf32>
    %broadcast_in_dim3A_2704 = arith.constant 15 : i32
    %broadcast_in_dim3A_2705 = vector.broadcast %broadcast_in_dim3A_2704 : i32 to vector<16xi32>
    tpu.vector_store_idx %arg9[%broadcast_in_dim3A_2705], %add3A_2703 masked %eq3A_2051 : memref<20xf32, #tpu.memory_space<vmem>>[vector<16xi32>], vector<16xf32>, vector<16xi1>
    %get3A_2706 = arith.constant 2048 : index
    %get3A_2707 = tpu.vector_load %arg8[%get3A_2706] {strides = array<i32>} : memref<2560xf32, #tpu.memory_space<vmem>>, vector<16xf32>,
    %mul3A_2708 = arith.mulf %get3A_2033, %get3A_2707 : vector<16xf32>
    %get3A_2709 = arith.constant 2064 : index
    %get3A_2710 = tpu.vector_load %arg8[%get3A_2709] {strides = array<i32>} : memref<2560xf32, #tpu.memory_space<vmem>>, vector<16xf32>,
    %mul3A_2711 = arith.mulf %get3A_2035, %get3A_2710 : vector<16xf32>
    %add3A_2712 = arith.addf %mul3A_2708, %mul3A_2711 : vector<16xf32>
    %get3A_2713 = arith.constant 2080 : index
    %get3A_2714 = tpu.vector_load %arg8[%get3A_2713] {strides = array<i32>} : memref<2560xf32, #tpu.memory_space<vmem>>, vector<16xf32>,
    %mul3A_2715 = arith.mulf %get3A_2037, %get3A_2714 : vector<16xf32>
    %add3A_2716 = arith.addf %add3A_2712, %mul3A_2715 : vector<16xf32>
    %get3A_2717 = arith.constant 2096 : index
    %get3A_2718 = tpu.vector_load %arg8[%get3A_2717] {strides = array<i32>} : memref<2560xf32, #tpu.memory_space<vmem>>, vector<16xf32>,
    %mul3A_2719 = arith.mulf %get3A_2039, %get3A_2718 : vector<16xf32>
    %add3A_2720 = arith.addf %add3A_2716, %mul3A_2719 : vector<16xf32>
    %get3A_2721 = arith.constant 2112 : index
    %get3A_2722 = tpu.vector_load %arg8[%get3A_2721] {strides = array<i32>} : memref<2560xf32, #tpu.memory_space<vmem>>, vector<16xf32>,
    %mul3A_2723 = arith.mulf %get3A_2041, %get3A_2722 : vector<16xf32>
    %add3A_2724 = arith.addf %add3A_2720, %mul3A_2723 : vector<16xf32>
    %get3A_2725 = arith.constant 2128 : index
    %get3A_2726 = tpu.vector_load %arg8[%get3A_2725] {strides = array<i32>} : memref<2560xf32, #tpu.memory_space<vmem>>, vector<16xf32>,
    %mul3A_2727 = arith.mulf %get3A_2043, %get3A_2726 : vector<16xf32>
    %add3A_2728 = arith.addf %add3A_2724, %mul3A_2727 : vector<16xf32>
    %get3A_2729 = arith.constant 2144 : index
    %get3A_2730 = tpu.vector_load %arg8[%get3A_2729] {strides = array<i32>} : memref<2560xf32, #tpu.memory_space<vmem>>, vector<16xf32>,
    %mul3A_2731 = arith.mulf %get3A_2045, %get3A_2730 : vector<16xf32>
    %add3A_2732 = arith.addf %add3A_2728, %mul3A_2731 : vector<16xf32>
    %get3A_2733 = arith.constant 2160 : index
    %get3A_2734 = tpu.vector_load %arg8[%get3A_2733] {strides = array<i32>} : memref<2560xf32, #tpu.memory_space<vmem>>, vector<16xf32>,
    %mul3A_2735 = arith.mulf %get3A_2047, %get3A_2734 : vector<16xf32>
    %add3A_2736 = arith.addf %add3A_2732, %mul3A_2735 : vector<16xf32>
    %broadcast_in_dim3A_2737 = arith.constant 0.000000e+00 : f32
    %broadcast_in_dim3A_2738 = vector.broadcast %broadcast_in_dim3A_2737 : f32 to vector<16xf32>
    %reduce_sum3A_2739 = arith.constant true
    %reduce_sum3A_2740 = vector.broadcast %reduce_sum3A_2739 : i1 to vector<16xi1>
    %reduce_sum3A_2741 = tpu.scan <sum>, %add3A_2736 masked %reduce_sum3A_2740 : vector<16xf32>, vector<16xi1> -> vector<16xf32>
    %reduce_sum3A_2742 = vector.extract %reduce_sum3A_2741[15] : f32 from vector<16xf32>
    %add3A_2743 = vector.broadcast %reduce_sum3A_2742 : f32 to vector<16xf32>
    %add3A_2744 = arith.addf %broadcast_in_dim3A_2738, %add3A_2743 : vector<16xf32>
    %broadcast_in_dim3A_2745 = arith.constant 16 : i32
    %broadcast_in_dim3A_2746 = vector.broadcast %broadcast_in_dim3A_2745 : i32 to vector<16xi32>
    tpu.vector_store_idx %arg9[%broadcast_in_dim3A_2746], %add3A_2744 masked %eq3A_2051 : memref<20xf32, #tpu.memory_space<vmem>>[vector<16xi32>], vector<16xf32>, vector<16xi1>
    %get3A_2747 = arith.constant 2176 : index
    %get3A_2748 = tpu.vector_load %arg8[%get3A_2747] {strides = array<i32>} : memref<2560xf32, #tpu.memory_space<vmem>>, vector<16xf32>,
    %mul3A_2749 = arith.mulf %get3A_2033, %get3A_2748 : vector<16xf32>
    %get3A_2750 = arith.constant 2192 : index
    %get3A_2751 = tpu.vector_load %arg8[%get3A_2750] {strides = array<i32>} : memref<2560xf32, #tpu.memory_space<vmem>>, vector<16xf32>,
    %mul3A_2752 = arith.mulf %get3A_2035, %get3A_2751 : vector<16xf32>
    %add3A_2753 = arith.addf %mul3A_2749, %mul3A_2752 : vector<16xf32>
    %get3A_2754 = arith.constant 2208 : index
    %get3A_2755 = tpu.vector_load %arg8[%get3A_2754] {strides = array<i32>} : memref<2560xf32, #tpu.memory_space<vmem>>, vector<16xf32>,
    %mul3A_2756 = arith.mulf %get3A_2037, %get3A_2755 : vector<16xf32>
    %add3A_2757 = arith.addf %add3A_2753, %mul3A_2756 : vector<16xf32>
    %get3A_2758 = arith.constant 2224 : index
    %get3A_2759 = tpu.vector_load %arg8[%get3A_2758] {strides = array<i32>} : memref<2560xf32, #tpu.memory_space<vmem>>, vector<16xf32>,
    %mul3A_2760 = arith.mulf %get3A_2039, %get3A_2759 : vector<16xf32>
    %add3A_2761 = arith.addf %add3A_2757, %mul3A_2760 : vector<16xf32>
    %get3A_2762 = arith.constant 2240 : index
    %get3A_2763 = tpu.vector_load %arg8[%get3A_2762] {strides = array<i32>} : memref<2560xf32, #tpu.memory_space<vmem>>, vector<16xf32>,
    %mul3A_2764 = arith.mulf %get3A_2041, %get3A_2763 : vector<16xf32>
    %add3A_2765 = arith.addf %add3A_2761, %mul3A_2764 : vector<16xf32>
    %get3A_2766 = arith.constant 2256 : index
    %get3A_2767 = tpu.vector_load %arg8[%get3A_2766] {strides = array<i32>} : memref<2560xf32, #tpu.memory_space<vmem>>, vector<16xf32>,
    %mul3A_2768 = arith.mulf %get3A_2043, %get3A_2767 : vector<16xf32>
    %add3A_2769 = arith.addf %add3A_2765, %mul3A_2768 : vector<16xf32>
    %get3A_2770 = arith.constant 2272 : index
    %get3A_2771 = tpu.vector_load %arg8[%get3A_2770] {strides = array<i32>} : memref<2560xf32, #tpu.memory_space<vmem>>, vector<16xf32>,
    %mul3A_2772 = arith.mulf %get3A_2045, %get3A_2771 : vector<16xf32>
    %add3A_2773 = arith.addf %add3A_2769, %mul3A_2772 : vector<16xf32>
    %get3A_2774 = arith.constant 2288 : index
    %get3A_2775 = tpu.vector_load %arg8[%get3A_2774] {strides = array<i32>} : memref<2560xf32, #tpu.memory_space<vmem>>, vector<16xf32>,
    %mul3A_2776 = arith.mulf %get3A_2047, %get3A_2775 : vector<16xf32>
    %add3A_2777 = arith.addf %add3A_2773, %mul3A_2776 : vector<16xf32>
    %broadcast_in_dim3A_2778 = arith.constant 0.000000e+00 : f32
    %broadcast_in_dim3A_2779 = vector.broadcast %broadcast_in_dim3A_2778 : f32 to vector<16xf32>
    %reduce_sum3A_2780 = arith.constant true
    %reduce_sum3A_2781 = vector.broadcast %reduce_sum3A_2780 : i1 to vector<16xi1>
    %reduce_sum3A_2782 = tpu.scan <sum>, %add3A_2777 masked %reduce_sum3A_2781 : vector<16xf32>, vector<16xi1> -> vector<16xf32>
    %reduce_sum3A_2783 = vector.extract %reduce_sum3A_2782[15] : f32 from vector<16xf32>
    %add3A_2784 = vector.broadcast %reduce_sum3A_2783 : f32 to vector<16xf32>
    %add3A_2785 = arith.addf %broadcast_in_dim3A_2779, %add3A_2784 : vector<16xf32>
    %broadcast_in_dim3A_2786 = arith.constant 17 : i32
    %broadcast_in_dim3A_2787 = vector.broadcast %broadcast_in_dim3A_2786 : i32 to vector<16xi32>
    tpu.vector_store_idx %arg9[%broadcast_in_dim3A_2787], %add3A_2785 masked %eq3A_2051 : memref<20xf32, #tpu.memory_space<vmem>>[vector<16xi32>], vector<16xf32>, vector<16xi1>
    %get3A_2788 = arith.constant 2304 : index
    %get3A_2789 = tpu.vector_load %arg8[%get3A_2788] {strides = array<i32>} : memref<2560xf32, #tpu.memory_space<vmem>>, vector<16xf32>,
    %mul3A_2790 = arith.mulf %get3A_2033, %get3A_2789 : vector<16xf32>
    %get3A_2791 = arith.constant 2320 : index
    %get3A_2792 = tpu.vector_load %arg8[%get3A_2791] {strides = array<i32>} : memref<2560xf32, #tpu.memory_space<vmem>>, vector<16xf32>,
    %mul3A_2793 = arith.mulf %get3A_2035, %get3A_2792 : vector<16xf32>
    %add3A_2794 = arith.addf %mul3A_2790, %mul3A_2793 : vector<16xf32>
    %get3A_2795 = arith.constant 2336 : index
    %get3A_2796 = tpu.vector_load %arg8[%get3A_2795] {strides = array<i32>} : memref<2560xf32, #tpu.memory_space<vmem>>, vector<16xf32>,
    %mul3A_2797 = arith.mulf %get3A_2037, %get3A_2796 : vector<16xf32>
    %add3A_2798 = arith.addf %add3A_2794, %mul3A_2797 : vector<16xf32>
    %get3A_2799 = arith.constant 2352 : index
    %get3A_2800 = tpu.vector_load %arg8[%get3A_2799] {strides = array<i32>} : memref<2560xf32, #tpu.memory_space<vmem>>, vector<16xf32>,
    %mul3A_2801 = arith.mulf %get3A_2039, %get3A_2800 : vector<16xf32>
    %add3A_2802 = arith.addf %add3A_2798, %mul3A_2801 : vector<16xf32>
    %get3A_2803 = arith.constant 2368 : index
    %get3A_2804 = tpu.vector_load %arg8[%get3A_2803] {strides = array<i32>} : memref<2560xf32, #tpu.memory_space<vmem>>, vector<16xf32>,
    %mul3A_2805 = arith.mulf %get3A_2041, %get3A_2804 : vector<16xf32>
    %add3A_2806 = arith.addf %add3A_2802, %mul3A_2805 : vector<16xf32>
    %get3A_2807 = arith.constant 2384 : index
    %get3A_2808 = tpu.vector_load %arg8[%get3A_2807] {strides = array<i32>} : memref<2560xf32, #tpu.memory_space<vmem>>, vector<16xf32>,
    %mul3A_2809 = arith.mulf %get3A_2043, %get3A_2808 : vector<16xf32>
    %add3A_2810 = arith.addf %add3A_2806, %mul3A_2809 : vector<16xf32>
    %get3A_2811 = arith.constant 2400 : index
    %get3A_2812 = tpu.vector_load %arg8[%get3A_2811] {strides = array<i32>} : memref<2560xf32, #tpu.memory_space<vmem>>, vector<16xf32>,
    %mul3A_2813 = arith.mulf %get3A_2045, %get3A_2812 : vector<16xf32>
    %add3A_2814 = arith.addf %add3A_2810, %mul3A_2813 : vector<16xf32>
    %get3A_2815 = arith.constant 2416 : index
    %get3A_2816 = tpu.vector_load %arg8[%get3A_2815] {strides = array<i32>} : memref<2560xf32, #tpu.memory_space<vmem>>, vector<16xf32>,
    %mul3A_2817 = arith.mulf %get3A_2047, %get3A_2816 : vector<16xf32>
    %add3A_2818 = arith.addf %add3A_2814, %mul3A_2817 : vector<16xf32>
    %broadcast_in_dim3A_2819 = arith.constant 0.000000e+00 : f32
    %broadcast_in_dim3A_2820 = vector.broadcast %broadcast_in_dim3A_2819 : f32 to vector<16xf32>
    %reduce_sum3A_2821 = arith.constant true
    %reduce_sum3A_2822 = vector.broadcast %reduce_sum3A_2821 : i1 to vector<16xi1>
    %reduce_sum3A_2823 = tpu.scan <sum>, %add3A_2818 masked %reduce_sum3A_2822 : vector<16xf32>, vector<16xi1> -> vector<16xf32>
    %reduce_sum3A_2824 = vector.extract %reduce_sum3A_2823[15] : f32 from vector<16xf32>
    %add3A_2825 = vector.broadcast %reduce_sum3A_2824 : f32 to vector<16xf32>
    %add3A_2826 = arith.addf %broadcast_in_dim3A_2820, %add3A_2825 : vector<16xf32>
    %broadcast_in_dim3A_2827 = arith.constant 18 : i32
    %broadcast_in_dim3A_2828 = vector.broadcast %broadcast_in_dim3A_2827 : i32 to vector<16xi32>
    tpu.vector_store_idx %arg9[%broadcast_in_dim3A_2828], %add3A_2826 masked %eq3A_2051 : memref<20xf32, #tpu.memory_space<vmem>>[vector<16xi32>], vector<16xf32>, vector<16xi1>
    %get3A_2829 = arith.constant 2432 : index
    %get3A_2830 = tpu.vector_load %arg8[%get3A_2829] {strides = array<i32>} : memref<2560xf32, #tpu.memory_space<vmem>>, vector<16xf32>,
    %mul3A_2831 = arith.mulf %get3A_2033, %get3A_2830 : vector<16xf32>
    %get3A_2832 = arith.constant 2448 : index
    %get3A_2833 = tpu.vector_load %arg8[%get3A_2832] {strides = array<i32>} : memref<2560xf32, #tpu.memory_space<vmem>>, vector<16xf32>,
    %mul3A_2834 = arith.mulf %get3A_2035, %get3A_2833 : vector<16xf32>
    %add3A_2835 = arith.addf %mul3A_2831, %mul3A_2834 : vector<16xf32>
    %get3A_2836 = arith.constant 2464 : index
    %get3A_2837 = tpu.vector_load %arg8[%get3A_2836] {strides = array<i32>} : memref<2560xf32, #tpu.memory_space<vmem>>, vector<16xf32>,
    %mul3A_2838 = arith.mulf %get3A_2037, %get3A_2837 : vector<16xf32>
    %add3A_2839 = arith.addf %add3A_2835, %mul3A_2838 : vector<16xf32>
    %get3A_2840 = arith.constant 2480 : index
    %get3A_2841 = tpu.vector_load %arg8[%get3A_2840] {strides = array<i32>} : memref<2560xf32, #tpu.memory_space<vmem>>, vector<16xf32>,
    %mul3A_2842 = arith.mulf %get3A_2039, %get3A_2841 : vector<16xf32>
    %add3A_2843 = arith.addf %add3A_2839, %mul3A_2842 : vector<16xf32>
    %get3A_2844 = arith.constant 2496 : index
    %get3A_2845 = tpu.vector_load %arg8[%get3A_2844] {strides = array<i32>} : memref<2560xf32, #tpu.memory_space<vmem>>, vector<16xf32>,
    %mul3A_2846 = arith.mulf %get3A_2041, %get3A_2845 : vector<16xf32>
    %add3A_2847 = arith.addf %add3A_2843, %mul3A_2846 : vector<16xf32>
    %get3A_2848 = arith.constant 2512 : index
    %get3A_2849 = tpu.vector_load %arg8[%get3A_2848] {strides = array<i32>} : memref<2560xf32, #tpu.memory_space<vmem>>, vector<16xf32>,
    %mul3A_2850 = arith.mulf %get3A_2043, %get3A_2849 : vector<16xf32>
    %add3A_2851 = arith.addf %add3A_2847, %mul3A_2850 : vector<16xf32>
    %get3A_2852 = arith.constant 2528 : index
    %get3A_2853 = tpu.vector_load %arg8[%get3A_2852] {strides = array<i32>} : memref<2560xf32, #tpu.memory_space<vmem>>, vector<16xf32>,
    %mul3A_2854 = arith.mulf %get3A_2045, %get3A_2853 : vector<16xf32>
    %add3A_2855 = arith.addf %add3A_2851, %mul3A_2854 : vector<16xf32>
    %get3A_2856 = arith.constant 2544 : index
    %get3A_2857 = tpu.vector_load %arg8[%get3A_2856] {strides = array<i32>} : memref<2560xf32, #tpu.memory_space<vmem>>, vector<16xf32>,
    %mul3A_2858 = arith.mulf %get3A_2047, %get3A_2857 : vector<16xf32>
    %add3A_2859 = arith.addf %add3A_2855, %mul3A_2858 : vector<16xf32>
    %broadcast_in_dim3A_2860 = arith.constant 0.000000e+00 : f32
    %broadcast_in_dim3A_2861 = vector.broadcast %broadcast_in_dim3A_2860 : f32 to vector<16xf32>
    %reduce_sum3A_2862 = arith.constant true
    %reduce_sum3A_2863 = vector.broadcast %reduce_sum3A_2862 : i1 to vector<16xi1>
    %reduce_sum3A_2864 = tpu.scan <sum>, %add3A_2859 masked %reduce_sum3A_2863 : vector<16xf32>, vector<16xi1> -> vector<16xf32>
    %reduce_sum3A_2865 = vector.extract %reduce_sum3A_2864[15] : f32 from vector<16xf32>
    %add3A_2866 = vector.broadcast %reduce_sum3A_2865 : f32 to vector<16xf32>
    %add3A_2867 = arith.addf %broadcast_in_dim3A_2861, %add3A_2866 : vector<16xf32>
    %broadcast_in_dim3A_2868 = arith.constant 19 : i32
    %broadcast_in_dim3A_2869 = vector.broadcast %broadcast_in_dim3A_2868 : i32 to vector<16xi32>
    tpu.vector_store_idx %arg9[%broadcast_in_dim3A_2869], %add3A_2867 masked %eq3A_2051 : memref<20xf32, #tpu.memory_space<vmem>>[vector<16xi32>], vector<16xf32>, vector<16xi1>
    %get3A_2870 = arith.constant 0 : index
    %get3A_2871 = tpu.vector_load %arg9[%get3A_2870] {strides = array<i32>} : memref<20xf32, #tpu.memory_space<vmem>>, vector<16xf32>,
    %get3A_2872 = arith.constant 4 : index
    %get3A_2873 = tpu.vector_load %arg9[%get3A_2872] {strides = array<i32>} : memref<20xf32, #tpu.memory_space<vmem>>, vector<16xf32>,
    %broadcast_in_dim3A_2874 = arith.constant 0.000000e+00 : f32
    %broadcast_in_dim3A_2875 = vector.broadcast %broadcast_in_dim3A_2874 : f32 to vector<16xf32>
    %scan3A = arith.constant 0 : i32
    %scan3A_2876 = arith.constant 0 : i32
    %scan3A_2877 = arith.constant 48 : i32
    %scan3A_2878 = arith.addi %scan3A_2876, %scan3A_2877 : i32
    %scan3A_2879 = arith.constant 1 : i32
    %scan3A_2880 = scf.for %scan3A_2975 = %scan3A_2876 to %scan3A_2878 step %scan3A_2879 iter_args(%scan3A_2976 = %scan3A) -> (i32)  : i32 {
      %add3A_2977 = arith.addi %mul3A_32, %scan3A_2975 : i32
      %jit3A_2978 = arith.constant 8 : i32
      %div3A_2979 = arith.divsi %scan3A_2975, %jit3A_2978 : i32
      %sign3A_2980 = arith.constant 0 : i32
      %sign3A_2981 = arith.cmpi sgt, %scan3A_2975, %sign3A_2980 : i32
      %sign3A_2982 = arith.extui %sign3A_2981 : i1 to i32
      %sign3A_2983 = arith.constant 0 : i32
      %sign3A_2984 = arith.cmpi slt, %scan3A_2975, %sign3A_2983 : i32
      %sign3A_2985 = arith.extui %sign3A_2984 : i1 to i32
      %sign3A_2986 = arith.subi %sign3A_2982, %sign3A_2985 : i32
      %sign3A_2987 = arith.constant 0 : i32
      %sign3A_2988 = arith.cmpi sgt, %jit3A_2978, %sign3A_2987 : i32
      %sign3A_2989 = arith.extui %sign3A_2988 : i1 to i32
      %sign3A_2990 = arith.constant 0 : i32
      %sign3A_2991 = arith.cmpi slt, %jit3A_2978, %sign3A_2990 : i32
      %sign3A_2992 = arith.extui %sign3A_2991 : i1 to i32
      %sign3A_2993 = arith.subi %sign3A_2989, %sign3A_2992 : i32
      %ne3A_2994 = arith.cmpi ne, %sign3A_2986, %sign3A_2993 : i32
      %rem3A_2995 = arith.remsi %scan3A_2975, %jit3A_2978 : i32
      %ne3A_2996 = arith.constant 0 : i32
      %ne3A_2997 = arith.cmpi ne, %rem3A_2995, %ne3A_2996 : i32
      %and3A_2998 = arith.andi %ne3A_2994, %ne3A_2997 : i1
      %sub3A_2999 = arith.constant 1 : i32
      %sub3A_3000 = arith.subi %div3A_2979, %sub3A_2999 : i32
      %select_n3A_3001 = arith.select %and3A_2998, %sub3A_3000, %div3A_2979 : i32
      %mul3A_3002 = arith.constant 3072 : i32
      %mul3A_3003 = arith.muli %select_n3A_3001, %mul3A_3002 : i32
      %jit3A_3004 = arith.constant 8 : i32
      %eq3A_3005 = arith.constant 0 : i32
      %eq3A_3006 = arith.cmpi eq, %jit3A_3004, %eq3A_3005 : i32
      %jit3A_3007 = arith.constant 1 : i32
      %select_n3A_3008 = arith.select %eq3A_3006, %jit3A_3007, %jit3A_3004 : i32
      %rem3A_3009 = arith.remsi %scan3A_2975, %select_n3A_3008 : i32
      %ne3A_3010 = arith.constant 0 : i32
      %ne3A_3011 = arith.cmpi ne, %rem3A_3009, %ne3A_3010 : i32
      %lt3A_3012 = arith.constant 0 : i32
      %lt3A_3013 = arith.cmpi slt, %rem3A_3009, %lt3A_3012 : i32
      %lt3A_3014 = arith.constant 0 : i32
      %lt3A_3015 = arith.cmpi slt, %select_n3A_3008, %lt3A_3014 : i32
      %ne3A_3016 = arith.xori %lt3A_3013, %lt3A_3015 : i1
      %and3A_3017 = arith.andi %ne3A_3016, %ne3A_3011 : i1
      %add3A_3018 = arith.addi %rem3A_3009, %select_n3A_3008 : i32
      %select_n3A_3019 = arith.select %and3A_3017, %add3A_3018, %rem3A_3009 : i32
      %mul3A_3020 = arith.constant 128 : i32
      %mul3A_3021 = arith.muli %select_n3A_3019, %mul3A_3020 : i32
      %add3A_3022 = arith.addi %mul3A_3003, %mul3A_3021 : i32
      %lt3A_3023 = arith.constant 20 : i32
      %lt3A_3024 = arith.cmpi slt, %add3A_2977, %lt3A_3023 : i32
      %convert_element_type3A = arith.extui %lt3A_3024 : i1 to i32
      %cond3A = arith.constant 0 : i32
      %cond3A_3025 = arith.cmpi ne, %convert_element_type3A, %cond3A : i32
      scf.if %cond3A_3025 {
        %add3A_3027 = arith.constant 0 : i32
        %add3A_3028 = arith.addi %add3A_3022, %add3A_3027 : i32
        %add3A_3029 = arith.constant 0 : i32
        %add3A_3030 = arith.addi %add3A_3028, %add3A_3029 : i32
        %swap3A = arith.index_cast %add3A_3030 : i32 to index
        %swap3A_3031 = tpu.vector_load %arg10[%swap3A] {strides = array<i32>} : memref<70656xf32, #tpu.memory_space<vmem>>, vector<16xf32>,
        tpu.vector_store %arg10[%swap3A], %broadcast_in_dim3A_2875 {strides = array<i32>} : memref<70656xf32, #tpu.memory_space<vmem>>, vector<16xf32>,
        %add3A_3032 = arith.constant 0 : i32
        %add3A_3033 = arith.addi %add3A_3022, %add3A_3032 : i32
        %add3A_3034 = arith.constant 16 : i32
        %add3A_3035 = arith.addi %add3A_3033, %add3A_3034 : i32
        %swap3A_3036 = arith.index_cast %add3A_3035 : i32 to index
        %swap3A_3037 = tpu.vector_load %arg10[%swap3A_3036] {strides = array<i32>} : memref<70656xf32, #tpu.memory_space<vmem>>, vector<16xf32>,
        tpu.vector_store %arg10[%swap3A_3036], %broadcast_in_dim3A_2875 {strides = array<i32>} : memref<70656xf32, #tpu.memory_space<vmem>>, vector<16xf32>,
        %add3A_3038 = arith.constant 0 : i32
        %add3A_3039 = arith.addi %add3A_3022, %add3A_3038 : i32
        %add3A_3040 = arith.constant 32 : i32
        %add3A_3041 = arith.addi %add3A_3039, %add3A_3040 : i32
        %swap3A_3042 = arith.index_cast %add3A_3041 : i32 to index
        %swap3A_3043 = tpu.vector_load %arg10[%swap3A_3042] {strides = array<i32>} : memref<70656xf32, #tpu.memory_space<vmem>>, vector<16xf32>,
        tpu.vector_store %arg10[%swap3A_3042], %broadcast_in_dim3A_2875 {strides = array<i32>} : memref<70656xf32, #tpu.memory_space<vmem>>, vector<16xf32>,
        %add3A_3044 = arith.constant 0 : i32
        %add3A_3045 = arith.addi %add3A_3022, %add3A_3044 : i32
        %add3A_3046 = arith.constant 48 : i32
        %add3A_3047 = arith.addi %add3A_3045, %add3A_3046 : i32
        %swap3A_3048 = arith.index_cast %add3A_3047 : i32 to index
        %swap3A_3049 = tpu.vector_load %arg10[%swap3A_3048] {strides = array<i32>} : memref<70656xf32, #tpu.memory_space<vmem>>, vector<16xf32>,
        tpu.vector_store %arg10[%swap3A_3048], %broadcast_in_dim3A_2875 {strides = array<i32>} : memref<70656xf32, #tpu.memory_space<vmem>>, vector<16xf32>,
        %add3A_3050 = arith.constant 0 : i32
        %add3A_3051 = arith.addi %add3A_3022, %add3A_3050 : i32
        %add3A_3052 = arith.constant 64 : i32
        %add3A_3053 = arith.addi %add3A_3051, %add3A_3052 : i32
        %swap3A_3054 = arith.index_cast %add3A_3053 : i32 to index
        %swap3A_3055 = tpu.vector_load %arg10[%swap3A_3054] {strides = array<i32>} : memref<70656xf32, #tpu.memory_space<vmem>>, vector<16xf32>,
        tpu.vector_store %arg10[%swap3A_3054], %broadcast_in_dim3A_2875 {strides = array<i32>} : memref<70656xf32, #tpu.memory_space<vmem>>, vector<16xf32>,
        %add3A_3056 = arith.constant 0 : i32
        %add3A_3057 = arith.addi %add3A_3022, %add3A_3056 : i32
        %add3A_3058 = arith.constant 80 : i32
        %add3A_3059 = arith.addi %add3A_3057, %add3A_3058 : i32
        %swap3A_3060 = arith.index_cast %add3A_3059 : i32 to index
        %swap3A_3061 = tpu.vector_load %arg10[%swap3A_3060] {strides = array<i32>} : memref<70656xf32, #tpu.memory_space<vmem>>, vector<16xf32>,
        tpu.vector_store %arg10[%swap3A_3060], %broadcast_in_dim3A_2875 {strides = array<i32>} : memref<70656xf32, #tpu.memory_space<vmem>>, vector<16xf32>,
        %add3A_3062 = arith.constant 0 : i32
        %add3A_3063 = arith.addi %add3A_3022, %add3A_3062 : i32
        %add3A_3064 = arith.constant 96 : i32
        %add3A_3065 = arith.addi %add3A_3063, %add3A_3064 : i32
        %swap3A_3066 = arith.index_cast %add3A_3065 : i32 to index
        %swap3A_3067 = tpu.vector_load %arg10[%swap3A_3066] {strides = array<i32>} : memref<70656xf32, #tpu.memory_space<vmem>>, vector<16xf32>,
        tpu.vector_store %arg10[%swap3A_3066], %broadcast_in_dim3A_2875 {strides = array<i32>} : memref<70656xf32, #tpu.memory_space<vmem>>, vector<16xf32>,
        %add3A_3068 = arith.constant 0 : i32
        %add3A_3069 = arith.addi %add3A_3022, %add3A_3068 : i32
        %add3A_3070 = arith.constant 112 : i32
        %add3A_3071 = arith.addi %add3A_3069, %add3A_3070 : i32
        %swap3A_3072 = arith.index_cast %add3A_3071 : i32 to index
        %swap3A_3073 = tpu.vector_load %arg10[%swap3A_3072] {strides = array<i32>} : memref<70656xf32, #tpu.memory_space<vmem>>, vector<16xf32>,
        tpu.vector_store %arg10[%swap3A_3072], %broadcast_in_dim3A_2875 {strides = array<i32>} : memref<70656xf32, #tpu.memory_space<vmem>>, vector<16xf32>,
        %add3A_3074 = arith.constant 1024 : i32
        %add3A_3075 = arith.addi %add3A_3022, %add3A_3074 : i32
        %add3A_3076 = arith.constant 0 : i32
        %add3A_3077 = arith.addi %add3A_3075, %add3A_3076 : i32
        %swap3A_3078 = arith.index_cast %add3A_3077 : i32 to index
        %swap3A_3079 = tpu.vector_load %arg10[%swap3A_3078] {strides = array<i32>} : memref<70656xf32, #tpu.memory_space<vmem>>, vector<16xf32>,
        tpu.vector_store %arg10[%swap3A_3078], %broadcast_in_dim3A_2875 {strides = array<i32>} : memref<70656xf32, #tpu.memory_space<vmem>>, vector<16xf32>,
        %add3A_3080 = arith.constant 1024 : i32
        %add3A_3081 = arith.addi %add3A_3022, %add3A_3080 : i32
        %add3A_3082 = arith.constant 16 : i32
        %add3A_3083 = arith.addi %add3A_3081, %add3A_3082 : i32
        %swap3A_3084 = arith.index_cast %add3A_3083 : i32 to index
        %swap3A_3085 = tpu.vector_load %arg10[%swap3A_3084] {strides = array<i32>} : memref<70656xf32, #tpu.memory_space<vmem>>, vector<16xf32>,
        tpu.vector_store %arg10[%swap3A_3084], %broadcast_in_dim3A_2875 {strides = array<i32>} : memref<70656xf32, #tpu.memory_space<vmem>>, vector<16xf32>,
        %add3A_3086 = arith.constant 1024 : i32
        %add3A_3087 = arith.addi %add3A_3022, %add3A_3086 : i32
        %add3A_3088 = arith.constant 32 : i32
        %add3A_3089 = arith.addi %add3A_3087, %add3A_3088 : i32
        %swap3A_3090 = arith.index_cast %add3A_3089 : i32 to index
        %swap3A_3091 = tpu.vector_load %arg10[%swap3A_3090] {strides = array<i32>} : memref<70656xf32, #tpu.memory_space<vmem>>, vector<16xf32>,
        tpu.vector_store %arg10[%swap3A_3090], %broadcast_in_dim3A_2875 {strides = array<i32>} : memref<70656xf32, #tpu.memory_space<vmem>>, vector<16xf32>,
        %add3A_3092 = arith.constant 1024 : i32
        %add3A_3093 = arith.addi %add3A_3022, %add3A_3092 : i32
        %add3A_3094 = arith.constant 48 : i32
        %add3A_3095 = arith.addi %add3A_3093, %add3A_3094 : i32
        %swap3A_3096 = arith.index_cast %add3A_3095 : i32 to index
        %swap3A_3097 = tpu.vector_load %arg10[%swap3A_3096] {strides = array<i32>} : memref<70656xf32, #tpu.memory_space<vmem>>, vector<16xf32>,
        tpu.vector_store %arg10[%swap3A_3096], %broadcast_in_dim3A_2875 {strides = array<i32>} : memref<70656xf32, #tpu.memory_space<vmem>>, vector<16xf32>,
        %add3A_3098 = arith.constant 1024 : i32
        %add3A_3099 = arith.addi %add3A_3022, %add3A_3098 : i32
        %add3A_3100 = arith.constant 64 : i32
        %add3A_3101 = arith.addi %add3A_3099, %add3A_3100 : i32
        %swap3A_3102 = arith.index_cast %add3A_3101 : i32 to index
        %swap3A_3103 = tpu.vector_load %arg10[%swap3A_3102] {strides = array<i32>} : memref<70656xf32, #tpu.memory_space<vmem>>, vector<16xf32>,
        tpu.vector_store %arg10[%swap3A_3102], %broadcast_in_dim3A_2875 {strides = array<i32>} : memref<70656xf32, #tpu.memory_space<vmem>>, vector<16xf32>,
        %add3A_3104 = arith.constant 1024 : i32
        %add3A_3105 = arith.addi %add3A_3022, %add3A_3104 : i32
        %add3A_3106 = arith.constant 80 : i32
        %add3A_3107 = arith.addi %add3A_3105, %add3A_3106 : i32
        %swap3A_3108 = arith.index_cast %add3A_3107 : i32 to index
        %swap3A_3109 = tpu.vector_load %arg10[%swap3A_3108] {strides = array<i32>} : memref<70656xf32, #tpu.memory_space<vmem>>, vector<16xf32>,
        tpu.vector_store %arg10[%swap3A_3108], %broadcast_in_dim3A_2875 {strides = array<i32>} : memref<70656xf32, #tpu.memory_space<vmem>>, vector<16xf32>,
        %add3A_3110 = arith.constant 1024 : i32
        %add3A_3111 = arith.addi %add3A_3022, %add3A_3110 : i32
        %add3A_3112 = arith.constant 96 : i32
        %add3A_3113 = arith.addi %add3A_3111, %add3A_3112 : i32
        %swap3A_3114 = arith.index_cast %add3A_3113 : i32 to index
        %swap3A_3115 = tpu.vector_load %arg10[%swap3A_3114] {strides = array<i32>} : memref<70656xf32, #tpu.memory_space<vmem>>, vector<16xf32>,
        tpu.vector_store %arg10[%swap3A_3114], %broadcast_in_dim3A_2875 {strides = array<i32>} : memref<70656xf32, #tpu.memory_space<vmem>>, vector<16xf32>,
        %add3A_3116 = arith.constant 1024 : i32
        %add3A_3117 = arith.addi %add3A_3022, %add3A_3116 : i32
        %add3A_3118 = arith.constant 112 : i32
        %add3A_3119 = arith.addi %add3A_3117, %add3A_3118 : i32
        %swap3A_3120 = arith.index_cast %add3A_3119 : i32 to index
        %swap3A_3121 = tpu.vector_load %arg10[%swap3A_3120] {strides = array<i32>} : memref<70656xf32, #tpu.memory_space<vmem>>, vector<16xf32>,
        tpu.vector_store %arg10[%swap3A_3120], %broadcast_in_dim3A_2875 {strides = array<i32>} : memref<70656xf32, #tpu.memory_space<vmem>>, vector<16xf32>,
        %add3A_3122 = arith.constant 2048 : i32
        %add3A_3123 = arith.addi %add3A_3022, %add3A_3122 : i32
        %add3A_3124 = arith.constant 0 : i32
        %add3A_3125 = arith.addi %add3A_3123, %add3A_3124 : i32
        %swap3A_3126 = arith.index_cast %add3A_3125 : i32 to index
        %swap3A_3127 = tpu.vector_load %arg10[%swap3A_3126] {strides = array<i32>} : memref<70656xf32, #tpu.memory_space<vmem>>, vector<16xf32>,
        tpu.vector_store %arg10[%swap3A_3126], %broadcast_in_dim3A_2875 {strides = array<i32>} : memref<70656xf32, #tpu.memory_space<vmem>>, vector<16xf32>,
        %add3A_3128 = arith.constant 2048 : i32
        %add3A_3129 = arith.addi %add3A_3022, %add3A_3128 : i32
        %add3A_3130 = arith.constant 16 : i32
        %add3A_3131 = arith.addi %add3A_3129, %add3A_3130 : i32
        %swap3A_3132 = arith.index_cast %add3A_3131 : i32 to index
        %swap3A_3133 = tpu.vector_load %arg10[%swap3A_3132] {strides = array<i32>} : memref<70656xf32, #tpu.memory_space<vmem>>, vector<16xf32>,
        tpu.vector_store %arg10[%swap3A_3132], %broadcast_in_dim3A_2875 {strides = array<i32>} : memref<70656xf32, #tpu.memory_space<vmem>>, vector<16xf32>,
        %add3A_3134 = arith.constant 2048 : i32
        %add3A_3135 = arith.addi %add3A_3022, %add3A_3134 : i32
        %add3A_3136 = arith.constant 32 : i32
        %add3A_3137 = arith.addi %add3A_3135, %add3A_3136 : i32
        %swap3A_3138 = arith.index_cast %add3A_3137 : i32 to index
        %swap3A_3139 = tpu.vector_load %arg10[%swap3A_3138] {strides = array<i32>} : memref<70656xf32, #tpu.memory_space<vmem>>, vector<16xf32>,
        tpu.vector_store %arg10[%swap3A_3138], %broadcast_in_dim3A_2875 {strides = array<i32>} : memref<70656xf32, #tpu.memory_space<vmem>>, vector<16xf32>,
        %add3A_3140 = arith.constant 2048 : i32
        %add3A_3141 = arith.addi %add3A_3022, %add3A_3140 : i32
        %add3A_3142 = arith.constant 48 : i32
        %add3A_3143 = arith.addi %add3A_3141, %add3A_3142 : i32
        %swap3A_3144 = arith.index_cast %add3A_3143 : i32 to index
        %swap3A_3145 = tpu.vector_load %arg10[%swap3A_3144] {strides = array<i32>} : memref<70656xf32, #tpu.memory_space<vmem>>, vector<16xf32>,
        tpu.vector_store %arg10[%swap3A_3144], %broadcast_in_dim3A_2875 {strides = array<i32>} : memref<70656xf32, #tpu.memory_space<vmem>>, vector<16xf32>,
        %add3A_3146 = arith.constant 2048 : i32
        %add3A_3147 = arith.addi %add3A_3022, %add3A_3146 : i32
        %add3A_3148 = arith.constant 64 : i32
        %add3A_3149 = arith.addi %add3A_3147, %add3A_3148 : i32
        %swap3A_3150 = arith.index_cast %add3A_3149 : i32 to index
        %swap3A_3151 = tpu.vector_load %arg10[%swap3A_3150] {strides = array<i32>} : memref<70656xf32, #tpu.memory_space<vmem>>, vector<16xf32>,
        tpu.vector_store %arg10[%swap3A_3150], %broadcast_in_dim3A_2875 {strides = array<i32>} : memref<70656xf32, #tpu.memory_space<vmem>>, vector<16xf32>,
        %add3A_3152 = arith.constant 2048 : i32
        %add3A_3153 = arith.addi %add3A_3022, %add3A_3152 : i32
        %add3A_3154 = arith.constant 80 : i32
        %add3A_3155 = arith.addi %add3A_3153, %add3A_3154 : i32
        %swap3A_3156 = arith.index_cast %add3A_3155 : i32 to index
        %swap3A_3157 = tpu.vector_load %arg10[%swap3A_3156] {strides = array<i32>} : memref<70656xf32, #tpu.memory_space<vmem>>, vector<16xf32>,
        tpu.vector_store %arg10[%swap3A_3156], %broadcast_in_dim3A_2875 {strides = array<i32>} : memref<70656xf32, #tpu.memory_space<vmem>>, vector<16xf32>,
        %add3A_3158 = arith.constant 2048 : i32
        %add3A_3159 = arith.addi %add3A_3022, %add3A_3158 : i32
        %add3A_3160 = arith.constant 96 : i32
        %add3A_3161 = arith.addi %add3A_3159, %add3A_3160 : i32
        %swap3A_3162 = arith.index_cast %add3A_3161 : i32 to index
        %swap3A_3163 = tpu.vector_load %arg10[%swap3A_3162] {strides = array<i32>} : memref<70656xf32, #tpu.memory_space<vmem>>, vector<16xf32>,
        tpu.vector_store %arg10[%swap3A_3162], %broadcast_in_dim3A_2875 {strides = array<i32>} : memref<70656xf32, #tpu.memory_space<vmem>>, vector<16xf32>,
        %add3A_3164 = arith.constant 2048 : i32
        %add3A_3165 = arith.addi %add3A_3022, %add3A_3164 : i32
        %add3A_3166 = arith.constant 112 : i32
        %add3A_3167 = arith.addi %add3A_3165, %add3A_3166 : i32
        %swap3A_3168 = arith.index_cast %add3A_3167 : i32 to index
        %swap3A_3169 = tpu.vector_load %arg10[%swap3A_3168] {strides = array<i32>} : memref<70656xf32, #tpu.memory_space<vmem>>, vector<16xf32>,
        tpu.vector_store %arg10[%swap3A_3168], %broadcast_in_dim3A_2875 {strides = array<i32>} : memref<70656xf32, #tpu.memory_space<vmem>>, vector<16xf32>,
      } else {
        %min3A_3027 = arith.constant 362 : i32
        %min3A_3028 = arith.minsi %add3A_2977, %min3A_3027 : i32
        %sub3A_3029 = arith.constant 20 : i32
        %sub3A_3030 = arith.subi %min3A_3028, %sub3A_3029 : i32
        %jit3A_3031 = arith.constant 49 : i32
        %div3A_3032 = arith.divsi %sub3A_3030, %jit3A_3031 : i32
        %sign3A_3033 = arith.constant 0 : i32
        %sign3A_3034 = arith.cmpi sgt, %sub3A_3030, %sign3A_3033 : i32
        %sign3A_3035 = arith.extui %sign3A_3034 : i1 to i32
        %sign3A_3036 = arith.constant 0 : i32
        %sign3A_3037 = arith.cmpi slt, %sub3A_3030, %sign3A_3036 : i32
        %sign3A_3038 = arith.extui %sign3A_3037 : i1 to i32
        %sign3A_3039 = arith.subi %sign3A_3035, %sign3A_3038 : i32
        %sign3A_3040 = arith.constant 0 : i32
        %sign3A_3041 = arith.cmpi sgt, %jit3A_3031, %sign3A_3040 : i32
        %sign3A_3042 = arith.extui %sign3A_3041 : i1 to i32
        %sign3A_3043 = arith.constant 0 : i32
        %sign3A_3044 = arith.cmpi slt, %jit3A_3031, %sign3A_3043 : i32
        %sign3A_3045 = arith.extui %sign3A_3044 : i1 to i32
        %sign3A_3046 = arith.subi %sign3A_3042, %sign3A_3045 : i32
        %ne3A_3047 = arith.cmpi ne, %sign3A_3039, %sign3A_3046 : i32
        %rem3A_3048 = arith.remsi %sub3A_3030, %jit3A_3031 : i32
        %ne3A_3049 = arith.constant 0 : i32
        %ne3A_3050 = arith.cmpi ne, %rem3A_3048, %ne3A_3049 : i32
        %and3A_3051 = arith.andi %ne3A_3047, %ne3A_3050 : i1
        %sub3A_3052 = arith.constant 1 : i32
        %sub3A_3053 = arith.subi %div3A_3032, %sub3A_3052 : i32
        %select_n3A_3054 = arith.select %and3A_3051, %sub3A_3053, %div3A_3032 : i32
        %mul3A_3055 = arith.constant 49 : i32
        %mul3A_3056 = arith.muli %mul3A_3055, %select_n3A_3054 : i32
        %sub3A_3057 = arith.subi %sub3A_3030, %mul3A_3056 : i32
        %jit3A_3058 = arith.constant 7 : i32
        %div3A_3059 = arith.divsi %sub3A_3057, %jit3A_3058 : i32
        %sign3A_3060 = arith.constant 0 : i32
        %sign3A_3061 = arith.cmpi sgt, %sub3A_3057, %sign3A_3060 : i32
        %sign3A_3062 = arith.extui %sign3A_3061 : i1 to i32
        %sign3A_3063 = arith.constant 0 : i32
        %sign3A_3064 = arith.cmpi slt, %sub3A_3057, %sign3A_3063 : i32
        %sign3A_3065 = arith.extui %sign3A_3064 : i1 to i32
        %sign3A_3066 = arith.subi %sign3A_3062, %sign3A_3065 : i32
        %sign3A_3067 = arith.constant 0 : i32
        %sign3A_3068 = arith.cmpi sgt, %jit3A_3058, %sign3A_3067 : i32
        %sign3A_3069 = arith.extui %sign3A_3068 : i1 to i32
        %sign3A_3070 = arith.constant 0 : i32
        %sign3A_3071 = arith.cmpi slt, %jit3A_3058, %sign3A_3070 : i32
        %sign3A_3072 = arith.extui %sign3A_3071 : i1 to i32
        %sign3A_3073 = arith.subi %sign3A_3069, %sign3A_3072 : i32
        %ne3A_3074 = arith.cmpi ne, %sign3A_3066, %sign3A_3073 : i32
        %rem3A_3075 = arith.remsi %sub3A_3057, %jit3A_3058 : i32
        %ne3A_3076 = arith.constant 0 : i32
        %ne3A_3077 = arith.cmpi ne, %rem3A_3075, %ne3A_3076 : i32
        %and3A_3078 = arith.andi %ne3A_3074, %ne3A_3077 : i1
        %sub3A_3079 = arith.constant 1 : i32
        %sub3A_3080 = arith.subi %div3A_3059, %sub3A_3079 : i32
        %select_n3A_3081 = arith.select %and3A_3078, %sub3A_3080, %div3A_3059 : i32
        %mul3A_3082 = arith.constant 169 : i32
        %mul3A_3083 = arith.muli %select_n3A_3054, %mul3A_3082 : i32
        %mul3A_3084 = arith.constant 13 : i32
        %mul3A_3085 = arith.muli %select_n3A_3081, %mul3A_3084 : i32
        %add3A_3086 = arith.addi %mul3A_3083, %mul3A_3085 : i32
        %mul3A_3087 = arith.constant 7 : i32
        %mul3A_3088 = arith.muli %mul3A_3087, %select_n3A_3081 : i32
        %sub3A_3089 = arith.subi %sub3A_3057, %mul3A_3088 : i32
        %add3A_3090 = arith.addi %add3A_3086, %sub3A_3089 : i32
        %broadcast_in_dim3A_3091 = arith.constant 0 : i32
        %broadcast_in_dim3A_3092 = vector.broadcast %broadcast_in_dim3A_3091 : i32 to vector<16xi32>
        %add3A_3093 = vector.broadcast %add3A_3090 : i32 to vector<16xi32>
        %add3A_3094 = arith.addi %broadcast_in_dim3A_3092, %add3A_3093 : vector<16xi32>
        %swap3A = arith.index_cast %add3A_3022 : i32 to index
        %swap3A_3095 = tpu.vector_load %arg10[%swap3A] {strides = array<i32>} : memref<70656xf32, #tpu.memory_space<vmem>>, vector<16xf32>,
        tpu.vector_store %arg10[%swap3A], %get3A_2871 {strides = array<i32>} : memref<70656xf32, #tpu.memory_space<vmem>>, vector<16xf32>,
        %add3A_3096 = arith.addi %sub3A_131, %add3A_3094 : vector<16xi32>
        %gather3A = tpu.vector_load_idx %arg6[%add3A_3096] : memref<2200xf32, #tpu.memory_space<vmem>>[vector<16xi32>], vector<16xf32>,
        %add3A_3097 = arith.constant 0 : i32
        %add3A_3098 = arith.addi %add3A_3022, %add3A_3097 : i32
        %add3A_3099 = arith.constant 16 : i32
        %add3A_3100 = arith.addi %add3A_3098, %add3A_3099 : i32
        %swap3A_3101 = arith.index_cast %add3A_3100 : i32 to index
        %swap3A_3102 = tpu.vector_load %arg10[%swap3A_3101] {strides = array<i32>} : memref<70656xf32, #tpu.memory_space<vmem>>, vector<16xf32>,
        tpu.vector_store %arg10[%swap3A_3101], %gather3A {strides = array<i32>} : memref<70656xf32, #tpu.memory_space<vmem>>, vector<16xf32>,
        %add3A_3103 = arith.addi %sub3A_221, %add3A_3094 : vector<16xi32>
        %gather3A_3104 = tpu.vector_load_idx %arg6[%add3A_3103] : memref<2200xf32, #tpu.memory_space<vmem>>[vector<16xi32>], vector<16xf32>,
        %add3A_3105 = arith.constant 0 : i32
        %add3A_3106 = arith.addi %add3A_3022, %add3A_3105 : i32
        %add3A_3107 = arith.constant 32 : i32
        %add3A_3108 = arith.addi %add3A_3106, %add3A_3107 : i32
        %swap3A_3109 = arith.index_cast %add3A_3108 : i32 to index
        %swap3A_3110 = tpu.vector_load %arg10[%swap3A_3109] {strides = array<i32>} : memref<70656xf32, #tpu.memory_space<vmem>>, vector<16xf32>,
        tpu.vector_store %arg10[%swap3A_3109], %gather3A_3104 {strides = array<i32>} : memref<70656xf32, #tpu.memory_space<vmem>>, vector<16xf32>,
        %add3A_3111 = arith.addi %sub3A_311, %add3A_3094 : vector<16xi32>
        %gather3A_3112 = tpu.vector_load_idx %arg6[%add3A_3111] : memref<2200xf32, #tpu.memory_space<vmem>>[vector<16xi32>], vector<16xf32>,
        %add3A_3113 = arith.constant 0 : i32
        %add3A_3114 = arith.addi %add3A_3022, %add3A_3113 : i32
        %add3A_3115 = arith.constant 48 : i32
        %add3A_3116 = arith.addi %add3A_3114, %add3A_3115 : i32
        %swap3A_3117 = arith.index_cast %add3A_3116 : i32 to index
        %swap3A_3118 = tpu.vector_load %arg10[%swap3A_3117] {strides = array<i32>} : memref<70656xf32, #tpu.memory_space<vmem>>, vector<16xf32>,
        tpu.vector_store %arg10[%swap3A_3117], %gather3A_3112 {strides = array<i32>} : memref<70656xf32, #tpu.memory_space<vmem>>, vector<16xf32>,
        %add3A_3119 = arith.addi %sub3A_401, %add3A_3094 : vector<16xi32>
        %gather3A_3120 = tpu.vector_load_idx %arg6[%add3A_3119] : memref<2200xf32, #tpu.memory_space<vmem>>[vector<16xi32>], vector<16xf32>,
        %add3A_3121 = arith.constant 0 : i32
        %add3A_3122 = arith.addi %add3A_3022, %add3A_3121 : i32
        %add3A_3123 = arith.constant 64 : i32
        %add3A_3124 = arith.addi %add3A_3122, %add3A_3123 : i32
        %swap3A_3125 = arith.index_cast %add3A_3124 : i32 to index
        %swap3A_3126 = tpu.vector_load %arg10[%swap3A_3125] {strides = array<i32>} : memref<70656xf32, #tpu.memory_space<vmem>>, vector<16xf32>,
        tpu.vector_store %arg10[%swap3A_3125], %gather3A_3120 {strides = array<i32>} : memref<70656xf32, #tpu.memory_space<vmem>>, vector<16xf32>,
        %add3A_3127 = arith.addi %sub3A_491, %add3A_3094 : vector<16xi32>
        %gather3A_3128 = tpu.vector_load_idx %arg6[%add3A_3127] : memref<2200xf32, #tpu.memory_space<vmem>>[vector<16xi32>], vector<16xf32>,
        %add3A_3129 = arith.constant 0 : i32
        %add3A_3130 = arith.addi %add3A_3022, %add3A_3129 : i32
        %add3A_3131 = arith.constant 80 : i32
        %add3A_3132 = arith.addi %add3A_3130, %add3A_3131 : i32
        %swap3A_3133 = arith.index_cast %add3A_3132 : i32 to index
        %swap3A_3134 = tpu.vector_load %arg10[%swap3A_3133] {strides = array<i32>} : memref<70656xf32, #tpu.memory_space<vmem>>, vector<16xf32>,
        tpu.vector_store %arg10[%swap3A_3133], %gather3A_3128 {strides = array<i32>} : memref<70656xf32, #tpu.memory_space<vmem>>, vector<16xf32>,
        %add3A_3135 = arith.addi %sub3A_581, %add3A_3094 : vector<16xi32>
        %gather3A_3136 = tpu.vector_load_idx %arg6[%add3A_3135] : memref<2200xf32, #tpu.memory_space<vmem>>[vector<16xi32>], vector<16xf32>,
        %add3A_3137 = arith.constant 0 : i32
        %add3A_3138 = arith.addi %add3A_3022, %add3A_3137 : i32
        %add3A_3139 = arith.constant 96 : i32
        %add3A_3140 = arith.addi %add3A_3138, %add3A_3139 : i32
        %swap3A_3141 = arith.index_cast %add3A_3140 : i32 to index
        %swap3A_3142 = tpu.vector_load %arg10[%swap3A_3141] {strides = array<i32>} : memref<70656xf32, #tpu.memory_space<vmem>>, vector<16xf32>,
        tpu.vector_store %arg10[%swap3A_3141], %gather3A_3136 {strides = array<i32>} : memref<70656xf32, #tpu.memory_space<vmem>>, vector<16xf32>,
        %add3A_3143 = arith.addi %sub3A_671, %add3A_3094 : vector<16xi32>
        %gather3A_3144 = tpu.vector_load_idx %arg6[%add3A_3143] : memref<2200xf32, #tpu.memory_space<vmem>>[vector<16xi32>], vector<16xf32>,
        %add3A_3145 = arith.constant 0 : i32
        %add3A_3146 = arith.addi %add3A_3022, %add3A_3145 : i32
        %add3A_3147 = arith.constant 112 : i32
        %add3A_3148 = arith.addi %add3A_3146, %add3A_3147 : i32
        %swap3A_3149 = arith.index_cast %add3A_3148 : i32 to index
        %swap3A_3150 = tpu.vector_load %arg10[%swap3A_3149] {strides = array<i32>} : memref<70656xf32, #tpu.memory_space<vmem>>, vector<16xf32>,
        tpu.vector_store %arg10[%swap3A_3149], %gather3A_3144 {strides = array<i32>} : memref<70656xf32, #tpu.memory_space<vmem>>, vector<16xf32>,
        %add3A_3151 = arith.addi %sub3A_761, %add3A_3094 : vector<16xi32>
        %gather3A_3152 = tpu.vector_load_idx %arg6[%add3A_3151] : memref<2200xf32, #tpu.memory_space<vmem>>[vector<16xi32>], vector<16xf32>,
        %add3A_3153 = arith.constant 1024 : i32
        %add3A_3154 = arith.addi %add3A_3022, %add3A_3153 : i32
        %add3A_3155 = arith.constant 0 : i32
        %add3A_3156 = arith.addi %add3A_3154, %add3A_3155 : i32
        %swap3A_3157 = arith.index_cast %add3A_3156 : i32 to index
        %swap3A_3158 = tpu.vector_load %arg10[%swap3A_3157] {strides = array<i32>} : memref<70656xf32, #tpu.memory_space<vmem>>, vector<16xf32>,
        tpu.vector_store %arg10[%swap3A_3157], %gather3A_3152 {strides = array<i32>} : memref<70656xf32, #tpu.memory_space<vmem>>, vector<16xf32>,
        %add3A_3159 = arith.addi %sub3A_851, %add3A_3094 : vector<16xi32>
        %gather3A_3160 = tpu.vector_load_idx %arg6[%add3A_3159] : memref<2200xf32, #tpu.memory_space<vmem>>[vector<16xi32>], vector<16xf32>,
        %add3A_3161 = arith.constant 1024 : i32
        %add3A_3162 = arith.addi %add3A_3022, %add3A_3161 : i32
        %add3A_3163 = arith.constant 16 : i32
        %add3A_3164 = arith.addi %add3A_3162, %add3A_3163 : i32
        %swap3A_3165 = arith.index_cast %add3A_3164 : i32 to index
        %swap3A_3166 = tpu.vector_load %arg10[%swap3A_3165] {strides = array<i32>} : memref<70656xf32, #tpu.memory_space<vmem>>, vector<16xf32>,
        tpu.vector_store %arg10[%swap3A_3165], %gather3A_3160 {strides = array<i32>} : memref<70656xf32, #tpu.memory_space<vmem>>, vector<16xf32>,
        %add3A_3167 = arith.addi %sub3A_941, %add3A_3094 : vector<16xi32>
        %gather3A_3168 = tpu.vector_load_idx %arg6[%add3A_3167] : memref<2200xf32, #tpu.memory_space<vmem>>[vector<16xi32>], vector<16xf32>,
        %add3A_3169 = arith.constant 1024 : i32
        %add3A_3170 = arith.addi %add3A_3022, %add3A_3169 : i32
        %add3A_3171 = arith.constant 32 : i32
        %add3A_3172 = arith.addi %add3A_3170, %add3A_3171 : i32
        %swap3A_3173 = arith.index_cast %add3A_3172 : i32 to index
        %swap3A_3174 = tpu.vector_load %arg10[%swap3A_3173] {strides = array<i32>} : memref<70656xf32, #tpu.memory_space<vmem>>, vector<16xf32>,
        tpu.vector_store %arg10[%swap3A_3173], %gather3A_3168 {strides = array<i32>} : memref<70656xf32, #tpu.memory_space<vmem>>, vector<16xf32>,
        %add3A_3175 = arith.addi %sub3A_1031, %add3A_3094 : vector<16xi32>
        %gather3A_3176 = tpu.vector_load_idx %arg6[%add3A_3175] : memref<2200xf32, #tpu.memory_space<vmem>>[vector<16xi32>], vector<16xf32>,
        %add3A_3177 = arith.constant 1024 : i32
        %add3A_3178 = arith.addi %add3A_3022, %add3A_3177 : i32
        %add3A_3179 = arith.constant 48 : i32
        %add3A_3180 = arith.addi %add3A_3178, %add3A_3179 : i32
        %swap3A_3181 = arith.index_cast %add3A_3180 : i32 to index
        %swap3A_3182 = tpu.vector_load %arg10[%swap3A_3181] {strides = array<i32>} : memref<70656xf32, #tpu.memory_space<vmem>>, vector<16xf32>,
        tpu.vector_store %arg10[%swap3A_3181], %gather3A_3176 {strides = array<i32>} : memref<70656xf32, #tpu.memory_space<vmem>>, vector<16xf32>,
        %add3A_3183 = arith.addi %sub3A_1121, %add3A_3094 : vector<16xi32>
        %gather3A_3184 = tpu.vector_load_idx %arg6[%add3A_3183] : memref<2200xf32, #tpu.memory_space<vmem>>[vector<16xi32>], vector<16xf32>,
        %add3A_3185 = arith.constant 1024 : i32
        %add3A_3186 = arith.addi %add3A_3022, %add3A_3185 : i32
        %add3A_3187 = arith.constant 64 : i32
        %add3A_3188 = arith.addi %add3A_3186, %add3A_3187 : i32
        %swap3A_3189 = arith.index_cast %add3A_3188 : i32 to index
        %swap3A_3190 = tpu.vector_load %arg10[%swap3A_3189] {strides = array<i32>} : memref<70656xf32, #tpu.memory_space<vmem>>, vector<16xf32>,
        tpu.vector_store %arg10[%swap3A_3189], %gather3A_3184 {strides = array<i32>} : memref<70656xf32, #tpu.memory_space<vmem>>, vector<16xf32>,
        %add3A_3191 = arith.addi %sub3A_1211, %add3A_3094 : vector<16xi32>
        %gather3A_3192 = tpu.vector_load_idx %arg6[%add3A_3191] : memref<2200xf32, #tpu.memory_space<vmem>>[vector<16xi32>], vector<16xf32>,
        %add3A_3193 = arith.constant 1024 : i32
        %add3A_3194 = arith.addi %add3A_3022, %add3A_3193 : i32
        %add3A_3195 = arith.constant 80 : i32
        %add3A_3196 = arith.addi %add3A_3194, %add3A_3195 : i32
        %swap3A_3197 = arith.index_cast %add3A_3196 : i32 to index
        %swap3A_3198 = tpu.vector_load %arg10[%swap3A_3197] {strides = array<i32>} : memref<70656xf32, #tpu.memory_space<vmem>>, vector<16xf32>,
        tpu.vector_store %arg10[%swap3A_3197], %gather3A_3192 {strides = array<i32>} : memref<70656xf32, #tpu.memory_space<vmem>>, vector<16xf32>,
        %add3A_3199 = arith.addi %sub3A_1301, %add3A_3094 : vector<16xi32>
        %gather3A_3200 = tpu.vector_load_idx %arg6[%add3A_3199] : memref<2200xf32, #tpu.memory_space<vmem>>[vector<16xi32>], vector<16xf32>,
        %add3A_3201 = arith.constant 1024 : i32
        %add3A_3202 = arith.addi %add3A_3022, %add3A_3201 : i32
        %add3A_3203 = arith.constant 96 : i32
        %add3A_3204 = arith.addi %add3A_3202, %add3A_3203 : i32
        %swap3A_3205 = arith.index_cast %add3A_3204 : i32 to index
        %swap3A_3206 = tpu.vector_load %arg10[%swap3A_3205] {strides = array<i32>} : memref<70656xf32, #tpu.memory_space<vmem>>, vector<16xf32>,
        tpu.vector_store %arg10[%swap3A_3205], %gather3A_3200 {strides = array<i32>} : memref<70656xf32, #tpu.memory_space<vmem>>, vector<16xf32>,
        %add3A_3207 = arith.addi %sub3A_1391, %add3A_3094 : vector<16xi32>
        %gather3A_3208 = tpu.vector_load_idx %arg6[%add3A_3207] : memref<2200xf32, #tpu.memory_space<vmem>>[vector<16xi32>], vector<16xf32>,
        %add3A_3209 = arith.constant 1024 : i32
        %add3A_3210 = arith.addi %add3A_3022, %add3A_3209 : i32
        %add3A_3211 = arith.constant 112 : i32
        %add3A_3212 = arith.addi %add3A_3210, %add3A_3211 : i32
        %swap3A_3213 = arith.index_cast %add3A_3212 : i32 to index
        %swap3A_3214 = tpu.vector_load %arg10[%swap3A_3213] {strides = array<i32>} : memref<70656xf32, #tpu.memory_space<vmem>>, vector<16xf32>,
        tpu.vector_store %arg10[%swap3A_3213], %gather3A_3208 {strides = array<i32>} : memref<70656xf32, #tpu.memory_space<vmem>>, vector<16xf32>,
        %add3A_3215 = arith.addi %sub3A_1481, %add3A_3094 : vector<16xi32>
        %gather3A_3216 = tpu.vector_load_idx %arg6[%add3A_3215] : memref<2200xf32, #tpu.memory_space<vmem>>[vector<16xi32>], vector<16xf32>,
        %add3A_3217 = arith.constant 2048 : i32
        %add3A_3218 = arith.addi %add3A_3022, %add3A_3217 : i32
        %add3A_3219 = arith.constant 0 : i32
        %add3A_3220 = arith.addi %add3A_3218, %add3A_3219 : i32
        %swap3A_3221 = arith.index_cast %add3A_3220 : i32 to index
        %swap3A_3222 = tpu.vector_load %arg10[%swap3A_3221] {strides = array<i32>} : memref<70656xf32, #tpu.memory_space<vmem>>, vector<16xf32>,
        tpu.vector_store %arg10[%swap3A_3221], %gather3A_3216 {strides = array<i32>} : memref<70656xf32, #tpu.memory_space<vmem>>, vector<16xf32>,
        %add3A_3223 = arith.addi %sub3A_1571, %add3A_3094 : vector<16xi32>
        %gather3A_3224 = tpu.vector_load_idx %arg6[%add3A_3223] : memref<2200xf32, #tpu.memory_space<vmem>>[vector<16xi32>], vector<16xf32>,
        %add3A_3225 = arith.constant 2048 : i32
        %add3A_3226 = arith.addi %add3A_3022, %add3A_3225 : i32
        %add3A_3227 = arith.constant 16 : i32
        %add3A_3228 = arith.addi %add3A_3226, %add3A_3227 : i32
        %swap3A_3229 = arith.index_cast %add3A_3228 : i32 to index
        %swap3A_3230 = tpu.vector_load %arg10[%swap3A_3229] {strides = array<i32>} : memref<70656xf32, #tpu.memory_space<vmem>>, vector<16xf32>,
        tpu.vector_store %arg10[%swap3A_3229], %gather3A_3224 {strides = array<i32>} : memref<70656xf32, #tpu.memory_space<vmem>>, vector<16xf32>,
        %add3A_3231 = arith.addi %sub3A_1661, %add3A_3094 : vector<16xi32>
        %gather3A_3232 = tpu.vector_load_idx %arg6[%add3A_3231] : memref<2200xf32, #tpu.memory_space<vmem>>[vector<16xi32>], vector<16xf32>,
        %add3A_3233 = arith.constant 2048 : i32
        %add3A_3234 = arith.addi %add3A_3022, %add3A_3233 : i32
        %add3A_3235 = arith.constant 32 : i32
        %add3A_3236 = arith.addi %add3A_3234, %add3A_3235 : i32
        %swap3A_3237 = arith.index_cast %add3A_3236 : i32 to index
        %swap3A_3238 = tpu.vector_load %arg10[%swap3A_3237] {strides = array<i32>} : memref<70656xf32, #tpu.memory_space<vmem>>, vector<16xf32>,
        tpu.vector_store %arg10[%swap3A_3237], %gather3A_3232 {strides = array<i32>} : memref<70656xf32, #tpu.memory_space<vmem>>, vector<16xf32>,
        %add3A_3239 = arith.addi %sub3A_1751, %add3A_3094 : vector<16xi32>
        %gather3A_3240 = tpu.vector_load_idx %arg6[%add3A_3239] : memref<2200xf32, #tpu.memory_space<vmem>>[vector<16xi32>], vector<16xf32>,
        %add3A_3241 = arith.constant 2048 : i32
        %add3A_3242 = arith.addi %add3A_3022, %add3A_3241 : i32
        %add3A_3243 = arith.constant 48 : i32
        %add3A_3244 = arith.addi %add3A_3242, %add3A_3243 : i32
        %swap3A_3245 = arith.index_cast %add3A_3244 : i32 to index
        %swap3A_3246 = tpu.vector_load %arg10[%swap3A_3245] {strides = array<i32>} : memref<70656xf32, #tpu.memory_space<vmem>>, vector<16xf32>,
        tpu.vector_store %arg10[%swap3A_3245], %gather3A_3240 {strides = array<i32>} : memref<70656xf32, #tpu.memory_space<vmem>>, vector<16xf32>,
        %add3A_3247 = arith.addi %sub3A_1841, %add3A_3094 : vector<16xi32>
        %gather3A_3248 = tpu.vector_load_idx %arg6[%add3A_3247] : memref<2200xf32, #tpu.memory_space<vmem>>[vector<16xi32>], vector<16xf32>,
        %add3A_3249 = arith.constant 2048 : i32
        %add3A_3250 = arith.addi %add3A_3022, %add3A_3249 : i32
        %add3A_3251 = arith.constant 64 : i32
        %add3A_3252 = arith.addi %add3A_3250, %add3A_3251 : i32
        %swap3A_3253 = arith.index_cast %add3A_3252 : i32 to index
        %swap3A_3254 = tpu.vector_load %arg10[%swap3A_3253] {strides = array<i32>} : memref<70656xf32, #tpu.memory_space<vmem>>, vector<16xf32>,
        tpu.vector_store %arg10[%swap3A_3253], %gather3A_3248 {strides = array<i32>} : memref<70656xf32, #tpu.memory_space<vmem>>, vector<16xf32>,
        %add3A_3255 = arith.addi %sub3A_1931, %add3A_3094 : vector<16xi32>
        %gather3A_3256 = tpu.vector_load_idx %arg6[%add3A_3255] : memref<2200xf32, #tpu.memory_space<vmem>>[vector<16xi32>], vector<16xf32>,
        %add3A_3257 = arith.constant 2048 : i32
        %add3A_3258 = arith.addi %add3A_3022, %add3A_3257 : i32
        %add3A_3259 = arith.constant 80 : i32
        %add3A_3260 = arith.addi %add3A_3258, %add3A_3259 : i32
        %swap3A_3261 = arith.index_cast %add3A_3260 : i32 to index
        %swap3A_3262 = tpu.vector_load %arg10[%swap3A_3261] {strides = array<i32>} : memref<70656xf32, #tpu.memory_space<vmem>>, vector<16xf32>,
        tpu.vector_store %arg10[%swap3A_3261], %gather3A_3256 {strides = array<i32>} : memref<70656xf32, #tpu.memory_space<vmem>>, vector<16xf32>,
        %add3A_3263 = arith.addi %sub3A_2021, %add3A_3094 : vector<16xi32>
        %gather3A_3264 = tpu.vector_load_idx %arg6[%add3A_3263] : memref<2200xf32, #tpu.memory_space<vmem>>[vector<16xi32>], vector<16xf32>,
        %add3A_3265 = arith.constant 2048 : i32
        %add3A_3266 = arith.addi %add3A_3022, %add3A_3265 : i32
        %add3A_3267 = arith.constant 96 : i32
        %add3A_3268 = arith.addi %add3A_3266, %add3A_3267 : i32
        %swap3A_3269 = arith.index_cast %add3A_3268 : i32 to index
        %swap3A_3270 = tpu.vector_load %arg10[%swap3A_3269] {strides = array<i32>} : memref<70656xf32, #tpu.memory_space<vmem>>, vector<16xf32>,
        tpu.vector_store %arg10[%swap3A_3269], %gather3A_3264 {strides = array<i32>} : memref<70656xf32, #tpu.memory_space<vmem>>, vector<16xf32>,
        %add3A_3271 = arith.constant 4 : i32
        %add3A_3272 = arith.addi %add3A_3022, %add3A_3271 : i32
        %swap3A_3273 = arith.index_cast %add3A_3272 : i32 to index
        %swap3A_3274 = tpu.vector_load %arg10[%swap3A_3273] {strides = array<i32>} : memref<70656xf32, #tpu.memory_space<vmem>>, vector<16xf32>,
        tpu.vector_store %arg10[%swap3A_3273], %get3A_2873 {strides = array<i32>} : memref<70656xf32, #tpu.memory_space<vmem>>, vector<16xf32>,
      }
      %scan3A_3026 = arith.constant 0 : i32
      scf.yield %scan3A_3026 : i32
    }
    %scan3A_2881 = arith.constant 48 : i32
    %mul3A_2882 = arith.constant 23 : i32
    %mul3A_2883 = arith.muli %add3A, %mul3A_2882 : i32
    %add3A_2884 = arith.constant 0 : i32
    %add3A_2885 = arith.addi %mul3A_2883, %add3A_2884 : i32
    %mul3A_2886 = arith.constant 3072 : i32
    %mul3A_2887 = arith.muli %add3A_2885, %mul3A_2886 : i32
    %dma_start3A_2888 = arith.constant 0 : i32
    %dma_start3A_2889 = tpu.memref_slice %arg10[%dma_start3A_2888] : memref<70656xf32, #tpu.memory_space<vmem>> -> memref<18432xf32, #tpu.memory_space<vmem>>
    %dma_start3A_2890 = tpu.memref_slice %arg5[%mul3A_2887] : memref<2260992xf32, #tpu.memory_space<hbm>> -> memref<18432xf32, #tpu.memory_space<hbm>>
    %dma_start3A_2891 = tpu.memref_slice %arg5[%mul3A_2887] : memref<2260992xf32, #tpu.memory_space<hbm>> -> memref<18432xf32, #tpu.memory_space<hbm>>
    %dma_start3A_2892 = arith.constant 0 : i32
    %dma_start3A_2893 = tpu.memref_slice %arg10[%dma_start3A_2892] : memref<70656xf32, #tpu.memory_space<vmem>> -> memref<18432xf32, #tpu.memory_space<vmem>>
    tpu.enqueue_dma source(%dma_start3A_2893 : memref<18432xf32, #tpu.memory_space<vmem>>) target(%dma_start3A_2891 : memref<18432xf32, #tpu.memory_space<hbm>>) target_semaphore(%arg12 : memref<!tpu.dma_semaphore, #tpu.memory_space<semaphore_mem>>)
    %scan3A_2894 = arith.constant 0 : i32
    %scan3A_2895 = arith.constant 48 : i32
    %scan3A_2896 = arith.constant 48 : i32
    %scan3A_2897 = arith.addi %scan3A_2895, %scan3A_2896 : i32
    %scan3A_2898 = arith.constant 1 : i32
    %scan3A_2899 = scf.for %scan3A_2975 = %scan3A_2895 to %scan3A_2897 step %scan3A_2898 iter_args(%scan3A_2976 = %scan3A_2894) -> (i32)  : i32 {
      %add3A_2977 = arith.addi %mul3A_32, %scan3A_2975 : i32
      %jit3A_2978 = arith.constant 8 : i32
      %div3A_2979 = arith.divsi %scan3A_2975, %jit3A_2978 : i32
      %sign3A_2980 = arith.constant 0 : i32
      %sign3A_2981 = arith.cmpi sgt, %scan3A_2975, %sign3A_2980 : i32
      %sign3A_2982 = arith.extui %sign3A_2981 : i1 to i32
      %sign3A_2983 = arith.constant 0 : i32
      %sign3A_2984 = arith.cmpi slt, %scan3A_2975, %sign3A_2983 : i32
      %sign3A_2985 = arith.extui %sign3A_2984 : i1 to i32
      %sign3A_2986 = arith.subi %sign3A_2982, %sign3A_2985 : i32
      %sign3A_2987 = arith.constant 0 : i32
      %sign3A_2988 = arith.cmpi sgt, %jit3A_2978, %sign3A_2987 : i32
      %sign3A_2989 = arith.extui %sign3A_2988 : i1 to i32
      %sign3A_2990 = arith.constant 0 : i32
      %sign3A_2991 = arith.cmpi slt, %jit3A_2978, %sign3A_2990 : i32
      %sign3A_2992 = arith.extui %sign3A_2991 : i1 to i32
      %sign3A_2993 = arith.subi %sign3A_2989, %sign3A_2992 : i32
      %ne3A_2994 = arith.cmpi ne, %sign3A_2986, %sign3A_2993 : i32
      %rem3A_2995 = arith.remsi %scan3A_2975, %jit3A_2978 : i32
      %ne3A_2996 = arith.constant 0 : i32
      %ne3A_2997 = arith.cmpi ne, %rem3A_2995, %ne3A_2996 : i32
      %and3A_2998 = arith.andi %ne3A_2994, %ne3A_2997 : i1
      %sub3A_2999 = arith.constant 1 : i32
      %sub3A_3000 = arith.subi %div3A_2979, %sub3A_2999 : i32
      %select_n3A_3001 = arith.select %and3A_2998, %sub3A_3000, %div3A_2979 : i32
      %mul3A_3002 = arith.constant 3072 : i32
      %mul3A_3003 = arith.muli %select_n3A_3001, %mul3A_3002 : i32
      %jit3A_3004 = arith.constant 8 : i32
      %eq3A_3005 = arith.constant 0 : i32
      %eq3A_3006 = arith.cmpi eq, %jit3A_3004, %eq3A_3005 : i32
      %jit3A_3007 = arith.constant 1 : i32
      %select_n3A_3008 = arith.select %eq3A_3006, %jit3A_3007, %jit3A_3004 : i32
      %rem3A_3009 = arith.remsi %scan3A_2975, %select_n3A_3008 : i32
      %ne3A_3010 = arith.constant 0 : i32
      %ne3A_3011 = arith.cmpi ne, %rem3A_3009, %ne3A_3010 : i32
      %lt3A_3012 = arith.constant 0 : i32
      %lt3A_3013 = arith.cmpi slt, %rem3A_3009, %lt3A_3012 : i32
      %lt3A_3014 = arith.constant 0 : i32
      %lt3A_3015 = arith.cmpi slt, %select_n3A_3008, %lt3A_3014 : i32
      %ne3A_3016 = arith.xori %lt3A_3013, %lt3A_3015 : i1
      %and3A_3017 = arith.andi %ne3A_3016, %ne3A_3011 : i1
      %add3A_3018 = arith.addi %rem3A_3009, %select_n3A_3008 : i32
      %select_n3A_3019 = arith.select %and3A_3017, %add3A_3018, %rem3A_3009 : i32
      %mul3A_3020 = arith.constant 128 : i32
      %mul3A_3021 = arith.muli %select_n3A_3019, %mul3A_3020 : i32
      %add3A_3022 = arith.addi %mul3A_3003, %mul3A_3021 : i32
      %lt3A_3023 = arith.constant 20 : i32
      %lt3A_3024 = arith.cmpi slt, %add3A_2977, %lt3A_3023 : i32
      %convert_element_type3A = arith.extui %lt3A_3024 : i1 to i32
      %cond3A = arith.constant 0 : i32
      %cond3A_3025 = arith.cmpi ne, %convert_element_type3A, %cond3A : i32
      scf.if %cond3A_3025 {
        %add3A_3027 = arith.constant 0 : i32
        %add3A_3028 = arith.addi %add3A_3022, %add3A_3027 : i32
        %add3A_3029 = arith.constant 0 : i32
        %add3A_3030 = arith.addi %add3A_3028, %add3A_3029 : i32
        %swap3A = arith.index_cast %add3A_3030 : i32 to index
        %swap3A_3031 = tpu.vector_load %arg10[%swap3A] {strides = array<i32>} : memref<70656xf32, #tpu.memory_space<vmem>>, vector<16xf32>,
        tpu.vector_store %arg10[%swap3A], %broadcast_in_dim3A_2875 {strides = array<i32>} : memref<70656xf32, #tpu.memory_space<vmem>>, vector<16xf32>,
        %add3A_3032 = arith.constant 0 : i32
        %add3A_3033 = arith.addi %add3A_3022, %add3A_3032 : i32
        %add3A_3034 = arith.constant 16 : i32
        %add3A_3035 = arith.addi %add3A_3033, %add3A_3034 : i32
        %swap3A_3036 = arith.index_cast %add3A_3035 : i32 to index
        %swap3A_3037 = tpu.vector_load %arg10[%swap3A_3036] {strides = array<i32>} : memref<70656xf32, #tpu.memory_space<vmem>>, vector<16xf32>,
        tpu.vector_store %arg10[%swap3A_3036], %broadcast_in_dim3A_2875 {strides = array<i32>} : memref<70656xf32, #tpu.memory_space<vmem>>, vector<16xf32>,
        %add3A_3038 = arith.constant 0 : i32
        %add3A_3039 = arith.addi %add3A_3022, %add3A_3038 : i32
        %add3A_3040 = arith.constant 32 : i32
        %add3A_3041 = arith.addi %add3A_3039, %add3A_3040 : i32
        %swap3A_3042 = arith.index_cast %add3A_3041 : i32 to index
        %swap3A_3043 = tpu.vector_load %arg10[%swap3A_3042] {strides = array<i32>} : memref<70656xf32, #tpu.memory_space<vmem>>, vector<16xf32>,
        tpu.vector_store %arg10[%swap3A_3042], %broadcast_in_dim3A_2875 {strides = array<i32>} : memref<70656xf32, #tpu.memory_space<vmem>>, vector<16xf32>,
        %add3A_3044 = arith.constant 0 : i32
        %add3A_3045 = arith.addi %add3A_3022, %add3A_3044 : i32
        %add3A_3046 = arith.constant 48 : i32
        %add3A_3047 = arith.addi %add3A_3045, %add3A_3046 : i32
        %swap3A_3048 = arith.index_cast %add3A_3047 : i32 to index
        %swap3A_3049 = tpu.vector_load %arg10[%swap3A_3048] {strides = array<i32>} : memref<70656xf32, #tpu.memory_space<vmem>>, vector<16xf32>,
        tpu.vector_store %arg10[%swap3A_3048], %broadcast_in_dim3A_2875 {strides = array<i32>} : memref<70656xf32, #tpu.memory_space<vmem>>, vector<16xf32>,
        %add3A_3050 = arith.constant 0 : i32
        %add3A_3051 = arith.addi %add3A_3022, %add3A_3050 : i32
        %add3A_3052 = arith.constant 64 : i32
        %add3A_3053 = arith.addi %add3A_3051, %add3A_3052 : i32
        %swap3A_3054 = arith.index_cast %add3A_3053 : i32 to index
        %swap3A_3055 = tpu.vector_load %arg10[%swap3A_3054] {strides = array<i32>} : memref<70656xf32, #tpu.memory_space<vmem>>, vector<16xf32>,
        tpu.vector_store %arg10[%swap3A_3054], %broadcast_in_dim3A_2875 {strides = array<i32>} : memref<70656xf32, #tpu.memory_space<vmem>>, vector<16xf32>,
        %add3A_3056 = arith.constant 0 : i32
        %add3A_3057 = arith.addi %add3A_3022, %add3A_3056 : i32
        %add3A_3058 = arith.constant 80 : i32
        %add3A_3059 = arith.addi %add3A_3057, %add3A_3058 : i32
        %swap3A_3060 = arith.index_cast %add3A_3059 : i32 to index
        %swap3A_3061 = tpu.vector_load %arg10[%swap3A_3060] {strides = array<i32>} : memref<70656xf32, #tpu.memory_space<vmem>>, vector<16xf32>,
        tpu.vector_store %arg10[%swap3A_3060], %broadcast_in_dim3A_2875 {strides = array<i32>} : memref<70656xf32, #tpu.memory_space<vmem>>, vector<16xf32>,
        %add3A_3062 = arith.constant 0 : i32
        %add3A_3063 = arith.addi %add3A_3022, %add3A_3062 : i32
        %add3A_3064 = arith.constant 96 : i32
        %add3A_3065 = arith.addi %add3A_3063, %add3A_3064 : i32
        %swap3A_3066 = arith.index_cast %add3A_3065 : i32 to index
        %swap3A_3067 = tpu.vector_load %arg10[%swap3A_3066] {strides = array<i32>} : memref<70656xf32, #tpu.memory_space<vmem>>, vector<16xf32>,
        tpu.vector_store %arg10[%swap3A_3066], %broadcast_in_dim3A_2875 {strides = array<i32>} : memref<70656xf32, #tpu.memory_space<vmem>>, vector<16xf32>,
        %add3A_3068 = arith.constant 0 : i32
        %add3A_3069 = arith.addi %add3A_3022, %add3A_3068 : i32
        %add3A_3070 = arith.constant 112 : i32
        %add3A_3071 = arith.addi %add3A_3069, %add3A_3070 : i32
        %swap3A_3072 = arith.index_cast %add3A_3071 : i32 to index
        %swap3A_3073 = tpu.vector_load %arg10[%swap3A_3072] {strides = array<i32>} : memref<70656xf32, #tpu.memory_space<vmem>>, vector<16xf32>,
        tpu.vector_store %arg10[%swap3A_3072], %broadcast_in_dim3A_2875 {strides = array<i32>} : memref<70656xf32, #tpu.memory_space<vmem>>, vector<16xf32>,
        %add3A_3074 = arith.constant 1024 : i32
        %add3A_3075 = arith.addi %add3A_3022, %add3A_3074 : i32
        %add3A_3076 = arith.constant 0 : i32
        %add3A_3077 = arith.addi %add3A_3075, %add3A_3076 : i32
        %swap3A_3078 = arith.index_cast %add3A_3077 : i32 to index
        %swap3A_3079 = tpu.vector_load %arg10[%swap3A_3078] {strides = array<i32>} : memref<70656xf32, #tpu.memory_space<vmem>>, vector<16xf32>,
        tpu.vector_store %arg10[%swap3A_3078], %broadcast_in_dim3A_2875 {strides = array<i32>} : memref<70656xf32, #tpu.memory_space<vmem>>, vector<16xf32>,
        %add3A_3080 = arith.constant 1024 : i32
        %add3A_3081 = arith.addi %add3A_3022, %add3A_3080 : i32
        %add3A_3082 = arith.constant 16 : i32
        %add3A_3083 = arith.addi %add3A_3081, %add3A_3082 : i32
        %swap3A_3084 = arith.index_cast %add3A_3083 : i32 to index
        %swap3A_3085 = tpu.vector_load %arg10[%swap3A_3084] {strides = array<i32>} : memref<70656xf32, #tpu.memory_space<vmem>>, vector<16xf32>,
        tpu.vector_store %arg10[%swap3A_3084], %broadcast_in_dim3A_2875 {strides = array<i32>} : memref<70656xf32, #tpu.memory_space<vmem>>, vector<16xf32>,
        %add3A_3086 = arith.constant 1024 : i32
        %add3A_3087 = arith.addi %add3A_3022, %add3A_3086 : i32
        %add3A_3088 = arith.constant 32 : i32
        %add3A_3089 = arith.addi %add3A_3087, %add3A_3088 : i32
        %swap3A_3090 = arith.index_cast %add3A_3089 : i32 to index
        %swap3A_3091 = tpu.vector_load %arg10[%swap3A_3090] {strides = array<i32>} : memref<70656xf32, #tpu.memory_space<vmem>>, vector<16xf32>,
        tpu.vector_store %arg10[%swap3A_3090], %broadcast_in_dim3A_2875 {strides = array<i32>} : memref<70656xf32, #tpu.memory_space<vmem>>, vector<16xf32>,
        %add3A_3092 = arith.constant 1024 : i32
        %add3A_3093 = arith.addi %add3A_3022, %add3A_3092 : i32
        %add3A_3094 = arith.constant 48 : i32
        %add3A_3095 = arith.addi %add3A_3093, %add3A_3094 : i32
        %swap3A_3096 = arith.index_cast %add3A_3095 : i32 to index
        %swap3A_3097 = tpu.vector_load %arg10[%swap3A_3096] {strides = array<i32>} : memref<70656xf32, #tpu.memory_space<vmem>>, vector<16xf32>,
        tpu.vector_store %arg10[%swap3A_3096], %broadcast_in_dim3A_2875 {strides = array<i32>} : memref<70656xf32, #tpu.memory_space<vmem>>, vector<16xf32>,
        %add3A_3098 = arith.constant 1024 : i32
        %add3A_3099 = arith.addi %add3A_3022, %add3A_3098 : i32
        %add3A_3100 = arith.constant 64 : i32
        %add3A_3101 = arith.addi %add3A_3099, %add3A_3100 : i32
        %swap3A_3102 = arith.index_cast %add3A_3101 : i32 to index
        %swap3A_3103 = tpu.vector_load %arg10[%swap3A_3102] {strides = array<i32>} : memref<70656xf32, #tpu.memory_space<vmem>>, vector<16xf32>,
        tpu.vector_store %arg10[%swap3A_3102], %broadcast_in_dim3A_2875 {strides = array<i32>} : memref<70656xf32, #tpu.memory_space<vmem>>, vector<16xf32>,
        %add3A_3104 = arith.constant 1024 : i32
        %add3A_3105 = arith.addi %add3A_3022, %add3A_3104 : i32
        %add3A_3106 = arith.constant 80 : i32
        %add3A_3107 = arith.addi %add3A_3105, %add3A_3106 : i32
        %swap3A_3108 = arith.index_cast %add3A_3107 : i32 to index
        %swap3A_3109 = tpu.vector_load %arg10[%swap3A_3108] {strides = array<i32>} : memref<70656xf32, #tpu.memory_space<vmem>>, vector<16xf32>,
        tpu.vector_store %arg10[%swap3A_3108], %broadcast_in_dim3A_2875 {strides = array<i32>} : memref<70656xf32, #tpu.memory_space<vmem>>, vector<16xf32>,
        %add3A_3110 = arith.constant 1024 : i32
        %add3A_3111 = arith.addi %add3A_3022, %add3A_3110 : i32
        %add3A_3112 = arith.constant 96 : i32
        %add3A_3113 = arith.addi %add3A_3111, %add3A_3112 : i32
        %swap3A_3114 = arith.index_cast %add3A_3113 : i32 to index
        %swap3A_3115 = tpu.vector_load %arg10[%swap3A_3114] {strides = array<i32>} : memref<70656xf32, #tpu.memory_space<vmem>>, vector<16xf32>,
        tpu.vector_store %arg10[%swap3A_3114], %broadcast_in_dim3A_2875 {strides = array<i32>} : memref<70656xf32, #tpu.memory_space<vmem>>, vector<16xf32>,
        %add3A_3116 = arith.constant 1024 : i32
        %add3A_3117 = arith.addi %add3A_3022, %add3A_3116 : i32
        %add3A_3118 = arith.constant 112 : i32
        %add3A_3119 = arith.addi %add3A_3117, %add3A_3118 : i32
        %swap3A_3120 = arith.index_cast %add3A_3119 : i32 to index
        %swap3A_3121 = tpu.vector_load %arg10[%swap3A_3120] {strides = array<i32>} : memref<70656xf32, #tpu.memory_space<vmem>>, vector<16xf32>,
        tpu.vector_store %arg10[%swap3A_3120], %broadcast_in_dim3A_2875 {strides = array<i32>} : memref<70656xf32, #tpu.memory_space<vmem>>, vector<16xf32>,
        %add3A_3122 = arith.constant 2048 : i32
        %add3A_3123 = arith.addi %add3A_3022, %add3A_3122 : i32
        %add3A_3124 = arith.constant 0 : i32
        %add3A_3125 = arith.addi %add3A_3123, %add3A_3124 : i32
        %swap3A_3126 = arith.index_cast %add3A_3125 : i32 to index
        %swap3A_3127 = tpu.vector_load %arg10[%swap3A_3126] {strides = array<i32>} : memref<70656xf32, #tpu.memory_space<vmem>>, vector<16xf32>,
        tpu.vector_store %arg10[%swap3A_3126], %broadcast_in_dim3A_2875 {strides = array<i32>} : memref<70656xf32, #tpu.memory_space<vmem>>, vector<16xf32>,
        %add3A_3128 = arith.constant 2048 : i32
        %add3A_3129 = arith.addi %add3A_3022, %add3A_3128 : i32
        %add3A_3130 = arith.constant 16 : i32
        %add3A_3131 = arith.addi %add3A_3129, %add3A_3130 : i32
        %swap3A_3132 = arith.index_cast %add3A_3131 : i32 to index
        %swap3A_3133 = tpu.vector_load %arg10[%swap3A_3132] {strides = array<i32>} : memref<70656xf32, #tpu.memory_space<vmem>>, vector<16xf32>,
        tpu.vector_store %arg10[%swap3A_3132], %broadcast_in_dim3A_2875 {strides = array<i32>} : memref<70656xf32, #tpu.memory_space<vmem>>, vector<16xf32>,
        %add3A_3134 = arith.constant 2048 : i32
        %add3A_3135 = arith.addi %add3A_3022, %add3A_3134 : i32
        %add3A_3136 = arith.constant 32 : i32
        %add3A_3137 = arith.addi %add3A_3135, %add3A_3136 : i32
        %swap3A_3138 = arith.index_cast %add3A_3137 : i32 to index
        %swap3A_3139 = tpu.vector_load %arg10[%swap3A_3138] {strides = array<i32>} : memref<70656xf32, #tpu.memory_space<vmem>>, vector<16xf32>,
        tpu.vector_store %arg10[%swap3A_3138], %broadcast_in_dim3A_2875 {strides = array<i32>} : memref<70656xf32, #tpu.memory_space<vmem>>, vector<16xf32>,
        %add3A_3140 = arith.constant 2048 : i32
        %add3A_3141 = arith.addi %add3A_3022, %add3A_3140 : i32
        %add3A_3142 = arith.constant 48 : i32
        %add3A_3143 = arith.addi %add3A_3141, %add3A_3142 : i32
        %swap3A_3144 = arith.index_cast %add3A_3143 : i32 to index
        %swap3A_3145 = tpu.vector_load %arg10[%swap3A_3144] {strides = array<i32>} : memref<70656xf32, #tpu.memory_space<vmem>>, vector<16xf32>,
        tpu.vector_store %arg10[%swap3A_3144], %broadcast_in_dim3A_2875 {strides = array<i32>} : memref<70656xf32, #tpu.memory_space<vmem>>, vector<16xf32>,
        %add3A_3146 = arith.constant 2048 : i32
        %add3A_3147 = arith.addi %add3A_3022, %add3A_3146 : i32
        %add3A_3148 = arith.constant 64 : i32
        %add3A_3149 = arith.addi %add3A_3147, %add3A_3148 : i32
        %swap3A_3150 = arith.index_cast %add3A_3149 : i32 to index
        %swap3A_3151 = tpu.vector_load %arg10[%swap3A_3150] {strides = array<i32>} : memref<70656xf32, #tpu.memory_space<vmem>>, vector<16xf32>,
        tpu.vector_store %arg10[%swap3A_3150], %broadcast_in_dim3A_2875 {strides = array<i32>} : memref<70656xf32, #tpu.memory_space<vmem>>, vector<16xf32>,
        %add3A_3152 = arith.constant 2048 : i32
        %add3A_3153 = arith.addi %add3A_3022, %add3A_3152 : i32
        %add3A_3154 = arith.constant 80 : i32
        %add3A_3155 = arith.addi %add3A_3153, %add3A_3154 : i32
        %swap3A_3156 = arith.index_cast %add3A_3155 : i32 to index
        %swap3A_3157 = tpu.vector_load %arg10[%swap3A_3156] {strides = array<i32>} : memref<70656xf32, #tpu.memory_space<vmem>>, vector<16xf32>,
        tpu.vector_store %arg10[%swap3A_3156], %broadcast_in_dim3A_2875 {strides = array<i32>} : memref<70656xf32, #tpu.memory_space<vmem>>, vector<16xf32>,
        %add3A_3158 = arith.constant 2048 : i32
        %add3A_3159 = arith.addi %add3A_3022, %add3A_3158 : i32
        %add3A_3160 = arith.constant 96 : i32
        %add3A_3161 = arith.addi %add3A_3159, %add3A_3160 : i32
        %swap3A_3162 = arith.index_cast %add3A_3161 : i32 to index
        %swap3A_3163 = tpu.vector_load %arg10[%swap3A_3162] {strides = array<i32>} : memref<70656xf32, #tpu.memory_space<vmem>>, vector<16xf32>,
        tpu.vector_store %arg10[%swap3A_3162], %broadcast_in_dim3A_2875 {strides = array<i32>} : memref<70656xf32, #tpu.memory_space<vmem>>, vector<16xf32>,
        %add3A_3164 = arith.constant 2048 : i32
        %add3A_3165 = arith.addi %add3A_3022, %add3A_3164 : i32
        %add3A_3166 = arith.constant 112 : i32
        %add3A_3167 = arith.addi %add3A_3165, %add3A_3166 : i32
        %swap3A_3168 = arith.index_cast %add3A_3167 : i32 to index
        %swap3A_3169 = tpu.vector_load %arg10[%swap3A_3168] {strides = array<i32>} : memref<70656xf32, #tpu.memory_space<vmem>>, vector<16xf32>,
        tpu.vector_store %arg10[%swap3A_3168], %broadcast_in_dim3A_2875 {strides = array<i32>} : memref<70656xf32, #tpu.memory_space<vmem>>, vector<16xf32>,
      } else {
        %min3A_3027 = arith.constant 362 : i32
        %min3A_3028 = arith.minsi %add3A_2977, %min3A_3027 : i32
        %sub3A_3029 = arith.constant 20 : i32
        %sub3A_3030 = arith.subi %min3A_3028, %sub3A_3029 : i32
        %jit3A_3031 = arith.constant 49 : i32
        %div3A_3032 = arith.divsi %sub3A_3030, %jit3A_3031 : i32
        %sign3A_3033 = arith.constant 0 : i32
        %sign3A_3034 = arith.cmpi sgt, %sub3A_3030, %sign3A_3033 : i32
        %sign3A_3035 = arith.extui %sign3A_3034 : i1 to i32
        %sign3A_3036 = arith.constant 0 : i32
        %sign3A_3037 = arith.cmpi slt, %sub3A_3030, %sign3A_3036 : i32
        %sign3A_3038 = arith.extui %sign3A_3037 : i1 to i32
        %sign3A_3039 = arith.subi %sign3A_3035, %sign3A_3038 : i32
        %sign3A_3040 = arith.constant 0 : i32
        %sign3A_3041 = arith.cmpi sgt, %jit3A_3031, %sign3A_3040 : i32
        %sign3A_3042 = arith.extui %sign3A_3041 : i1 to i32
        %sign3A_3043 = arith.constant 0 : i32
        %sign3A_3044 = arith.cmpi slt, %jit3A_3031, %sign3A_3043 : i32
        %sign3A_3045 = arith.extui %sign3A_3044 : i1 to i32
        %sign3A_3046 = arith.subi %sign3A_3042, %sign3A_3045 : i32
        %ne3A_3047 = arith.cmpi ne, %sign3A_3039, %sign3A_3046 : i32
        %rem3A_3048 = arith.remsi %sub3A_3030, %jit3A_3031 : i32
        %ne3A_3049 = arith.constant 0 : i32
        %ne3A_3050 = arith.cmpi ne, %rem3A_3048, %ne3A_3049 : i32
        %and3A_3051 = arith.andi %ne3A_3047, %ne3A_3050 : i1
        %sub3A_3052 = arith.constant 1 : i32
        %sub3A_3053 = arith.subi %div3A_3032, %sub3A_3052 : i32
        %select_n3A_3054 = arith.select %and3A_3051, %sub3A_3053, %div3A_3032 : i32
        %mul3A_3055 = arith.constant 49 : i32
        %mul3A_3056 = arith.muli %mul3A_3055, %select_n3A_3054 : i32
        %sub3A_3057 = arith.subi %sub3A_3030, %mul3A_3056 : i32
        %jit3A_3058 = arith.constant 7 : i32
        %div3A_3059 = arith.divsi %sub3A_3057, %jit3A_3058 : i32
        %sign3A_3060 = arith.constant 0 : i32
        %sign3A_3061 = arith.cmpi sgt, %sub3A_3057, %sign3A_3060 : i32
        %sign3A_3062 = arith.extui %sign3A_3061 : i1 to i32
        %sign3A_3063 = arith.constant 0 : i32
        %sign3A_3064 = arith.cmpi slt, %sub3A_3057, %sign3A_3063 : i32
        %sign3A_3065 = arith.extui %sign3A_3064 : i1 to i32
        %sign3A_3066 = arith.subi %sign3A_3062, %sign3A_3065 : i32
        %sign3A_3067 = arith.constant 0 : i32
        %sign3A_3068 = arith.cmpi sgt, %jit3A_3058, %sign3A_3067 : i32
        %sign3A_3069 = arith.extui %sign3A_3068 : i1 to i32
        %sign3A_3070 = arith.constant 0 : i32
        %sign3A_3071 = arith.cmpi slt, %jit3A_3058, %sign3A_3070 : i32
        %sign3A_3072 = arith.extui %sign3A_3071 : i1 to i32
        %sign3A_3073 = arith.subi %sign3A_3069, %sign3A_3072 : i32
        %ne3A_3074 = arith.cmpi ne, %sign3A_3066, %sign3A_3073 : i32
        %rem3A_3075 = arith.remsi %sub3A_3057, %jit3A_3058 : i32
        %ne3A_3076 = arith.constant 0 : i32
        %ne3A_3077 = arith.cmpi ne, %rem3A_3075, %ne3A_3076 : i32
        %and3A_3078 = arith.andi %ne3A_3074, %ne3A_3077 : i1
        %sub3A_3079 = arith.constant 1 : i32
        %sub3A_3080 = arith.subi %div3A_3059, %sub3A_3079 : i32
        %select_n3A_3081 = arith.select %and3A_3078, %sub3A_3080, %div3A_3059 : i32
        %mul3A_3082 = arith.constant 169 : i32
        %mul3A_3083 = arith.muli %select_n3A_3054, %mul3A_3082 : i32
        %mul3A_3084 = arith.constant 13 : i32
        %mul3A_3085 = arith.muli %select_n3A_3081, %mul3A_3084 : i32
        %add3A_3086 = arith.addi %mul3A_3083, %mul3A_3085 : i32
        %mul3A_3087 = arith.constant 7 : i32
        %mul3A_3088 = arith.muli %mul3A_3087, %select_n3A_3081 : i32
        %sub3A_3089 = arith.subi %sub3A_3057, %mul3A_3088 : i32
        %add3A_3090 = arith.addi %add3A_3086, %sub3A_3089 : i32
        %broadcast_in_dim3A_3091 = arith.constant 0 : i32
        %broadcast_in_dim3A_3092 = vector.broadcast %broadcast_in_dim3A_3091 : i32 to vector<16xi32>
        %add3A_3093 = vector.broadcast %add3A_3090 : i32 to vector<16xi32>
        %add3A_3094 = arith.addi %broadcast_in_dim3A_3092, %add3A_3093 : vector<16xi32>
        %swap3A = arith.index_cast %add3A_3022 : i32 to index
        %swap3A_3095 = tpu.vector_load %arg10[%swap3A] {strides = array<i32>} : memref<70656xf32, #tpu.memory_space<vmem>>, vector<16xf32>,
        tpu.vector_store %arg10[%swap3A], %get3A_2871 {strides = array<i32>} : memref<70656xf32, #tpu.memory_space<vmem>>, vector<16xf32>,
        %add3A_3096 = arith.addi %sub3A_131, %add3A_3094 : vector<16xi32>
        %gather3A = tpu.vector_load_idx %arg6[%add3A_3096] : memref<2200xf32, #tpu.memory_space<vmem>>[vector<16xi32>], vector<16xf32>,
        %add3A_3097 = arith.constant 0 : i32
        %add3A_3098 = arith.addi %add3A_3022, %add3A_3097 : i32
        %add3A_3099 = arith.constant 16 : i32
        %add3A_3100 = arith.addi %add3A_3098, %add3A_3099 : i32
        %swap3A_3101 = arith.index_cast %add3A_3100 : i32 to index
        %swap3A_3102 = tpu.vector_load %arg10[%swap3A_3101] {strides = array<i32>} : memref<70656xf32, #tpu.memory_space<vmem>>, vector<16xf32>,
        tpu.vector_store %arg10[%swap3A_3101], %gather3A {strides = array<i32>} : memref<70656xf32, #tpu.memory_space<vmem>>, vector<16xf32>,
        %add3A_3103 = arith.addi %sub3A_221, %add3A_3094 : vector<16xi32>
        %gather3A_3104 = tpu.vector_load_idx %arg6[%add3A_3103] : memref<2200xf32, #tpu.memory_space<vmem>>[vector<16xi32>], vector<16xf32>,
        %add3A_3105 = arith.constant 0 : i32
        %add3A_3106 = arith.addi %add3A_3022, %add3A_3105 : i32
        %add3A_3107 = arith.constant 32 : i32
        %add3A_3108 = arith.addi %add3A_3106, %add3A_3107 : i32
        %swap3A_3109 = arith.index_cast %add3A_3108 : i32 to index
        %swap3A_3110 = tpu.vector_load %arg10[%swap3A_3109] {strides = array<i32>} : memref<70656xf32, #tpu.memory_space<vmem>>, vector<16xf32>,
        tpu.vector_store %arg10[%swap3A_3109], %gather3A_3104 {strides = array<i32>} : memref<70656xf32, #tpu.memory_space<vmem>>, vector<16xf32>,
        %add3A_3111 = arith.addi %sub3A_311, %add3A_3094 : vector<16xi32>
        %gather3A_3112 = tpu.vector_load_idx %arg6[%add3A_3111] : memref<2200xf32, #tpu.memory_space<vmem>>[vector<16xi32>], vector<16xf32>,
        %add3A_3113 = arith.constant 0 : i32
        %add3A_3114 = arith.addi %add3A_3022, %add3A_3113 : i32
        %add3A_3115 = arith.constant 48 : i32
        %add3A_3116 = arith.addi %add3A_3114, %add3A_3115 : i32
        %swap3A_3117 = arith.index_cast %add3A_3116 : i32 to index
        %swap3A_3118 = tpu.vector_load %arg10[%swap3A_3117] {strides = array<i32>} : memref<70656xf32, #tpu.memory_space<vmem>>, vector<16xf32>,
        tpu.vector_store %arg10[%swap3A_3117], %gather3A_3112 {strides = array<i32>} : memref<70656xf32, #tpu.memory_space<vmem>>, vector<16xf32>,
        %add3A_3119 = arith.addi %sub3A_401, %add3A_3094 : vector<16xi32>
        %gather3A_3120 = tpu.vector_load_idx %arg6[%add3A_3119] : memref<2200xf32, #tpu.memory_space<vmem>>[vector<16xi32>], vector<16xf32>,
        %add3A_3121 = arith.constant 0 : i32
        %add3A_3122 = arith.addi %add3A_3022, %add3A_3121 : i32
        %add3A_3123 = arith.constant 64 : i32
        %add3A_3124 = arith.addi %add3A_3122, %add3A_3123 : i32
        %swap3A_3125 = arith.index_cast %add3A_3124 : i32 to index
        %swap3A_3126 = tpu.vector_load %arg10[%swap3A_3125] {strides = array<i32>} : memref<70656xf32, #tpu.memory_space<vmem>>, vector<16xf32>,
        tpu.vector_store %arg10[%swap3A_3125], %gather3A_3120 {strides = array<i32>} : memref<70656xf32, #tpu.memory_space<vmem>>, vector<16xf32>,
        %add3A_3127 = arith.addi %sub3A_491, %add3A_3094 : vector<16xi32>
        %gather3A_3128 = tpu.vector_load_idx %arg6[%add3A_3127] : memref<2200xf32, #tpu.memory_space<vmem>>[vector<16xi32>], vector<16xf32>,
        %add3A_3129 = arith.constant 0 : i32
        %add3A_3130 = arith.addi %add3A_3022, %add3A_3129 : i32
        %add3A_3131 = arith.constant 80 : i32
        %add3A_3132 = arith.addi %add3A_3130, %add3A_3131 : i32
        %swap3A_3133 = arith.index_cast %add3A_3132 : i32 to index
        %swap3A_3134 = tpu.vector_load %arg10[%swap3A_3133] {strides = array<i32>} : memref<70656xf32, #tpu.memory_space<vmem>>, vector<16xf32>,
        tpu.vector_store %arg10[%swap3A_3133], %gather3A_3128 {strides = array<i32>} : memref<70656xf32, #tpu.memory_space<vmem>>, vector<16xf32>,
        %add3A_3135 = arith.addi %sub3A_581, %add3A_3094 : vector<16xi32>
        %gather3A_3136 = tpu.vector_load_idx %arg6[%add3A_3135] : memref<2200xf32, #tpu.memory_space<vmem>>[vector<16xi32>], vector<16xf32>,
        %add3A_3137 = arith.constant 0 : i32
        %add3A_3138 = arith.addi %add3A_3022, %add3A_3137 : i32
        %add3A_3139 = arith.constant 96 : i32
        %add3A_3140 = arith.addi %add3A_3138, %add3A_3139 : i32
        %swap3A_3141 = arith.index_cast %add3A_3140 : i32 to index
        %swap3A_3142 = tpu.vector_load %arg10[%swap3A_3141] {strides = array<i32>} : memref<70656xf32, #tpu.memory_space<vmem>>, vector<16xf32>,
        tpu.vector_store %arg10[%swap3A_3141], %gather3A_3136 {strides = array<i32>} : memref<70656xf32, #tpu.memory_space<vmem>>, vector<16xf32>,
        %add3A_3143 = arith.addi %sub3A_671, %add3A_3094 : vector<16xi32>
        %gather3A_3144 = tpu.vector_load_idx %arg6[%add3A_3143] : memref<2200xf32, #tpu.memory_space<vmem>>[vector<16xi32>], vector<16xf32>,
        %add3A_3145 = arith.constant 0 : i32
        %add3A_3146 = arith.addi %add3A_3022, %add3A_3145 : i32
        %add3A_3147 = arith.constant 112 : i32
        %add3A_3148 = arith.addi %add3A_3146, %add3A_3147 : i32
        %swap3A_3149 = arith.index_cast %add3A_3148 : i32 to index
        %swap3A_3150 = tpu.vector_load %arg10[%swap3A_3149] {strides = array<i32>} : memref<70656xf32, #tpu.memory_space<vmem>>, vector<16xf32>,
        tpu.vector_store %arg10[%swap3A_3149], %gather3A_3144 {strides = array<i32>} : memref<70656xf32, #tpu.memory_space<vmem>>, vector<16xf32>,
        %add3A_3151 = arith.addi %sub3A_761, %add3A_3094 : vector<16xi32>
        %gather3A_3152 = tpu.vector_load_idx %arg6[%add3A_3151] : memref<2200xf32, #tpu.memory_space<vmem>>[vector<16xi32>], vector<16xf32>,
        %add3A_3153 = arith.constant 1024 : i32
        %add3A_3154 = arith.addi %add3A_3022, %add3A_3153 : i32
        %add3A_3155 = arith.constant 0 : i32
        %add3A_3156 = arith.addi %add3A_3154, %add3A_3155 : i32
        %swap3A_3157 = arith.index_cast %add3A_3156 : i32 to index
        %swap3A_3158 = tpu.vector_load %arg10[%swap3A_3157] {strides = array<i32>} : memref<70656xf32, #tpu.memory_space<vmem>>, vector<16xf32>,
        tpu.vector_store %arg10[%swap3A_3157], %gather3A_3152 {strides = array<i32>} : memref<70656xf32, #tpu.memory_space<vmem>>, vector<16xf32>,
        %add3A_3159 = arith.addi %sub3A_851, %add3A_3094 : vector<16xi32>
        %gather3A_3160 = tpu.vector_load_idx %arg6[%add3A_3159] : memref<2200xf32, #tpu.memory_space<vmem>>[vector<16xi32>], vector<16xf32>,
        %add3A_3161 = arith.constant 1024 : i32
        %add3A_3162 = arith.addi %add3A_3022, %add3A_3161 : i32
        %add3A_3163 = arith.constant 16 : i32
        %add3A_3164 = arith.addi %add3A_3162, %add3A_3163 : i32
        %swap3A_3165 = arith.index_cast %add3A_3164 : i32 to index
        %swap3A_3166 = tpu.vector_load %arg10[%swap3A_3165] {strides = array<i32>} : memref<70656xf32, #tpu.memory_space<vmem>>, vector<16xf32>,
        tpu.vector_store %arg10[%swap3A_3165], %gather3A_3160 {strides = array<i32>} : memref<70656xf32, #tpu.memory_space<vmem>>, vector<16xf32>,
        %add3A_3167 = arith.addi %sub3A_941, %add3A_3094 : vector<16xi32>
        %gather3A_3168 = tpu.vector_load_idx %arg6[%add3A_3167] : memref<2200xf32, #tpu.memory_space<vmem>>[vector<16xi32>], vector<16xf32>,
        %add3A_3169 = arith.constant 1024 : i32
        %add3A_3170 = arith.addi %add3A_3022, %add3A_3169 : i32
        %add3A_3171 = arith.constant 32 : i32
        %add3A_3172 = arith.addi %add3A_3170, %add3A_3171 : i32
        %swap3A_3173 = arith.index_cast %add3A_3172 : i32 to index
        %swap3A_3174 = tpu.vector_load %arg10[%swap3A_3173] {strides = array<i32>} : memref<70656xf32, #tpu.memory_space<vmem>>, vector<16xf32>,
        tpu.vector_store %arg10[%swap3A_3173], %gather3A_3168 {strides = array<i32>} : memref<70656xf32, #tpu.memory_space<vmem>>, vector<16xf32>,
        %add3A_3175 = arith.addi %sub3A_1031, %add3A_3094 : vector<16xi32>
        %gather3A_3176 = tpu.vector_load_idx %arg6[%add3A_3175] : memref<2200xf32, #tpu.memory_space<vmem>>[vector<16xi32>], vector<16xf32>,
        %add3A_3177 = arith.constant 1024 : i32
        %add3A_3178 = arith.addi %add3A_3022, %add3A_3177 : i32
        %add3A_3179 = arith.constant 48 : i32
        %add3A_3180 = arith.addi %add3A_3178, %add3A_3179 : i32
        %swap3A_3181 = arith.index_cast %add3A_3180 : i32 to index
        %swap3A_3182 = tpu.vector_load %arg10[%swap3A_3181] {strides = array<i32>} : memref<70656xf32, #tpu.memory_space<vmem>>, vector<16xf32>,
        tpu.vector_store %arg10[%swap3A_3181], %gather3A_3176 {strides = array<i32>} : memref<70656xf32, #tpu.memory_space<vmem>>, vector<16xf32>,
        %add3A_3183 = arith.addi %sub3A_1121, %add3A_3094 : vector<16xi32>
        %gather3A_3184 = tpu.vector_load_idx %arg6[%add3A_3183] : memref<2200xf32, #tpu.memory_space<vmem>>[vector<16xi32>], vector<16xf32>,
        %add3A_3185 = arith.constant 1024 : i32
        %add3A_3186 = arith.addi %add3A_3022, %add3A_3185 : i32
        %add3A_3187 = arith.constant 64 : i32
        %add3A_3188 = arith.addi %add3A_3186, %add3A_3187 : i32
        %swap3A_3189 = arith.index_cast %add3A_3188 : i32 to index
        %swap3A_3190 = tpu.vector_load %arg10[%swap3A_3189] {strides = array<i32>} : memref<70656xf32, #tpu.memory_space<vmem>>, vector<16xf32>,
        tpu.vector_store %arg10[%swap3A_3189], %gather3A_3184 {strides = array<i32>} : memref<70656xf32, #tpu.memory_space<vmem>>, vector<16xf32>,
        %add3A_3191 = arith.addi %sub3A_1211, %add3A_3094 : vector<16xi32>
        %gather3A_3192 = tpu.vector_load_idx %arg6[%add3A_3191] : memref<2200xf32, #tpu.memory_space<vmem>>[vector<16xi32>], vector<16xf32>,
        %add3A_3193 = arith.constant 1024 : i32
        %add3A_3194 = arith.addi %add3A_3022, %add3A_3193 : i32
        %add3A_3195 = arith.constant 80 : i32
        %add3A_3196 = arith.addi %add3A_3194, %add3A_3195 : i32
        %swap3A_3197 = arith.index_cast %add3A_3196 : i32 to index
        %swap3A_3198 = tpu.vector_load %arg10[%swap3A_3197] {strides = array<i32>} : memref<70656xf32, #tpu.memory_space<vmem>>, vector<16xf32>,
        tpu.vector_store %arg10[%swap3A_3197], %gather3A_3192 {strides = array<i32>} : memref<70656xf32, #tpu.memory_space<vmem>>, vector<16xf32>,
        %add3A_3199 = arith.addi %sub3A_1301, %add3A_3094 : vector<16xi32>
        %gather3A_3200 = tpu.vector_load_idx %arg6[%add3A_3199] : memref<2200xf32, #tpu.memory_space<vmem>>[vector<16xi32>], vector<16xf32>,
        %add3A_3201 = arith.constant 1024 : i32
        %add3A_3202 = arith.addi %add3A_3022, %add3A_3201 : i32
        %add3A_3203 = arith.constant 96 : i32
        %add3A_3204 = arith.addi %add3A_3202, %add3A_3203 : i32
        %swap3A_3205 = arith.index_cast %add3A_3204 : i32 to index
        %swap3A_3206 = tpu.vector_load %arg10[%swap3A_3205] {strides = array<i32>} : memref<70656xf32, #tpu.memory_space<vmem>>, vector<16xf32>,
        tpu.vector_store %arg10[%swap3A_3205], %gather3A_3200 {strides = array<i32>} : memref<70656xf32, #tpu.memory_space<vmem>>, vector<16xf32>,
        %add3A_3207 = arith.addi %sub3A_1391, %add3A_3094 : vector<16xi32>
        %gather3A_3208 = tpu.vector_load_idx %arg6[%add3A_3207] : memref<2200xf32, #tpu.memory_space<vmem>>[vector<16xi32>], vector<16xf32>,
        %add3A_3209 = arith.constant 1024 : i32
        %add3A_3210 = arith.addi %add3A_3022, %add3A_3209 : i32
        %add3A_3211 = arith.constant 112 : i32
        %add3A_3212 = arith.addi %add3A_3210, %add3A_3211 : i32
        %swap3A_3213 = arith.index_cast %add3A_3212 : i32 to index
        %swap3A_3214 = tpu.vector_load %arg10[%swap3A_3213] {strides = array<i32>} : memref<70656xf32, #tpu.memory_space<vmem>>, vector<16xf32>,
        tpu.vector_store %arg10[%swap3A_3213], %gather3A_3208 {strides = array<i32>} : memref<70656xf32, #tpu.memory_space<vmem>>, vector<16xf32>,
        %add3A_3215 = arith.addi %sub3A_1481, %add3A_3094 : vector<16xi32>
        %gather3A_3216 = tpu.vector_load_idx %arg6[%add3A_3215] : memref<2200xf32, #tpu.memory_space<vmem>>[vector<16xi32>], vector<16xf32>,
        %add3A_3217 = arith.constant 2048 : i32
        %add3A_3218 = arith.addi %add3A_3022, %add3A_3217 : i32
        %add3A_3219 = arith.constant 0 : i32
        %add3A_3220 = arith.addi %add3A_3218, %add3A_3219 : i32
        %swap3A_3221 = arith.index_cast %add3A_3220 : i32 to index
        %swap3A_3222 = tpu.vector_load %arg10[%swap3A_3221] {strides = array<i32>} : memref<70656xf32, #tpu.memory_space<vmem>>, vector<16xf32>,
        tpu.vector_store %arg10[%swap3A_3221], %gather3A_3216 {strides = array<i32>} : memref<70656xf32, #tpu.memory_space<vmem>>, vector<16xf32>,
        %add3A_3223 = arith.addi %sub3A_1571, %add3A_3094 : vector<16xi32>
        %gather3A_3224 = tpu.vector_load_idx %arg6[%add3A_3223] : memref<2200xf32, #tpu.memory_space<vmem>>[vector<16xi32>], vector<16xf32>,
        %add3A_3225 = arith.constant 2048 : i32
        %add3A_3226 = arith.addi %add3A_3022, %add3A_3225 : i32
        %add3A_3227 = arith.constant 16 : i32
        %add3A_3228 = arith.addi %add3A_3226, %add3A_3227 : i32
        %swap3A_3229 = arith.index_cast %add3A_3228 : i32 to index
        %swap3A_3230 = tpu.vector_load %arg10[%swap3A_3229] {strides = array<i32>} : memref<70656xf32, #tpu.memory_space<vmem>>, vector<16xf32>,
        tpu.vector_store %arg10[%swap3A_3229], %gather3A_3224 {strides = array<i32>} : memref<70656xf32, #tpu.memory_space<vmem>>, vector<16xf32>,
        %add3A_3231 = arith.addi %sub3A_1661, %add3A_3094 : vector<16xi32>
        %gather3A_3232 = tpu.vector_load_idx %arg6[%add3A_3231] : memref<2200xf32, #tpu.memory_space<vmem>>[vector<16xi32>], vector<16xf32>,
        %add3A_3233 = arith.constant 2048 : i32
        %add3A_3234 = arith.addi %add3A_3022, %add3A_3233 : i32
        %add3A_3235 = arith.constant 32 : i32
        %add3A_3236 = arith.addi %add3A_3234, %add3A_3235 : i32
        %swap3A_3237 = arith.index_cast %add3A_3236 : i32 to index
        %swap3A_3238 = tpu.vector_load %arg10[%swap3A_3237] {strides = array<i32>} : memref<70656xf32, #tpu.memory_space<vmem>>, vector<16xf32>,
        tpu.vector_store %arg10[%swap3A_3237], %gather3A_3232 {strides = array<i32>} : memref<70656xf32, #tpu.memory_space<vmem>>, vector<16xf32>,
        %add3A_3239 = arith.addi %sub3A_1751, %add3A_3094 : vector<16xi32>
        %gather3A_3240 = tpu.vector_load_idx %arg6[%add3A_3239] : memref<2200xf32, #tpu.memory_space<vmem>>[vector<16xi32>], vector<16xf32>,
        %add3A_3241 = arith.constant 2048 : i32
        %add3A_3242 = arith.addi %add3A_3022, %add3A_3241 : i32
        %add3A_3243 = arith.constant 48 : i32
        %add3A_3244 = arith.addi %add3A_3242, %add3A_3243 : i32
        %swap3A_3245 = arith.index_cast %add3A_3244 : i32 to index
        %swap3A_3246 = tpu.vector_load %arg10[%swap3A_3245] {strides = array<i32>} : memref<70656xf32, #tpu.memory_space<vmem>>, vector<16xf32>,
        tpu.vector_store %arg10[%swap3A_3245], %gather3A_3240 {strides = array<i32>} : memref<70656xf32, #tpu.memory_space<vmem>>, vector<16xf32>,
        %add3A_3247 = arith.addi %sub3A_1841, %add3A_3094 : vector<16xi32>
        %gather3A_3248 = tpu.vector_load_idx %arg6[%add3A_3247] : memref<2200xf32, #tpu.memory_space<vmem>>[vector<16xi32>], vector<16xf32>,
        %add3A_3249 = arith.constant 2048 : i32
        %add3A_3250 = arith.addi %add3A_3022, %add3A_3249 : i32
        %add3A_3251 = arith.constant 64 : i32
        %add3A_3252 = arith.addi %add3A_3250, %add3A_3251 : i32
        %swap3A_3253 = arith.index_cast %add3A_3252 : i32 to index
        %swap3A_3254 = tpu.vector_load %arg10[%swap3A_3253] {strides = array<i32>} : memref<70656xf32, #tpu.memory_space<vmem>>, vector<16xf32>,
        tpu.vector_store %arg10[%swap3A_3253], %gather3A_3248 {strides = array<i32>} : memref<70656xf32, #tpu.memory_space<vmem>>, vector<16xf32>,
        %add3A_3255 = arith.addi %sub3A_1931, %add3A_3094 : vector<16xi32>
        %gather3A_3256 = tpu.vector_load_idx %arg6[%add3A_3255] : memref<2200xf32, #tpu.memory_space<vmem>>[vector<16xi32>], vector<16xf32>,
        %add3A_3257 = arith.constant 2048 : i32
        %add3A_3258 = arith.addi %add3A_3022, %add3A_3257 : i32
        %add3A_3259 = arith.constant 80 : i32
        %add3A_3260 = arith.addi %add3A_3258, %add3A_3259 : i32
        %swap3A_3261 = arith.index_cast %add3A_3260 : i32 to index
        %swap3A_3262 = tpu.vector_load %arg10[%swap3A_3261] {strides = array<i32>} : memref<70656xf32, #tpu.memory_space<vmem>>, vector<16xf32>,
        tpu.vector_store %arg10[%swap3A_3261], %gather3A_3256 {strides = array<i32>} : memref<70656xf32, #tpu.memory_space<vmem>>, vector<16xf32>,
        %add3A_3263 = arith.addi %sub3A_2021, %add3A_3094 : vector<16xi32>
        %gather3A_3264 = tpu.vector_load_idx %arg6[%add3A_3263] : memref<2200xf32, #tpu.memory_space<vmem>>[vector<16xi32>], vector<16xf32>,
        %add3A_3265 = arith.constant 2048 : i32
        %add3A_3266 = arith.addi %add3A_3022, %add3A_3265 : i32
        %add3A_3267 = arith.constant 96 : i32
        %add3A_3268 = arith.addi %add3A_3266, %add3A_3267 : i32
        %swap3A_3269 = arith.index_cast %add3A_3268 : i32 to index
        %swap3A_3270 = tpu.vector_load %arg10[%swap3A_3269] {strides = array<i32>} : memref<70656xf32, #tpu.memory_space<vmem>>, vector<16xf32>,
        tpu.vector_store %arg10[%swap3A_3269], %gather3A_3264 {strides = array<i32>} : memref<70656xf32, #tpu.memory_space<vmem>>, vector<16xf32>,
        %add3A_3271 = arith.constant 4 : i32
        %add3A_3272 = arith.addi %add3A_3022, %add3A_3271 : i32
        %swap3A_3273 = arith.index_cast %add3A_3272 : i32 to index
        %swap3A_3274 = tpu.vector_load %arg10[%swap3A_3273] {strides = array<i32>} : memref<70656xf32, #tpu.memory_space<vmem>>, vector<16xf32>,
        tpu.vector_store %arg10[%swap3A_3273], %get3A_2873 {strides = array<i32>} : memref<70656xf32, #tpu.memory_space<vmem>>, vector<16xf32>,
      }
      %scan3A_3026 = arith.constant 0 : i32
      scf.yield %scan3A_3026 : i32
    }
    %scan3A_2900 = arith.constant 48 : i32
    %mul3A_2901 = arith.constant 23 : i32
    %mul3A_2902 = arith.muli %add3A, %mul3A_2901 : i32
    %add3A_2903 = arith.constant 6 : i32
    %add3A_2904 = arith.addi %mul3A_2902, %add3A_2903 : i32
    %mul3A_2905 = arith.constant 3072 : i32
    %mul3A_2906 = arith.muli %add3A_2904, %mul3A_2905 : i32
    %dma_start3A_2907 = arith.constant 18432 : i32
    %dma_start3A_2908 = tpu.memref_slice %arg10[%dma_start3A_2907] : memref<70656xf32, #tpu.memory_space<vmem>> -> memref<18432xf32, #tpu.memory_space<vmem>>
    %dma_start3A_2909 = tpu.memref_slice %arg5[%mul3A_2906] : memref<2260992xf32, #tpu.memory_space<hbm>> -> memref<18432xf32, #tpu.memory_space<hbm>>
    %dma_start3A_2910 = tpu.memref_slice %arg5[%mul3A_2906] : memref<2260992xf32, #tpu.memory_space<hbm>> -> memref<18432xf32, #tpu.memory_space<hbm>>
    %dma_start3A_2911 = arith.constant 18432 : i32
    %dma_start3A_2912 = tpu.memref_slice %arg10[%dma_start3A_2911] : memref<70656xf32, #tpu.memory_space<vmem>> -> memref<18432xf32, #tpu.memory_space<vmem>>
    tpu.enqueue_dma source(%dma_start3A_2912 : memref<18432xf32, #tpu.memory_space<vmem>>) target(%dma_start3A_2910 : memref<18432xf32, #tpu.memory_space<hbm>>) target_semaphore(%arg12 : memref<!tpu.dma_semaphore, #tpu.memory_space<semaphore_mem>>)
    %scan3A_2913 = arith.constant 0 : i32
    %scan3A_2914 = arith.constant 96 : i32
    %scan3A_2915 = arith.constant 48 : i32
    %scan3A_2916 = arith.addi %scan3A_2914, %scan3A_2915 : i32
    %scan3A_2917 = arith.constant 1 : i32
    %scan3A_2918 = scf.for %scan3A_2975 = %scan3A_2914 to %scan3A_2916 step %scan3A_2917 iter_args(%scan3A_2976 = %scan3A_2913) -> (i32)  : i32 {
      %add3A_2977 = arith.addi %mul3A_32, %scan3A_2975 : i32
      %jit3A_2978 = arith.constant 8 : i32
      %div3A_2979 = arith.divsi %scan3A_2975, %jit3A_2978 : i32
      %sign3A_2980 = arith.constant 0 : i32
      %sign3A_2981 = arith.cmpi sgt, %scan3A_2975, %sign3A_2980 : i32
      %sign3A_2982 = arith.extui %sign3A_2981 : i1 to i32
      %sign3A_2983 = arith.constant 0 : i32
      %sign3A_2984 = arith.cmpi slt, %scan3A_2975, %sign3A_2983 : i32
      %sign3A_2985 = arith.extui %sign3A_2984 : i1 to i32
      %sign3A_2986 = arith.subi %sign3A_2982, %sign3A_2985 : i32
      %sign3A_2987 = arith.constant 0 : i32
      %sign3A_2988 = arith.cmpi sgt, %jit3A_2978, %sign3A_2987 : i32
      %sign3A_2989 = arith.extui %sign3A_2988 : i1 to i32
      %sign3A_2990 = arith.constant 0 : i32
      %sign3A_2991 = arith.cmpi slt, %jit3A_2978, %sign3A_2990 : i32
      %sign3A_2992 = arith.extui %sign3A_2991 : i1 to i32
      %sign3A_2993 = arith.subi %sign3A_2989, %sign3A_2992 : i32
      %ne3A_2994 = arith.cmpi ne, %sign3A_2986, %sign3A_2993 : i32
      %rem3A_2995 = arith.remsi %scan3A_2975, %jit3A_2978 : i32
      %ne3A_2996 = arith.constant 0 : i32
      %ne3A_2997 = arith.cmpi ne, %rem3A_2995, %ne3A_2996 : i32
      %and3A_2998 = arith.andi %ne3A_2994, %ne3A_2997 : i1
      %sub3A_2999 = arith.constant 1 : i32
      %sub3A_3000 = arith.subi %div3A_2979, %sub3A_2999 : i32
      %select_n3A_3001 = arith.select %and3A_2998, %sub3A_3000, %div3A_2979 : i32
      %mul3A_3002 = arith.constant 3072 : i32
      %mul3A_3003 = arith.muli %select_n3A_3001, %mul3A_3002 : i32
      %jit3A_3004 = arith.constant 8 : i32
      %eq3A_3005 = arith.constant 0 : i32
      %eq3A_3006 = arith.cmpi eq, %jit3A_3004, %eq3A_3005 : i32
      %jit3A_3007 = arith.constant 1 : i32
      %select_n3A_3008 = arith.select %eq3A_3006, %jit3A_3007, %jit3A_3004 : i32
      %rem3A_3009 = arith.remsi %scan3A_2975, %select_n3A_3008 : i32
      %ne3A_3010 = arith.constant 0 : i32
      %ne3A_3011 = arith.cmpi ne, %rem3A_3009, %ne3A_3010 : i32
      %lt3A_3012 = arith.constant 0 : i32
      %lt3A_3013 = arith.cmpi slt, %rem3A_3009, %lt3A_3012 : i32
      %lt3A_3014 = arith.constant 0 : i32
      %lt3A_3015 = arith.cmpi slt, %select_n3A_3008, %lt3A_3014 : i32
      %ne3A_3016 = arith.xori %lt3A_3013, %lt3A_3015 : i1
      %and3A_3017 = arith.andi %ne3A_3016, %ne3A_3011 : i1
      %add3A_3018 = arith.addi %rem3A_3009, %select_n3A_3008 : i32
      %select_n3A_3019 = arith.select %and3A_3017, %add3A_3018, %rem3A_3009 : i32
      %mul3A_3020 = arith.constant 128 : i32
      %mul3A_3021 = arith.muli %select_n3A_3019, %mul3A_3020 : i32
      %add3A_3022 = arith.addi %mul3A_3003, %mul3A_3021 : i32
      %lt3A_3023 = arith.constant 20 : i32
      %lt3A_3024 = arith.cmpi slt, %add3A_2977, %lt3A_3023 : i32
      %convert_element_type3A = arith.extui %lt3A_3024 : i1 to i32
      %cond3A = arith.constant 0 : i32
      %cond3A_3025 = arith.cmpi ne, %convert_element_type3A, %cond3A : i32
      scf.if %cond3A_3025 {
        %add3A_3027 = arith.constant 0 : i32
        %add3A_3028 = arith.addi %add3A_3022, %add3A_3027 : i32
        %add3A_3029 = arith.constant 0 : i32
        %add3A_3030 = arith.addi %add3A_3028, %add3A_3029 : i32
        %swap3A = arith.index_cast %add3A_3030 : i32 to index
        %swap3A_3031 = tpu.vector_load %arg10[%swap3A] {strides = array<i32>} : memref<70656xf32, #tpu.memory_space<vmem>>, vector<16xf32>,
        tpu.vector_store %arg10[%swap3A], %broadcast_in_dim3A_2875 {strides = array<i32>} : memref<70656xf32, #tpu.memory_space<vmem>>, vector<16xf32>,
        %add3A_3032 = arith.constant 0 : i32
        %add3A_3033 = arith.addi %add3A_3022, %add3A_3032 : i32
        %add3A_3034 = arith.constant 16 : i32
        %add3A_3035 = arith.addi %add3A_3033, %add3A_3034 : i32
        %swap3A_3036 = arith.index_cast %add3A_3035 : i32 to index
        %swap3A_3037 = tpu.vector_load %arg10[%swap3A_3036] {strides = array<i32>} : memref<70656xf32, #tpu.memory_space<vmem>>, vector<16xf32>,
        tpu.vector_store %arg10[%swap3A_3036], %broadcast_in_dim3A_2875 {strides = array<i32>} : memref<70656xf32, #tpu.memory_space<vmem>>, vector<16xf32>,
        %add3A_3038 = arith.constant 0 : i32
        %add3A_3039 = arith.addi %add3A_3022, %add3A_3038 : i32
        %add3A_3040 = arith.constant 32 : i32
        %add3A_3041 = arith.addi %add3A_3039, %add3A_3040 : i32
        %swap3A_3042 = arith.index_cast %add3A_3041 : i32 to index
        %swap3A_3043 = tpu.vector_load %arg10[%swap3A_3042] {strides = array<i32>} : memref<70656xf32, #tpu.memory_space<vmem>>, vector<16xf32>,
        tpu.vector_store %arg10[%swap3A_3042], %broadcast_in_dim3A_2875 {strides = array<i32>} : memref<70656xf32, #tpu.memory_space<vmem>>, vector<16xf32>,
        %add3A_3044 = arith.constant 0 : i32
        %add3A_3045 = arith.addi %add3A_3022, %add3A_3044 : i32
        %add3A_3046 = arith.constant 48 : i32
        %add3A_3047 = arith.addi %add3A_3045, %add3A_3046 : i32
        %swap3A_3048 = arith.index_cast %add3A_3047 : i32 to index
        %swap3A_3049 = tpu.vector_load %arg10[%swap3A_3048] {strides = array<i32>} : memref<70656xf32, #tpu.memory_space<vmem>>, vector<16xf32>,
        tpu.vector_store %arg10[%swap3A_3048], %broadcast_in_dim3A_2875 {strides = array<i32>} : memref<70656xf32, #tpu.memory_space<vmem>>, vector<16xf32>,
        %add3A_3050 = arith.constant 0 : i32
        %add3A_3051 = arith.addi %add3A_3022, %add3A_3050 : i32
        %add3A_3052 = arith.constant 64 : i32
        %add3A_3053 = arith.addi %add3A_3051, %add3A_3052 : i32
        %swap3A_3054 = arith.index_cast %add3A_3053 : i32 to index
        %swap3A_3055 = tpu.vector_load %arg10[%swap3A_3054] {strides = array<i32>} : memref<70656xf32, #tpu.memory_space<vmem>>, vector<16xf32>,
        tpu.vector_store %arg10[%swap3A_3054], %broadcast_in_dim3A_2875 {strides = array<i32>} : memref<70656xf32, #tpu.memory_space<vmem>>, vector<16xf32>,
        %add3A_3056 = arith.constant 0 : i32
        %add3A_3057 = arith.addi %add3A_3022, %add3A_3056 : i32
        %add3A_3058 = arith.constant 80 : i32
        %add3A_3059 = arith.addi %add3A_3057, %add3A_3058 : i32
        %swap3A_3060 = arith.index_cast %add3A_3059 : i32 to index
        %swap3A_3061 = tpu.vector_load %arg10[%swap3A_3060] {strides = array<i32>} : memref<70656xf32, #tpu.memory_space<vmem>>, vector<16xf32>,
        tpu.vector_store %arg10[%swap3A_3060], %broadcast_in_dim3A_2875 {strides = array<i32>} : memref<70656xf32, #tpu.memory_space<vmem>>, vector<16xf32>,
        %add3A_3062 = arith.constant 0 : i32
        %add3A_3063 = arith.addi %add3A_3022, %add3A_3062 : i32
        %add3A_3064 = arith.constant 96 : i32
        %add3A_3065 = arith.addi %add3A_3063, %add3A_3064 : i32
        %swap3A_3066 = arith.index_cast %add3A_3065 : i32 to index
        %swap3A_3067 = tpu.vector_load %arg10[%swap3A_3066] {strides = array<i32>} : memref<70656xf32, #tpu.memory_space<vmem>>, vector<16xf32>,
        tpu.vector_store %arg10[%swap3A_3066], %broadcast_in_dim3A_2875 {strides = array<i32>} : memref<70656xf32, #tpu.memory_space<vmem>>, vector<16xf32>,
        %add3A_3068 = arith.constant 0 : i32
        %add3A_3069 = arith.addi %add3A_3022, %add3A_3068 : i32
        %add3A_3070 = arith.constant 112 : i32
        %add3A_3071 = arith.addi %add3A_3069, %add3A_3070 : i32
        %swap3A_3072 = arith.index_cast %add3A_3071 : i32 to index
        %swap3A_3073 = tpu.vector_load %arg10[%swap3A_3072] {strides = array<i32>} : memref<70656xf32, #tpu.memory_space<vmem>>, vector<16xf32>,
        tpu.vector_store %arg10[%swap3A_3072], %broadcast_in_dim3A_2875 {strides = array<i32>} : memref<70656xf32, #tpu.memory_space<vmem>>, vector<16xf32>,
        %add3A_3074 = arith.constant 1024 : i32
        %add3A_3075 = arith.addi %add3A_3022, %add3A_3074 : i32
        %add3A_3076 = arith.constant 0 : i32
        %add3A_3077 = arith.addi %add3A_3075, %add3A_3076 : i32
        %swap3A_3078 = arith.index_cast %add3A_3077 : i32 to index
        %swap3A_3079 = tpu.vector_load %arg10[%swap3A_3078] {strides = array<i32>} : memref<70656xf32, #tpu.memory_space<vmem>>, vector<16xf32>,
        tpu.vector_store %arg10[%swap3A_3078], %broadcast_in_dim3A_2875 {strides = array<i32>} : memref<70656xf32, #tpu.memory_space<vmem>>, vector<16xf32>,
        %add3A_3080 = arith.constant 1024 : i32
        %add3A_3081 = arith.addi %add3A_3022, %add3A_3080 : i32
        %add3A_3082 = arith.constant 16 : i32
        %add3A_3083 = arith.addi %add3A_3081, %add3A_3082 : i32
        %swap3A_3084 = arith.index_cast %add3A_3083 : i32 to index
        %swap3A_3085 = tpu.vector_load %arg10[%swap3A_3084] {strides = array<i32>} : memref<70656xf32, #tpu.memory_space<vmem>>, vector<16xf32>,
        tpu.vector_store %arg10[%swap3A_3084], %broadcast_in_dim3A_2875 {strides = array<i32>} : memref<70656xf32, #tpu.memory_space<vmem>>, vector<16xf32>,
        %add3A_3086 = arith.constant 1024 : i32
        %add3A_3087 = arith.addi %add3A_3022, %add3A_3086 : i32
        %add3A_3088 = arith.constant 32 : i32
        %add3A_3089 = arith.addi %add3A_3087, %add3A_3088 : i32
        %swap3A_3090 = arith.index_cast %add3A_3089 : i32 to index
        %swap3A_3091 = tpu.vector_load %arg10[%swap3A_3090] {strides = array<i32>} : memref<70656xf32, #tpu.memory_space<vmem>>, vector<16xf32>,
        tpu.vector_store %arg10[%swap3A_3090], %broadcast_in_dim3A_2875 {strides = array<i32>} : memref<70656xf32, #tpu.memory_space<vmem>>, vector<16xf32>,
        %add3A_3092 = arith.constant 1024 : i32
        %add3A_3093 = arith.addi %add3A_3022, %add3A_3092 : i32
        %add3A_3094 = arith.constant 48 : i32
        %add3A_3095 = arith.addi %add3A_3093, %add3A_3094 : i32
        %swap3A_3096 = arith.index_cast %add3A_3095 : i32 to index
        %swap3A_3097 = tpu.vector_load %arg10[%swap3A_3096] {strides = array<i32>} : memref<70656xf32, #tpu.memory_space<vmem>>, vector<16xf32>,
        tpu.vector_store %arg10[%swap3A_3096], %broadcast_in_dim3A_2875 {strides = array<i32>} : memref<70656xf32, #tpu.memory_space<vmem>>, vector<16xf32>,
        %add3A_3098 = arith.constant 1024 : i32
        %add3A_3099 = arith.addi %add3A_3022, %add3A_3098 : i32
        %add3A_3100 = arith.constant 64 : i32
        %add3A_3101 = arith.addi %add3A_3099, %add3A_3100 : i32
        %swap3A_3102 = arith.index_cast %add3A_3101 : i32 to index
        %swap3A_3103 = tpu.vector_load %arg10[%swap3A_3102] {strides = array<i32>} : memref<70656xf32, #tpu.memory_space<vmem>>, vector<16xf32>,
        tpu.vector_store %arg10[%swap3A_3102], %broadcast_in_dim3A_2875 {strides = array<i32>} : memref<70656xf32, #tpu.memory_space<vmem>>, vector<16xf32>,
        %add3A_3104 = arith.constant 1024 : i32
        %add3A_3105 = arith.addi %add3A_3022, %add3A_3104 : i32
        %add3A_3106 = arith.constant 80 : i32
        %add3A_3107 = arith.addi %add3A_3105, %add3A_3106 : i32
        %swap3A_3108 = arith.index_cast %add3A_3107 : i32 to index
        %swap3A_3109 = tpu.vector_load %arg10[%swap3A_3108] {strides = array<i32>} : memref<70656xf32, #tpu.memory_space<vmem>>, vector<16xf32>,
        tpu.vector_store %arg10[%swap3A_3108], %broadcast_in_dim3A_2875 {strides = array<i32>} : memref<70656xf32, #tpu.memory_space<vmem>>, vector<16xf32>,
        %add3A_3110 = arith.constant 1024 : i32
        %add3A_3111 = arith.addi %add3A_3022, %add3A_3110 : i32
        %add3A_3112 = arith.constant 96 : i32
        %add3A_3113 = arith.addi %add3A_3111, %add3A_3112 : i32
        %swap3A_3114 = arith.index_cast %add3A_3113 : i32 to index
        %swap3A_3115 = tpu.vector_load %arg10[%swap3A_3114] {strides = array<i32>} : memref<70656xf32, #tpu.memory_space<vmem>>, vector<16xf32>,
        tpu.vector_store %arg10[%swap3A_3114], %broadcast_in_dim3A_2875 {strides = array<i32>} : memref<70656xf32, #tpu.memory_space<vmem>>, vector<16xf32>,
        %add3A_3116 = arith.constant 1024 : i32
        %add3A_3117 = arith.addi %add3A_3022, %add3A_3116 : i32
        %add3A_3118 = arith.constant 112 : i32
        %add3A_3119 = arith.addi %add3A_3117, %add3A_3118 : i32
        %swap3A_3120 = arith.index_cast %add3A_3119 : i32 to index
        %swap3A_3121 = tpu.vector_load %arg10[%swap3A_3120] {strides = array<i32>} : memref<70656xf32, #tpu.memory_space<vmem>>, vector<16xf32>,
        tpu.vector_store %arg10[%swap3A_3120], %broadcast_in_dim3A_2875 {strides = array<i32>} : memref<70656xf32, #tpu.memory_space<vmem>>, vector<16xf32>,
        %add3A_3122 = arith.constant 2048 : i32
        %add3A_3123 = arith.addi %add3A_3022, %add3A_3122 : i32
        %add3A_3124 = arith.constant 0 : i32
        %add3A_3125 = arith.addi %add3A_3123, %add3A_3124 : i32
        %swap3A_3126 = arith.index_cast %add3A_3125 : i32 to index
        %swap3A_3127 = tpu.vector_load %arg10[%swap3A_3126] {strides = array<i32>} : memref<70656xf32, #tpu.memory_space<vmem>>, vector<16xf32>,
        tpu.vector_store %arg10[%swap3A_3126], %broadcast_in_dim3A_2875 {strides = array<i32>} : memref<70656xf32, #tpu.memory_space<vmem>>, vector<16xf32>,
        %add3A_3128 = arith.constant 2048 : i32
        %add3A_3129 = arith.addi %add3A_3022, %add3A_3128 : i32
        %add3A_3130 = arith.constant 16 : i32
        %add3A_3131 = arith.addi %add3A_3129, %add3A_3130 : i32
        %swap3A_3132 = arith.index_cast %add3A_3131 : i32 to index
        %swap3A_3133 = tpu.vector_load %arg10[%swap3A_3132] {strides = array<i32>} : memref<70656xf32, #tpu.memory_space<vmem>>, vector<16xf32>,
        tpu.vector_store %arg10[%swap3A_3132], %broadcast_in_dim3A_2875 {strides = array<i32>} : memref<70656xf32, #tpu.memory_space<vmem>>, vector<16xf32>,
        %add3A_3134 = arith.constant 2048 : i32
        %add3A_3135 = arith.addi %add3A_3022, %add3A_3134 : i32
        %add3A_3136 = arith.constant 32 : i32
        %add3A_3137 = arith.addi %add3A_3135, %add3A_3136 : i32
        %swap3A_3138 = arith.index_cast %add3A_3137 : i32 to index
        %swap3A_3139 = tpu.vector_load %arg10[%swap3A_3138] {strides = array<i32>} : memref<70656xf32, #tpu.memory_space<vmem>>, vector<16xf32>,
        tpu.vector_store %arg10[%swap3A_3138], %broadcast_in_dim3A_2875 {strides = array<i32>} : memref<70656xf32, #tpu.memory_space<vmem>>, vector<16xf32>,
        %add3A_3140 = arith.constant 2048 : i32
        %add3A_3141 = arith.addi %add3A_3022, %add3A_3140 : i32
        %add3A_3142 = arith.constant 48 : i32
        %add3A_3143 = arith.addi %add3A_3141, %add3A_3142 : i32
        %swap3A_3144 = arith.index_cast %add3A_3143 : i32 to index
        %swap3A_3145 = tpu.vector_load %arg10[%swap3A_3144] {strides = array<i32>} : memref<70656xf32, #tpu.memory_space<vmem>>, vector<16xf32>,
        tpu.vector_store %arg10[%swap3A_3144], %broadcast_in_dim3A_2875 {strides = array<i32>} : memref<70656xf32, #tpu.memory_space<vmem>>, vector<16xf32>,
        %add3A_3146 = arith.constant 2048 : i32
        %add3A_3147 = arith.addi %add3A_3022, %add3A_3146 : i32
        %add3A_3148 = arith.constant 64 : i32
        %add3A_3149 = arith.addi %add3A_3147, %add3A_3148 : i32
        %swap3A_3150 = arith.index_cast %add3A_3149 : i32 to index
        %swap3A_3151 = tpu.vector_load %arg10[%swap3A_3150] {strides = array<i32>} : memref<70656xf32, #tpu.memory_space<vmem>>, vector<16xf32>,
        tpu.vector_store %arg10[%swap3A_3150], %broadcast_in_dim3A_2875 {strides = array<i32>} : memref<70656xf32, #tpu.memory_space<vmem>>, vector<16xf32>,
        %add3A_3152 = arith.constant 2048 : i32
        %add3A_3153 = arith.addi %add3A_3022, %add3A_3152 : i32
        %add3A_3154 = arith.constant 80 : i32
        %add3A_3155 = arith.addi %add3A_3153, %add3A_3154 : i32
        %swap3A_3156 = arith.index_cast %add3A_3155 : i32 to index
        %swap3A_3157 = tpu.vector_load %arg10[%swap3A_3156] {strides = array<i32>} : memref<70656xf32, #tpu.memory_space<vmem>>, vector<16xf32>,
        tpu.vector_store %arg10[%swap3A_3156], %broadcast_in_dim3A_2875 {strides = array<i32>} : memref<70656xf32, #tpu.memory_space<vmem>>, vector<16xf32>,
        %add3A_3158 = arith.constant 2048 : i32
        %add3A_3159 = arith.addi %add3A_3022, %add3A_3158 : i32
        %add3A_3160 = arith.constant 96 : i32
        %add3A_3161 = arith.addi %add3A_3159, %add3A_3160 : i32
        %swap3A_3162 = arith.index_cast %add3A_3161 : i32 to index
        %swap3A_3163 = tpu.vector_load %arg10[%swap3A_3162] {strides = array<i32>} : memref<70656xf32, #tpu.memory_space<vmem>>, vector<16xf32>,
        tpu.vector_store %arg10[%swap3A_3162], %broadcast_in_dim3A_2875 {strides = array<i32>} : memref<70656xf32, #tpu.memory_space<vmem>>, vector<16xf32>,
        %add3A_3164 = arith.constant 2048 : i32
        %add3A_3165 = arith.addi %add3A_3022, %add3A_3164 : i32
        %add3A_3166 = arith.constant 112 : i32
        %add3A_3167 = arith.addi %add3A_3165, %add3A_3166 : i32
        %swap3A_3168 = arith.index_cast %add3A_3167 : i32 to index
        %swap3A_3169 = tpu.vector_load %arg10[%swap3A_3168] {strides = array<i32>} : memref<70656xf32, #tpu.memory_space<vmem>>, vector<16xf32>,
        tpu.vector_store %arg10[%swap3A_3168], %broadcast_in_dim3A_2875 {strides = array<i32>} : memref<70656xf32, #tpu.memory_space<vmem>>, vector<16xf32>,
      } else {
        %min3A_3027 = arith.constant 362 : i32
        %min3A_3028 = arith.minsi %add3A_2977, %min3A_3027 : i32
        %sub3A_3029 = arith.constant 20 : i32
        %sub3A_3030 = arith.subi %min3A_3028, %sub3A_3029 : i32
        %jit3A_3031 = arith.constant 49 : i32
        %div3A_3032 = arith.divsi %sub3A_3030, %jit3A_3031 : i32
        %sign3A_3033 = arith.constant 0 : i32
        %sign3A_3034 = arith.cmpi sgt, %sub3A_3030, %sign3A_3033 : i32
        %sign3A_3035 = arith.extui %sign3A_3034 : i1 to i32
        %sign3A_3036 = arith.constant 0 : i32
        %sign3A_3037 = arith.cmpi slt, %sub3A_3030, %sign3A_3036 : i32
        %sign3A_3038 = arith.extui %sign3A_3037 : i1 to i32
        %sign3A_3039 = arith.subi %sign3A_3035, %sign3A_3038 : i32
        %sign3A_3040 = arith.constant 0 : i32
        %sign3A_3041 = arith.cmpi sgt, %jit3A_3031, %sign3A_3040 : i32
        %sign3A_3042 = arith.extui %sign3A_3041 : i1 to i32
        %sign3A_3043 = arith.constant 0 : i32
        %sign3A_3044 = arith.cmpi slt, %jit3A_3031, %sign3A_3043 : i32
        %sign3A_3045 = arith.extui %sign3A_3044 : i1 to i32
        %sign3A_3046 = arith.subi %sign3A_3042, %sign3A_3045 : i32
        %ne3A_3047 = arith.cmpi ne, %sign3A_3039, %sign3A_3046 : i32
        %rem3A_3048 = arith.remsi %sub3A_3030, %jit3A_3031 : i32
        %ne3A_3049 = arith.constant 0 : i32
        %ne3A_3050 = arith.cmpi ne, %rem3A_3048, %ne3A_3049 : i32
        %and3A_3051 = arith.andi %ne3A_3047, %ne3A_3050 : i1
        %sub3A_3052 = arith.constant 1 : i32
        %sub3A_3053 = arith.subi %div3A_3032, %sub3A_3052 : i32
        %select_n3A_3054 = arith.select %and3A_3051, %sub3A_3053, %div3A_3032 : i32
        %mul3A_3055 = arith.constant 49 : i32
        %mul3A_3056 = arith.muli %mul3A_3055, %select_n3A_3054 : i32
        %sub3A_3057 = arith.subi %sub3A_3030, %mul3A_3056 : i32
        %jit3A_3058 = arith.constant 7 : i32
        %div3A_3059 = arith.divsi %sub3A_3057, %jit3A_3058 : i32
        %sign3A_3060 = arith.constant 0 : i32
        %sign3A_3061 = arith.cmpi sgt, %sub3A_3057, %sign3A_3060 : i32
        %sign3A_3062 = arith.extui %sign3A_3061 : i1 to i32
        %sign3A_3063 = arith.constant 0 : i32
        %sign3A_3064 = arith.cmpi slt, %sub3A_3057, %sign3A_3063 : i32
        %sign3A_3065 = arith.extui %sign3A_3064 : i1 to i32
        %sign3A_3066 = arith.subi %sign3A_3062, %sign3A_3065 : i32
        %sign3A_3067 = arith.constant 0 : i32
        %sign3A_3068 = arith.cmpi sgt, %jit3A_3058, %sign3A_3067 : i32
        %sign3A_3069 = arith.extui %sign3A_3068 : i1 to i32
        %sign3A_3070 = arith.constant 0 : i32
        %sign3A_3071 = arith.cmpi slt, %jit3A_3058, %sign3A_3070 : i32
        %sign3A_3072 = arith.extui %sign3A_3071 : i1 to i32
        %sign3A_3073 = arith.subi %sign3A_3069, %sign3A_3072 : i32
        %ne3A_3074 = arith.cmpi ne, %sign3A_3066, %sign3A_3073 : i32
        %rem3A_3075 = arith.remsi %sub3A_3057, %jit3A_3058 : i32
        %ne3A_3076 = arith.constant 0 : i32
        %ne3A_3077 = arith.cmpi ne, %rem3A_3075, %ne3A_3076 : i32
        %and3A_3078 = arith.andi %ne3A_3074, %ne3A_3077 : i1
        %sub3A_3079 = arith.constant 1 : i32
        %sub3A_3080 = arith.subi %div3A_3059, %sub3A_3079 : i32
        %select_n3A_3081 = arith.select %and3A_3078, %sub3A_3080, %div3A_3059 : i32
        %mul3A_3082 = arith.constant 169 : i32
        %mul3A_3083 = arith.muli %select_n3A_3054, %mul3A_3082 : i32
        %mul3A_3084 = arith.constant 13 : i32
        %mul3A_3085 = arith.muli %select_n3A_3081, %mul3A_3084 : i32
        %add3A_3086 = arith.addi %mul3A_3083, %mul3A_3085 : i32
        %mul3A_3087 = arith.constant 7 : i32
        %mul3A_3088 = arith.muli %mul3A_3087, %select_n3A_3081 : i32
        %sub3A_3089 = arith.subi %sub3A_3057, %mul3A_3088 : i32
        %add3A_3090 = arith.addi %add3A_3086, %sub3A_3089 : i32
        %broadcast_in_dim3A_3091 = arith.constant 0 : i32
        %broadcast_in_dim3A_3092 = vector.broadcast %broadcast_in_dim3A_3091 : i32 to vector<16xi32>
        %add3A_3093 = vector.broadcast %add3A_3090 : i32 to vector<16xi32>
        %add3A_3094 = arith.addi %broadcast_in_dim3A_3092, %add3A_3093 : vector<16xi32>
        %swap3A = arith.index_cast %add3A_3022 : i32 to index
        %swap3A_3095 = tpu.vector_load %arg10[%swap3A] {strides = array<i32>} : memref<70656xf32, #tpu.memory_space<vmem>>, vector<16xf32>,
        tpu.vector_store %arg10[%swap3A], %get3A_2871 {strides = array<i32>} : memref<70656xf32, #tpu.memory_space<vmem>>, vector<16xf32>,
        %add3A_3096 = arith.addi %sub3A_131, %add3A_3094 : vector<16xi32>
        %gather3A = tpu.vector_load_idx %arg6[%add3A_3096] : memref<2200xf32, #tpu.memory_space<vmem>>[vector<16xi32>], vector<16xf32>,
        %add3A_3097 = arith.constant 0 : i32
        %add3A_3098 = arith.addi %add3A_3022, %add3A_3097 : i32
        %add3A_3099 = arith.constant 16 : i32
        %add3A_3100 = arith.addi %add3A_3098, %add3A_3099 : i32
        %swap3A_3101 = arith.index_cast %add3A_3100 : i32 to index
        %swap3A_3102 = tpu.vector_load %arg10[%swap3A_3101] {strides = array<i32>} : memref<70656xf32, #tpu.memory_space<vmem>>, vector<16xf32>,
        tpu.vector_store %arg10[%swap3A_3101], %gather3A {strides = array<i32>} : memref<70656xf32, #tpu.memory_space<vmem>>, vector<16xf32>,
        %add3A_3103 = arith.addi %sub3A_221, %add3A_3094 : vector<16xi32>
        %gather3A_3104 = tpu.vector_load_idx %arg6[%add3A_3103] : memref<2200xf32, #tpu.memory_space<vmem>>[vector<16xi32>], vector<16xf32>,
        %add3A_3105 = arith.constant 0 : i32
        %add3A_3106 = arith.addi %add3A_3022, %add3A_3105 : i32
        %add3A_3107 = arith.constant 32 : i32
        %add3A_3108 = arith.addi %add3A_3106, %add3A_3107 : i32
        %swap3A_3109 = arith.index_cast %add3A_3108 : i32 to index
        %swap3A_3110 = tpu.vector_load %arg10[%swap3A_3109] {strides = array<i32>} : memref<70656xf32, #tpu.memory_space<vmem>>, vector<16xf32>,
        tpu.vector_store %arg10[%swap3A_3109], %gather3A_3104 {strides = array<i32>} : memref<70656xf32, #tpu.memory_space<vmem>>, vector<16xf32>,
        %add3A_3111 = arith.addi %sub3A_311, %add3A_3094 : vector<16xi32>
        %gather3A_3112 = tpu.vector_load_idx %arg6[%add3A_3111] : memref<2200xf32, #tpu.memory_space<vmem>>[vector<16xi32>], vector<16xf32>,
        %add3A_3113 = arith.constant 0 : i32
        %add3A_3114 = arith.addi %add3A_3022, %add3A_3113 : i32
        %add3A_3115 = arith.constant 48 : i32
        %add3A_3116 = arith.addi %add3A_3114, %add3A_3115 : i32
        %swap3A_3117 = arith.index_cast %add3A_3116 : i32 to index
        %swap3A_3118 = tpu.vector_load %arg10[%swap3A_3117] {strides = array<i32>} : memref<70656xf32, #tpu.memory_space<vmem>>, vector<16xf32>,
        tpu.vector_store %arg10[%swap3A_3117], %gather3A_3112 {strides = array<i32>} : memref<70656xf32, #tpu.memory_space<vmem>>, vector<16xf32>,
        %add3A_3119 = arith.addi %sub3A_401, %add3A_3094 : vector<16xi32>
        %gather3A_3120 = tpu.vector_load_idx %arg6[%add3A_3119] : memref<2200xf32, #tpu.memory_space<vmem>>[vector<16xi32>], vector<16xf32>,
        %add3A_3121 = arith.constant 0 : i32
        %add3A_3122 = arith.addi %add3A_3022, %add3A_3121 : i32
        %add3A_3123 = arith.constant 64 : i32
        %add3A_3124 = arith.addi %add3A_3122, %add3A_3123 : i32
        %swap3A_3125 = arith.index_cast %add3A_3124 : i32 to index
        %swap3A_3126 = tpu.vector_load %arg10[%swap3A_3125] {strides = array<i32>} : memref<70656xf32, #tpu.memory_space<vmem>>, vector<16xf32>,
        tpu.vector_store %arg10[%swap3A_3125], %gather3A_3120 {strides = array<i32>} : memref<70656xf32, #tpu.memory_space<vmem>>, vector<16xf32>,
        %add3A_3127 = arith.addi %sub3A_491, %add3A_3094 : vector<16xi32>
        %gather3A_3128 = tpu.vector_load_idx %arg6[%add3A_3127] : memref<2200xf32, #tpu.memory_space<vmem>>[vector<16xi32>], vector<16xf32>,
        %add3A_3129 = arith.constant 0 : i32
        %add3A_3130 = arith.addi %add3A_3022, %add3A_3129 : i32
        %add3A_3131 = arith.constant 80 : i32
        %add3A_3132 = arith.addi %add3A_3130, %add3A_3131 : i32
        %swap3A_3133 = arith.index_cast %add3A_3132 : i32 to index
        %swap3A_3134 = tpu.vector_load %arg10[%swap3A_3133] {strides = array<i32>} : memref<70656xf32, #tpu.memory_space<vmem>>, vector<16xf32>,
        tpu.vector_store %arg10[%swap3A_3133], %gather3A_3128 {strides = array<i32>} : memref<70656xf32, #tpu.memory_space<vmem>>, vector<16xf32>,
        %add3A_3135 = arith.addi %sub3A_581, %add3A_3094 : vector<16xi32>
        %gather3A_3136 = tpu.vector_load_idx %arg6[%add3A_3135] : memref<2200xf32, #tpu.memory_space<vmem>>[vector<16xi32>], vector<16xf32>,
        %add3A_3137 = arith.constant 0 : i32
        %add3A_3138 = arith.addi %add3A_3022, %add3A_3137 : i32
        %add3A_3139 = arith.constant 96 : i32
        %add3A_3140 = arith.addi %add3A_3138, %add3A_3139 : i32
        %swap3A_3141 = arith.index_cast %add3A_3140 : i32 to index
        %swap3A_3142 = tpu.vector_load %arg10[%swap3A_3141] {strides = array<i32>} : memref<70656xf32, #tpu.memory_space<vmem>>, vector<16xf32>,
        tpu.vector_store %arg10[%swap3A_3141], %gather3A_3136 {strides = array<i32>} : memref<70656xf32, #tpu.memory_space<vmem>>, vector<16xf32>,
        %add3A_3143 = arith.addi %sub3A_671, %add3A_3094 : vector<16xi32>
        %gather3A_3144 = tpu.vector_load_idx %arg6[%add3A_3143] : memref<2200xf32, #tpu.memory_space<vmem>>[vector<16xi32>], vector<16xf32>,
        %add3A_3145 = arith.constant 0 : i32
        %add3A_3146 = arith.addi %add3A_3022, %add3A_3145 : i32
        %add3A_3147 = arith.constant 112 : i32
        %add3A_3148 = arith.addi %add3A_3146, %add3A_3147 : i32
        %swap3A_3149 = arith.index_cast %add3A_3148 : i32 to index
        %swap3A_3150 = tpu.vector_load %arg10[%swap3A_3149] {strides = array<i32>} : memref<70656xf32, #tpu.memory_space<vmem>>, vector<16xf32>,
        tpu.vector_store %arg10[%swap3A_3149], %gather3A_3144 {strides = array<i32>} : memref<70656xf32, #tpu.memory_space<vmem>>, vector<16xf32>,
        %add3A_3151 = arith.addi %sub3A_761, %add3A_3094 : vector<16xi32>
        %gather3A_3152 = tpu.vector_load_idx %arg6[%add3A_3151] : memref<2200xf32, #tpu.memory_space<vmem>>[vector<16xi32>], vector<16xf32>,
        %add3A_3153 = arith.constant 1024 : i32
        %add3A_3154 = arith.addi %add3A_3022, %add3A_3153 : i32
        %add3A_3155 = arith.constant 0 : i32
        %add3A_3156 = arith.addi %add3A_3154, %add3A_3155 : i32
        %swap3A_3157 = arith.index_cast %add3A_3156 : i32 to index
        %swap3A_3158 = tpu.vector_load %arg10[%swap3A_3157] {strides = array<i32>} : memref<70656xf32, #tpu.memory_space<vmem>>, vector<16xf32>,
        tpu.vector_store %arg10[%swap3A_3157], %gather3A_3152 {strides = array<i32>} : memref<70656xf32, #tpu.memory_space<vmem>>, vector<16xf32>,
        %add3A_3159 = arith.addi %sub3A_851, %add3A_3094 : vector<16xi32>
        %gather3A_3160 = tpu.vector_load_idx %arg6[%add3A_3159] : memref<2200xf32, #tpu.memory_space<vmem>>[vector<16xi32>], vector<16xf32>,
        %add3A_3161 = arith.constant 1024 : i32
        %add3A_3162 = arith.addi %add3A_3022, %add3A_3161 : i32
        %add3A_3163 = arith.constant 16 : i32
        %add3A_3164 = arith.addi %add3A_3162, %add3A_3163 : i32
        %swap3A_3165 = arith.index_cast %add3A_3164 : i32 to index
        %swap3A_3166 = tpu.vector_load %arg10[%swap3A_3165] {strides = array<i32>} : memref<70656xf32, #tpu.memory_space<vmem>>, vector<16xf32>,
        tpu.vector_store %arg10[%swap3A_3165], %gather3A_3160 {strides = array<i32>} : memref<70656xf32, #tpu.memory_space<vmem>>, vector<16xf32>,
        %add3A_3167 = arith.addi %sub3A_941, %add3A_3094 : vector<16xi32>
        %gather3A_3168 = tpu.vector_load_idx %arg6[%add3A_3167] : memref<2200xf32, #tpu.memory_space<vmem>>[vector<16xi32>], vector<16xf32>,
        %add3A_3169 = arith.constant 1024 : i32
        %add3A_3170 = arith.addi %add3A_3022, %add3A_3169 : i32
        %add3A_3171 = arith.constant 32 : i32
        %add3A_3172 = arith.addi %add3A_3170, %add3A_3171 : i32
        %swap3A_3173 = arith.index_cast %add3A_3172 : i32 to index
        %swap3A_3174 = tpu.vector_load %arg10[%swap3A_3173] {strides = array<i32>} : memref<70656xf32, #tpu.memory_space<vmem>>, vector<16xf32>,
        tpu.vector_store %arg10[%swap3A_3173], %gather3A_3168 {strides = array<i32>} : memref<70656xf32, #tpu.memory_space<vmem>>, vector<16xf32>,
        %add3A_3175 = arith.addi %sub3A_1031, %add3A_3094 : vector<16xi32>
        %gather3A_3176 = tpu.vector_load_idx %arg6[%add3A_3175] : memref<2200xf32, #tpu.memory_space<vmem>>[vector<16xi32>], vector<16xf32>,
        %add3A_3177 = arith.constant 1024 : i32
        %add3A_3178 = arith.addi %add3A_3022, %add3A_3177 : i32
        %add3A_3179 = arith.constant 48 : i32
        %add3A_3180 = arith.addi %add3A_3178, %add3A_3179 : i32
        %swap3A_3181 = arith.index_cast %add3A_3180 : i32 to index
        %swap3A_3182 = tpu.vector_load %arg10[%swap3A_3181] {strides = array<i32>} : memref<70656xf32, #tpu.memory_space<vmem>>, vector<16xf32>,
        tpu.vector_store %arg10[%swap3A_3181], %gather3A_3176 {strides = array<i32>} : memref<70656xf32, #tpu.memory_space<vmem>>, vector<16xf32>,
        %add3A_3183 = arith.addi %sub3A_1121, %add3A_3094 : vector<16xi32>
        %gather3A_3184 = tpu.vector_load_idx %arg6[%add3A_3183] : memref<2200xf32, #tpu.memory_space<vmem>>[vector<16xi32>], vector<16xf32>,
        %add3A_3185 = arith.constant 1024 : i32
        %add3A_3186 = arith.addi %add3A_3022, %add3A_3185 : i32
        %add3A_3187 = arith.constant 64 : i32
        %add3A_3188 = arith.addi %add3A_3186, %add3A_3187 : i32
        %swap3A_3189 = arith.index_cast %add3A_3188 : i32 to index
        %swap3A_3190 = tpu.vector_load %arg10[%swap3A_3189] {strides = array<i32>} : memref<70656xf32, #tpu.memory_space<vmem>>, vector<16xf32>,
        tpu.vector_store %arg10[%swap3A_3189], %gather3A_3184 {strides = array<i32>} : memref<70656xf32, #tpu.memory_space<vmem>>, vector<16xf32>,
        %add3A_3191 = arith.addi %sub3A_1211, %add3A_3094 : vector<16xi32>
        %gather3A_3192 = tpu.vector_load_idx %arg6[%add3A_3191] : memref<2200xf32, #tpu.memory_space<vmem>>[vector<16xi32>], vector<16xf32>,
        %add3A_3193 = arith.constant 1024 : i32
        %add3A_3194 = arith.addi %add3A_3022, %add3A_3193 : i32
        %add3A_3195 = arith.constant 80 : i32
        %add3A_3196 = arith.addi %add3A_3194, %add3A_3195 : i32
        %swap3A_3197 = arith.index_cast %add3A_3196 : i32 to index
        %swap3A_3198 = tpu.vector_load %arg10[%swap3A_3197] {strides = array<i32>} : memref<70656xf32, #tpu.memory_space<vmem>>, vector<16xf32>,
        tpu.vector_store %arg10[%swap3A_3197], %gather3A_3192 {strides = array<i32>} : memref<70656xf32, #tpu.memory_space<vmem>>, vector<16xf32>,
        %add3A_3199 = arith.addi %sub3A_1301, %add3A_3094 : vector<16xi32>
        %gather3A_3200 = tpu.vector_load_idx %arg6[%add3A_3199] : memref<2200xf32, #tpu.memory_space<vmem>>[vector<16xi32>], vector<16xf32>,
        %add3A_3201 = arith.constant 1024 : i32
        %add3A_3202 = arith.addi %add3A_3022, %add3A_3201 : i32
        %add3A_3203 = arith.constant 96 : i32
        %add3A_3204 = arith.addi %add3A_3202, %add3A_3203 : i32
        %swap3A_3205 = arith.index_cast %add3A_3204 : i32 to index
        %swap3A_3206 = tpu.vector_load %arg10[%swap3A_3205] {strides = array<i32>} : memref<70656xf32, #tpu.memory_space<vmem>>, vector<16xf32>,
        tpu.vector_store %arg10[%swap3A_3205], %gather3A_3200 {strides = array<i32>} : memref<70656xf32, #tpu.memory_space<vmem>>, vector<16xf32>,
        %add3A_3207 = arith.addi %sub3A_1391, %add3A_3094 : vector<16xi32>
        %gather3A_3208 = tpu.vector_load_idx %arg6[%add3A_3207] : memref<2200xf32, #tpu.memory_space<vmem>>[vector<16xi32>], vector<16xf32>,
        %add3A_3209 = arith.constant 1024 : i32
        %add3A_3210 = arith.addi %add3A_3022, %add3A_3209 : i32
        %add3A_3211 = arith.constant 112 : i32
        %add3A_3212 = arith.addi %add3A_3210, %add3A_3211 : i32
        %swap3A_3213 = arith.index_cast %add3A_3212 : i32 to index
        %swap3A_3214 = tpu.vector_load %arg10[%swap3A_3213] {strides = array<i32>} : memref<70656xf32, #tpu.memory_space<vmem>>, vector<16xf32>,
        tpu.vector_store %arg10[%swap3A_3213], %gather3A_3208 {strides = array<i32>} : memref<70656xf32, #tpu.memory_space<vmem>>, vector<16xf32>,
        %add3A_3215 = arith.addi %sub3A_1481, %add3A_3094 : vector<16xi32>
        %gather3A_3216 = tpu.vector_load_idx %arg6[%add3A_3215] : memref<2200xf32, #tpu.memory_space<vmem>>[vector<16xi32>], vector<16xf32>,
        %add3A_3217 = arith.constant 2048 : i32
        %add3A_3218 = arith.addi %add3A_3022, %add3A_3217 : i32
        %add3A_3219 = arith.constant 0 : i32
        %add3A_3220 = arith.addi %add3A_3218, %add3A_3219 : i32
        %swap3A_3221 = arith.index_cast %add3A_3220 : i32 to index
        %swap3A_3222 = tpu.vector_load %arg10[%swap3A_3221] {strides = array<i32>} : memref<70656xf32, #tpu.memory_space<vmem>>, vector<16xf32>,
        tpu.vector_store %arg10[%swap3A_3221], %gather3A_3216 {strides = array<i32>} : memref<70656xf32, #tpu.memory_space<vmem>>, vector<16xf32>,
        %add3A_3223 = arith.addi %sub3A_1571, %add3A_3094 : vector<16xi32>
        %gather3A_3224 = tpu.vector_load_idx %arg6[%add3A_3223] : memref<2200xf32, #tpu.memory_space<vmem>>[vector<16xi32>], vector<16xf32>,
        %add3A_3225 = arith.constant 2048 : i32
        %add3A_3226 = arith.addi %add3A_3022, %add3A_3225 : i32
        %add3A_3227 = arith.constant 16 : i32
        %add3A_3228 = arith.addi %add3A_3226, %add3A_3227 : i32
        %swap3A_3229 = arith.index_cast %add3A_3228 : i32 to index
        %swap3A_3230 = tpu.vector_load %arg10[%swap3A_3229] {strides = array<i32>} : memref<70656xf32, #tpu.memory_space<vmem>>, vector<16xf32>,
        tpu.vector_store %arg10[%swap3A_3229], %gather3A_3224 {strides = array<i32>} : memref<70656xf32, #tpu.memory_space<vmem>>, vector<16xf32>,
        %add3A_3231 = arith.addi %sub3A_1661, %add3A_3094 : vector<16xi32>
        %gather3A_3232 = tpu.vector_load_idx %arg6[%add3A_3231] : memref<2200xf32, #tpu.memory_space<vmem>>[vector<16xi32>], vector<16xf32>,
        %add3A_3233 = arith.constant 2048 : i32
        %add3A_3234 = arith.addi %add3A_3022, %add3A_3233 : i32
        %add3A_3235 = arith.constant 32 : i32
        %add3A_3236 = arith.addi %add3A_3234, %add3A_3235 : i32
        %swap3A_3237 = arith.index_cast %add3A_3236 : i32 to index
        %swap3A_3238 = tpu.vector_load %arg10[%swap3A_3237] {strides = array<i32>} : memref<70656xf32, #tpu.memory_space<vmem>>, vector<16xf32>,
        tpu.vector_store %arg10[%swap3A_3237], %gather3A_3232 {strides = array<i32>} : memref<70656xf32, #tpu.memory_space<vmem>>, vector<16xf32>,
        %add3A_3239 = arith.addi %sub3A_1751, %add3A_3094 : vector<16xi32>
        %gather3A_3240 = tpu.vector_load_idx %arg6[%add3A_3239] : memref<2200xf32, #tpu.memory_space<vmem>>[vector<16xi32>], vector<16xf32>,
        %add3A_3241 = arith.constant 2048 : i32
        %add3A_3242 = arith.addi %add3A_3022, %add3A_3241 : i32
        %add3A_3243 = arith.constant 48 : i32
        %add3A_3244 = arith.addi %add3A_3242, %add3A_3243 : i32
        %swap3A_3245 = arith.index_cast %add3A_3244 : i32 to index
        %swap3A_3246 = tpu.vector_load %arg10[%swap3A_3245] {strides = array<i32>} : memref<70656xf32, #tpu.memory_space<vmem>>, vector<16xf32>,
        tpu.vector_store %arg10[%swap3A_3245], %gather3A_3240 {strides = array<i32>} : memref<70656xf32, #tpu.memory_space<vmem>>, vector<16xf32>,
        %add3A_3247 = arith.addi %sub3A_1841, %add3A_3094 : vector<16xi32>
        %gather3A_3248 = tpu.vector_load_idx %arg6[%add3A_3247] : memref<2200xf32, #tpu.memory_space<vmem>>[vector<16xi32>], vector<16xf32>,
        %add3A_3249 = arith.constant 2048 : i32
        %add3A_3250 = arith.addi %add3A_3022, %add3A_3249 : i32
        %add3A_3251 = arith.constant 64 : i32
        %add3A_3252 = arith.addi %add3A_3250, %add3A_3251 : i32
        %swap3A_3253 = arith.index_cast %add3A_3252 : i32 to index
        %swap3A_3254 = tpu.vector_load %arg10[%swap3A_3253] {strides = array<i32>} : memref<70656xf32, #tpu.memory_space<vmem>>, vector<16xf32>,
        tpu.vector_store %arg10[%swap3A_3253], %gather3A_3248 {strides = array<i32>} : memref<70656xf32, #tpu.memory_space<vmem>>, vector<16xf32>,
        %add3A_3255 = arith.addi %sub3A_1931, %add3A_3094 : vector<16xi32>
        %gather3A_3256 = tpu.vector_load_idx %arg6[%add3A_3255] : memref<2200xf32, #tpu.memory_space<vmem>>[vector<16xi32>], vector<16xf32>,
        %add3A_3257 = arith.constant 2048 : i32
        %add3A_3258 = arith.addi %add3A_3022, %add3A_3257 : i32
        %add3A_3259 = arith.constant 80 : i32
        %add3A_3260 = arith.addi %add3A_3258, %add3A_3259 : i32
        %swap3A_3261 = arith.index_cast %add3A_3260 : i32 to index
        %swap3A_3262 = tpu.vector_load %arg10[%swap3A_3261] {strides = array<i32>} : memref<70656xf32, #tpu.memory_space<vmem>>, vector<16xf32>,
        tpu.vector_store %arg10[%swap3A_3261], %gather3A_3256 {strides = array<i32>} : memref<70656xf32, #tpu.memory_space<vmem>>, vector<16xf32>,
        %add3A_3263 = arith.addi %sub3A_2021, %add3A_3094 : vector<16xi32>
        %gather3A_3264 = tpu.vector_load_idx %arg6[%add3A_3263] : memref<2200xf32, #tpu.memory_space<vmem>>[vector<16xi32>], vector<16xf32>,
        %add3A_3265 = arith.constant 2048 : i32
        %add3A_3266 = arith.addi %add3A_3022, %add3A_3265 : i32
        %add3A_3267 = arith.constant 96 : i32
        %add3A_3268 = arith.addi %add3A_3266, %add3A_3267 : i32
        %swap3A_3269 = arith.index_cast %add3A_3268 : i32 to index
        %swap3A_3270 = tpu.vector_load %arg10[%swap3A_3269] {strides = array<i32>} : memref<70656xf32, #tpu.memory_space<vmem>>, vector<16xf32>,
        tpu.vector_store %arg10[%swap3A_3269], %gather3A_3264 {strides = array<i32>} : memref<70656xf32, #tpu.memory_space<vmem>>, vector<16xf32>,
        %add3A_3271 = arith.constant 4 : i32
        %add3A_3272 = arith.addi %add3A_3022, %add3A_3271 : i32
        %swap3A_3273 = arith.index_cast %add3A_3272 : i32 to index
        %swap3A_3274 = tpu.vector_load %arg10[%swap3A_3273] {strides = array<i32>} : memref<70656xf32, #tpu.memory_space<vmem>>, vector<16xf32>,
        tpu.vector_store %arg10[%swap3A_3273], %get3A_2873 {strides = array<i32>} : memref<70656xf32, #tpu.memory_space<vmem>>, vector<16xf32>,
      }
      %scan3A_3026 = arith.constant 0 : i32
      scf.yield %scan3A_3026 : i32
    }
    %scan3A_2919 = arith.constant 48 : i32
    %mul3A_2920 = arith.constant 23 : i32
    %mul3A_2921 = arith.muli %add3A, %mul3A_2920 : i32
    %add3A_2922 = arith.constant 12 : i32
    %add3A_2923 = arith.addi %mul3A_2921, %add3A_2922 : i32
    %mul3A_2924 = arith.constant 3072 : i32
    %mul3A_2925 = arith.muli %add3A_2923, %mul3A_2924 : i32
    %dma_start3A_2926 = arith.constant 36864 : i32
    %dma_start3A_2927 = tpu.memref_slice %arg10[%dma_start3A_2926] : memref<70656xf32, #tpu.memory_space<vmem>> -> memref<18432xf32, #tpu.memory_space<vmem>>
    %dma_start3A_2928 = tpu.memref_slice %arg5[%mul3A_2925] : memref<2260992xf32, #tpu.memory_space<hbm>> -> memref<18432xf32, #tpu.memory_space<hbm>>
    %dma_start3A_2929 = tpu.memref_slice %arg5[%mul3A_2925] : memref<2260992xf32, #tpu.memory_space<hbm>> -> memref<18432xf32, #tpu.memory_space<hbm>>
    %dma_start3A_2930 = arith.constant 36864 : i32
    %dma_start3A_2931 = tpu.memref_slice %arg10[%dma_start3A_2930] : memref<70656xf32, #tpu.memory_space<vmem>> -> memref<18432xf32, #tpu.memory_space<vmem>>
    tpu.enqueue_dma source(%dma_start3A_2931 : memref<18432xf32, #tpu.memory_space<vmem>>) target(%dma_start3A_2929 : memref<18432xf32, #tpu.memory_space<hbm>>) target_semaphore(%arg12 : memref<!tpu.dma_semaphore, #tpu.memory_space<semaphore_mem>>)
    %scan3A_2932 = arith.constant 0 : i32
    %scan3A_2933 = arith.constant 144 : i32
    %scan3A_2934 = arith.constant 40 : i32
    %scan3A_2935 = arith.addi %scan3A_2933, %scan3A_2934 : i32
    %scan3A_2936 = arith.constant 1 : i32
    %scan3A_2937 = scf.for %scan3A_2975 = %scan3A_2933 to %scan3A_2935 step %scan3A_2936 iter_args(%scan3A_2976 = %scan3A_2932) -> (i32)  : i32 {
      %add3A_2977 = arith.addi %mul3A_32, %scan3A_2975 : i32
      %jit3A_2978 = arith.constant 8 : i32
      %div3A_2979 = arith.divsi %scan3A_2975, %jit3A_2978 : i32
      %sign3A_2980 = arith.constant 0 : i32
      %sign3A_2981 = arith.cmpi sgt, %scan3A_2975, %sign3A_2980 : i32
      %sign3A_2982 = arith.extui %sign3A_2981 : i1 to i32
      %sign3A_2983 = arith.constant 0 : i32
      %sign3A_2984 = arith.cmpi slt, %scan3A_2975, %sign3A_2983 : i32
      %sign3A_2985 = arith.extui %sign3A_2984 : i1 to i32
      %sign3A_2986 = arith.subi %sign3A_2982, %sign3A_2985 : i32
      %sign3A_2987 = arith.constant 0 : i32
      %sign3A_2988 = arith.cmpi sgt, %jit3A_2978, %sign3A_2987 : i32
      %sign3A_2989 = arith.extui %sign3A_2988 : i1 to i32
      %sign3A_2990 = arith.constant 0 : i32
      %sign3A_2991 = arith.cmpi slt, %jit3A_2978, %sign3A_2990 : i32
      %sign3A_2992 = arith.extui %sign3A_2991 : i1 to i32
      %sign3A_2993 = arith.subi %sign3A_2989, %sign3A_2992 : i32
      %ne3A_2994 = arith.cmpi ne, %sign3A_2986, %sign3A_2993 : i32
      %rem3A_2995 = arith.remsi %scan3A_2975, %jit3A_2978 : i32
      %ne3A_2996 = arith.constant 0 : i32
      %ne3A_2997 = arith.cmpi ne, %rem3A_2995, %ne3A_2996 : i32
      %and3A_2998 = arith.andi %ne3A_2994, %ne3A_2997 : i1
      %sub3A_2999 = arith.constant 1 : i32
      %sub3A_3000 = arith.subi %div3A_2979, %sub3A_2999 : i32
      %select_n3A_3001 = arith.select %and3A_2998, %sub3A_3000, %div3A_2979 : i32
      %mul3A_3002 = arith.constant 3072 : i32
      %mul3A_3003 = arith.muli %select_n3A_3001, %mul3A_3002 : i32
      %jit3A_3004 = arith.constant 8 : i32
      %eq3A_3005 = arith.constant 0 : i32
      %eq3A_3006 = arith.cmpi eq, %jit3A_3004, %eq3A_3005 : i32
      %jit3A_3007 = arith.constant 1 : i32
      %select_n3A_3008 = arith.select %eq3A_3006, %jit3A_3007, %jit3A_3004 : i32
      %rem3A_3009 = arith.remsi %scan3A_2975, %select_n3A_3008 : i32
      %ne3A_3010 = arith.constant 0 : i32
      %ne3A_3011 = arith.cmpi ne, %rem3A_3009, %ne3A_3010 : i32
      %lt3A_3012 = arith.constant 0 : i32
      %lt3A_3013 = arith.cmpi slt, %rem3A_3009, %lt3A_3012 : i32
      %lt3A_3014 = arith.constant 0 : i32
      %lt3A_3015 = arith.cmpi slt, %select_n3A_3008, %lt3A_3014 : i32
      %ne3A_3016 = arith.xori %lt3A_3013, %lt3A_3015 : i1
      %and3A_3017 = arith.andi %ne3A_3016, %ne3A_3011 : i1
      %add3A_3018 = arith.addi %rem3A_3009, %select_n3A_3008 : i32
      %select_n3A_3019 = arith.select %and3A_3017, %add3A_3018, %rem3A_3009 : i32
      %mul3A_3020 = arith.constant 128 : i32
      %mul3A_3021 = arith.muli %select_n3A_3019, %mul3A_3020 : i32
      %add3A_3022 = arith.addi %mul3A_3003, %mul3A_3021 : i32
      %lt3A_3023 = arith.constant 20 : i32
      %lt3A_3024 = arith.cmpi slt, %add3A_2977, %lt3A_3023 : i32
      %convert_element_type3A = arith.extui %lt3A_3024 : i1 to i32
      %cond3A = arith.constant 0 : i32
      %cond3A_3025 = arith.cmpi ne, %convert_element_type3A, %cond3A : i32
      scf.if %cond3A_3025 {
        %add3A_3027 = arith.constant 0 : i32
        %add3A_3028 = arith.addi %add3A_3022, %add3A_3027 : i32
        %add3A_3029 = arith.constant 0 : i32
        %add3A_3030 = arith.addi %add3A_3028, %add3A_3029 : i32
        %swap3A = arith.index_cast %add3A_3030 : i32 to index
        %swap3A_3031 = tpu.vector_load %arg10[%swap3A] {strides = array<i32>} : memref<70656xf32, #tpu.memory_space<vmem>>, vector<16xf32>,
        tpu.vector_store %arg10[%swap3A], %broadcast_in_dim3A_2875 {strides = array<i32>} : memref<70656xf32, #tpu.memory_space<vmem>>, vector<16xf32>,
        %add3A_3032 = arith.constant 0 : i32
        %add3A_3033 = arith.addi %add3A_3022, %add3A_3032 : i32
        %add3A_3034 = arith.constant 16 : i32
        %add3A_3035 = arith.addi %add3A_3033, %add3A_3034 : i32
        %swap3A_3036 = arith.index_cast %add3A_3035 : i32 to index
        %swap3A_3037 = tpu.vector_load %arg10[%swap3A_3036] {strides = array<i32>} : memref<70656xf32, #tpu.memory_space<vmem>>, vector<16xf32>,
        tpu.vector_store %arg10[%swap3A_3036], %broadcast_in_dim3A_2875 {strides = array<i32>} : memref<70656xf32, #tpu.memory_space<vmem>>, vector<16xf32>,
        %add3A_3038 = arith.constant 0 : i32
        %add3A_3039 = arith.addi %add3A_3022, %add3A_3038 : i32
        %add3A_3040 = arith.constant 32 : i32
        %add3A_3041 = arith.addi %add3A_3039, %add3A_3040 : i32
        %swap3A_3042 = arith.index_cast %add3A_3041 : i32 to index
        %swap3A_3043 = tpu.vector_load %arg10[%swap3A_3042] {strides = array<i32>} : memref<70656xf32, #tpu.memory_space<vmem>>, vector<16xf32>,
        tpu.vector_store %arg10[%swap3A_3042], %broadcast_in_dim3A_2875 {strides = array<i32>} : memref<70656xf32, #tpu.memory_space<vmem>>, vector<16xf32>,
        %add3A_3044 = arith.constant 0 : i32
        %add3A_3045 = arith.addi %add3A_3022, %add3A_3044 : i32
        %add3A_3046 = arith.constant 48 : i32
        %add3A_3047 = arith.addi %add3A_3045, %add3A_3046 : i32
        %swap3A_3048 = arith.index_cast %add3A_3047 : i32 to index
        %swap3A_3049 = tpu.vector_load %arg10[%swap3A_3048] {strides = array<i32>} : memref<70656xf32, #tpu.memory_space<vmem>>, vector<16xf32>,
        tpu.vector_store %arg10[%swap3A_3048], %broadcast_in_dim3A_2875 {strides = array<i32>} : memref<70656xf32, #tpu.memory_space<vmem>>, vector<16xf32>,
        %add3A_3050 = arith.constant 0 : i32
        %add3A_3051 = arith.addi %add3A_3022, %add3A_3050 : i32
        %add3A_3052 = arith.constant 64 : i32
        %add3A_3053 = arith.addi %add3A_3051, %add3A_3052 : i32
        %swap3A_3054 = arith.index_cast %add3A_3053 : i32 to index
        %swap3A_3055 = tpu.vector_load %arg10[%swap3A_3054] {strides = array<i32>} : memref<70656xf32, #tpu.memory_space<vmem>>, vector<16xf32>,
        tpu.vector_store %arg10[%swap3A_3054], %broadcast_in_dim3A_2875 {strides = array<i32>} : memref<70656xf32, #tpu.memory_space<vmem>>, vector<16xf32>,
        %add3A_3056 = arith.constant 0 : i32
        %add3A_3057 = arith.addi %add3A_3022, %add3A_3056 : i32
        %add3A_3058 = arith.constant 80 : i32
        %add3A_3059 = arith.addi %add3A_3057, %add3A_3058 : i32
        %swap3A_3060 = arith.index_cast %add3A_3059 : i32 to index
        %swap3A_3061 = tpu.vector_load %arg10[%swap3A_3060] {strides = array<i32>} : memref<70656xf32, #tpu.memory_space<vmem>>, vector<16xf32>,
        tpu.vector_store %arg10[%swap3A_3060], %broadcast_in_dim3A_2875 {strides = array<i32>} : memref<70656xf32, #tpu.memory_space<vmem>>, vector<16xf32>,
        %add3A_3062 = arith.constant 0 : i32
        %add3A_3063 = arith.addi %add3A_3022, %add3A_3062 : i32
        %add3A_3064 = arith.constant 96 : i32
        %add3A_3065 = arith.addi %add3A_3063, %add3A_3064 : i32
        %swap3A_3066 = arith.index_cast %add3A_3065 : i32 to index
        %swap3A_3067 = tpu.vector_load %arg10[%swap3A_3066] {strides = array<i32>} : memref<70656xf32, #tpu.memory_space<vmem>>, vector<16xf32>,
        tpu.vector_store %arg10[%swap3A_3066], %broadcast_in_dim3A_2875 {strides = array<i32>} : memref<70656xf32, #tpu.memory_space<vmem>>, vector<16xf32>,
        %add3A_3068 = arith.constant 0 : i32
        %add3A_3069 = arith.addi %add3A_3022, %add3A_3068 : i32
        %add3A_3070 = arith.constant 112 : i32
        %add3A_3071 = arith.addi %add3A_3069, %add3A_3070 : i32
        %swap3A_3072 = arith.index_cast %add3A_3071 : i32 to index
        %swap3A_3073 = tpu.vector_load %arg10[%swap3A_3072] {strides = array<i32>} : memref<70656xf32, #tpu.memory_space<vmem>>, vector<16xf32>,
        tpu.vector_store %arg10[%swap3A_3072], %broadcast_in_dim3A_2875 {strides = array<i32>} : memref<70656xf32, #tpu.memory_space<vmem>>, vector<16xf32>,
        %add3A_3074 = arith.constant 1024 : i32
        %add3A_3075 = arith.addi %add3A_3022, %add3A_3074 : i32
        %add3A_3076 = arith.constant 0 : i32
        %add3A_3077 = arith.addi %add3A_3075, %add3A_3076 : i32
        %swap3A_3078 = arith.index_cast %add3A_3077 : i32 to index
        %swap3A_3079 = tpu.vector_load %arg10[%swap3A_3078] {strides = array<i32>} : memref<70656xf32, #tpu.memory_space<vmem>>, vector<16xf32>,
        tpu.vector_store %arg10[%swap3A_3078], %broadcast_in_dim3A_2875 {strides = array<i32>} : memref<70656xf32, #tpu.memory_space<vmem>>, vector<16xf32>,
        %add3A_3080 = arith.constant 1024 : i32
        %add3A_3081 = arith.addi %add3A_3022, %add3A_3080 : i32
        %add3A_3082 = arith.constant 16 : i32
        %add3A_3083 = arith.addi %add3A_3081, %add3A_3082 : i32
        %swap3A_3084 = arith.index_cast %add3A_3083 : i32 to index
        %swap3A_3085 = tpu.vector_load %arg10[%swap3A_3084] {strides = array<i32>} : memref<70656xf32, #tpu.memory_space<vmem>>, vector<16xf32>,
        tpu.vector_store %arg10[%swap3A_3084], %broadcast_in_dim3A_2875 {strides = array<i32>} : memref<70656xf32, #tpu.memory_space<vmem>>, vector<16xf32>,
        %add3A_3086 = arith.constant 1024 : i32
        %add3A_3087 = arith.addi %add3A_3022, %add3A_3086 : i32
        %add3A_3088 = arith.constant 32 : i32
        %add3A_3089 = arith.addi %add3A_3087, %add3A_3088 : i32
        %swap3A_3090 = arith.index_cast %add3A_3089 : i32 to index
        %swap3A_3091 = tpu.vector_load %arg10[%swap3A_3090] {strides = array<i32>} : memref<70656xf32, #tpu.memory_space<vmem>>, vector<16xf32>,
        tpu.vector_store %arg10[%swap3A_3090], %broadcast_in_dim3A_2875 {strides = array<i32>} : memref<70656xf32, #tpu.memory_space<vmem>>, vector<16xf32>,
        %add3A_3092 = arith.constant 1024 : i32
        %add3A_3093 = arith.addi %add3A_3022, %add3A_3092 : i32
        %add3A_3094 = arith.constant 48 : i32
        %add3A_3095 = arith.addi %add3A_3093, %add3A_3094 : i32
        %swap3A_3096 = arith.index_cast %add3A_3095 : i32 to index
        %swap3A_3097 = tpu.vector_load %arg10[%swap3A_3096] {strides = array<i32>} : memref<70656xf32, #tpu.memory_space<vmem>>, vector<16xf32>,
        tpu.vector_store %arg10[%swap3A_3096], %broadcast_in_dim3A_2875 {strides = array<i32>} : memref<70656xf32, #tpu.memory_space<vmem>>, vector<16xf32>,
        %add3A_3098 = arith.constant 1024 : i32
        %add3A_3099 = arith.addi %add3A_3022, %add3A_3098 : i32
        %add3A_3100 = arith.constant 64 : i32
        %add3A_3101 = arith.addi %add3A_3099, %add3A_3100 : i32
        %swap3A_3102 = arith.index_cast %add3A_3101 : i32 to index
        %swap3A_3103 = tpu.vector_load %arg10[%swap3A_3102] {strides = array<i32>} : memref<70656xf32, #tpu.memory_space<vmem>>, vector<16xf32>,
        tpu.vector_store %arg10[%swap3A_3102], %broadcast_in_dim3A_2875 {strides = array<i32>} : memref<70656xf32, #tpu.memory_space<vmem>>, vector<16xf32>,
        %add3A_3104 = arith.constant 1024 : i32
        %add3A_3105 = arith.addi %add3A_3022, %add3A_3104 : i32
        %add3A_3106 = arith.constant 80 : i32
        %add3A_3107 = arith.addi %add3A_3105, %add3A_3106 : i32
        %swap3A_3108 = arith.index_cast %add3A_3107 : i32 to index
        %swap3A_3109 = tpu.vector_load %arg10[%swap3A_3108] {strides = array<i32>} : memref<70656xf32, #tpu.memory_space<vmem>>, vector<16xf32>,
        tpu.vector_store %arg10[%swap3A_3108], %broadcast_in_dim3A_2875 {strides = array<i32>} : memref<70656xf32, #tpu.memory_space<vmem>>, vector<16xf32>,
        %add3A_3110 = arith.constant 1024 : i32
        %add3A_3111 = arith.addi %add3A_3022, %add3A_3110 : i32
        %add3A_3112 = arith.constant 96 : i32
        %add3A_3113 = arith.addi %add3A_3111, %add3A_3112 : i32
        %swap3A_3114 = arith.index_cast %add3A_3113 : i32 to index
        %swap3A_3115 = tpu.vector_load %arg10[%swap3A_3114] {strides = array<i32>} : memref<70656xf32, #tpu.memory_space<vmem>>, vector<16xf32>,
        tpu.vector_store %arg10[%swap3A_3114], %broadcast_in_dim3A_2875 {strides = array<i32>} : memref<70656xf32, #tpu.memory_space<vmem>>, vector<16xf32>,
        %add3A_3116 = arith.constant 1024 : i32
        %add3A_3117 = arith.addi %add3A_3022, %add3A_3116 : i32
        %add3A_3118 = arith.constant 112 : i32
        %add3A_3119 = arith.addi %add3A_3117, %add3A_3118 : i32
        %swap3A_3120 = arith.index_cast %add3A_3119 : i32 to index
        %swap3A_3121 = tpu.vector_load %arg10[%swap3A_3120] {strides = array<i32>} : memref<70656xf32, #tpu.memory_space<vmem>>, vector<16xf32>,
        tpu.vector_store %arg10[%swap3A_3120], %broadcast_in_dim3A_2875 {strides = array<i32>} : memref<70656xf32, #tpu.memory_space<vmem>>, vector<16xf32>,
        %add3A_3122 = arith.constant 2048 : i32
        %add3A_3123 = arith.addi %add3A_3022, %add3A_3122 : i32
        %add3A_3124 = arith.constant 0 : i32
        %add3A_3125 = arith.addi %add3A_3123, %add3A_3124 : i32
        %swap3A_3126 = arith.index_cast %add3A_3125 : i32 to index
        %swap3A_3127 = tpu.vector_load %arg10[%swap3A_3126] {strides = array<i32>} : memref<70656xf32, #tpu.memory_space<vmem>>, vector<16xf32>,
        tpu.vector_store %arg10[%swap3A_3126], %broadcast_in_dim3A_2875 {strides = array<i32>} : memref<70656xf32, #tpu.memory_space<vmem>>, vector<16xf32>,
        %add3A_3128 = arith.constant 2048 : i32
        %add3A_3129 = arith.addi %add3A_3022, %add3A_3128 : i32
        %add3A_3130 = arith.constant 16 : i32
        %add3A_3131 = arith.addi %add3A_3129, %add3A_3130 : i32
        %swap3A_3132 = arith.index_cast %add3A_3131 : i32 to index
        %swap3A_3133 = tpu.vector_load %arg10[%swap3A_3132] {strides = array<i32>} : memref<70656xf32, #tpu.memory_space<vmem>>, vector<16xf32>,
        tpu.vector_store %arg10[%swap3A_3132], %broadcast_in_dim3A_2875 {strides = array<i32>} : memref<70656xf32, #tpu.memory_space<vmem>>, vector<16xf32>,
        %add3A_3134 = arith.constant 2048 : i32
        %add3A_3135 = arith.addi %add3A_3022, %add3A_3134 : i32
        %add3A_3136 = arith.constant 32 : i32
        %add3A_3137 = arith.addi %add3A_3135, %add3A_3136 : i32
        %swap3A_3138 = arith.index_cast %add3A_3137 : i32 to index
        %swap3A_3139 = tpu.vector_load %arg10[%swap3A_3138] {strides = array<i32>} : memref<70656xf32, #tpu.memory_space<vmem>>, vector<16xf32>,
        tpu.vector_store %arg10[%swap3A_3138], %broadcast_in_dim3A_2875 {strides = array<i32>} : memref<70656xf32, #tpu.memory_space<vmem>>, vector<16xf32>,
        %add3A_3140 = arith.constant 2048 : i32
        %add3A_3141 = arith.addi %add3A_3022, %add3A_3140 : i32
        %add3A_3142 = arith.constant 48 : i32
        %add3A_3143 = arith.addi %add3A_3141, %add3A_3142 : i32
        %swap3A_3144 = arith.index_cast %add3A_3143 : i32 to index
        %swap3A_3145 = tpu.vector_load %arg10[%swap3A_3144] {strides = array<i32>} : memref<70656xf32, #tpu.memory_space<vmem>>, vector<16xf32>,
        tpu.vector_store %arg10[%swap3A_3144], %broadcast_in_dim3A_2875 {strides = array<i32>} : memref<70656xf32, #tpu.memory_space<vmem>>, vector<16xf32>,
        %add3A_3146 = arith.constant 2048 : i32
        %add3A_3147 = arith.addi %add3A_3022, %add3A_3146 : i32
        %add3A_3148 = arith.constant 64 : i32
        %add3A_3149 = arith.addi %add3A_3147, %add3A_3148 : i32
        %swap3A_3150 = arith.index_cast %add3A_3149 : i32 to index
        %swap3A_3151 = tpu.vector_load %arg10[%swap3A_3150] {strides = array<i32>} : memref<70656xf32, #tpu.memory_space<vmem>>, vector<16xf32>,
        tpu.vector_store %arg10[%swap3A_3150], %broadcast_in_dim3A_2875 {strides = array<i32>} : memref<70656xf32, #tpu.memory_space<vmem>>, vector<16xf32>,
        %add3A_3152 = arith.constant 2048 : i32
        %add3A_3153 = arith.addi %add3A_3022, %add3A_3152 : i32
        %add3A_3154 = arith.constant 80 : i32
        %add3A_3155 = arith.addi %add3A_3153, %add3A_3154 : i32
        %swap3A_3156 = arith.index_cast %add3A_3155 : i32 to index
        %swap3A_3157 = tpu.vector_load %arg10[%swap3A_3156] {strides = array<i32>} : memref<70656xf32, #tpu.memory_space<vmem>>, vector<16xf32>,
        tpu.vector_store %arg10[%swap3A_3156], %broadcast_in_dim3A_2875 {strides = array<i32>} : memref<70656xf32, #tpu.memory_space<vmem>>, vector<16xf32>,
        %add3A_3158 = arith.constant 2048 : i32
        %add3A_3159 = arith.addi %add3A_3022, %add3A_3158 : i32
        %add3A_3160 = arith.constant 96 : i32
        %add3A_3161 = arith.addi %add3A_3159, %add3A_3160 : i32
        %swap3A_3162 = arith.index_cast %add3A_3161 : i32 to index
        %swap3A_3163 = tpu.vector_load %arg10[%swap3A_3162] {strides = array<i32>} : memref<70656xf32, #tpu.memory_space<vmem>>, vector<16xf32>,
        tpu.vector_store %arg10[%swap3A_3162], %broadcast_in_dim3A_2875 {strides = array<i32>} : memref<70656xf32, #tpu.memory_space<vmem>>, vector<16xf32>,
        %add3A_3164 = arith.constant 2048 : i32
        %add3A_3165 = arith.addi %add3A_3022, %add3A_3164 : i32
        %add3A_3166 = arith.constant 112 : i32
        %add3A_3167 = arith.addi %add3A_3165, %add3A_3166 : i32
        %swap3A_3168 = arith.index_cast %add3A_3167 : i32 to index
        %swap3A_3169 = tpu.vector_load %arg10[%swap3A_3168] {strides = array<i32>} : memref<70656xf32, #tpu.memory_space<vmem>>, vector<16xf32>,
        tpu.vector_store %arg10[%swap3A_3168], %broadcast_in_dim3A_2875 {strides = array<i32>} : memref<70656xf32, #tpu.memory_space<vmem>>, vector<16xf32>,
      } else {
        %min3A_3027 = arith.constant 362 : i32
        %min3A_3028 = arith.minsi %add3A_2977, %min3A_3027 : i32
        %sub3A_3029 = arith.constant 20 : i32
        %sub3A_3030 = arith.subi %min3A_3028, %sub3A_3029 : i32
        %jit3A_3031 = arith.constant 49 : i32
        %div3A_3032 = arith.divsi %sub3A_3030, %jit3A_3031 : i32
        %sign3A_3033 = arith.constant 0 : i32
        %sign3A_3034 = arith.cmpi sgt, %sub3A_3030, %sign3A_3033 : i32
        %sign3A_3035 = arith.extui %sign3A_3034 : i1 to i32
        %sign3A_3036 = arith.constant 0 : i32
        %sign3A_3037 = arith.cmpi slt, %sub3A_3030, %sign3A_3036 : i32
        %sign3A_3038 = arith.extui %sign3A_3037 : i1 to i32
        %sign3A_3039 = arith.subi %sign3A_3035, %sign3A_3038 : i32
        %sign3A_3040 = arith.constant 0 : i32
        %sign3A_3041 = arith.cmpi sgt, %jit3A_3031, %sign3A_3040 : i32
        %sign3A_3042 = arith.extui %sign3A_3041 : i1 to i32
        %sign3A_3043 = arith.constant 0 : i32
        %sign3A_3044 = arith.cmpi slt, %jit3A_3031, %sign3A_3043 : i32
        %sign3A_3045 = arith.extui %sign3A_3044 : i1 to i32
        %sign3A_3046 = arith.subi %sign3A_3042, %sign3A_3045 : i32
        %ne3A_3047 = arith.cmpi ne, %sign3A_3039, %sign3A_3046 : i32
        %rem3A_3048 = arith.remsi %sub3A_3030, %jit3A_3031 : i32
        %ne3A_3049 = arith.constant 0 : i32
        %ne3A_3050 = arith.cmpi ne, %rem3A_3048, %ne3A_3049 : i32
        %and3A_3051 = arith.andi %ne3A_3047, %ne3A_3050 : i1
        %sub3A_3052 = arith.constant 1 : i32
        %sub3A_3053 = arith.subi %div3A_3032, %sub3A_3052 : i32
        %select_n3A_3054 = arith.select %and3A_3051, %sub3A_3053, %div3A_3032 : i32
        %mul3A_3055 = arith.constant 49 : i32
        %mul3A_3056 = arith.muli %mul3A_3055, %select_n3A_3054 : i32
        %sub3A_3057 = arith.subi %sub3A_3030, %mul3A_3056 : i32
        %jit3A_3058 = arith.constant 7 : i32
        %div3A_3059 = arith.divsi %sub3A_3057, %jit3A_3058 : i32
        %sign3A_3060 = arith.constant 0 : i32
        %sign3A_3061 = arith.cmpi sgt, %sub3A_3057, %sign3A_3060 : i32
        %sign3A_3062 = arith.extui %sign3A_3061 : i1 to i32
        %sign3A_3063 = arith.constant 0 : i32
        %sign3A_3064 = arith.cmpi slt, %sub3A_3057, %sign3A_3063 : i32
        %sign3A_3065 = arith.extui %sign3A_3064 : i1 to i32
        %sign3A_3066 = arith.subi %sign3A_3062, %sign3A_3065 : i32
        %sign3A_3067 = arith.constant 0 : i32
        %sign3A_3068 = arith.cmpi sgt, %jit3A_3058, %sign3A_3067 : i32
        %sign3A_3069 = arith.extui %sign3A_3068 : i1 to i32
        %sign3A_3070 = arith.constant 0 : i32
        %sign3A_3071 = arith.cmpi slt, %jit3A_3058, %sign3A_3070 : i32
        %sign3A_3072 = arith.extui %sign3A_3071 : i1 to i32
        %sign3A_3073 = arith.subi %sign3A_3069, %sign3A_3072 : i32
        %ne3A_3074 = arith.cmpi ne, %sign3A_3066, %sign3A_3073 : i32
        %rem3A_3075 = arith.remsi %sub3A_3057, %jit3A_3058 : i32
        %ne3A_3076 = arith.constant 0 : i32
        %ne3A_3077 = arith.cmpi ne, %rem3A_3075, %ne3A_3076 : i32
        %and3A_3078 = arith.andi %ne3A_3074, %ne3A_3077 : i1
        %sub3A_3079 = arith.constant 1 : i32
        %sub3A_3080 = arith.subi %div3A_3059, %sub3A_3079 : i32
        %select_n3A_3081 = arith.select %and3A_3078, %sub3A_3080, %div3A_3059 : i32
        %mul3A_3082 = arith.constant 169 : i32
        %mul3A_3083 = arith.muli %select_n3A_3054, %mul3A_3082 : i32
        %mul3A_3084 = arith.constant 13 : i32
        %mul3A_3085 = arith.muli %select_n3A_3081, %mul3A_3084 : i32
        %add3A_3086 = arith.addi %mul3A_3083, %mul3A_3085 : i32
        %mul3A_3087 = arith.constant 7 : i32
        %mul3A_3088 = arith.muli %mul3A_3087, %select_n3A_3081 : i32
        %sub3A_3089 = arith.subi %sub3A_3057, %mul3A_3088 : i32
        %add3A_3090 = arith.addi %add3A_3086, %sub3A_3089 : i32
        %broadcast_in_dim3A_3091 = arith.constant 0 : i32
        %broadcast_in_dim3A_3092 = vector.broadcast %broadcast_in_dim3A_3091 : i32 to vector<16xi32>
        %add3A_3093 = vector.broadcast %add3A_3090 : i32 to vector<16xi32>
        %add3A_3094 = arith.addi %broadcast_in_dim3A_3092, %add3A_3093 : vector<16xi32>
        %swap3A = arith.index_cast %add3A_3022 : i32 to index
        %swap3A_3095 = tpu.vector_load %arg10[%swap3A] {strides = array<i32>} : memref<70656xf32, #tpu.memory_space<vmem>>, vector<16xf32>,
        tpu.vector_store %arg10[%swap3A], %get3A_2871 {strides = array<i32>} : memref<70656xf32, #tpu.memory_space<vmem>>, vector<16xf32>,
        %add3A_3096 = arith.addi %sub3A_131, %add3A_3094 : vector<16xi32>
        %gather3A = tpu.vector_load_idx %arg6[%add3A_3096] : memref<2200xf32, #tpu.memory_space<vmem>>[vector<16xi32>], vector<16xf32>,
        %add3A_3097 = arith.constant 0 : i32
        %add3A_3098 = arith.addi %add3A_3022, %add3A_3097 : i32
        %add3A_3099 = arith.constant 16 : i32
        %add3A_3100 = arith.addi %add3A_3098, %add3A_3099 : i32
        %swap3A_3101 = arith.index_cast %add3A_3100 : i32 to index
        %swap3A_3102 = tpu.vector_load %arg10[%swap3A_3101] {strides = array<i32>} : memref<70656xf32, #tpu.memory_space<vmem>>, vector<16xf32>,
        tpu.vector_store %arg10[%swap3A_3101], %gather3A {strides = array<i32>} : memref<70656xf32, #tpu.memory_space<vmem>>, vector<16xf32>,
        %add3A_3103 = arith.addi %sub3A_221, %add3A_3094 : vector<16xi32>
        %gather3A_3104 = tpu.vector_load_idx %arg6[%add3A_3103] : memref<2200xf32, #tpu.memory_space<vmem>>[vector<16xi32>], vector<16xf32>,
        %add3A_3105 = arith.constant 0 : i32
        %add3A_3106 = arith.addi %add3A_3022, %add3A_3105 : i32
        %add3A_3107 = arith.constant 32 : i32
        %add3A_3108 = arith.addi %add3A_3106, %add3A_3107 : i32
        %swap3A_3109 = arith.index_cast %add3A_3108 : i32 to index
        %swap3A_3110 = tpu.vector_load %arg10[%swap3A_3109] {strides = array<i32>} : memref<70656xf32, #tpu.memory_space<vmem>>, vector<16xf32>,
        tpu.vector_store %arg10[%swap3A_3109], %gather3A_3104 {strides = array<i32>} : memref<70656xf32, #tpu.memory_space<vmem>>, vector<16xf32>,
        %add3A_3111 = arith.addi %sub3A_311, %add3A_3094 : vector<16xi32>
        %gather3A_3112 = tpu.vector_load_idx %arg6[%add3A_3111] : memref<2200xf32, #tpu.memory_space<vmem>>[vector<16xi32>], vector<16xf32>,
        %add3A_3113 = arith.constant 0 : i32
        %add3A_3114 = arith.addi %add3A_3022, %add3A_3113 : i32
        %add3A_3115 = arith.constant 48 : i32
        %add3A_3116 = arith.addi %add3A_3114, %add3A_3115 : i32
        %swap3A_3117 = arith.index_cast %add3A_3116 : i32 to index
        %swap3A_3118 = tpu.vector_load %arg10[%swap3A_3117] {strides = array<i32>} : memref<70656xf32, #tpu.memory_space<vmem>>, vector<16xf32>,
        tpu.vector_store %arg10[%swap3A_3117], %gather3A_3112 {strides = array<i32>} : memref<70656xf32, #tpu.memory_space<vmem>>, vector<16xf32>,
        %add3A_3119 = arith.addi %sub3A_401, %add3A_3094 : vector<16xi32>
        %gather3A_3120 = tpu.vector_load_idx %arg6[%add3A_3119] : memref<2200xf32, #tpu.memory_space<vmem>>[vector<16xi32>], vector<16xf32>,
        %add3A_3121 = arith.constant 0 : i32
        %add3A_3122 = arith.addi %add3A_3022, %add3A_3121 : i32
        %add3A_3123 = arith.constant 64 : i32
        %add3A_3124 = arith.addi %add3A_3122, %add3A_3123 : i32
        %swap3A_3125 = arith.index_cast %add3A_3124 : i32 to index
        %swap3A_3126 = tpu.vector_load %arg10[%swap3A_3125] {strides = array<i32>} : memref<70656xf32, #tpu.memory_space<vmem>>, vector<16xf32>,
        tpu.vector_store %arg10[%swap3A_3125], %gather3A_3120 {strides = array<i32>} : memref<70656xf32, #tpu.memory_space<vmem>>, vector<16xf32>,
        %add3A_3127 = arith.addi %sub3A_491, %add3A_3094 : vector<16xi32>
        %gather3A_3128 = tpu.vector_load_idx %arg6[%add3A_3127] : memref<2200xf32, #tpu.memory_space<vmem>>[vector<16xi32>], vector<16xf32>,
        %add3A_3129 = arith.constant 0 : i32
        %add3A_3130 = arith.addi %add3A_3022, %add3A_3129 : i32
        %add3A_3131 = arith.constant 80 : i32
        %add3A_3132 = arith.addi %add3A_3130, %add3A_3131 : i32
        %swap3A_3133 = arith.index_cast %add3A_3132 : i32 to index
        %swap3A_3134 = tpu.vector_load %arg10[%swap3A_3133] {strides = array<i32>} : memref<70656xf32, #tpu.memory_space<vmem>>, vector<16xf32>,
        tpu.vector_store %arg10[%swap3A_3133], %gather3A_3128 {strides = array<i32>} : memref<70656xf32, #tpu.memory_space<vmem>>, vector<16xf32>,
        %add3A_3135 = arith.addi %sub3A_581, %add3A_3094 : vector<16xi32>
        %gather3A_3136 = tpu.vector_load_idx %arg6[%add3A_3135] : memref<2200xf32, #tpu.memory_space<vmem>>[vector<16xi32>], vector<16xf32>,
        %add3A_3137 = arith.constant 0 : i32
        %add3A_3138 = arith.addi %add3A_3022, %add3A_3137 : i32
        %add3A_3139 = arith.constant 96 : i32
        %add3A_3140 = arith.addi %add3A_3138, %add3A_3139 : i32
        %swap3A_3141 = arith.index_cast %add3A_3140 : i32 to index
        %swap3A_3142 = tpu.vector_load %arg10[%swap3A_3141] {strides = array<i32>} : memref<70656xf32, #tpu.memory_space<vmem>>, vector<16xf32>,
        tpu.vector_store %arg10[%swap3A_3141], %gather3A_3136 {strides = array<i32>} : memref<70656xf32, #tpu.memory_space<vmem>>, vector<16xf32>,
        %add3A_3143 = arith.addi %sub3A_671, %add3A_3094 : vector<16xi32>
        %gather3A_3144 = tpu.vector_load_idx %arg6[%add3A_3143] : memref<2200xf32, #tpu.memory_space<vmem>>[vector<16xi32>], vector<16xf32>,
        %add3A_3145 = arith.constant 0 : i32
        %add3A_3146 = arith.addi %add3A_3022, %add3A_3145 : i32
        %add3A_3147 = arith.constant 112 : i32
        %add3A_3148 = arith.addi %add3A_3146, %add3A_3147 : i32
        %swap3A_3149 = arith.index_cast %add3A_3148 : i32 to index
        %swap3A_3150 = tpu.vector_load %arg10[%swap3A_3149] {strides = array<i32>} : memref<70656xf32, #tpu.memory_space<vmem>>, vector<16xf32>,
        tpu.vector_store %arg10[%swap3A_3149], %gather3A_3144 {strides = array<i32>} : memref<70656xf32, #tpu.memory_space<vmem>>, vector<16xf32>,
        %add3A_3151 = arith.addi %sub3A_761, %add3A_3094 : vector<16xi32>
        %gather3A_3152 = tpu.vector_load_idx %arg6[%add3A_3151] : memref<2200xf32, #tpu.memory_space<vmem>>[vector<16xi32>], vector<16xf32>,
        %add3A_3153 = arith.constant 1024 : i32
        %add3A_3154 = arith.addi %add3A_3022, %add3A_3153 : i32
        %add3A_3155 = arith.constant 0 : i32
        %add3A_3156 = arith.addi %add3A_3154, %add3A_3155 : i32
        %swap3A_3157 = arith.index_cast %add3A_3156 : i32 to index
        %swap3A_3158 = tpu.vector_load %arg10[%swap3A_3157] {strides = array<i32>} : memref<70656xf32, #tpu.memory_space<vmem>>, vector<16xf32>,
        tpu.vector_store %arg10[%swap3A_3157], %gather3A_3152 {strides = array<i32>} : memref<70656xf32, #tpu.memory_space<vmem>>, vector<16xf32>,
        %add3A_3159 = arith.addi %sub3A_851, %add3A_3094 : vector<16xi32>
        %gather3A_3160 = tpu.vector_load_idx %arg6[%add3A_3159] : memref<2200xf32, #tpu.memory_space<vmem>>[vector<16xi32>], vector<16xf32>,
        %add3A_3161 = arith.constant 1024 : i32
        %add3A_3162 = arith.addi %add3A_3022, %add3A_3161 : i32
        %add3A_3163 = arith.constant 16 : i32
        %add3A_3164 = arith.addi %add3A_3162, %add3A_3163 : i32
        %swap3A_3165 = arith.index_cast %add3A_3164 : i32 to index
        %swap3A_3166 = tpu.vector_load %arg10[%swap3A_3165] {strides = array<i32>} : memref<70656xf32, #tpu.memory_space<vmem>>, vector<16xf32>,
        tpu.vector_store %arg10[%swap3A_3165], %gather3A_3160 {strides = array<i32>} : memref<70656xf32, #tpu.memory_space<vmem>>, vector<16xf32>,
        %add3A_3167 = arith.addi %sub3A_941, %add3A_3094 : vector<16xi32>
        %gather3A_3168 = tpu.vector_load_idx %arg6[%add3A_3167] : memref<2200xf32, #tpu.memory_space<vmem>>[vector<16xi32>], vector<16xf32>,
        %add3A_3169 = arith.constant 1024 : i32
        %add3A_3170 = arith.addi %add3A_3022, %add3A_3169 : i32
        %add3A_3171 = arith.constant 32 : i32
        %add3A_3172 = arith.addi %add3A_3170, %add3A_3171 : i32
        %swap3A_3173 = arith.index_cast %add3A_3172 : i32 to index
        %swap3A_3174 = tpu.vector_load %arg10[%swap3A_3173] {strides = array<i32>} : memref<70656xf32, #tpu.memory_space<vmem>>, vector<16xf32>,
        tpu.vector_store %arg10[%swap3A_3173], %gather3A_3168 {strides = array<i32>} : memref<70656xf32, #tpu.memory_space<vmem>>, vector<16xf32>,
        %add3A_3175 = arith.addi %sub3A_1031, %add3A_3094 : vector<16xi32>
        %gather3A_3176 = tpu.vector_load_idx %arg6[%add3A_3175] : memref<2200xf32, #tpu.memory_space<vmem>>[vector<16xi32>], vector<16xf32>,
        %add3A_3177 = arith.constant 1024 : i32
        %add3A_3178 = arith.addi %add3A_3022, %add3A_3177 : i32
        %add3A_3179 = arith.constant 48 : i32
        %add3A_3180 = arith.addi %add3A_3178, %add3A_3179 : i32
        %swap3A_3181 = arith.index_cast %add3A_3180 : i32 to index
        %swap3A_3182 = tpu.vector_load %arg10[%swap3A_3181] {strides = array<i32>} : memref<70656xf32, #tpu.memory_space<vmem>>, vector<16xf32>,
        tpu.vector_store %arg10[%swap3A_3181], %gather3A_3176 {strides = array<i32>} : memref<70656xf32, #tpu.memory_space<vmem>>, vector<16xf32>,
        %add3A_3183 = arith.addi %sub3A_1121, %add3A_3094 : vector<16xi32>
        %gather3A_3184 = tpu.vector_load_idx %arg6[%add3A_3183] : memref<2200xf32, #tpu.memory_space<vmem>>[vector<16xi32>], vector<16xf32>,
        %add3A_3185 = arith.constant 1024 : i32
        %add3A_3186 = arith.addi %add3A_3022, %add3A_3185 : i32
        %add3A_3187 = arith.constant 64 : i32
        %add3A_3188 = arith.addi %add3A_3186, %add3A_3187 : i32
        %swap3A_3189 = arith.index_cast %add3A_3188 : i32 to index
        %swap3A_3190 = tpu.vector_load %arg10[%swap3A_3189] {strides = array<i32>} : memref<70656xf32, #tpu.memory_space<vmem>>, vector<16xf32>,
        tpu.vector_store %arg10[%swap3A_3189], %gather3A_3184 {strides = array<i32>} : memref<70656xf32, #tpu.memory_space<vmem>>, vector<16xf32>,
        %add3A_3191 = arith.addi %sub3A_1211, %add3A_3094 : vector<16xi32>
        %gather3A_3192 = tpu.vector_load_idx %arg6[%add3A_3191] : memref<2200xf32, #tpu.memory_space<vmem>>[vector<16xi32>], vector<16xf32>,
        %add3A_3193 = arith.constant 1024 : i32
        %add3A_3194 = arith.addi %add3A_3022, %add3A_3193 : i32
        %add3A_3195 = arith.constant 80 : i32
        %add3A_3196 = arith.addi %add3A_3194, %add3A_3195 : i32
        %swap3A_3197 = arith.index_cast %add3A_3196 : i32 to index
        %swap3A_3198 = tpu.vector_load %arg10[%swap3A_3197] {strides = array<i32>} : memref<70656xf32, #tpu.memory_space<vmem>>, vector<16xf32>,
        tpu.vector_store %arg10[%swap3A_3197], %gather3A_3192 {strides = array<i32>} : memref<70656xf32, #tpu.memory_space<vmem>>, vector<16xf32>,
        %add3A_3199 = arith.addi %sub3A_1301, %add3A_3094 : vector<16xi32>
        %gather3A_3200 = tpu.vector_load_idx %arg6[%add3A_3199] : memref<2200xf32, #tpu.memory_space<vmem>>[vector<16xi32>], vector<16xf32>,
        %add3A_3201 = arith.constant 1024 : i32
        %add3A_3202 = arith.addi %add3A_3022, %add3A_3201 : i32
        %add3A_3203 = arith.constant 96 : i32
        %add3A_3204 = arith.addi %add3A_3202, %add3A_3203 : i32
        %swap3A_3205 = arith.index_cast %add3A_3204 : i32 to index
        %swap3A_3206 = tpu.vector_load %arg10[%swap3A_3205] {strides = array<i32>} : memref<70656xf32, #tpu.memory_space<vmem>>, vector<16xf32>,
        tpu.vector_store %arg10[%swap3A_3205], %gather3A_3200 {strides = array<i32>} : memref<70656xf32, #tpu.memory_space<vmem>>, vector<16xf32>,
        %add3A_3207 = arith.addi %sub3A_1391, %add3A_3094 : vector<16xi32>
        %gather3A_3208 = tpu.vector_load_idx %arg6[%add3A_3207] : memref<2200xf32, #tpu.memory_space<vmem>>[vector<16xi32>], vector<16xf32>,
        %add3A_3209 = arith.constant 1024 : i32
        %add3A_3210 = arith.addi %add3A_3022, %add3A_3209 : i32
        %add3A_3211 = arith.constant 112 : i32
        %add3A_3212 = arith.addi %add3A_3210, %add3A_3211 : i32
        %swap3A_3213 = arith.index_cast %add3A_3212 : i32 to index
        %swap3A_3214 = tpu.vector_load %arg10[%swap3A_3213] {strides = array<i32>} : memref<70656xf32, #tpu.memory_space<vmem>>, vector<16xf32>,
        tpu.vector_store %arg10[%swap3A_3213], %gather3A_3208 {strides = array<i32>} : memref<70656xf32, #tpu.memory_space<vmem>>, vector<16xf32>,
        %add3A_3215 = arith.addi %sub3A_1481, %add3A_3094 : vector<16xi32>
        %gather3A_3216 = tpu.vector_load_idx %arg6[%add3A_3215] : memref<2200xf32, #tpu.memory_space<vmem>>[vector<16xi32>], vector<16xf32>,
        %add3A_3217 = arith.constant 2048 : i32
        %add3A_3218 = arith.addi %add3A_3022, %add3A_3217 : i32
        %add3A_3219 = arith.constant 0 : i32
        %add3A_3220 = arith.addi %add3A_3218, %add3A_3219 : i32
        %swap3A_3221 = arith.index_cast %add3A_3220 : i32 to index
        %swap3A_3222 = tpu.vector_load %arg10[%swap3A_3221] {strides = array<i32>} : memref<70656xf32, #tpu.memory_space<vmem>>, vector<16xf32>,
        tpu.vector_store %arg10[%swap3A_3221], %gather3A_3216 {strides = array<i32>} : memref<70656xf32, #tpu.memory_space<vmem>>, vector<16xf32>,
        %add3A_3223 = arith.addi %sub3A_1571, %add3A_3094 : vector<16xi32>
        %gather3A_3224 = tpu.vector_load_idx %arg6[%add3A_3223] : memref<2200xf32, #tpu.memory_space<vmem>>[vector<16xi32>], vector<16xf32>,
        %add3A_3225 = arith.constant 2048 : i32
        %add3A_3226 = arith.addi %add3A_3022, %add3A_3225 : i32
        %add3A_3227 = arith.constant 16 : i32
        %add3A_3228 = arith.addi %add3A_3226, %add3A_3227 : i32
        %swap3A_3229 = arith.index_cast %add3A_3228 : i32 to index
        %swap3A_3230 = tpu.vector_load %arg10[%swap3A_3229] {strides = array<i32>} : memref<70656xf32, #tpu.memory_space<vmem>>, vector<16xf32>,
        tpu.vector_store %arg10[%swap3A_3229], %gather3A_3224 {strides = array<i32>} : memref<70656xf32, #tpu.memory_space<vmem>>, vector<16xf32>,
        %add3A_3231 = arith.addi %sub3A_1661, %add3A_3094 : vector<16xi32>
        %gather3A_3232 = tpu.vector_load_idx %arg6[%add3A_3231] : memref<2200xf32, #tpu.memory_space<vmem>>[vector<16xi32>], vector<16xf32>,
        %add3A_3233 = arith.constant 2048 : i32
        %add3A_3234 = arith.addi %add3A_3022, %add3A_3233 : i32
        %add3A_3235 = arith.constant 32 : i32
        %add3A_3236 = arith.addi %add3A_3234, %add3A_3235 : i32
        %swap3A_3237 = arith.index_cast %add3A_3236 : i32 to index
        %swap3A_3238 = tpu.vector_load %arg10[%swap3A_3237] {strides = array<i32>} : memref<70656xf32, #tpu.memory_space<vmem>>, vector<16xf32>,
        tpu.vector_store %arg10[%swap3A_3237], %gather3A_3232 {strides = array<i32>} : memref<70656xf32, #tpu.memory_space<vmem>>, vector<16xf32>,
        %add3A_3239 = arith.addi %sub3A_1751, %add3A_3094 : vector<16xi32>
        %gather3A_3240 = tpu.vector_load_idx %arg6[%add3A_3239] : memref<2200xf32, #tpu.memory_space<vmem>>[vector<16xi32>], vector<16xf32>,
        %add3A_3241 = arith.constant 2048 : i32
        %add3A_3242 = arith.addi %add3A_3022, %add3A_3241 : i32
        %add3A_3243 = arith.constant 48 : i32
        %add3A_3244 = arith.addi %add3A_3242, %add3A_3243 : i32
        %swap3A_3245 = arith.index_cast %add3A_3244 : i32 to index
        %swap3A_3246 = tpu.vector_load %arg10[%swap3A_3245] {strides = array<i32>} : memref<70656xf32, #tpu.memory_space<vmem>>, vector<16xf32>,
        tpu.vector_store %arg10[%swap3A_3245], %gather3A_3240 {strides = array<i32>} : memref<70656xf32, #tpu.memory_space<vmem>>, vector<16xf32>,
        %add3A_3247 = arith.addi %sub3A_1841, %add3A_3094 : vector<16xi32>
        %gather3A_3248 = tpu.vector_load_idx %arg6[%add3A_3247] : memref<2200xf32, #tpu.memory_space<vmem>>[vector<16xi32>], vector<16xf32>,
        %add3A_3249 = arith.constant 2048 : i32
        %add3A_3250 = arith.addi %add3A_3022, %add3A_3249 : i32
        %add3A_3251 = arith.constant 64 : i32
        %add3A_3252 = arith.addi %add3A_3250, %add3A_3251 : i32
        %swap3A_3253 = arith.index_cast %add3A_3252 : i32 to index
        %swap3A_3254 = tpu.vector_load %arg10[%swap3A_3253] {strides = array<i32>} : memref<70656xf32, #tpu.memory_space<vmem>>, vector<16xf32>,
        tpu.vector_store %arg10[%swap3A_3253], %gather3A_3248 {strides = array<i32>} : memref<70656xf32, #tpu.memory_space<vmem>>, vector<16xf32>,
        %add3A_3255 = arith.addi %sub3A_1931, %add3A_3094 : vector<16xi32>
        %gather3A_3256 = tpu.vector_load_idx %arg6[%add3A_3255] : memref<2200xf32, #tpu.memory_space<vmem>>[vector<16xi32>], vector<16xf32>,
        %add3A_3257 = arith.constant 2048 : i32
        %add3A_3258 = arith.addi %add3A_3022, %add3A_3257 : i32
        %add3A_3259 = arith.constant 80 : i32
        %add3A_3260 = arith.addi %add3A_3258, %add3A_3259 : i32
        %swap3A_3261 = arith.index_cast %add3A_3260 : i32 to index
        %swap3A_3262 = tpu.vector_load %arg10[%swap3A_3261] {strides = array<i32>} : memref<70656xf32, #tpu.memory_space<vmem>>, vector<16xf32>,
        tpu.vector_store %arg10[%swap3A_3261], %gather3A_3256 {strides = array<i32>} : memref<70656xf32, #tpu.memory_space<vmem>>, vector<16xf32>,
        %add3A_3263 = arith.addi %sub3A_2021, %add3A_3094 : vector<16xi32>
        %gather3A_3264 = tpu.vector_load_idx %arg6[%add3A_3263] : memref<2200xf32, #tpu.memory_space<vmem>>[vector<16xi32>], vector<16xf32>,
        %add3A_3265 = arith.constant 2048 : i32
        %add3A_3266 = arith.addi %add3A_3022, %add3A_3265 : i32
        %add3A_3267 = arith.constant 96 : i32
        %add3A_3268 = arith.addi %add3A_3266, %add3A_3267 : i32
        %swap3A_3269 = arith.index_cast %add3A_3268 : i32 to index
        %swap3A_3270 = tpu.vector_load %arg10[%swap3A_3269] {strides = array<i32>} : memref<70656xf32, #tpu.memory_space<vmem>>, vector<16xf32>,
        tpu.vector_store %arg10[%swap3A_3269], %gather3A_3264 {strides = array<i32>} : memref<70656xf32, #tpu.memory_space<vmem>>, vector<16xf32>,
        %add3A_3271 = arith.constant 4 : i32
        %add3A_3272 = arith.addi %add3A_3022, %add3A_3271 : i32
        %swap3A_3273 = arith.index_cast %add3A_3272 : i32 to index
        %swap3A_3274 = tpu.vector_load %arg10[%swap3A_3273] {strides = array<i32>} : memref<70656xf32, #tpu.memory_space<vmem>>, vector<16xf32>,
        tpu.vector_store %arg10[%swap3A_3273], %get3A_2873 {strides = array<i32>} : memref<70656xf32, #tpu.memory_space<vmem>>, vector<16xf32>,
      }
      %scan3A_3026 = arith.constant 0 : i32
      scf.yield %scan3A_3026 : i32
    }
    %scan3A_2938 = arith.constant 40 : i32
    %mul3A_2939 = arith.constant 23 : i32
    %mul3A_2940 = arith.muli %add3A, %mul3A_2939 : i32
    %add3A_2941 = arith.constant 18 : i32
    %add3A_2942 = arith.addi %mul3A_2940, %add3A_2941 : i32
    %mul3A_2943 = arith.constant 3072 : i32
    %mul3A_2944 = arith.muli %add3A_2942, %mul3A_2943 : i32
    %dma_start3A_2945 = arith.constant 55296 : i32
    %dma_start3A_2946 = tpu.memref_slice %arg10[%dma_start3A_2945] : memref<70656xf32, #tpu.memory_space<vmem>> -> memref<15360xf32, #tpu.memory_space<vmem>>
    %dma_start3A_2947 = tpu.memref_slice %arg5[%mul3A_2944] : memref<2260992xf32, #tpu.memory_space<hbm>> -> memref<15360xf32, #tpu.memory_space<hbm>>
    %dma_start3A_2948 = tpu.memref_slice %arg5[%mul3A_2944] : memref<2260992xf32, #tpu.memory_space<hbm>> -> memref<15360xf32, #tpu.memory_space<hbm>>
    %dma_start3A_2949 = arith.constant 55296 : i32
    %dma_start3A_2950 = tpu.memref_slice %arg10[%dma_start3A_2949] : memref<70656xf32, #tpu.memory_space<vmem>> -> memref<15360xf32, #tpu.memory_space<vmem>>
    tpu.enqueue_dma source(%dma_start3A_2950 : memref<15360xf32, #tpu.memory_space<vmem>>) target(%dma_start3A_2948 : memref<15360xf32, #tpu.memory_space<hbm>>) target_semaphore(%arg12 : memref<!tpu.dma_semaphore, #tpu.memory_space<semaphore_mem>>)
    %dma_wait3A_2951 = arith.constant 0 : i32
    %dma_wait3A_2952 = tpu.memref_slice %arg10[%dma_wait3A_2951] : memref<70656xf32, #tpu.memory_space<vmem>> -> memref<18432xf32, #tpu.memory_space<vmem>>
    %dma_wait3A_2953 = tpu.memref_slice %arg5[%mul3A_2887] : memref<2260992xf32, #tpu.memory_space<hbm>> -> memref<18432xf32, #tpu.memory_space<hbm>>
    %dma_wait3A_2954 = tpu.memref_slice %arg5[%mul3A_2887] : memref<2260992xf32, #tpu.memory_space<hbm>> -> memref<18432xf32, #tpu.memory_space<hbm>>
    %dma_wait3A_2955 = arith.constant 0 : i32
    %dma_wait3A_2956 = tpu.memref_slice %arg10[%dma_wait3A_2955] : memref<70656xf32, #tpu.memory_space<vmem>> -> memref<18432xf32, #tpu.memory_space<vmem>>
    tpu.wait_dma2 semaphore(%arg12 : memref<!tpu.dma_semaphore, #tpu.memory_space<semaphore_mem>>) src(%dma_wait3A_2956 : memref<18432xf32, #tpu.memory_space<vmem>>) dst(%dma_wait3A_2954 : memref<18432xf32, #tpu.memory_space<hbm>>)
    %dma_wait3A_2957 = arith.constant 18432 : i32
    %dma_wait3A_2958 = tpu.memref_slice %arg10[%dma_wait3A_2957] : memref<70656xf32, #tpu.memory_space<vmem>> -> memref<18432xf32, #tpu.memory_space<vmem>>
    %dma_wait3A_2959 = tpu.memref_slice %arg5[%mul3A_2906] : memref<2260992xf32, #tpu.memory_space<hbm>> -> memref<18432xf32, #tpu.memory_space<hbm>>
    %dma_wait3A_2960 = tpu.memref_slice %arg5[%mul3A_2906] : memref<2260992xf32, #tpu.memory_space<hbm>> -> memref<18432xf32, #tpu.memory_space<hbm>>
    %dma_wait3A_2961 = arith.constant 18432 : i32
    %dma_wait3A_2962 = tpu.memref_slice %arg10[%dma_wait3A_2961] : memref<70656xf32, #tpu.memory_space<vmem>> -> memref<18432xf32, #tpu.memory_space<vmem>>
    tpu.wait_dma2 semaphore(%arg12 : memref<!tpu.dma_semaphore, #tpu.memory_space<semaphore_mem>>) src(%dma_wait3A_2962 : memref<18432xf32, #tpu.memory_space<vmem>>) dst(%dma_wait3A_2960 : memref<18432xf32, #tpu.memory_space<hbm>>)
    %dma_wait3A_2963 = arith.constant 36864 : i32
    %dma_wait3A_2964 = tpu.memref_slice %arg10[%dma_wait3A_2963] : memref<70656xf32, #tpu.memory_space<vmem>> -> memref<18432xf32, #tpu.memory_space<vmem>>
    %dma_wait3A_2965 = tpu.memref_slice %arg5[%mul3A_2925] : memref<2260992xf32, #tpu.memory_space<hbm>> -> memref<18432xf32, #tpu.memory_space<hbm>>
    %dma_wait3A_2966 = tpu.memref_slice %arg5[%mul3A_2925] : memref<2260992xf32, #tpu.memory_space<hbm>> -> memref<18432xf32, #tpu.memory_space<hbm>>
    %dma_wait3A_2967 = arith.constant 36864 : i32
    %dma_wait3A_2968 = tpu.memref_slice %arg10[%dma_wait3A_2967] : memref<70656xf32, #tpu.memory_space<vmem>> -> memref<18432xf32, #tpu.memory_space<vmem>>
    tpu.wait_dma2 semaphore(%arg12 : memref<!tpu.dma_semaphore, #tpu.memory_space<semaphore_mem>>) src(%dma_wait3A_2968 : memref<18432xf32, #tpu.memory_space<vmem>>) dst(%dma_wait3A_2966 : memref<18432xf32, #tpu.memory_space<hbm>>)
    %dma_wait3A_2969 = arith.constant 55296 : i32
    %dma_wait3A_2970 = tpu.memref_slice %arg10[%dma_wait3A_2969] : memref<70656xf32, #tpu.memory_space<vmem>> -> memref<15360xf32, #tpu.memory_space<vmem>>
    %dma_wait3A_2971 = tpu.memref_slice %arg5[%mul3A_2944] : memref<2260992xf32, #tpu.memory_space<hbm>> -> memref<15360xf32, #tpu.memory_space<hbm>>
    %dma_wait3A_2972 = tpu.memref_slice %arg5[%mul3A_2944] : memref<2260992xf32, #tpu.memory_space<hbm>> -> memref<15360xf32, #tpu.memory_space<hbm>>
    %dma_wait3A_2973 = arith.constant 55296 : i32
    %dma_wait3A_2974 = tpu.memref_slice %arg10[%dma_wait3A_2973] : memref<70656xf32, #tpu.memory_space<vmem>> -> memref<15360xf32, #tpu.memory_space<vmem>>
    tpu.wait_dma2 semaphore(%arg12 : memref<!tpu.dma_semaphore, #tpu.memory_space<semaphore_mem>>) src(%dma_wait3A_2974 : memref<15360xf32, #tpu.memory_space<vmem>>) dst(%dma_wait3A_2972 : memref<15360xf32, #tpu.memory_space<hbm>>)
    return
  }
}

module attributes {stable_mosaic.version = 14 : i64} {
  func.func @_repack_body(%arg0: i32, %arg1: memref<46x3x8x128xf32, #tpu.memory_space<vmem>>, %arg2: memref<1x1x363x363xf32, #tpu.memory_space<vmem>>) attributes {dimension_semantics = [#tpu.dimension_semantics<arbitrary>], iteration_bounds = array<i64: 16>, scalar_prefetch = 0 : i64, scratch_operands = 0 : i64, tpu.core_type = #tpu.core_type<tc>, window_params = [{transform_indices = @transform_0, window_bounds = array<i64: 46, 3, 8, 128>}, {transform_indices = @transform_1, window_bounds = array<i64: 1, 1, 363, 363>}]} {
    %get3A = arith.constant 0 : index
    %get3A_0 = arith.constant 0 : index
    %get3A_1 = arith.constant 0 : index
    %get3A_2 = arith.constant 0 : index
    %get3A_3 = vector.load %arg1[%get3A, %get3A_0, %get3A_1, %get3A_2] : memref<46x3x8x128xf32, #tpu.memory_space<vmem>>, vector<46x1x8x128xf32>
    %get3A_4 = vector.shape_cast %get3A_3 : vector<46x1x8x128xf32> to vector<46x8x128xf32>
    %reshape3A = vector.shape_cast %get3A_4 : vector<46x8x128xf32> to vector<368x128xf32>
    %slice3A = vector.extract_strided_slice %reshape3A {offsets = [0, 0], sizes = [363, 128], strides = [1, 1]} : vector<368x128xf32> to vector<363x128xf32>
    %swap3A = arith.constant 0 : index
    %swap3A_5 = arith.constant 0 : index
    %swap3A_6 = arith.constant 0 : index
    %swap3A_7 = arith.constant 0 : index
    %swap3A_8 = vector.load %arg2[%swap3A, %swap3A_5, %swap3A_6, %swap3A_7] : memref<1x1x363x363xf32, #tpu.memory_space<vmem>>, vector<1x1x363x128xf32>
    %swap3A_9 = vector.shape_cast %swap3A_8 : vector<1x1x363x128xf32> to vector<363x128xf32>
    %swap3A_10 = vector.shape_cast %slice3A : vector<363x128xf32> to vector<1x1x363x128xf32>
    tpu.vector_store %arg2[%swap3A, %swap3A_5, %swap3A_6, %swap3A_7], %swap3A_10 {strides = array<i32>} : memref<1x1x363x363xf32, #tpu.memory_space<vmem>>, vector<1x1x363x128xf32>,
    %get3A_11 = arith.constant 0 : index
    %get3A_12 = arith.constant 1 : index
    %get3A_13 = arith.constant 0 : index
    %get3A_14 = arith.constant 0 : index
    %get3A_15 = vector.load %arg1[%get3A_11, %get3A_12, %get3A_13, %get3A_14] : memref<46x3x8x128xf32, #tpu.memory_space<vmem>>, vector<46x1x8x128xf32>
    %get3A_16 = vector.shape_cast %get3A_15 : vector<46x1x8x128xf32> to vector<46x8x128xf32>
    %reshape3A_17 = vector.shape_cast %get3A_16 : vector<46x8x128xf32> to vector<368x128xf32>
    %slice3A_18 = vector.extract_strided_slice %reshape3A_17 {offsets = [0, 0], sizes = [363, 128], strides = [1, 1]} : vector<368x128xf32> to vector<363x128xf32>
    %swap3A_19 = arith.constant 0 : index
    %swap3A_20 = arith.constant 0 : index
    %swap3A_21 = arith.constant 0 : index
    %swap3A_22 = arith.constant 128 : index
    %swap3A_23 = vector.load %arg2[%swap3A_19, %swap3A_20, %swap3A_21, %swap3A_22] : memref<1x1x363x363xf32, #tpu.memory_space<vmem>>, vector<1x1x363x128xf32>
    %swap3A_24 = vector.shape_cast %swap3A_23 : vector<1x1x363x128xf32> to vector<363x128xf32>
    %swap3A_25 = vector.shape_cast %slice3A_18 : vector<363x128xf32> to vector<1x1x363x128xf32>
    tpu.vector_store %arg2[%swap3A_19, %swap3A_20, %swap3A_21, %swap3A_22], %swap3A_25 {strides = array<i32>} : memref<1x1x363x363xf32, #tpu.memory_space<vmem>>, vector<1x1x363x128xf32>,
    %get3A_26 = arith.constant 0 : index
    %get3A_27 = arith.constant 2 : index
    %get3A_28 = arith.constant 0 : index
    %get3A_29 = arith.constant 0 : index
    %get3A_30 = vector.load %arg1[%get3A_26, %get3A_27, %get3A_28, %get3A_29] : memref<46x3x8x128xf32, #tpu.memory_space<vmem>>, vector<46x1x8x128xf32>
    %get3A_31 = vector.shape_cast %get3A_30 : vector<46x1x8x128xf32> to vector<46x8x128xf32>
    %reshape3A_32 = vector.shape_cast %get3A_31 : vector<46x8x128xf32> to vector<368x128xf32>
    %slice3A_33 = vector.extract_strided_slice %reshape3A_32 {offsets = [0, 0], sizes = [363, 107], strides = [1, 1]} : vector<368x128xf32> to vector<363x107xf32>
    %swap3A_34 = arith.constant 0 : index
    %swap3A_35 = arith.constant 0 : index
    %swap3A_36 = arith.constant 0 : index
    %swap3A_37 = arith.constant 256 : index
    %swap3A_38 = vector.load %arg2[%swap3A_34, %swap3A_35, %swap3A_36, %swap3A_37] : memref<1x1x363x363xf32, #tpu.memory_space<vmem>>, vector<1x1x363x107xf32>
    %swap3A_39 = vector.shape_cast %swap3A_38 : vector<1x1x363x107xf32> to vector<363x107xf32>
    %swap3A_40 = vector.shape_cast %slice3A_33 : vector<363x107xf32> to vector<1x1x363x107xf32>
    tpu.vector_store %arg2[%swap3A_34, %swap3A_35, %swap3A_36, %swap3A_37], %swap3A_40 {strides = array<i32>} : memref<1x1x363x363xf32, #tpu.memory_space<vmem>>, vector<1x1x363x107xf32>,
    return
  }
  func.func @transform_0(%arg0: i32) -> (i32, i32, i32, i32) {
    %c0_i32 = arith.constant 0 : i32
    %c0_i32_0 = arith.constant 0 : i32
    %c0_i32_1 = arith.constant 0 : i32
    %c0_i32_2 = arith.constant 0 : i32
    return %arg0, %c0_i32, %c0_i32_0, %c0_i32_1 : i32, i32, i32, i32
  }
  func.func @transform_1(%arg0: i32) -> (i32, i32, i32, i32) {
    %c0_i32 = arith.constant 0 : i32
    %c0_i32_0 = arith.constant 0 : i32
    %c0_i32_1 = arith.constant 0 : i32
    %c0_i32_2 = arith.constant 0 : i32
    return %c0_i32, %arg0, %c0_i32_0, %c0_i32_1 : i32, i32, i32, i32
  }
}

</mosaic_0001>

<sc_bundles>
// kernel: kernel.4.cloned.1.call-start
scs
__scs_entry_jumppad:
0x0: {  	(pc) =	sbr.rel $0x88, $3  }
0x1: {  	(tag) =	ssettag $0x0;
	lr =	simm.s32 $0x1  }
0x2: {  	[smem:$0x3F9E] =	sst lr;
	_ =	strace $0xD0000000  }
0x3: {  	_ = 	snop  }
0x4: {  	_ = 	snop  }
0x5: {  	_ = 	snop  }
0x6: {  	_ = 	snop  }
0x7: {  	_ = 	snop  }
__scs_overlays_trampoline_lowered:
0x8: {  	[smem:$0x3FAD] =	sst s0  }
0x9: {  	[smem:$0x3FAE] =	sst s1  }
0xa: {  	[smem:$0x3FAF] =	sst s2  }
0xb: {  	[smem:$0x3FB0] =	sst s3  }
0xc: {  	[smem:$0x3FB1] =	sst s4  }
0xd: {  	[smem:$0x3FB2] =	sst s5  }
0xe: {  	[smem:$0x3FB3] =	sst s6  }
0xf: {  	[smem:$0x3FB4] =	sst s7  }
0x10: {  	[smem:$0x3FB5] =	sst s8  }
0x11: {  	[smem:$0x3FB6] =	sst s9;
	s0 =	simm.s32 @!p0 $0x0  }
0x12: {  	s1 =	sld [smem:$0x3F9C];
	s0 =	simm.s32 @p0 $0x1  }
0x13: {  	[smem:$0x3FB7] =	sst s0;
	s0 =	simm.s32 @!p1 $0x0  }
0x14: {  	s2 =	sld [smem:$0x3F9B];
	s0 =	simm.s32 @p1 $0x1  }
0x15: {  	[smem:$0x3FB8] =	sst s0;
	s0 =	simm.s32 @!p2 $0x0  }
0x16: {  	s3 =	sld [smem:$0x3FDB];
	s0 =	simm.s32 @p2 $0x1  }
0x17: {  	s4 =	simm.s32 $0x1BF5;
	[smem:$0x3FBA] =	sst s0  }
0x18: {  	s0 =	sld [smem:$0x3F9D];
	_ =	swait.ge [sflag:s4], $0x0  }
0x19: {  	s7 =	sld [smem:$0x3F9E]  }
0x1a: {  	s8 =	sadd.s32 $0xFFFFE003, lr  }
0x1b: {  	s9 =	sadd.s32 $0xFFFFFEF7, lr;
	s5 =	simm.s32 $0xFFFFFFFF;
	p2 =	slt.u32 s8, $0xFFFFF086  }
0x1c: {  	p1 =	slt.u32 s9, $0xF7A;
	s5 =	simm.s32 @!p2 $0x0  }
0x1d: {  	s5 =	simm.s32 @p1 $0x1;
	p0 =	seq.s32 s7, s2  }
0x1e: {  	s7 =	smul.u32 @!p0 $0xF7A, s2;
	p2 =	seq.s32 @!p0 s5, $0x0  }
0x1f: {  	s9 =	smul.u32 $0xF7A, s1;
	s8 =	simm.s32 @!p0 $0x1BF5;
	p2 =	por !p2, p0  }
0x20: {  	[sflag:s8] =	ssyncset.s32 @!p0 $0xFFFFF086;
	s6 =	sadd.s32 @!p0 s3, s7;
	s7 =	simm.s32 @!p0 $0x108  }
0x21: {  	s3 =	sadd.s32 s3, s9;
	s6 =	sadd.s32 @!p0 $0x88, s6;
	s7 =	simm.s32 @p2 $0x1082  }
0x22: {  	[simem:s7], [sflag:s8] =	dma.local @!p0 [hbm:s6], $0xF7A  }
0x23: {  	s9 =	sor.u32 $0xD0000000, s2;
	s6 =	simm.s32 $0x108;
	_ =	swait.ge @!p0 [sflag:s8], $0x0  }
0x24: {  	s3 =	sadd.s32 $0x88, s3;
	s6 =	simm.s32 @!p1 $0x1082;
	[sflag:s4] =	ssyncset.s32 $0xFFFFF086  }
0x25: {  	[simem:s6], [sflag:s4] =	dma.local [hbm:s3], $0xF7A  }
0x26: {  	[smem:$0x3F9E] =	sst s1;
	(tag) =	ssettag s2;
	_ =	strace s9  }
0x27: {  	s1 =	sld [smem:$0x3FAE]  }
0x28: {  	s2 =	sld [smem:$0x3FAF]  }
0x29: {  	s4 =	sld [smem:$0x3FB1]  }
0x2a: {  	p0 =	seq.s32 s5, $0x0;
	s5 =	sld [smem:$0x3FB2]  }
0x2b: {  	s6 =	sld [smem:$0x3FB3]  }
0x2c: {  	s7 =	sld [smem:$0x3FB4]  }
0x2d: {  	s3 =	simm.s32 $0x108;
	s8 =	sld [smem:$0x3FB5]  }
0x2e: {  	s3 =	simm.s32 @!p0 $0x1082;
	s9 =	sld [smem:$0x3FB6]  }
0x2f: {  	lr =	sadd.s32 s0, s3;
	s0 =	sld [smem:$0x3FAD]  }
0x30: {  	s3 =	sld [smem:$0x3FB0]  }
0x31: {  	[smem:$0x3FB9] =	sst s10  }
0x32: {  	s10 =	sld [smem:$0x3FB7];
	_ =	sdelay $0x3  }
0x33: {  	p0 =	seq.s32 s10, $0x1;
	s10 =	sld [smem:$0x3FB9];
	_ =	sdelay $0x3  }
0x34: {  	[smem:$0x3FB9] =	sst s10  }
0x35: {  	s10 =	sld [smem:$0x3FB8];
	_ =	sdelay $0x3  }
0x36: {  	p1 =	seq.s32 s10, $0x1;
	s10 =	sld [smem:$0x3FB9];
	_ =	sdelay $0x3  }
0x37: {  	[smem:$0x3FB9] =	sst s10  }
0x38: {  	s10 =	sld [smem:$0x3FBA]  }
0x39: {  	_ = 	snop;
	(pc) =	sbr.ind lr, $3  }
0x3a: {  	_ = 	snop  }
0x3b: {  	_ = 	snop  }
0x3c: {  	p2 =	seq.s32 s10, $0x1;
	s10 =	sld [smem:$0x3FB9]  }
0x3d: {  	_ =	shalt  }
0x3e: {  	_ =	shalt  }
0x3f: {  	_ =	shalt  }
0x40: {  	_ =	shalt  }
0x41: {  	_ =	shalt  }
0x42: {  	_ =	shalt  }
0x43: {  	_ =	shalt  }
0x44: {  	_ =	shalt  }
0x45: {  	_ =	shalt  }
0x46: {  	_ =	shalt  }
0x47: {  	_ =	shalt  }
0x48: {  	_ =	shalt  }
0x49: {  	_ =	shalt  }
0x4a: {  	_ =	shalt  }
0x4b: {  	_ =	shalt  }
0x4c: {  	_ =	shalt  }
0x4d: {  	_ =	shalt  }
0x4e: {  	_ =	shalt  }
0x4f: {  	_ =	shalt  }
0x50: {  	_ =	shalt  }
0x51: {  	_ =	shalt  }
0x52: {  	_ =	shalt  }
0x53: {  	_ =	shalt  }
0x54: {  	_ =	shalt  }
0x55: {  	_ =	shalt  }
0x56: {  	_ =	shalt  }
0x57: {  	_ =	shalt  }
0x58: {  	_ =	shalt  }
0x59: {  	_ =	shalt  }
0x5a: {  	_ =	shalt  }
0x5b: {  	_ =	shalt  }
0x5c: {  	_ =	shalt  }
0x5d: {  	_ =	shalt  }
0x5e: {  	_ =	shalt  }
0x5f: {  	_ =	shalt  }
0x60: {  	_ =	shalt  }
0x61: {  	_ =	shalt  }
0x62: {  	_ =	shalt  }
0x63: {  	_ =	shalt  }
0x64: {  	_ =	shalt  }
0x65: {  	_ =	shalt  }
0x66: {  	_ =	shalt  }
0x67: {  	_ =	shalt  }
0x68: {  	_ =	shalt  }
0x69: {  	_ =	shalt  }
0x6a: {  	_ =	shalt  }
0x6b: {  	_ =	shalt  }
0x6c: {  	_ =	shalt  }
0x6d: {  	_ =	shalt  }
0x6e: {  	_ =	shalt  }
0x6f: {  	_ =	shalt  }
0x70: {  	_ =	shalt  }
0x71: {  	_ =	shalt  }
0x72: {  	_ =	shalt  }
0x73: {  	_ =	shalt  }
0x74: {  	_ =	shalt  }
0x75: {  	_ =	shalt  }
0x76: {  	_ =	shalt  }
0x77: {  	_ =	shalt  }
0x78: {  	_ =	shalt  }
0x79: {  	_ =	shalt  }
0x7a: {  	_ =	shalt  }
0x7b: {  	_ =	shalt  }
0x7c: {  	_ =	shalt  }
0x7d: {  	_ =	shalt  }
0x7e: {  	_ =	shalt  }
0x7f: {  	_ =	shalt  }
0x80: {  	_ =	shalt  }
0x81: {  	_ =	shalt  }
0x82: {  	_ =	shalt  }
0x83: {  	_ =	shalt  }
0x84: {  	_ =	shalt  }
0x85: {  	_ =	shalt  }
0x86: {  	_ =	shalt  }
0x87: {  	_ =	shalt  }
.Lfunc_end0:
.L_simem_size_0:
called_computation_lowered:
.L_overlay_start_0:
0x88: {  	s2 =	sld [smem:$0x3FD9]  }
0x89: {  	s3 =	sld [smem:$0x3FFE];
	_ =	sdelay $0x1  }
0x8a: {  	s1 =	srdreg.scid  }
0x8b: {  	s0 =	sand.u32 $0x1, s1  }
0x8c: {  	s17 =	sshll.u32 s0, $0xA;
	s2 =	sadd.s32 s3, s2  }
0x8d: {  	s2 =	sadd.s32 s2, s17  }
0x8e: {  	[smem:$0x3FC5] =	sst s2  }
0x8f: {  	_ = 	snop  }
0x90: {  	s2 =	sld [smem:$0x3FC8]  }
0x91: {  	s18 =	sld [smem:$0x3FD0];
	(tm) =	ssettm $0x1  }
0x92: {  	s4 =	sld [smem:$0x3FFB];
	_ =	sdelay $0x3  }
0x93: {  	_ =	strace s4  }
0x94: {  	s4 =	sld [smem:$0x3FFC];
	_ =	sdelay $0x3  }
0x95: {  	_ =	strace s4  }
0x96: {  	s4 =	sld [smem:$0x3FFD];
	_ =	sdelay $0x3  }
0x97: {  	_ =	strace s4  }
0x98: {  	_ =	strace $0x8FFFFFFF  }
0x99: {  	s19 =	sld [smem:$0x3FDB];
	_ =	sdelay $0x1  }
0x9a: {  	s5 =	simm.s32 $_scs_section_size  }
0x9b: {  	s6 =	simm.s32 $_size__tile_overlayer_lowered;
	s7 =	simm.s32 $_tile_overlayer_lowered  }
0x9c: {  	s22 =	simm.s32 $0x1BFF;
	s21 =	sshll.u32 s7, $0x1;
	s4 =	sadd.s32 s5, s19  }
0x9d: {  	s8 =	simm.s32 $0x0;
	s20 =	sshll.u32 s6, $0x1;
	s6 =	sadd.s32 s21, s4  }
0x9e: {  	[timem:s8], [sflag:s22] =	dma.local [hbm:s6], s20  }
0x9f: {  	_ =	swait.ge [sflag:s22], s20  }
0xa0: {  	s5 =	ssub.s32 $0x0, s20;
	[sflag:s22] =	ssyncset.done $0x0  }
0xa1: {  	[sflag:s22] =	ssyncadd.s32 s5;
	_ =	sdelay $0x1  }
0xa2: {  	s23 =	simm.s32 $0x1B8B  }
0xa3: {  	_ =	swait.ge [sflag:s23], $0x1  }
0xa4: {  	[sflag:s23] =	ssyncset.done $0x0  }
0xa5: {  	s25 =	simm.s32 $0x1B8E;
	s24 =	sld [smem:$0x3FFE];
	[sflag:s23] =	ssyncadd.s32 $0xFFFFFFFF  }
0xa6: {  	s26 =	simm.s32 $execute0_lowered;
	[smem:$0x3FD2] =	sst s25  }
0xa7: {  	s6 =	sshll.u32 s26, $0x1;
	_ =	strace $0x80000046;
	[dreg:$0x1] =	wrdreg $0xFFFFFFFF  }
0xa8: {  	s28 =	simm.s32 $_size_execute0_lowered;
	s4 =	sadd.s32 s4, s6;
	[dreg:$0x0] =	wrdreg $0x0  }
0xa9: {  	s6 =	sshll.u32 s28, $0x1;
	[dreg:$0x2] =	wrdreg s4  }
0xaa: {  	[dreg:$0x3] =	wrdreg s6  }
0xab: {  	[dreg:$0x4] =	wrdreg $0xC0  }
0xac: {  	_ =	task [dreg:s8], $0x5FFFF  }
0xad: {  	[dreg:$0x1] =	wrdreg $0xFFFFFFFF  }
0xae: {  	[dreg:$0x0] =	wrdreg $0x60  }
0xaf: {  	[dreg:$0x2] =	wrdreg s18  }
0xb0: {  	[dreg:$0x3] =	wrdreg s2  }
0xb1: {  	[dreg:$0x4] =	wrdreg s24  }
0xb2: {  	[dreg:$0x5] =	wrdreg $0x9  }
0xb3: {  	_ =	task.clear_ibuf [dreg:s8], $0x6FFFF;
	_ =	strace $0x90000046  }
0xb4: {  	s29 =	simm.s32 $0x9;
	_ =	strace $0x80000048  }
0xb5: {  	_ =	swait.ge [sflag:s29], $0x1  }
0xb6: {  	[sflag:s29] =	ssyncadd.s32 $0xFFFFFFFF  }
0xb7: {  	_ =	strace $0x90000048  }
0xb8: {  	_ =	sfence  }
0xb9: {  	s30 =	sld [smem:$0x0];
	_ =	sdelay $0x2  }
0xba: {  	s31 =	sshll.u32 s1, $0xD;
	s1 =	sshrl.u32 s1, $0x2  }
0xbb: {  	s3 =	sand.u32 $0x4000, s31;
	s1 =	sadd.s32 s1, s30  }
0xbc: {  	s0 =	sor.u32 s3, s0;
	s1 =	sshll.u32 s1, $0x11  }
0xbd: {  	s0 =	sor.u32 s1, s0  }
0xbe: {  	s0 =	sadd.s32 $0x8F2B, s0  }
0xbf: {  	[sflag:s0] =	ssyncadd.remote.s32 $0x1  }
0xc0: {  	_ =	sfence.sel $0xFFFF  }
0xc1: {  	[dreg:$0x0] =	wrdreg $0xFFFFFFFF;
	(pc) =	sbr.abs _section_cstart, $3  }
0xc2: {  	[dreg:$0x1] =	wrdreg $0xFFFFFFFF  }
0xc3: {  	_ =	task.clear_ibuf [dreg:s8], $0x2FFFF;
	_ =	strace $0x9FFFFFFF  }
0xc4: {  	(tm) =	ssettm $0x7FFFFFFF  }
0xc5: {  	_ =	shalt  }
tec
execute0_lowered:
.L_overlay_start_1:
0x0: {  	(tag) =	ssettag $0x1  }
0x1: {  	v0 =	vimm.s32 $0x0  }
0x2: {  	v1 =	vimm.s32 $0x1;
	v2 =	vimm.s32 $0x2;
	v3 =	vimm.s32 $0x3  }
0x3: {  	v4 =	vimm.s32 $0x4;
	v5 =	vimm.s32 $0x5;
	v6 =	vimm.s32 $0x6  }
0x4: {  	v7 =	vimm.s32 $0x7;
	v8 =	vimm.s32 $0x8;
	v9 =	vimm.s32 $0x9  }
0x5: {  	v10 =	vimm.s32 $0xA;
	v11 =	vimm.s32 $0xB;
	v12 =	vimm.s32 $0xC  }
0x6: {  	v13 =	vimm.s32 $0xD;
	v15 =	vimm.s32 $0x439;
	vm0 =	vcmask $0x1300  }
0x7: {  	v14 =	vimm.s32 $0xE;
	vm7 =	vcmask $0x1714;
	vm8 =	vcmask $0x1B18  }
0x8: {  	vm9 =	vcmask $0x1F1C;
	vm6 =	vcmask $0x2320;
	vm4 =	vcmask $0x2724  }
0x9: {  	vm3 =	vcmask $0x2B28;
	vm2 =	vcmask $0x2F2C;
	v22 =	vimm.s32 $0x41D  }
0xa: {  	vm5 =	vcmask $0x300;
	vm1 =	vcmask $0x3330;
	vm11 =	vcmask $0x704  }
0xb: {  	vm12 =	vcmask $0xB08;
	vm13 =	vcmask $0xF0C;
	vm10 =	vcmask $0x1310  }
0xc: {  	v23 =	vimm.s32 $0x3FB;
	v24 =	vimm.s32 $0x391;
	v25 =	vimm.s32 $0x375  }
0xd: {  	v26 =	vimm.s32 $0x353;
	v27 =	vimm.s32 $0x2E9;
	v28 =	vimm.s32 $0x2CD  }
0xe: {  	v29 =	vimm.s32 $0x2B1;
	v30 =	vimm.s32 $0x241;
	v31 =	vimm.s32 $0x209  }
0xf: {  	v32 =	vimm.s32 $0x199;
	v39 =	vimm.s32 $0x17D;
	v33 =	vimm.s32 $0x161  }
0x10: {  	v34 =	vimm.s32 $0xF7;
	vm15 =	vcmask $0x3B38;
	v48 =	vimm.s32 $0xFBFCFDFA  }
0x11: {  	v38 =	vimm.s32 $0xDFE0E1E2;
	v49 =	vimm.s32 $0xC3C4C5C6;
	v52 =	vimm.s32 $0xB9BABBBC  }
0x12: {  	v53 =	vimm.s32 $0xD1D2D3D4;
	v54 =	vimm.s32 $0xC7C8C9D0;
	v55 =	vimm.s32 $0x5354A9AA  }
0x13: {  	v57 =	vimm.s32 $0x4F505152;
	v58 =	vimm.s32 $0xAFB6B7B8;
	v59 =	vimm.s32 $0xABACADAE  }
0x14: {  	v62 =	vimm.s32 $0x3738393A;
	vm14 =	vcmask $0xF00;
	v16 =	vsel vm0, $0x44A, v15  }
0x15: {  	v15 =	vimm.s32 $0xF;
	v22 =	vsel vm5, $0x438, v22;
	vm0 =	vcmask $0x3734  }
0x16: {  	v23 =	vsel vm5, $0x416, v23;
	v24 =	vsel vm5, $0x3FA, v24;
	v25 =	vsel vm5, $0x390, v25  }
0x17: {  	v26 =	vsel vm5, $0x374, v26;
	v27 =	vsel vm5, $0x352, v27;
	v28 =	vsel vm5, $0x2E8, v28  }
0x18: {  	v29 =	vsel vm5, $0x2CC, v29;
	v35 =	vsel vm5, $0x2AA, v30;
	v30 =	vimm.s32 $0x225  }
0x19: {  	v33 =	vsel vm5, $0x17C, v33;
	v34 =	vsel vm5, $0x160, v34;
	v38 =	vunpack.c.0.s8.s32 v38  }
0x1a: {  	v63 =	vunpack.c.0.s8.s32 v62;
	v17 =	vsel vm7, $0x449, v16;
	v16 =	vimm.s32 $0x10  }
0x1b: {  	v22 =	vsel vm11, $0x437, v22;
	v23 =	vsel vm11, $0x415, v23;
	v36 =	vsel vm5, $0x240, v30  }
0x1c: {  	v30 =	vsel vm5, $0x224, v31;
	v31 =	vsel vm5, $0x208, v32;
	v32 =	vsel vm5, $0x198, v39  }
0x1d: {  	v24 =	vsel vm11, $0x3F9, v24;
	v25 =	vsel vm11, $0x38F, v25;
	v26 =	vsel vm11, $0x36D, v26  }
0x1e: {  	v27 =	vsel vm11, $0x351, v27;
	v28 =	vsel vm11, $0x2E7, v28;
	v29 =	vsel vm11, $0x2CB, v29  }
0x1f: {  	v35 =	vsel vm11, $0x2A9, v35;
	v34 =	vsel vm11, $0x15F, v34;
	v33 =	vsel vm11, $0x17B, v33  }
0x20: {  	v39 =	vimm.s32 $0xD5D6DDDE;
	v18 =	vsel vm8, $0x448, v17;
	v17 =	vimm.s32 $0x11  }
0x21: {  	v22 =	vsel vm12, $0x430, v22;
	v23 =	vsel vm12, $0x414, v23;
	v24 =	vsel vm12, $0x3F8, v24  }
0x22: {  	v25 =	vsel vm12, $0x38E, v25;
	v26 =	vsel vm12, $0x36C, v26;
	v27 =	vsel vm12, $0x350, v27  }
0x23: {  	v28 =	vsel vm12, $0x2E6, v28;
	v29 =	vsel vm12, $0x2C4, v29;
	v35 =	vsel vm12, $0x2A8, v35  }
0x24: {  	v36 =	vsel vm11, $0x23F, v36;
	v30 =	vsel vm11, $0x223, v30;
	v31 =	vsel vm11, $0x201, v31  }
0x25: {  	v32 =	vsel vm11, $0x197, v32;
	v34 =	vsel vm12, $0x158, v34;
	v33 =	vsel vm12, $0x17A, v33  }
0x26: {  	v39 =	vunpack.c.0.s8.s32 v39;
	v19 =	vsel vm9, $0x447, v18;
	v18 =	vimm.s32 $0x12  }
0x27: {  	v22 =	vsel vm13, $0x42F, v22;
	v23 =	vsel vm13, $0x413, v23;
	v24 =	vsel vm13, $0x3F7, v24  }
0x28: {  	v25 =	vsel vm13, $0x387, v25;
	v26 =	vsel vm13, $0x36B, v26;
	v27 =	vsel vm13, $0x34F, v27  }
0x29: {  	v28 =	vsel vm13, $0x2E5, v28;
	v29 =	vsel vm13, $0x2C3, v29;
	v35 =	vsel vm13, $0x2A7, v35  }
0x2a: {  	v36 =	vsel vm12, $0x23E, v36;
	v30 =	vsel vm12, $0x222, v30;
	v31 =	vsel vm12, $0x200, v31  }
0x2b: {  	v32 =	vsel vm12, $0x196, v32;
	v34 =	vsel vm13, $0x157, v34;
	v33 =	vsel vm13, $0x179, v33  }
0x2c: {  	vm12 =	vcmask $0x3324;
	v20 =	vsel vm6, $0x446, v19;
	v19 =	vimm.s32 $0x13  }
0x2d: {  	v22 =	vsel vm10, $0x42E, v22;
	v23 =	vsel vm10, $0x412, v23;
	v24 =	vsel vm10, $0x3F6, v24  }
0x2e: {  	v25 =	vsel vm10, $0x386, v25;
	v26 =	vsel vm10, $0x36A, v26;
	v27 =	vsel vm10, $0x34E, v27  }
0x2f: {  	v28 =	vsel vm10, $0x2DE, v28;
	v29 =	vsel vm10, $0x2C2, v29;
	v35 =	vsel vm10, $0x2A6, v35  }
0x30: {  	v36 =	vsel vm13, $0x23D, v36;
	v37 =	vsel vm13, $0x21B, v30;
	v31 =	vsel vm13, $0x1FF, v31  }
0x31: {  	v45 =	vsel vm13, $0x195, v32;
	v34 =	vsel vm10, $0x156, v34;
	v33 =	vsel vm10, $0x172, v33  }
0x32: {  	vm13 =	vcmask $0x1F10;
	v21 =	vsel vm4, $0x445, v20;
	v20 =	vimm.f32 $0.0e+00  }
0x33: {  	v22 =	vsel vm7, $0x42D, v22;
	v23 =	vsel vm7, $0x411, v23;
	v24 =	vsel vm7, $0x3A1, v24  }
0x34: {  	v25 =	vsel vm7, $0x385, v25;
	v26 =	vsel vm7, $0x369, v26;
	v27 =	vsel vm7, $0x34D, v27  }
0x35: {  	v28 =	vsel vm7, $0x2DD, v28;
	v29 =	vsel vm7, $0x2C1, v29;
	v35 =	vsel vm7, $0x2A5, v35  }
0x36: {  	v36 =	vsel vm10, $0x23C, v36;
	v41 =	vsel vm10, $0x21A, v37;
	v31 =	vsel vm10, $0x1FE, v31  }
0x37: {  	v47 =	vsel vm10, $0x194, v45;
	v34 =	vsel vm7, $0x155, v34;
	v33 =	vsel vm7, $0x171, v33  }
0x38: {  	v37 =	vunpack.c.0.s8.s32 v48;
	v50 =	vsel vm13, v39, v38;
	v39 =	vunpack.c.0.s8.s32 v52  }
0x39: {  	v45 =	vimm.s32 $0x2D343536;
	v21 =	vsel vm3, $0x444, v21;
	v22 =	vsel vm8, $0x42C, v22  }
0x3a: {  	v23 =	vsel vm8, $0x410, v23;
	v24 =	vsel vm8, $0x3A0, v24;
	v25 =	vsel vm8, $0x384, v25  }
0x3b: {  	v26 =	vsel vm8, $0x368, v26;
	v27 =	vsel vm8, $0x2F8, v27;
	v28 =	vsel vm8, $0x2DC, v28  }
0x3c: {  	v29 =	vsel vm8, $0x2C0, v29;
	v35 =	vsel vm8, $0x2A4, v35;
	v36 =	vsel vm7, $0x235, v36  }
0x3d: {  	v42 =	vsel vm7, $0x1FD, v31;
	v34 =	vsel vm8, $0x154, v34;
	v33 =	vsel vm8, $0x170, v33  }
0x3e: {  	v21 =	vsel vm2, $0x43D, v21;
	v22 =	vsel vm9, $0x42B, v22;
	v23 =	vsel vm9, $0x409, v23  }
0x3f: {  	v24 =	vsel vm9, $0x39F, v24;
	v25 =	vsel vm9, $0x383, v25;
	v26 =	vsel vm9, $0x367, v26  }
0x40: {  	v27 =	vsel vm9, $0x2F7, v27;
	v28 =	vsel vm9, $0x2DB, v28;
	v29 =	vsel vm9, $0x2BF, v29  }
0x41: {  	v35 =	vsel vm9, $0x24F, v35;
	v36 =	vsel vm8, $0x234, v36;
	v44 =	vsel vm8, $0x1FC, v42  }
0x42: {  	v34 =	vsel vm9, $0x153, v34;
	v33 =	vsel vm9, $0x16F, v33;
	v37 =	vand.u32 $0xFF, v37  }
0x43: {  	v21 =	vsel vm1, $0x43C, v21;
	v22 =	vsel vm6, $0x42A, v22;
	v23 =	vsel vm6, $0x408, v23  }
0x44: {  	v24 =	vsel vm6, $0x39E, v24;
	v25 =	vsel vm6, $0x382, v25;
	v26 =	vsel vm6, $0x360, v26  }
0x45: {  	v27 =	vsel vm6, $0x2F6, v27;
	v28 =	vsel vm6, $0x2DA, v28;
	v29 =	vsel vm6, $0x2BE, v29  }
0x46: {  	v35 =	vsel vm6, $0x24E, v35;
	v36 =	vsel vm9, $0x233, v36;
	v34 =	vsel vm6, $0x152, v34  }
0x47: {  	v33 =	vsel vm6, $0x16E, v33;
	v21 =	vsel vm0, $0x43B, v21;
	v22 =	vsel vm4, $0x423, v22  }
0x48: {  	v23 =	vsel vm4, $0x407, v23;
	v24 =	vsel vm4, $0x39D, v24;
	v25 =	vsel vm4, $0x381, v25  }
0x49: {  	v26 =	vsel vm4, $0x35F, v26;
	v27 =	vsel vm4, $0x2F5, v27;
	v28 =	vsel vm4, $0x2D9, v28  }
0x4a: {  	v29 =	vsel vm4, $0x2B7, v29;
	v35 =	vsel vm4, $0x24D, v35;
	v40 =	vsel vm6, $0x232, v36  }
0x4b: {  	v36 =	vsel vm7, $0x219, v41;
	v41 =	vimm.s32 $0xE3EAEBEC;
	v42 =	vsel vm12, v37, v34  }
0x4c: {  	v34 =	vunpack.c.0.s8.s32 v49;
	v37 =	vunpack.c.0.s8.s32 v55;
	v49 =	vimm.s32 $0x1B1C1D1E  }
0x4d: {  	v33 =	vsel vm4, $0x16D, v33;
	v21 =	vsel vm15, $0x43A, v21;
	v22 =	vsel vm3, $0x422, v22  }
0x4e: {  	v23 =	vsel vm3, $0x406, v23;
	v24 =	vsel vm3, $0x39C, v24;
	v25 =	vsel vm3, $0x37A, v25  }
0x4f: {  	v26 =	vsel vm3, $0x35E, v26;
	v27 =	vsel vm3, $0x2F4, v27;
	v28 =	vsel vm3, $0x2D8, v28  }
0x50: {  	v29 =	vsel vm3, $0x2B6, v29;
	v35 =	vsel vm3, $0x24C, v35;
	v36 =	vsel vm8, $0x218, v36  }
0x51: {  	v41 =	vunpack.c.0.s8.s32 v41;
	v22 =	vsel vm2, $0x421, v22;
	v23 =	vsel vm2, $0x405, v23  }
0x52: {  	v24 =	vsel vm2, $0x39B, v24;
	v25 =	vsel vm2, $0x379, v25;
	v26 =	vsel vm2, $0x35D, v26  }
0x53: {  	v27 =	vsel vm2, $0x2F3, v27;
	v28 =	vsel vm2, $0x2D1, v28;
	v29 =	vsel vm2, $0x2B5, v29  }
0x54: {  	v35 =	vsel vm2, $0x24B, v35;
	v36 =	vsel vm9, $0x217, v36;
	v34 =	vsel vm13, v39, v34  }
0x55: {  	v39 =	vunpack.c.0.s8.s32 v57;
	v22 =	vsel vm1, $0x420, v22;
	v23 =	vsel vm1, $0x404, v23  }
0x56: {  	v24 =	vsel vm1, $0x394, v24;
	v25 =	vsel vm1, $0x378, v25;
	v26 =	vsel vm1, $0x35C, v26  }
0x57: {  	v27 =	vsel vm1, $0x2F2, v27;
	v28 =	vsel vm1, $0x2D0, v28;
	v29 =	vsel vm1, $0x2B4, v29  }
0x58: {  	v35 =	vsel vm1, $0x24A, v35;
	v36 =	vsel vm6, $0x216, v36;
	v22 =	vsel vm0, $0x41F, v22  }
0x59: {  	v23 =	vsel vm0, $0x403, v23;
	v24 =	vsel vm0, $0x393, v24;
	v25 =	vsel vm0, $0x377, v25  }
0x5a: {  	v26 =	vsel vm0, $0x35B, v26;
	v27 =	vsel vm0, $0x2EB, v27;
	v28 =	vsel vm0, $0x2CF, v28  }
0x5b: {  	v29 =	vsel vm0, $0x2B3, v29;
	v35 =	vsel vm0, $0x249, v35;
	v36 =	vsel vm4, $0x215, v36  }
0x5c: {  	v60 =	vsel vm13, v39, v37;
	v37 =	vunpack.c.0.s8.s32 v45;
	v22 =	vsel vm15, $0x41E, v22  }
0x5d: {  	v23 =	vsel vm15, $0x3FC, v23;
	v24 =	vsel vm15, $0x392, v24;
	v25 =	vsel vm15, $0x376, v25  }
0x5e: {  	v26 =	vsel vm15, $0x35A, v26;
	v27 =	vsel vm15, $0x2EA, v27;
	v28 =	vsel vm15, $0x2CE, v28  }
0x5f: {  	v30 =	vsel vm15, $0x242, v35;
	v35 =	vsel vm4, $0x231, v40;
	v43 =	vsel vm3, $0x20E, v36  }
0x60: {  	v36 =	vsel vm9, $0x1FB, v44;
	v40 =	vimm.s32 $0xEDEEEFF0;
	v35 =	vsel vm3, $0x230, v35  }
0x61: {  	v36 =	vsel vm6, $0x1A6, v36;
	v40 =	vunpack.c.0.s8.s32 v40;
	v35 =	vsel vm2, $0x22F, v35  }
0x62: {  	v29 =	vsel vm15, $0x2B2, v29;
	v36 =	vsel vm4, $0x1A5, v36;
	v35 =	vsel vm1, $0x228, v35  }
0x63: {  	v46 =	vsel vm3, $0x1A4, v36;
	v36 =	vsel vm7, $0x193, v47;
	v51 =	vsel vm13, v41, v40  }
0x64: {  	v40 =	vunpack.c.0.s8.s32 v53;
	v41 =	vunpack.c.0.s8.s32 v54;
	v47 =	vimm.s32 $0x41424344  }
0x65: {  	v53 =	vimm.s32 $0x292A2B2C;
	v54 =	vimm.s32 $0x1F202728;
	v35 =	vsel vm0, $0x227, v35  }
0x66: {  	v36 =	vsel vm8, $0x18C, v36;
	v39 =	vunpack.c.0.s8.s32 v47;
	v31 =	vsel vm15, $0x226, v35  }
0x67: {  	v35 =	vsel vm2, $0x20D, v43;
	v36 =	vsel vm9, $0x18B, v36;
	v43 =	vcombine.low v51, v50  }
0x68: {  	s1 =	srdreg.scid;
	s6 =	rddreg [dreg:$0x0];
	v56 =	vsel vm13, v41, v40;
	v40 =	vunpack.c.0.s8.s32 v58;
	v41 =	vunpack.c.0.s8.s32 v59  }
0x69: {  	s0 =	stileid.u32;
	s7 =	rddreg [dreg:$0x1];
	v50 =	vimm.s32 $0x1112131A;
	v51 =	vsel vm3, $0x16C, v33;
	v59 =	vimm.s32 $0x34560012  }
0x6a: {  	s5 =	rddreg [dreg:$0x2];
	s2 =	simm.s32 $0x0;
	s9 =	simm.s32 $0x1;
	v35 =	vsel vm1, $0x20C, v35;
	v36 =	vsel vm6, $0x18A, v36;
	v44 =	vcombine.low v56, v34  }
0x6b: {  	s18 =	simm.s32 $0x1318;
	s21 =	simm.s32 $0xA330;
	s22 =	simm.s32 $0xEB30;
	v34 =	vsel vm13, v37, v63;
	v55 =	vsel vm2, $0x165, v51;
	v56 =	vunpack.c.0.s8.s32 v53  }
0x6c: {  	s23 =	simm.s32 $0x2;
	s4 =	sand.u32 $0x1, s1;
	s29 =	sshll.u32 s0, $0x1;
	v45 =	vunpack.c.l.s4.s8 v59;
	v35 =	vsel vm0, $0x20B, v35;
	v36 =	vsel vm4, $0x189, v36  }
0x6d: {  	s24 =	simm.s32 $0x0;
	[smem:$0x7FF] =	sst s2;
	s8 =	sor.u32 s4, s29;
	v61 =	vsel vm13, v41, v40;
	v57 =	vsel vm1, $0x164, v55;
	v32 =	vsel vm15, $0x20A, v35  }
0x6e: {  	s3 =	sadd.s32 $0x600, s5;
	s10 =	sadd.s32 $0x800, s5;
	s13 =	smul.u32 $0x11400, s8;
	v35 =	vsel vm2, $0x1A3, v46;
	v36 =	vsel vm3, $0x188, v36;
	v41 =	vcombine.low v61, v60  }
0x6f: {  	s5 =	simm.s32 $0x1;
	p0 =	seq.s32 s4, $0x1;
	s4 =	ssub.s32 $0x2, s4;
	v46 =	vimm.s32 $0x4546474E;
	v60 =	vimm.s32 $0xD0E0F10;
	v61 =	vsel vm0, $0xF9, v42  }
0x70: {  	p1 =	seq.s32 s8, $0x0;
	s30 =	sshrl.u32 s4, $0x1;
	s8 =	smul.u32 $0x2280, s8;
	v62 =	vunpack.c.0.s8.s32 v45;
	v35 =	vsel vm1, $0x1A2, v35;
	v38 =	vunpack.c.0.s8.s32 v46  }
0x71: {  	p1 =	por !p1, !p0;
	s12 =	ssub.s32 s4, s30;
	s4 =	simm.s32 $0xB8;
	v36 =	vsel vm2, $0x187, v36;
	v40 =	vunpack.c.0.s8.s32 v60;
	v35 =	vsel vm0, $0x1A1, v35  }
0x72: {  	_ =	strace $0x80000047;
	p1 =	por !p1, !p1;
	s4 =	simm.s32 @!p0 $0x0;
	v36 =	vsel vm1, $0x186, v36;
	v41 =	vand.u32 $0xFF, v41;
	v48 =	vsel vm13, v39, v38  }
0x73: {  	s13 =	sshrl.u32 s13, $0x3;
	s8 =	sadd.s32 s10, s8;
	s9 =	simm.s32 @!p1 $0x0;
	v38 =	vunpack.c.0.s8.s32 v49;
	v39 =	vunpack.c.0.s8.s32 v50;
	v36 =	vsel vm0, $0x17F, v36  }
0x74: {  	s31 =	sadd.s32 s10, s13;
	s13 =	sadd.s32 $0xFFFFFFEC, s4;
	s9 =	ssub.s32 s0, s9;
	v63 =	vnsel vm14, $0x0, v40;
	v40 =	vand.u32 $0xFF, v44;
	v33 =	vcombine.low v48, v34  }
0x75: {  	s14 =	sadd.s32 $0x1C, s4;
	s11 =	smul.u32 $0x898, s9;
	s9 =	sshll.u32 s9, $0x4;
	v52 =	vsel vm13, v39, v38;
	v38 =	vunpack.c.0.s8.s32 v54;
	v39 =	vsel vm0, $0x163, v57  }
0x76: {  	s12 =	smax.u32 s12, $0x1;
	s15 =	sadd.s32 $0x4C, s4;
	s9 =	sand.u32 $0x1FFFFFF0, s9;
	v34 =	vsel vm15, $0x1A0, v35;
	v35 =	vsel vm15, $0x17E, v36;
	v37 =	vsel vm15, $0x162, v39  }
0x77: {  	s10 =	sadd.s32 $0x1200, s31;
	s11 =	sshrl.u32 s11, $0x3;
	s7 =	sadd.s32 s7, s9;
	v58 =	vsel vm13, v38, v56;
	v38 =	vsel vm15, $0xF8, v61;
	vm15 =	vcmask $0x2F10  }
0x78: {  	s9 =	sadd.s32 $0x900, s31;
	s6 =	sadd.s32 s6, s11;
	s11 =	sadd.s32 $0x1B00, s31;
	v39 =	vand.u32 $0xFF, v43;
	v36 =	vcombine.low v58, v52;
	v42 =	vsel vm15, v62, v63  }
.LBB2_1:
0x79: {  	[tilespmem:s2], [sflag:$0x1] =	stream.linear.gather [hbm4b:s6+s2], $0x898, $0x38;
	[tilespmem:$0x12730] =	vst v63  }
0x7a: {  	s0 =	simm.s32 $0x898  }
0x7b: {  	[tilespmem:s0], [sflag:$0x1] =	stream.linear.gather [hbm4b:s7+s2], $0x80, $0x38;
	[tilespmem:$0x12730] =	vst v63  }
0x7c: {  	s31 =	simm.s32 $0x918  }
0x7d: {  	[tilespmem:s31], [sflag:$0x1] =	stream.linear.gather [hbm4b:s3+s2], $0xA00, $0x38;
	[tilespmem:$0x12730] =	vst v63  }
0x7e: {  	_ =	swait.ge [sflag:s5], $0x898  }
0x7f: {  	[sflag:s5] =	ssyncset.done $0x0  }
0x80: {  	[sflag:s5] =	ssyncadd.s32 $0xFFFFF768  }
0x81: {  	_ =	swait.ge [sflag:s5], $0x80  }
0x82: {  	[sflag:s5] =	ssyncset.done $0x0  }
0x83: {  	[sflag:s5] =	ssyncadd.s32 $0xFFFFFF80  }
0x84: {  	_ =	swait.ge [sflag:s5], $0xA00  }
0x85: {  	[sflag:s5] =	ssyncset.done $0x0  }
0x86: {  	[sflag:s5] =	ssyncadd.s32 $0xFFFFF600  }
0x87: {  	v46 =	vld [tilespmem:$0x898]  }
0x88: {  	v47 =	vld [tilespmem:$0x8A8]  }
0x89: {  	v45 =	vld [tilespmem:$0x918]  }
0x8a: {  	v49 =	vld [tilespmem:$0x928]  }
0x8b: {  	v48 =	vld [tilespmem:$0x8B8]  }
0x8c: {  	v50 =	vld [tilespmem:$0x938]  }
0x8d: {  	v44 =	vld [tilespmem:$0x8C8]  }
0x8e: {  	v51 =	vld [tilespmem:$0x948]  }
0x8f: {  	v43 =	vld [tilespmem:$0x8D8];
	v52 =	vmul.f32 v45, v46;
	v49 =	vmul.f32 v49, v47  }
0x90: {  	v53 =	vld [tilespmem:$0x958]  }
0x91: {  	v54 =	vld [tilespmem:$0x968];
	v50 =	vmul.f32 v50, v48;
	v52 =	vadd.f32 v49, v52  }
0x92: {  	v45 =	vld [tilespmem:$0x8E8]  }
0x93: {  	v55 =	vld [tilespmem:$0x978];
	v51 =	vmul.f32 v51, v44;
	v52 =	vadd.f32 v50, v52  }
0x94: {  	v49 =	vld [tilespmem:$0x8F8]  }
0x95: {  	v61 =	vld [tilespmem:$0x988];
	v60 =	vmul.f32 v53, v43;
	v51 =	vadd.f32 v51, v52  }
0x96: {  	v50 =	vld [tilespmem:$0x908]  }
0x97: {  	v62 =	vmul.f32 v54, v45;
	v51 =	vadd.f32 v60, v51;
	_ =	sdelay $0x1  }
0x98: {  	v63 =	vmul.f32 v55, v49;
	v51 =	vadd.f32 v62, v51;
	_ =	sdelay $0x1  }
0x99: {  	v56 =	vmul.f32 v61, v50;
	v51 =	vadd.f32 v63, v51;
	_ =	sdelay $0x1  }
0x9a: {  	v51 =	vadd.f32 v56, v51;
	_ =	sdelay $0x1  }
0x9b: {  	(xrf2) =	vadd.scan.msk.f32 $0xffff, v51;
	_ =	sdelay $0x9  }
0x9c: {  	v51, _, _ =	vpop (xrf2)  }
0x9d: {  	v51 =	vadd.f32 $0.0e+00, v51;
	_ =	sdelay $0x1  }
0x9e: {  	v51 =	vbroadcast v51, $0xF;
	_ =	sdelay $0x1  }
0x9f: {  	[tilespmem:v0+s18+$0x0] =	vst.idx.msk $0x1, v51  }
0xa0: {  	v51 =	vld [tilespmem:$0x998]  }
0xa1: {  	v57 =	vld [tilespmem:$0x9A8];
	_ =	sdelay $0x1  }
0xa2: {  	v58 =	vld [tilespmem:$0x9B8];
	_ =	sdelay $0x1  }
0xa3: {  	v59 =	vld [tilespmem:$0x9C8]  }
0xa4: {  	v51 =	vmul.f32 v51, v46;
	v52 =	vmul.f32 v57, v47  }
0xa5: {  	v60 =	vld [tilespmem:$0x9D8]  }
0xa6: {  	v61 =	vmul.f32 v58, v48;
	v51 =	vadd.f32 v52, v51  }
0xa7: {  	v62 =	vld [tilespmem:$0x9E8]  }
0xa8: {  	v63 =	vmul.f32 v59, v44;
	v51 =	vadd.f32 v61, v51  }
0xa9: {  	v57 =	vld [tilespmem:$0x9F8]  }
0xaa: {  	v58 =	vmul.f32 v60, v43;
	v51 =	vadd.f32 v63, v51  }
0xab: {  	v59 =	vld [tilespmem:$0xA08]  }
0xac: {  	v60 =	vmul.f32 v62, v45;
	v51 =	vadd.f32 v58, v51;
	_ =	sdelay $0x1  }
0xad: {  	v61 =	vmul.f32 v57, v49;
	v51 =	vadd.f32 v60, v51;
	_ =	sdelay $0x1  }
0xae: {  	v62 =	vmul.f32 v59, v50;
	v51 =	vadd.f32 v61, v51;
	_ =	sdelay $0x1  }
0xaf: {  	v51 =	vadd.f32 v62, v51;
	_ =	sdelay $0x1  }
0xb0: {  	(xrf2) =	vadd.scan.msk.f32 $0xffff, v51;
	_ =	sdelay $0x9  }
0xb1: {  	v51, _, _ =	vpop (xrf2)  }
0xb2: {  	v51 =	vadd.f32 $0.0e+00, v51;
	_ =	sdelay $0x1  }
0xb3: {  	v51 =	vbroadcast v51, $0xF;
	_ =	sdelay $0x1  }
0xb4: {  	[tilespmem:v1+s18+$0x0] =	vst.idx.msk $0x1, v51  }
0xb5: {  	v51 =	vld [tilespmem:$0xA18]  }
0xb6: {  	v63 =	vld [tilespmem:$0xA28];
	_ =	sdelay $0x1  }
0xb7: {  	v57 =	vld [tilespmem:$0xA38];
	_ =	sdelay $0x1  }
0xb8: {  	v58 =	vld [tilespmem:$0xA48]  }
0xb9: {  	v51 =	vmul.f32 v51, v46;
	v52 =	vmul.f32 v63, v47  }
0xba: {  	v59 =	vld [tilespmem:$0xA58]  }
0xbb: {  	v60 =	vmul.f32 v57, v48;
	v51 =	vadd.f32 v52, v51  }
0xbc: {  	v61 =	vld [tilespmem:$0xA68]  }
0xbd: {  	v62 =	vmul.f32 v58, v44;
	v51 =	vadd.f32 v60, v51  }
0xbe: {  	v63 =	vld [tilespmem:$0xA78]  }
0xbf: {  	v57 =	vmul.f32 v59, v43;
	v51 =	vadd.f32 v62, v51  }
0xc0: {  	v58 =	vld [tilespmem:$0xA88]  }
0xc1: {  	v59 =	vmul.f32 v61, v45;
	v51 =	vadd.f32 v57, v51;
	_ =	sdelay $0x1  }
0xc2: {  	v60 =	vmul.f32 v63, v49;
	v51 =	vadd.f32 v59, v51;
	_ =	sdelay $0x1  }
0xc3: {  	v61 =	vmul.f32 v58, v50;
	v51 =	vadd.f32 v60, v51;
	_ =	sdelay $0x1  }
0xc4: {  	v51 =	vadd.f32 v61, v51;
	_ =	sdelay $0x1  }
0xc5: {  	(xrf2) =	vadd.scan.msk.f32 $0xffff, v51;
	_ =	sdelay $0x9  }
0xc6: {  	v51, _, _ =	vpop (xrf2)  }
0xc7: {  	v51 =	vadd.f32 $0.0e+00, v51;
	_ =	sdelay $0x1  }
0xc8: {  	v51 =	vbroadcast v51, $0xF;
	_ =	sdelay $0x1  }
0xc9: {  	[tilespmem:v2+s18+$0x0] =	vst.idx.msk $0x1, v51  }
0xca: {  	v51 =	vld [tilespmem:$0xA98]  }
0xcb: {  	v62 =	vld [tilespmem:$0xAA8];
	_ =	sdelay $0x1  }
0xcc: {  	v63 =	vld [tilespmem:$0xAB8];
	_ =	sdelay $0x1  }
0xcd: {  	v57 =	vld [tilespmem:$0xAC8]  }
0xce: {  	v51 =	vmul.f32 v51, v46;
	v52 =	vmul.f32 v62, v47  }
0xcf: {  	v58 =	vld [tilespmem:$0xAD8]  }
0xd0: {  	v59 =	vmul.f32 v63, v48;
	v51 =	vadd.f32 v52, v51  }
0xd1: {  	v60 =	vld [tilespmem:$0xAE8]  }
0xd2: {  	v61 =	vmul.f32 v57, v44;
	v51 =	vadd.f32 v59, v51  }
0xd3: {  	v62 =	vld [tilespmem:$0xAF8]  }
0xd4: {  	v63 =	vmul.f32 v58, v43;
	v51 =	vadd.f32 v61, v51  }
0xd5: {  	v57 =	vld [tilespmem:$0xB08]  }
0xd6: {  	v58 =	vmul.f32 v60, v45;
	v51 =	vadd.f32 v63, v51;
	_ =	sdelay $0x1  }
0xd7: {  	v59 =	vmul.f32 v62, v49;
	v51 =	vadd.f32 v58, v51;
	_ =	sdelay $0x1  }
0xd8: {  	v60 =	vmul.f32 v57, v50;
	v51 =	vadd.f32 v59, v51;
	_ =	sdelay $0x1  }
0xd9: {  	v51 =	vadd.f32 v60, v51;
	_ =	sdelay $0x1  }
0xda: {  	(xrf2) =	vadd.scan.msk.f32 $0xffff, v51;
	_ =	sdelay $0x9  }
0xdb: {  	v51, _, _ =	vpop (xrf2)  }
0xdc: {  	v51 =	vadd.f32 $0.0e+00, v51;
	_ =	sdelay $0x1  }
0xdd: {  	v51 =	vbroadcast v51, $0xF;
	_ =	sdelay $0x1  }
0xde: {  	[tilespmem:v3+s18+$0x0] =	vst.idx.msk $0x1, v51  }
0xdf: {  	v51 =	vld [tilespmem:$0xB18]  }
0xe0: {  	v61 =	vld [tilespmem:$0xB28];
	_ =	sdelay $0x1  }
0xe1: {  	v62 =	vld [tilespmem:$0xB38];
	_ =	sdelay $0x1  }
0xe2: {  	v63 =	vld [tilespmem:$0xB48]  }
0xe3: {  	v51 =	vmul.f32 v51, v46;
	v52 =	vmul.f32 v61, v47  }
0xe4: {  	v57 =	vld [tilespmem:$0xB58]  }
0xe5: {  	v58 =	vmul.f32 v62, v48;
	v51 =	vadd.f32 v52, v51  }
0xe6: {  	v59 =	vld [tilespmem:$0xB68]  }
0xe7: {  	v60 =	vmul.f32 v63, v44;
	v51 =	vadd.f32 v58, v51  }
0xe8: {  	v61 =	vld [tilespmem:$0xB78]  }
0xe9: {  	v62 =	vmul.f32 v57, v43;
	v51 =	vadd.f32 v60, v51  }
0xea: {  	v63 =	vld [tilespmem:$0xB88]  }
0xeb: {  	v57 =	vmul.f32 v59, v45;
	v51 =	vadd.f32 v62, v51;
	_ =	sdelay $0x1  }
0xec: {  	v58 =	vmul.f32 v61, v49;
	v51 =	vadd.f32 v57, v51;
	_ =	sdelay $0x1  }
0xed: {  	v59 =	vmul.f32 v63, v50;
	v51 =	vadd.f32 v58, v51;
	_ =	sdelay $0x1  }
0xee: {  	v51 =	vadd.f32 v59, v51;
	_ =	sdelay $0x1  }
0xef: {  	(xrf2) =	vadd.scan.msk.f32 $0xffff, v51;
	_ =	sdelay $0x9  }
0xf0: {  	v51, _, _ =	vpop (xrf2)  }
0xf1: {  	v51 =	vadd.f32 $0.0e+00, v51;
	_ =	sdelay $0x1  }
0xf2: {  	v51 =	vbroadcast v51, $0xF;
	_ =	sdelay $0x1  }
0xf3: {  	[tilespmem:v4+s18+$0x0] =	vst.idx.msk $0x1, v51  }
0xf4: {  	v51 =	vld [tilespmem:$0xB98]  }
0xf5: {  	v60 =	vld [tilespmem:$0xBA8];
	_ =	sdelay $0x1  }
0xf6: {  	v61 =	vld [tilespmem:$0xBB8];
	_ =	sdelay $0x1  }
0xf7: {  	v62 =	vld [tilespmem:$0xBC8]  }
0xf8: {  	v51 =	vmul.f32 v51, v46;
	v52 =	vmul.f32 v60, v47  }
0xf9: {  	v63 =	vld [tilespmem:$0xBD8]  }
0xfa: {  	v56 =	vmul.f32 v61, v48;
	v51 =	vadd.f32 v52, v51  }
0xfb: {  	v57 =	vld [tilespmem:$0xBE8]  }
0xfc: {  	v58 =	vmul.f32 v62, v44;
	v51 =	vadd.f32 v56, v51  }
0xfd: {  	v59 =	vld [tilespmem:$0xBF8]  }
0xfe: {  	v60 =	vmul.f32 v63, v43;
	v51 =	vadd.f32 v58, v51  }
0xff: {  	v61 =	vld [tilespmem:$0xC08]  }
0x100: {  	v62 =	vmul.f32 v57, v45;
	v51 =	vadd.f32 v60, v51;
	_ =	sdelay $0x1  }
0x101: {  	v63 =	vmul.f32 v59, v49;
	v51 =	vadd.f32 v62, v51;
	_ =	sdelay $0x1  }
0x102: {  	v56 =	vmul.f32 v61, v50;
	v51 =	vadd.f32 v63, v51;
	_ =	sdelay $0x1  }
0x103: {  	v51 =	vadd.f32 v56, v51;
	_ =	sdelay $0x1  }
0x104: {  	(xrf2) =	vadd.scan.msk.f32 $0xffff, v51;
	_ =	sdelay $0x9  }
0x105: {  	v51, _, _ =	vpop (xrf2)  }
0x106: {  	v51 =	vadd.f32 $0.0e+00, v51;
	_ =	sdelay $0x1  }
0x107: {  	v51 =	vbroadcast v51, $0xF;
	_ =	sdelay $0x1  }
0x108: {  	[tilespmem:v5+s18+$0x0] =	vst.idx.msk $0x1, v51  }
0x109: {  	v51 =	vld [tilespmem:$0xC18]  }
0x10a: {  	v57 =	vld [tilespmem:$0xC28];
	_ =	sdelay $0x1  }
0x10b: {  	v58 =	vld [tilespmem:$0xC38];
	_ =	sdelay $0x1  }
0x10c: {  	v59 =	vld [tilespmem:$0xC48]  }
0x10d: {  	v51 =	vmul.f32 v51, v46;
	v52 =	vmul.f32 v57, v47  }
0x10e: {  	v60 =	vld [tilespmem:$0xC58]  }
0x10f: {  	v61 =	vmul.f32 v58, v48;
	v51 =	vadd.f32 v52, v51  }
0x110: {  	v62 =	vld [tilespmem:$0xC68]  }
0x111: {  	v63 =	vmul.f32 v59, v44;
	v51 =	vadd.f32 v61, v51  }
0x112: {  	v57 =	vld [tilespmem:$0xC78]  }
0x113: {  	v58 =	vmul.f32 v60, v43;
	v51 =	vadd.f32 v63, v51  }
0x114: {  	v59 =	vld [tilespmem:$0xC88]  }
0x115: {  	v60 =	vmul.f32 v62, v45;
	v51 =	vadd.f32 v58, v51;
	_ =	sdelay $0x1  }
0x116: {  	v61 =	vmul.f32 v57, v49;
	v51 =	vadd.f32 v60, v51;
	_ =	sdelay $0x1  }
0x117: {  	v62 =	vmul.f32 v59, v50;
	v51 =	vadd.f32 v61, v51;
	_ =	sdelay $0x1  }
0x118: {  	v51 =	vadd.f32 v62, v51;
	_ =	sdelay $0x1  }
0x119: {  	(xrf2) =	vadd.scan.msk.f32 $0xffff, v51;
	_ =	sdelay $0x9  }
0x11a: {  	v51, _, _ =	vpop (xrf2)  }
0x11b: {  	v51 =	vadd.f32 $0.0e+00, v51;
	_ =	sdelay $0x1  }
0x11c: {  	v51 =	vbroadcast v51, $0xF;
	_ =	sdelay $0x1  }
0x11d: {  	[tilespmem:v6+s18+$0x0] =	vst.idx.msk $0x1, v51  }
0x11e: {  	v51 =	vld [tilespmem:$0xC98]  }
0x11f: {  	v63 =	vld [tilespmem:$0xCA8];
	_ =	sdelay $0x1  }
0x120: {  	v57 =	vld [tilespmem:$0xCB8];
	_ =	sdelay $0x1  }
0x121: {  	v58 =	vld [tilespmem:$0xCC8]  }
0x122: {  	v51 =	vmul.f32 v51, v46;
	v52 =	vmul.f32 v63, v47  }
0x123: {  	v59 =	vld [tilespmem:$0xCD8]  }
0x124: {  	v60 =	vmul.f32 v57, v48;
	v51 =	vadd.f32 v52, v51  }
0x125: {  	v61 =	vld [tilespmem:$0xCE8]  }
0x126: {  	v62 =	vmul.f32 v58, v44;
	v51 =	vadd.f32 v60, v51  }
0x127: {  	v63 =	vld [tilespmem:$0xCF8]  }
0x128: {  	v57 =	vmul.f32 v59, v43;
	v51 =	vadd.f32 v62, v51  }
0x129: {  	v58 =	vld [tilespmem:$0xD08]  }
0x12a: {  	v59 =	vmul.f32 v61, v45;
	v51 =	vadd.f32 v57, v51;
	_ =	sdelay $0x1  }
0x12b: {  	v60 =	vmul.f32 v63, v49;
	v51 =	vadd.f32 v59, v51;
	_ =	sdelay $0x1  }
0x12c: {  	v61 =	vmul.f32 v58, v50;
	v51 =	vadd.f32 v60, v51;
	_ =	sdelay $0x1  }
0x12d: {  	v51 =	vadd.f32 v61, v51;
	_ =	sdelay $0x1  }
0x12e: {  	(xrf2) =	vadd.scan.msk.f32 $0xffff, v51;
	_ =	sdelay $0x9  }
0x12f: {  	v51, _, _ =	vpop (xrf2)  }
0x130: {  	v51 =	vadd.f32 $0.0e+00, v51;
	_ =	sdelay $0x1  }
0x131: {  	v51 =	vbroadcast v51, $0xF;
	_ =	sdelay $0x1  }
0x132: {  	[tilespmem:v7+s18+$0x0] =	vst.idx.msk $0x1, v51  }
0x133: {  	v51 =	vld [tilespmem:$0xD18]  }
0x134: {  	v62 =	vld [tilespmem:$0xD28];
	_ =	sdelay $0x1  }
0x135: {  	v63 =	vld [tilespmem:$0xD38];
	_ =	sdelay $0x1  }
0x136: {  	v57 =	vld [tilespmem:$0xD48]  }
0x137: {  	v51 =	vmul.f32 v51, v46;
	v52 =	vmul.f32 v62, v47  }
0x138: {  	v58 =	vld [tilespmem:$0xD58]  }
0x139: {  	v59 =	vmul.f32 v63, v48;
	v51 =	vadd.f32 v52, v51  }
0x13a: {  	v60 =	vld [tilespmem:$0xD68]  }
0x13b: {  	v61 =	vmul.f32 v57, v44;
	v51 =	vadd.f32 v59, v51  }
0x13c: {  	v62 =	vld [tilespmem:$0xD78]  }
0x13d: {  	v63 =	vmul.f32 v58, v43;
	v51 =	vadd.f32 v61, v51  }
0x13e: {  	v57 =	vld [tilespmem:$0xD88]  }
0x13f: {  	v58 =	vmul.f32 v60, v45;
	v51 =	vadd.f32 v63, v51;
	_ =	sdelay $0x1  }
0x140: {  	v59 =	vmul.f32 v62, v49;
	v51 =	vadd.f32 v58, v51;
	_ =	sdelay $0x1  }
0x141: {  	v60 =	vmul.f32 v57, v50;
	v51 =	vadd.f32 v59, v51;
	_ =	sdelay $0x1  }
0x142: {  	v51 =	vadd.f32 v60, v51;
	_ =	sdelay $0x1  }
0x143: {  	(xrf2) =	vadd.scan.msk.f32 $0xffff, v51;
	_ =	sdelay $0x9  }
0x144: {  	v51, _, _ =	vpop (xrf2)  }
0x145: {  	v51 =	vadd.f32 $0.0e+00, v51;
	_ =	sdelay $0x1  }
0x146: {  	v51 =	vbroadcast v51, $0xF;
	_ =	sdelay $0x1  }
0x147: {  	[tilespmem:v8+s18+$0x0] =	vst.idx.msk $0x1, v51  }
0x148: {  	v51 =	vld [tilespmem:$0xD98]  }
0x149: {  	v61 =	vld [tilespmem:$0xDA8];
	_ =	sdelay $0x1  }
0x14a: {  	v62 =	vld [tilespmem:$0xDB8];
	_ =	sdelay $0x1  }
0x14b: {  	v63 =	vld [tilespmem:$0xDC8]  }
0x14c: {  	v51 =	vmul.f32 v51, v46;
	v52 =	vmul.f32 v61, v47  }
0x14d: {  	v57 =	vld [tilespmem:$0xDD8]  }
0x14e: {  	v58 =	vmul.f32 v62, v48;
	v51 =	vadd.f32 v52, v51  }
0x14f: {  	v59 =	vld [tilespmem:$0xDE8]  }
0x150: {  	v60 =	vmul.f32 v63, v44;
	v51 =	vadd.f32 v58, v51  }
0x151: {  	v61 =	vld [tilespmem:$0xDF8]  }
0x152: {  	v62 =	vmul.f32 v57, v43;
	v51 =	vadd.f32 v60, v51  }
0x153: {  	v63 =	vld [tilespmem:$0xE08]  }
0x154: {  	v57 =	vmul.f32 v59, v45;
	v51 =	vadd.f32 v62, v51;
	_ =	sdelay $0x1  }
0x155: {  	v58 =	vmul.f32 v61, v49;
	v51 =	vadd.f32 v57, v51;
	_ =	sdelay $0x1  }
0x156: {  	v59 =	vmul.f32 v63, v50;
	v51 =	vadd.f32 v58, v51;
	_ =	sdelay $0x1  }
0x157: {  	v51 =	vadd.f32 v59, v51;
	_ =	sdelay $0x1  }
0x158: {  	(xrf2) =	vadd.scan.msk.f32 $0xffff, v51;
	_ =	sdelay $0x9  }
0x159: {  	v51, _, _ =	vpop (xrf2)  }
0x15a: {  	v51 =	vadd.f32 $0.0e+00, v51;
	_ =	sdelay $0x1  }
0x15b: {  	v51 =	vbroadcast v51, $0xF;
	_ =	sdelay $0x1  }
0x15c: {  	[tilespmem:v9+s18+$0x0] =	vst.idx.msk $0x1, v51  }
0x15d: {  	v51 =	vld [tilespmem:$0xE18]  }
0x15e: {  	v60 =	vld [tilespmem:$0xE28];
	_ =	sdelay $0x1  }
0x15f: {  	v61 =	vld [tilespmem:$0xE38];
	_ =	sdelay $0x1  }
0x160: {  	v62 =	vld [tilespmem:$0xE48]  }
0x161: {  	v51 =	vmul.f32 v51, v46;
	v52 =	vmul.f32 v60, v47  }
0x162: {  	v63 =	vld [tilespmem:$0xE58]  }
0x163: {  	v56 =	vmul.f32 v61, v48;
	v51 =	vadd.f32 v52, v51  }
0x164: {  	v57 =	vld [tilespmem:$0xE68]  }
0x165: {  	v58 =	vmul.f32 v62, v44;
	v51 =	vadd.f32 v56, v51  }
0x166: {  	v59 =	vld [tilespmem:$0xE78]  }
0x167: {  	v60 =	vmul.f32 v63, v43;
	v51 =	vadd.f32 v58, v51  }
0x168: {  	v61 =	vld [tilespmem:$0xE88]  }
0x169: {  	v62 =	vmul.f32 v57, v45;
	v51 =	vadd.f32 v60, v51;
	_ =	sdelay $0x1  }
0x16a: {  	v63 =	vmul.f32 v59, v49;
	v51 =	vadd.f32 v62, v51;
	_ =	sdelay $0x1  }
0x16b: {  	v56 =	vmul.f32 v61, v50;
	v51 =	vadd.f32 v63, v51;
	_ =	sdelay $0x1  }
0x16c: {  	v51 =	vadd.f32 v56, v51;
	_ =	sdelay $0x1  }
0x16d: {  	(xrf2) =	vadd.scan.msk.f32 $0xffff, v51;
	_ =	sdelay $0x9  }
0x16e: {  	v51, _, _ =	vpop (xrf2)  }
0x16f: {  	v51 =	vadd.f32 $0.0e+00, v51;
	_ =	sdelay $0x1  }
0x170: {  	v51 =	vbroadcast v51, $0xF;
	_ =	sdelay $0x1  }
0x171: {  	[tilespmem:v10+s18+$0x0] =	vst.idx.msk $0x1, v51  }
0x172: {  	v51 =	vld [tilespmem:$0xE98]  }
0x173: {  	v57 =	vld [tilespmem:$0xEA8];
	_ =	sdelay $0x1  }
0x174: {  	v58 =	vld [tilespmem:$0xEB8];
	_ =	sdelay $0x1  }
0x175: {  	v59 =	vld [tilespmem:$0xEC8]  }
0x176: {  	v51 =	vmul.f32 v51, v46;
	v52 =	vmul.f32 v57, v47  }
0x177: {  	v60 =	vld [tilespmem:$0xED8]  }
0x178: {  	v61 =	vmul.f32 v58, v48;
	v51 =	vadd.f32 v52, v51  }
0x179: {  	v62 =	vld [tilespmem:$0xEE8]  }
0x17a: {  	v63 =	vmul.f32 v59, v44;
	v51 =	vadd.f32 v61, v51  }
0x17b: {  	v57 =	vld [tilespmem:$0xEF8]  }
0x17c: {  	v58 =	vmul.f32 v60, v43;
	v51 =	vadd.f32 v63, v51  }
0x17d: {  	v59 =	vld [tilespmem:$0xF08]  }
0x17e: {  	v60 =	vmul.f32 v62, v45;
	v51 =	vadd.f32 v58, v51;
	_ =	sdelay $0x1  }
0x17f: {  	v61 =	vmul.f32 v57, v49;
	v51 =	vadd.f32 v60, v51;
	_ =	sdelay $0x1  }
0x180: {  	v62 =	vmul.f32 v59, v50;
	v51 =	vadd.f32 v61, v51;
	_ =	sdelay $0x1  }
0x181: {  	v51 =	vadd.f32 v62, v51;
	_ =	sdelay $0x1  }
0x182: {  	(xrf2) =	vadd.scan.msk.f32 $0xffff, v51;
	_ =	sdelay $0x9  }
0x183: {  	v51, _, _ =	vpop (xrf2)  }
0x184: {  	v51 =	vadd.f32 $0.0e+00, v51;
	_ =	sdelay $0x1  }
0x185: {  	v51 =	vbroadcast v51, $0xF;
	_ =	sdelay $0x1  }
0x186: {  	[tilespmem:v11+s18+$0x0] =	vst.idx.msk $0x1, v51  }
0x187: {  	v51 =	vld [tilespmem:$0xF18]  }
0x188: {  	v63 =	vld [tilespmem:$0xF28];
	_ =	sdelay $0x1  }
0x189: {  	v57 =	vld [tilespmem:$0xF38];
	_ =	sdelay $0x1  }
0x18a: {  	v58 =	vld [tilespmem:$0xF48]  }
0x18b: {  	v51 =	vmul.f32 v51, v46;
	v52 =	vmul.f32 v63, v47  }
0x18c: {  	v59 =	vld [tilespmem:$0xF58]  }
0x18d: {  	v60 =	vmul.f32 v57, v48;
	v51 =	vadd.f32 v52, v51  }
0x18e: {  	v61 =	vld [tilespmem:$0xF68]  }
0x18f: {  	v62 =	vmul.f32 v58, v44;
	v51 =	vadd.f32 v60, v51  }
0x190: {  	v63 =	vld [tilespmem:$0xF78]  }
0x191: {  	v57 =	vmul.f32 v59, v43;
	v51 =	vadd.f32 v62, v51  }
0x192: {  	v58 =	vld [tilespmem:$0xF88]  }
0x193: {  	v59 =	vmul.f32 v61, v45;
	v51 =	vadd.f32 v57, v51;
	_ =	sdelay $0x1  }
0x194: {  	v60 =	vmul.f32 v63, v49;
	v51 =	vadd.f32 v59, v51;
	_ =	sdelay $0x1  }
0x195: {  	v61 =	vmul.f32 v58, v50;
	v51 =	vadd.f32 v60, v51;
	_ =	sdelay $0x1  }
0x196: {  	v51 =	vadd.f32 v61, v51;
	_ =	sdelay $0x1  }
0x197: {  	(xrf2) =	vadd.scan.msk.f32 $0xffff, v51;
	_ =	sdelay $0x9  }
0x198: {  	v51, _, _ =	vpop (xrf2)  }
0x199: {  	v51 =	vadd.f32 $0.0e+00, v51;
	_ =	sdelay $0x1  }
0x19a: {  	v51 =	vbroadcast v51, $0xF;
	_ =	sdelay $0x1  }
0x19b: {  	[tilespmem:v12+s18+$0x0] =	vst.idx.msk $0x1, v51  }
0x19c: {  	v51 =	vld [tilespmem:$0xF98]  }
0x19d: {  	v62 =	vld [tilespmem:$0xFA8];
	_ =	sdelay $0x1  }
0x19e: {  	v63 =	vld [tilespmem:$0xFB8];
	_ =	sdelay $0x1  }
0x19f: {  	v57 =	vld [tilespmem:$0xFC8]  }
0x1a0: {  	v51 =	vmul.f32 v51, v46;
	v52 =	vmul.f32 v62, v47  }
0x1a1: {  	v58 =	vld [tilespmem:$0xFD8]  }
0x1a2: {  	v59 =	vmul.f32 v63, v48;
	v51 =	vadd.f32 v52, v51  }
0x1a3: {  	v60 =	vld [tilespmem:$0xFE8]  }
0x1a4: {  	v61 =	vmul.f32 v57, v44;
	v51 =	vadd.f32 v59, v51  }
0x1a5: {  	v62 =	vld [tilespmem:$0xFF8]  }
0x1a6: {  	v63 =	vmul.f32 v58, v43;
	v51 =	vadd.f32 v61, v51  }
0x1a7: {  	v57 =	vld [tilespmem:$0x1008]  }
0x1a8: {  	v58 =	vmul.f32 v60, v45;
	v51 =	vadd.f32 v63, v51;
	_ =	sdelay $0x1  }
0x1a9: {  	v59 =	vmul.f32 v62, v49;
	v51 =	vadd.f32 v58, v51;
	_ =	sdelay $0x1  }
0x1aa: {  	v60 =	vmul.f32 v57, v50;
	v51 =	vadd.f32 v59, v51;
	_ =	sdelay $0x1  }
0x1ab: {  	v51 =	vadd.f32 v60, v51;
	_ =	sdelay $0x1  }
0x1ac: {  	(xrf2) =	vadd.scan.msk.f32 $0xffff, v51;
	_ =	sdelay $0x9  }
0x1ad: {  	v51, _, _ =	vpop (xrf2)  }
0x1ae: {  	v51 =	vadd.f32 $0.0e+00, v51;
	_ =	sdelay $0x1  }
0x1af: {  	v51 =	vbroadcast v51, $0xF;
	_ =	sdelay $0x1  }
0x1b0: {  	[tilespmem:v13+s18+$0x0] =	vst.idx.msk $0x1, v51  }
0x1b1: {  	v51 =	vld [tilespmem:$0x1018]  }
0x1b2: {  	v61 =	vld [tilespmem:$0x1028];
	_ =	sdelay $0x1  }
0x1b3: {  	v62 =	vld [tilespmem:$0x1038];
	_ =	sdelay $0x1  }
0x1b4: {  	v63 =	vld [tilespmem:$0x1048]  }
0x1b5: {  	v51 =	vmul.f32 v51, v46;
	v52 =	vmul.f32 v61, v47  }
0x1b6: {  	v57 =	vld [tilespmem:$0x1058]  }
0x1b7: {  	v58 =	vmul.f32 v62, v48;
	v51 =	vadd.f32 v52, v51  }
0x1b8: {  	v59 =	vld [tilespmem:$0x1068]  }
0x1b9: {  	v60 =	vmul.f32 v63, v44;
	v51 =	vadd.f32 v58, v51  }
0x1ba: {  	v61 =	vld [tilespmem:$0x1078]  }
0x1bb: {  	v62 =	vmul.f32 v57, v43;
	v51 =	vadd.f32 v60, v51  }
0x1bc: {  	v63 =	vld [tilespmem:$0x1088]  }
0x1bd: {  	v57 =	vmul.f32 v59, v45;
	v51 =	vadd.f32 v62, v51;
	_ =	sdelay $0x1  }
0x1be: {  	v58 =	vmul.f32 v61, v49;
	v51 =	vadd.f32 v57, v51;
	_ =	sdelay $0x1  }
0x1bf: {  	v59 =	vmul.f32 v63, v50;
	v51 =	vadd.f32 v58, v51;
	_ =	sdelay $0x1  }
0x1c0: {  	v51 =	vadd.f32 v59, v51;
	_ =	sdelay $0x1  }
0x1c1: {  	(xrf2) =	vadd.scan.msk.f32 $0xffff, v51;
	_ =	sdelay $0x9  }
0x1c2: {  	v51, _, _ =	vpop (xrf2)  }
0x1c3: {  	v51 =	vadd.f32 $0.0e+00, v51;
	_ =	sdelay $0x1  }
0x1c4: {  	v51 =	vbroadcast v51, $0xF;
	_ =	sdelay $0x1  }
0x1c5: {  	[tilespmem:v14+s18+$0x0] =	vst.idx.msk $0x1, v51  }
0x1c6: {  	v51 =	vld [tilespmem:$0x1098]  }
0x1c7: {  	v60 =	vld [tilespmem:$0x10A8];
	_ =	sdelay $0x1  }
0x1c8: {  	v61 =	vld [tilespmem:$0x10B8];
	_ =	sdelay $0x1  }
0x1c9: {  	v62 =	vld [tilespmem:$0x10C8]  }
0x1ca: {  	v51 =	vmul.f32 v51, v46;
	v52 =	vmul.f32 v60, v47  }
0x1cb: {  	v63 =	vld [tilespmem:$0x10D8]  }
0x1cc: {  	v56 =	vmul.f32 v61, v48;
	v51 =	vadd.f32 v52, v51  }
0x1cd: {  	v57 =	vld [tilespmem:$0x10E8]  }
0x1ce: {  	v58 =	vmul.f32 v62, v44;
	v51 =	vadd.f32 v56, v51  }
0x1cf: {  	v59 =	vld [tilespmem:$0x10F8]  }
0x1d0: {  	v60 =	vmul.f32 v63, v43;
	v51 =	vadd.f32 v58, v51  }
0x1d1: {  	v61 =	vld [tilespmem:$0x1108]  }
0x1d2: {  	v62 =	vmul.f32 v57, v45;
	v51 =	vadd.f32 v60, v51;
	_ =	sdelay $0x1  }
0x1d3: {  	v63 =	vmul.f32 v59, v49;
	v51 =	vadd.f32 v62, v51;
	_ =	sdelay $0x1  }
0x1d4: {  	v56 =	vmul.f32 v61, v50;
	v51 =	vadd.f32 v63, v51;
	_ =	sdelay $0x1  }
0x1d5: {  	v51 =	vadd.f32 v56, v51;
	_ =	sdelay $0x1  }
0x1d6: {  	(xrf2) =	vadd.scan.msk.f32 $0xffff, v51;
	_ =	sdelay $0x9  }
0x1d7: {  	v51, _, _ =	vpop (xrf2)  }
0x1d8: {  	v51 =	vadd.f32 $0.0e+00, v51;
	_ =	sdelay $0x1  }
0x1d9: {  	v51 =	vbroadcast v51, $0xF;
	_ =	sdelay $0x1  }
0x1da: {  	[tilespmem:v15+s18+$0x0] =	vst.idx.msk $0x1, v51  }
0x1db: {  	v51 =	vld [tilespmem:$0x1118]  }
0x1dc: {  	v57 =	vld [tilespmem:$0x1128];
	_ =	sdelay $0x1  }
0x1dd: {  	v58 =	vld [tilespmem:$0x1138];
	_ =	sdelay $0x1  }
0x1de: {  	v59 =	vld [tilespmem:$0x1148]  }
0x1df: {  	v51 =	vmul.f32 v51, v46;
	v52 =	vmul.f32 v57, v47  }
0x1e0: {  	v60 =	vld [tilespmem:$0x1158]  }
0x1e1: {  	v61 =	vmul.f32 v58, v48;
	v51 =	vadd.f32 v52, v51  }
0x1e2: {  	v62 =	vld [tilespmem:$0x1168]  }
0x1e3: {  	v63 =	vmul.f32 v59, v44;
	v51 =	vadd.f32 v61, v51  }
0x1e4: {  	v57 =	vld [tilespmem:$0x1178]  }
0x1e5: {  	v58 =	vmul.f32 v60, v43;
	v51 =	vadd.f32 v63, v51  }
0x1e6: {  	v59 =	vld [tilespmem:$0x1188]  }
0x1e7: {  	v60 =	vmul.f32 v62, v45;
	v51 =	vadd.f32 v58, v51;
	_ =	sdelay $0x1  }
0x1e8: {  	v61 =	vmul.f32 v57, v49;
	v51 =	vadd.f32 v60, v51;
	_ =	sdelay $0x1  }
0x1e9: {  	v62 =	vmul.f32 v59, v50;
	v51 =	vadd.f32 v61, v51;
	_ =	sdelay $0x1  }
0x1ea: {  	v51 =	vadd.f32 v62, v51;
	_ =	sdelay $0x1  }
0x1eb: {  	(xrf2) =	vadd.scan.msk.f32 $0xffff, v51;
	_ =	sdelay $0x9  }
0x1ec: {  	v51, _, _ =	vpop (xrf2)  }
0x1ed: {  	v51 =	vadd.f32 $0.0e+00, v51;
	_ =	sdelay $0x1  }
0x1ee: {  	v51 =	vbroadcast v51, $0xF;
	_ =	sdelay $0x1  }
0x1ef: {  	[tilespmem:v16+s18+$0x0] =	vst.idx.msk $0x1, v51  }
0x1f0: {  	v51 =	vld [tilespmem:$0x1198]  }
0x1f1: {  	v63 =	vld [tilespmem:$0x11A8];
	_ =	sdelay $0x1  }
0x1f2: {  	v57 =	vld [tilespmem:$0x11B8];
	_ =	sdelay $0x1  }
0x1f3: {  	v58 =	vld [tilespmem:$0x11C8]  }
0x1f4: {  	v51 =	vmul.f32 v51, v46;
	v52 =	vmul.f32 v63, v47  }
0x1f5: {  	v59 =	vld [tilespmem:$0x11D8]  }
0x1f6: {  	v60 =	vmul.f32 v57, v48;
	v51 =	vadd.f32 v52, v51  }
0x1f7: {  	v61 =	vld [tilespmem:$0x11E8]  }
0x1f8: {  	v62 =	vmul.f32 v58, v44;
	v51 =	vadd.f32 v60, v51  }
0x1f9: {  	v63 =	vld [tilespmem:$0x11F8]  }
0x1fa: {  	v57 =	vmul.f32 v59, v43;
	v51 =	vadd.f32 v62, v51  }
0x1fb: {  	v58 =	vld [tilespmem:$0x1208]  }
0x1fc: {  	v59 =	vmul.f32 v61, v45;
	v51 =	vadd.f32 v57, v51;
	_ =	sdelay $0x1  }
0x1fd: {  	v60 =	vmul.f32 v63, v49;
	v51 =	vadd.f32 v59, v51;
	_ =	sdelay $0x1  }
0x1fe: {  	v61 =	vmul.f32 v58, v50;
	v51 =	vadd.f32 v60, v51;
	_ =	sdelay $0x1  }
0x1ff: {  	v51 =	vadd.f32 v61, v51;
	_ =	sdelay $0x1  }
0x200: {  	(xrf2) =	vadd.scan.msk.f32 $0xffff, v51;
	_ =	sdelay $0x9  }
0x201: {  	v51, _, _ =	vpop (xrf2)  }
0x202: {  	v51 =	vadd.f32 $0.0e+00, v51;
	_ =	sdelay $0x1  }
0x203: {  	v51 =	vbroadcast v51, $0xF;
	_ =	sdelay $0x1  }
0x204: {  	[tilespmem:v17+s18+$0x0] =	vst.idx.msk $0x1, v51  }
0x205: {  	v51 =	vld [tilespmem:$0x1218]  }
0x206: {  	v62 =	vld [tilespmem:$0x1228];
	_ =	sdelay $0x1  }
0x207: {  	v63 =	vld [tilespmem:$0x1238];
	_ =	sdelay $0x1  }
0x208: {  	v57 =	vld [tilespmem:$0x1248]  }
0x209: {  	v51 =	vmul.f32 v51, v46;
	v52 =	vmul.f32 v62, v47  }
0x20a: {  	v58 =	vld [tilespmem:$0x1258]  }
0x20b: {  	v59 =	vmul.f32 v63, v48;
	v51 =	vadd.f32 v52, v51  }
0x20c: {  	v60 =	vld [tilespmem:$0x1268]  }
0x20d: {  	v61 =	vmul.f32 v57, v44;
	v51 =	vadd.f32 v59, v51  }
0x20e: {  	v62 =	vld [tilespmem:$0x1278]  }
0x20f: {  	v63 =	vmul.f32 v58, v43;
	v51 =	vadd.f32 v61, v51  }
0x210: {  	v57 =	vld [tilespmem:$0x1288]  }
0x211: {  	v58 =	vmul.f32 v60, v45;
	v51 =	vadd.f32 v63, v51;
	_ =	sdelay $0x1  }
0x212: {  	v59 =	vmul.f32 v62, v49;
	v51 =	vadd.f32 v58, v51;
	_ =	sdelay $0x1  }
0x213: {  	v60 =	vmul.f32 v57, v50;
	v51 =	vadd.f32 v59, v51;
	_ =	sdelay $0x1  }
0x214: {  	v51 =	vadd.f32 v60, v51;
	_ =	sdelay $0x1  }
0x215: {  	(xrf2) =	vadd.scan.msk.f32 $0xffff, v51;
	_ =	sdelay $0x9  }
0x216: {  	v51, _, _ =	vpop (xrf2)  }
0x217: {  	v51 =	vadd.f32 $0.0e+00, v51;
	_ =	sdelay $0x1  }
0x218: {  	v51 =	vbroadcast v51, $0xF;
	_ =	sdelay $0x1  }
0x219: {  	[tilespmem:v18+s18+$0x0] =	vst.idx.msk $0x1, v51  }
0x21a: {  	v51 =	vld [tilespmem:$0x1298]  }
0x21b: {  	v61 =	vld [tilespmem:$0x12A8];
	_ =	sdelay $0x1  }
0x21c: {  	v62 =	vld [tilespmem:$0x12B8];
	_ =	sdelay $0x1  }
0x21d: {  	v63 =	vld [tilespmem:$0x12C8]  }
0x21e: {  	v46 =	vmul.f32 v51, v46;
	v47 =	vmul.f32 v61, v47  }
0x21f: {  	v56 =	vld [tilespmem:$0x12D8]  }
0x220: {  	v57 =	vmul.f32 v62, v48;
	v46 =	vadd.f32 v47, v46  }
0x221: {  	v58 =	vld [tilespmem:$0x12E8]  }
0x222: {  	v44 =	vmul.f32 v63, v44;
	v46 =	vadd.f32 v57, v46  }
0x223: {  	v59 =	vld [tilespmem:$0x12F8]  }
0x224: {  	v43 =	vmul.f32 v56, v43;
	v44 =	vadd.f32 v44, v46  }
0x225: {  	v60 =	vld [tilespmem:$0x1308]  }
0x226: {  	v61 =	vmul.f32 v58, v45;
	v43 =	vadd.f32 v43, v44;
	_ =	sdelay $0x1  }
0x227: {  	v62 =	vmul.f32 v59, v49;
	v43 =	vadd.f32 v61, v43;
	_ =	sdelay $0x1  }
0x228: {  	v63 =	vmul.f32 v60, v50;
	v43 =	vadd.f32 v62, v43;
	_ =	sdelay $0x1  }
0x229: {  	v43 =	vadd.f32 v63, v43;
	_ =	sdelay $0x1  }
0x22a: {  	(xrf2) =	vadd.scan.msk.f32 $0xffff, v43;
	_ =	sdelay $0x9  }
0x22b: {  	v43, _, _ =	vpop (xrf2)  }
0x22c: {  	v43 =	vadd.f32 $0.0e+00, v43;
	_ =	sdelay $0x1  }
.Ltmp0:
0x22d: {  	v43 =	vbroadcast v43, $0xF;
	(pc) =	sbr.rel .LBB2_2-.Ltmp0, $4  }
0x22e: {  	_ = 	snop  }
0x22f: {  	[tilespmem:v19+s18+$0x0] =	vst.idx.msk $0x1, v43  }
0x230: {  	v44 =	vld [tilespmem:$0x1318]  }
0x231: {  	s25 =	simm.s32 $0x0;
	s26 =	smov.u32 s13;
	s28 =	simm.s32 $0x0;
	v43 =	vld [tilespmem:$0x131C]  }
.LBB2_4:
0x232: {  	s31 =	sand.u32 $0xFF, s26  }
0x233: {  	s31 =	smulhi.u32 $0x539782A, s31;
	_ =	sdelay $0x1  }
0x234: {  	s31 =	smul.u32 $0x31, s31;
	_ =	sdelay $0x1  }
0x235: {  	s31 =	ssub.s32 $0xFFFFFFEC, s31  }
0x236: {  	s31 =	sadd.s32 s31, s30  }
0x237: {  	s1 =	sshll.u32 s31, $0x10  }
0x238: {  	s1 =	sshra.s32 s1, $0x10  }
0x239: {  	s1 =	smul.u32 $0x4925, s1  }
0x23a: {  	s20 =	sadd.s32 $0xFFFFFFEC, s30  }
0x23b: {  	s0 =	sand.u32 $0xFF, s20;
	s16 =	sshrl.u32 s1, $0x1F;
	s1 =	sshra.s32 s1, $0x11  }
0x23c: {  	s0 =	smul.u32 $0x4F, s0;
	s1 =	sadd.s32 s16, s1  }
0x23d: {  	s16 =	smul.u32 $0xFFFFFFF9, s1  }
0x23e: {  	s0 =	sshrl.u32 s0, $0x8;
	s17 =	ssub.s32 $0x0, s31  }
0x23f: {  	s30 =	ssub.s32 s20, s0;
	s17 =	sand.u32 $0xFFFF, s17;
	s16 =	sand.u32 $0xFFFF, s16  }
0x240: {  	s30 =	sand.u32 $0xFE, s30;
	p1 =	slt.s32 s31, $0x1;
	p0 =	sne.s32 s16, s17  }
0x241: {  	s16 =	sshrl.u32 s30, $0x1;
	p0 =	por !p1, !p0  }
0x242: {  	s0 =	sadd.s32 s0, s16;
	s16 =	simm.s32 $0x1;
	p0 =	por !p0, !p0  }
0x243: {  	s0 =	sshrl.u32 s0, $0x5;
	s16 =	simm.s32 @!p0 $0x0  }
0x244: {  	s0 =	smul.u32 $0xA9, s0;
	s1 =	ssub.s32 s1, s16  }
0x245: {  	s1 =	smul.u32 $0x6, s1  }
0x246: {  	s0 =	sadd.s32 s0, s31  }
0x247: {  	s31 =	sadd.s32 s1, s0  }
0x248: {  	v45 =	vadd.s32 s31, v21;
	_ =	sdelay $0x3  }
0x249: {  	[tilespmem:s29+$0x1330] =	vst v44  }
0x24a: {  	v45 =	vld.idx.msk [tilespmem:v45+s2+$0x0], $0xffff  }
0x24b: {  	v46 =	vadd.s32 s31, v22;
	_ =	sdelay $0x3  }
0x24c: {  	[tilespmem:s29+$0x1340] =	vst v45  }
0x24d: {  	v45 =	vld.idx.msk [tilespmem:v46+s2+$0x0], $0xffff  }
0x24e: {  	v60 =	vadd.s32 s31, v23;
	_ =	sdelay $0x3  }
0x24f: {  	[tilespmem:s29+$0x1350] =	vst v45  }
0x250: {  	v45 =	vld.idx.msk [tilespmem:v60+s2+$0x0], $0xffff  }
0x251: {  	v61 =	vadd.s32 s31, v24;
	_ =	sdelay $0x3  }
0x252: {  	[tilespmem:s29+$0x1360] =	vst v45  }
0x253: {  	v45 =	vld.idx.msk [tilespmem:v61+s2+$0x0], $0xffff  }
0x254: {  	v62 =	vadd.s32 s31, v25;
	_ =	sdelay $0x3  }
0x255: {  	[tilespmem:s29+$0x1370] =	vst v45  }
0x256: {  	v45 =	vld.idx.msk [tilespmem:v62+s2+$0x0], $0xffff  }
0x257: {  	v63 =	vadd.s32 s31, v26;
	_ =	sdelay $0x3  }
0x258: {  	[tilespmem:s29+$0x1380] =	vst v45  }
0x259: {  	v45 =	vld.idx.msk [tilespmem:v63+s2+$0x0], $0xffff  }
0x25a: {  	v48 =	vadd.s32 s31, v27;
	_ =	sdelay $0x3  }
0x25b: {  	[tilespmem:s29+$0x1390] =	vst v45  }
0x25c: {  	v45 =	vld.idx.msk [tilespmem:v48+s2+$0x0], $0xffff  }
0x25d: {  	v49 =	vadd.s32 s31, v28;
	_ =	sdelay $0x3  }
0x25e: {  	[tilespmem:s29+$0x13A0] =	vst v45  }
0x25f: {  	v45 =	vld.idx.msk [tilespmem:v49+s2+$0x0], $0xffff  }
0x260: {  	v50 =	vadd.s32 s31, v29;
	_ =	sdelay $0x3  }
0x261: {  	[tilespmem:s29+$0x1730] =	vst v45  }
0x262: {  	v45 =	vld.idx.msk [tilespmem:v50+s2+$0x0], $0xffff  }
0x263: {  	v51 =	vadd.s32 s31, v30;
	_ =	sdelay $0x3  }
0x264: {  	[tilespmem:s29+$0x1740] =	vst v45  }
0x265: {  	v45 =	vld.idx.msk [tilespmem:v51+s2+$0x0], $0xffff  }
0x266: {  	v52 =	vadd.s32 s31, v31;
	_ =	sdelay $0x3  }
0x267: {  	[tilespmem:s29+$0x1750] =	vst v45  }
0x268: {  	v45 =	vld.idx.msk [tilespmem:v52+s2+$0x0], $0xffff  }
0x269: {  	v53 =	vadd.s32 s31, v32;
	_ =	sdelay $0x3  }
0x26a: {  	[tilespmem:s29+$0x1760] =	vst v45  }
0x26b: {  	v45 =	vld.idx.msk [tilespmem:v53+s2+$0x0], $0xffff  }
0x26c: {  	v54 =	vadd.s32 s31, v34;
	_ =	sdelay $0x3  }
0x26d: {  	[tilespmem:s29+$0x1770] =	vst v45  }
0x26e: {  	v45 =	vld.idx.msk [tilespmem:v54+s2+$0x0], $0xffff  }
0x26f: {  	v55 =	vadd.s32 s31, v35;
	_ =	sdelay $0x3  }
0x270: {  	[tilespmem:s29+$0x1780] =	vst v45  }
0x271: {  	v45 =	vld.idx.msk [tilespmem:v55+s2+$0x0], $0xffff  }
0x272: {  	v56 =	vadd.s32 s31, v37;
	_ =	sdelay $0x3  }
0x273: {  	[tilespmem:s29+$0x1790] =	vst v45  }
0x274: {  	v45 =	vld.idx.msk [tilespmem:v56+s2+$0x0], $0xffff  }
0x275: {  	v57 =	vadd.s32 s31, v38;
	_ =	sdelay $0x3  }
0x276: {  	[tilespmem:s29+$0x17A0] =	vst v45  }
0x277: {  	v45 =	vld.idx.msk [tilespmem:v57+s2+$0x0], $0xffff  }
0x278: {  	v58 =	vadd.s32 s31, v39;
	_ =	sdelay $0x3  }
0x279: {  	[tilespmem:s29+$0x1B30] =	vst v45  }
0x27a: {  	v45 =	vld.idx.msk [tilespmem:v58+s2+$0x0], $0xffff  }
0x27b: {  	v59 =	vadd.s32 s31, v40;
	_ =	sdelay $0x3  }
0x27c: {  	[tilespmem:s29+$0x1B40] =	vst v45  }
0x27d: {  	v45 =	vld.idx.msk [tilespmem:v59+s2+$0x0], $0xffff  }
0x27e: {  	v60 =	vadd.s32 s31, v41;
	_ =	sdelay $0x3  }
0x27f: {  	[tilespmem:s29+$0x1B50] =	vst v45  }
0x280: {  	v45 =	vld.idx.msk [tilespmem:v60+s2+$0x0], $0xffff  }
0x281: {  	v61 =	vadd.s32 s31, v33;
	_ =	sdelay $0x3  }
0x282: {  	[tilespmem:s29+$0x1B60] =	vst v45  }
0x283: {  	v45 =	vld.idx.msk [tilespmem:v61+s2+$0x0], $0xffff  }
0x284: {  	v62 =	vadd.s32 s31, v36;
	_ =	sdelay $0x3  }
0x285: {  	[tilespmem:s29+$0x1B70] =	vst v45  }
0x286: {  	v45 =	vld.idx.msk [tilespmem:v62+s2+$0x0], $0xffff  }
0x287: {  	v63 =	vadd.s32 s31, v42;
	_ =	sdelay $0x3  }
0x288: {  	[tilespmem:s29+$0x1B80] =	vst v45  }
0x289: {  	v45 =	vld.idx.msk [tilespmem:v63+s2+$0x0], $0xffff;
	_ =	sdelay $0x3  }
0x28a: {  	[tilespmem:s29+$0x1334] =	vst v43  }
0x28b: {  	[tilespmem:s29+$0x1B90] =	vst v45  }
.LBB2_5:
0x28c: {  	s28 =	sadd.s32 $0x1, s28  }
0x28d: {  	p0 =	sne.s32 s28, $0x30  }
.Ltmp1:
0x28e: {  	_ = 	snop;
	(pc) =	sbr.rel @!p0 .LBB2_6-.Ltmp1, $2  }
0x28f: {  	_ =	sdelay $0x2  }
0x290: {  	s26 =	sadd.s32 $0x1, s26;
	s25 =	sadd.s32 $0x80, s25  }
.LBB2_2:
0x291: {  	s30 =	sadd.s32 s28, s4  }
0x292: {  	p0 =	sgt.u32 s30, $0x13  }
.Ltmp2:
0x293: {  	_ = 	snop;
	(pc) =	sbr.rel @p0 .LBB2_4-.Ltmp2, $4  }
0x294: {  	s29 =	sshrl.u32 s28, $0x3  }
0x295: {  	s29 =	smul.u32 $0xC00, s29  }
0x296: {  	s31 =	sand.u32 $0x380, s25  }
0x297: {  	s29 =	sor.u32 s31, s29  }
0x298: {  	[tilespmem:s29+$0x1330] =	vst v20  }
0x299: {  	[tilespmem:s29+$0x1340] =	vst v20  }
0x29a: {  	[tilespmem:s29+$0x1350] =	vst v20  }
0x29b: {  	[tilespmem:s29+$0x1360] =	vst v20  }
0x29c: {  	[tilespmem:s29+$0x1370] =	vst v20  }
0x29d: {  	[tilespmem:s29+$0x1380] =	vst v20  }
0x29e: {  	[tilespmem:s29+$0x1390] =	vst v20  }
0x29f: {  	[tilespmem:s29+$0x13A0] =	vst v20  }
0x2a0: {  	[tilespmem:s29+$0x1730] =	vst v20  }
0x2a1: {  	[tilespmem:s29+$0x1740] =	vst v20  }
0x2a2: {  	[tilespmem:s29+$0x1750] =	vst v20  }
0x2a3: {  	[tilespmem:s29+$0x1760] =	vst v20  }
0x2a4: {  	[tilespmem:s29+$0x1770] =	vst v20  }
0x2a5: {  	[tilespmem:s29+$0x1780] =	vst v20  }
0x2a6: {  	[tilespmem:s29+$0x1790] =	vst v20  }
0x2a7: {  	[tilespmem:s29+$0x17A0] =	vst v20  }
0x2a8: {  	[tilespmem:s29+$0x1B30] =	vst v20  }
0x2a9: {  	[tilespmem:s29+$0x1B40] =	vst v20  }
0x2aa: {  	[tilespmem:s29+$0x1B50] =	vst v20  }
.Ltmp3:
0x2ab: {  	[tilespmem:s29+$0x1B60] =	vst v20;
	(pc) =	sbr.rel .LBB2_5-.Ltmp3, $4  }
0x2ac: {  	[tilespmem:s29+$0x1B70] =	vst v20  }
0x2ad: {  	[tilespmem:s29+$0x1B80] =	vst v20  }
0x2ae: {  	[tilespmem:s29+$0x1B90] =	vst v20  }
0x2af: {  	[tilespmem:s29+$0x1BA0] =	vst v20  }
.LBB2_6:
0x2b0: {  	s0 =	smulhi.u32 $0x5397829D, s14;
	_ =	sdelay $0x1  }
0x2b1: {  	s0 =	sshrl.u32 s0, $0x4  }
0x2b2: {  	s1 =	simm.s32 $0x0;
	s16 =	simm.s32 $0x1330;
	s0 =	smul.u32 $0x31, s0  }
0x2b3: {  	[hbm4b:s8+s1] =	stream.linear.scatter [tilespmem:s16], [sflag:$0x2], $0x4800, $0x38;
	[tilespmem:$0x12730] =	vst v63  }
0x2b4: {  	s0 =	ssub.s32 s14, s0  }
0x2b5: {  	s19 =	sshll.u32 s0, $0x10  }
0x2b6: {  	s1 =	sshra.s32 s19, $0x10  }
0x2b7: {  	s1 =	smul.u32 $0x4925, s1  }
0x2b8: {  	s20 =	sadd.s32 $0x0, s14  }
0x2b9: {  	s17 =	sand.u32 $0xFFFF, s20;
	s25 =	sshrl.u32 s1, $0x1F;
	s1 =	sshra.s32 s1, $0x11  }
0x2ba: {  	s17 =	smul.u32 $0x4E5F, s17;
	s1 =	sadd.s32 s25, s1  }
0x2bb: {  	s25 =	smul.u32 $0xFFFFFFF9, s1  }
0x2bc: {  	s17 =	sshrl.u32 s17, $0x10;
	s26 =	ssub.s32 $0x0, s0  }
0x2bd: {  	s16 =	ssub.s32 s20, s17;
	s26 =	sand.u32 $0xFFFF, s26;
	s25 =	sand.u32 $0xFFFF, s25  }
0x2be: {  	s16 =	sand.u32 $0xFFFE, s16;
	p0 =	slt.s32 s0, $0x1;
	p1 =	sne.s32 s25, s26  }
0x2bf: {  	s16 =	sshrl.u32 s16, $0x1;
	p0 =	por !p0, !p1  }
0x2c0: {  	s16 =	sadd.s32 s17, s16;
	s17 =	simm.s32 $0x1;
	p0 =	por !p0, !p0  }
0x2c1: {  	s16 =	sshrl.u32 s16, $0x5;
	s17 =	simm.s32 @!p0 $0x0  }
0x2c2: {  	s16 =	smul.u32 $0xA9, s16;
	s1 =	ssub.s32 s1, s17  }
0x2c3: {  	s1 =	smul.u32 $0x6, s1  }
0x2c4: {  	s0 =	sadd.s32 s16, s0  }
0x2c5: {  	s19 =	simm.s32 $0x6;
	s28 =	sadd.s32 s1, s0  }
0x2c6: {  	s20 =	smul.u32 $0x3000, s19;
	v45 =	vadd.s32 s28, v21  }
0x2c7: {  	s26 =	simm.s32 $0x1800  }
0x2c8: {  	s25 =	sand.u32 $0x380, s26;
	s0 =	sshra.s32 s20, $0x2  }
0x2c9: {  	s25 =	sor.u32 s25, s0  }
0x2ca: {  	[tilespmem:s25+$0x1330] =	vst v44  }
0x2cb: {  	v45 =	vld.idx.msk [tilespmem:v45+s2+$0x0], $0xffff  }
0x2cc: {  	v46 =	vadd.s32 s28, v22;
	_ =	sdelay $0x3  }
0x2cd: {  	[tilespmem:s25+$0x1340] =	vst v45  }
0x2ce: {  	v45 =	vld.idx.msk [tilespmem:v46+s2+$0x0], $0xffff  }
0x2cf: {  	v48 =	vadd.s32 s28, v23;
	_ =	sdelay $0x3  }
0x2d0: {  	[tilespmem:s25+$0x1350] =	vst v45  }
0x2d1: {  	v45 =	vld.idx.msk [tilespmem:v48+s2+$0x0], $0xffff  }
0x2d2: {  	v49 =	vadd.s32 s28, v24;
	_ =	sdelay $0x3  }
0x2d3: {  	[tilespmem:s25+$0x1360] =	vst v45  }
0x2d4: {  	v45 =	vld.idx.msk [tilespmem:v49+s2+$0x0], $0xffff  }
0x2d5: {  	v50 =	vadd.s32 s28, v25;
	_ =	sdelay $0x3  }
0x2d6: {  	[tilespmem:s25+$0x1370] =	vst v45  }
0x2d7: {  	v45 =	vld.idx.msk [tilespmem:v50+s2+$0x0], $0xffff  }
0x2d8: {  	v51 =	vadd.s32 s28, v26;
	_ =	sdelay $0x3  }
0x2d9: {  	[tilespmem:s25+$0x1380] =	vst v45  }
0x2da: {  	v45 =	vld.idx.msk [tilespmem:v51+s2+$0x0], $0xffff  }
0x2db: {  	v52 =	vadd.s32 s28, v27;
	_ =	sdelay $0x3  }
0x2dc: {  	[tilespmem:s25+$0x1390] =	vst v45  }
0x2dd: {  	v45 =	vld.idx.msk [tilespmem:v52+s2+$0x0], $0xffff  }
0x2de: {  	v53 =	vadd.s32 s28, v28;
	_ =	sdelay $0x3  }
0x2df: {  	[tilespmem:s25+$0x13A0] =	vst v45  }
0x2e0: {  	v45 =	vld.idx.msk [tilespmem:v53+s2+$0x0], $0xffff  }
0x2e1: {  	v54 =	vadd.s32 s28, v29;
	_ =	sdelay $0x3  }
0x2e2: {  	[tilespmem:s25+$0x1730] =	vst v45  }
0x2e3: {  	v45 =	vld.idx.msk [tilespmem:v54+s2+$0x0], $0xffff  }
0x2e4: {  	v55 =	vadd.s32 s28, v30;
	_ =	sdelay $0x3  }
0x2e5: {  	[tilespmem:s25+$0x1740] =	vst v45  }
0x2e6: {  	v45 =	vld.idx.msk [tilespmem:v55+s2+$0x0], $0xffff  }
0x2e7: {  	v56 =	vadd.s32 s28, v31;
	_ =	sdelay $0x3  }
0x2e8: {  	[tilespmem:s25+$0x1750] =	vst v45  }
0x2e9: {  	v45 =	vld.idx.msk [tilespmem:v56+s2+$0x0], $0xffff  }
0x2ea: {  	v57 =	vadd.s32 s28, v32;
	_ =	sdelay $0x3  }
0x2eb: {  	[tilespmem:s25+$0x1760] =	vst v45  }
0x2ec: {  	v45 =	vld.idx.msk [tilespmem:v57+s2+$0x0], $0xffff  }
0x2ed: {  	v58 =	vadd.s32 s28, v34;
	_ =	sdelay $0x3  }
0x2ee: {  	[tilespmem:s25+$0x1770] =	vst v45  }
0x2ef: {  	v45 =	vld.idx.msk [tilespmem:v58+s2+$0x0], $0xffff  }
0x2f0: {  	v59 =	vadd.s32 s28, v35;
	_ =	sdelay $0x3  }
0x2f1: {  	[tilespmem:s25+$0x1780] =	vst v45  }
0x2f2: {  	v45 =	vld.idx.msk [tilespmem:v59+s2+$0x0], $0xffff  }
0x2f3: {  	v60 =	vadd.s32 s28, v37;
	_ =	sdelay $0x3  }
0x2f4: {  	[tilespmem:s25+$0x1790] =	vst v45  }
0x2f5: {  	v45 =	vld.idx.msk [tilespmem:v60+s2+$0x0], $0xffff  }
0x2f6: {  	v61 =	vadd.s32 s28, v38;
	_ =	sdelay $0x3  }
0x2f7: {  	[tilespmem:s25+$0x17A0] =	vst v45  }
0x2f8: {  	v45 =	vld.idx.msk [tilespmem:v61+s2+$0x0], $0xffff  }
0x2f9: {  	v62 =	vadd.s32 s28, v39;
	_ =	sdelay $0x3  }
0x2fa: {  	[tilespmem:s25+$0x1B30] =	vst v45  }
0x2fb: {  	v45 =	vld.idx.msk [tilespmem:v62+s2+$0x0], $0xffff  }
0x2fc: {  	v63 =	vadd.s32 s28, v40;
	_ =	sdelay $0x3  }
0x2fd: {  	[tilespmem:s25+$0x1B40] =	vst v45  }
0x2fe: {  	s29 =	simm.s32 $0x1;
	s31 =	simm.s32 $0x2;
	s30 =	smov.u32 s14;
	v45 =	vld.idx.msk [tilespmem:v63+s2+$0x0], $0xffff  }
.LBB2_7:
0x2ff: {  	p0 =	sne.s32 s31, $0x2F;
	v46 =	vadd.s32 s28, v41;
	_ =	sdelay $0x3  }
0x300: {  	s30 =	sadd.s32 $0x1, s30;
	[tilespmem:s25+$0x1B50] =	vst v45  }
0x301: {  	s0 =	smulhi.u32 $0x5397829D, s30;
	v45 =	vld.idx.msk [tilespmem:v46+s2+$0x0], $0xffff;
	_ =	sdelay $0x1  }
0x302: {  	s0 =	sshrl.u32 s0, $0x4;
	v46 =	vadd.s32 s28, v33  }
0x303: {  	s0 =	smul.u32 $0x31, s0;
	_ =	sdelay $0x1  }
0x304: {  	s0 =	ssub.s32 s30, s0  }
0x305: {  	s1 =	sshll.u32 s0, $0x10;
	[tilespmem:s25+$0x1B60] =	vst v45  }
0x306: {  	s1 =	sshra.s32 s1, $0x10;
	v45 =	vld.idx.msk [tilespmem:v46+s2+$0x0], $0xffff  }
0x307: {  	s16 =	sadd.s32 s29, s14;
	s1 =	smul.u32 $0x4925, s1  }
0x308: {  	s17 =	sand.u32 $0xFFFF, s16;
	v46 =	vadd.s32 s28, v36  }
0x309: {  	s17 =	smul.u32 $0x4E5F, s17;
	s19 =	sshrl.u32 s1, $0x1F;
	s1 =	sshra.s32 s1, $0x11  }
0x30a: {  	s1 =	sadd.s32 s19, s1  }
0x30b: {  	s17 =	sshrl.u32 s17, $0x10;
	s19 =	smul.u32 $0xFFFFFFF9, s1  }
0x30c: {  	s16 =	ssub.s32 s16, s17;
	s20 =	ssub.s32 $0x0, s0;
	[tilespmem:s25+$0x1B70] =	vst v45  }
0x30d: {  	s16 =	sand.u32 $0xFFFE, s16;
	s20 =	sand.u32 $0xFFFF, s20;
	s19 =	sand.u32 $0xFFFF, s19;
	v45 =	vld.idx.msk [tilespmem:v46+s2+$0x0], $0xffff  }
0x30e: {  	p1 =	slt.s32 s0, $0x1;
	s16 =	sshrl.u32 s16, $0x1;
	p2 =	sne.s32 s19, s20  }
0x30f: {  	s16 =	sadd.s32 s17, s16;
	s19 =	sadd.s32 $0x30, s29;
	p1 =	por !p1, !p2;
	v46 =	vadd.s32 s28, v42  }
0x310: {  	s17 =	simm.s32 $0x1;
	s19 =	sshrl.u32 s19, $0x3;
	p1 =	por !p1, !p1  }
0x311: {  	s16 =	sshrl.u32 s16, $0x5;
	s19 =	smul.u32 $0x3000, s19;
	s17 =	simm.s32 @!p1 $0x0  }
0x312: {  	s26 =	sadd.s32 $0x80, s26;
	s16 =	smul.u32 $0xA9, s16;
	s1 =	ssub.s32 s1, s17  }
0x313: {  	s17 =	sand.u32 $0x380, s26;
	s19 =	sshra.s32 s19, $0x2;
	s1 =	smul.u32 $0x6, s1;
	[tilespmem:s25+$0x1B80] =	vst v45  }
0x314: {  	s0 =	sadd.s32 s16, s0;
	s29 =	smov.u32 s31;
	s16 =	sor.u32 s17, s19;
	v45 =	vld.idx.msk [tilespmem:v46+s2+$0x0], $0xffff;
	[tilespmem:s25+$0x1334] =	vst v43  }
0x315: {  	s28 =	sadd.s32 s1, s0;
	[tilespmem:s16+$0x1330] =	vst v44  }
0x316: {  	v46 =	vadd.s32 s28, v21;
	_ =	sdelay $0x3  }
0x317: {  	[tilespmem:s25+$0x1B90] =	vst v45;
	s25 =	smov.u32 s16  }
0x318: {  	v45 =	vld.idx.msk [tilespmem:v46+s2+$0x0], $0xffff;
	_ =	sdelay $0x1  }
0x319: {  	v46 =	vadd.s32 s28, v22;
	_ =	sdelay $0x3  }
0x31a: {  	[tilespmem:s25+$0x1340] =	vst v45  }
0x31b: {  	v45 =	vld.idx.msk [tilespmem:v46+s2+$0x0], $0xffff;
	_ =	sdelay $0x1  }
0x31c: {  	v46 =	vadd.s32 s28, v23;
	_ =	sdelay $0x3  }
0x31d: {  	[tilespmem:s25+$0x1350] =	vst v45  }
0x31e: {  	v45 =	vld.idx.msk [tilespmem:v46+s2+$0x0], $0xffff;
	_ =	sdelay $0x1  }
0x31f: {  	v46 =	vadd.s32 s28, v24;
	_ =	sdelay $0x3  }
0x320: {  	[tilespmem:s25+$0x1360] =	vst v45  }
0x321: {  	v45 =	vld.idx.msk [tilespmem:v46+s2+$0x0], $0xffff;
	_ =	sdelay $0x1  }
0x322: {  	v46 =	vadd.s32 s28, v25;
	_ =	sdelay $0x3  }
0x323: {  	[tilespmem:s25+$0x1370] =	vst v45  }
0x324: {  	v45 =	vld.idx.msk [tilespmem:v46+s2+$0x0], $0xffff;
	_ =	sdelay $0x1  }
0x325: {  	v46 =	vadd.s32 s28, v26;
	_ =	sdelay $0x3  }
0x326: {  	[tilespmem:s25+$0x1380] =	vst v45  }
0x327: {  	v45 =	vld.idx.msk [tilespmem:v46+s2+$0x0], $0xffff;
	_ =	sdelay $0x1  }
0x328: {  	v46 =	vadd.s32 s28, v27;
	_ =	sdelay $0x3  }
0x329: {  	[tilespmem:s25+$0x1390] =	vst v45  }
0x32a: {  	v45 =	vld.idx.msk [tilespmem:v46+s2+$0x0], $0xffff;
	_ =	sdelay $0x1  }
0x32b: {  	v46 =	vadd.s32 s28, v28;
	_ =	sdelay $0x3  }
0x32c: {  	[tilespmem:s25+$0x13A0] =	vst v45  }
0x32d: {  	v45 =	vld.idx.msk [tilespmem:v46+s2+$0x0], $0xffff;
	_ =	sdelay $0x1  }
0x32e: {  	v46 =	vadd.s32 s28, v29;
	_ =	sdelay $0x3  }
0x32f: {  	[tilespmem:s25+$0x1730] =	vst v45  }
0x330: {  	v45 =	vld.idx.msk [tilespmem:v46+s2+$0x0], $0xffff;
	_ =	sdelay $0x1  }
0x331: {  	v46 =	vadd.s32 s28, v30;
	_ =	sdelay $0x3  }
0x332: {  	[tilespmem:s25+$0x1740] =	vst v45  }
0x333: {  	v45 =	vld.idx.msk [tilespmem:v46+s2+$0x0], $0xffff;
	_ =	sdelay $0x1  }
0x334: {  	v46 =	vadd.s32 s28, v31;
	_ =	sdelay $0x3  }
0x335: {  	[tilespmem:s25+$0x1750] =	vst v45  }
0x336: {  	v45 =	vld.idx.msk [tilespmem:v46+s2+$0x0], $0xffff;
	_ =	sdelay $0x1  }
0x337: {  	v46 =	vadd.s32 s28, v32;
	_ =	sdelay $0x3  }
0x338: {  	[tilespmem:s25+$0x1760] =	vst v45  }
0x339: {  	v45 =	vld.idx.msk [tilespmem:v46+s2+$0x0], $0xffff;
	_ =	sdelay $0x1  }
0x33a: {  	v46 =	vadd.s32 s28, v34;
	_ =	sdelay $0x3  }
0x33b: {  	[tilespmem:s25+$0x1770] =	vst v45  }
0x33c: {  	v45 =	vld.idx.msk [tilespmem:v46+s2+$0x0], $0xffff;
	_ =	sdelay $0x1  }
0x33d: {  	v46 =	vadd.s32 s28, v35;
	_ =	sdelay $0x3  }
0x33e: {  	[tilespmem:s25+$0x1780] =	vst v45  }
0x33f: {  	v45 =	vld.idx.msk [tilespmem:v46+s2+$0x0], $0xffff;
	_ =	sdelay $0x1  }
0x340: {  	v46 =	vadd.s32 s28, v37;
	_ =	sdelay $0x3  }
0x341: {  	[tilespmem:s25+$0x1790] =	vst v45  }
0x342: {  	v45 =	vld.idx.msk [tilespmem:v46+s2+$0x0], $0xffff;
	_ =	sdelay $0x1  }
0x343: {  	v46 =	vadd.s32 s28, v38;
	_ =	sdelay $0x3  }
0x344: {  	[tilespmem:s25+$0x17A0] =	vst v45  }
0x345: {  	v45 =	vld.idx.msk [tilespmem:v46+s2+$0x0], $0xffff;
	_ =	sdelay $0x1  }
0x346: {  	v46 =	vadd.s32 s28, v39;
	_ =	sdelay $0x3  }
0x347: {  	[tilespmem:s25+$0x1B30] =	vst v45  }
0x348: {  	v45 =	vld.idx.msk [tilespmem:v46+s2+$0x0], $0xffff;
	_ =	sdelay $0x1  }
0x349: {  	v46 =	vadd.s32 s28, v40;
	_ =	sdelay $0x1  }
.Ltmp4:
0x34a: {  	(pc) =	sbr.rel @p0 .LBB2_7-.Ltmp4, $4  }
0x34b: {  	_ = 	snop  }
0x34c: {  	[tilespmem:s25+$0x1B40] =	vst v45  }
0x34d: {  	v45 =	vld.idx.msk [tilespmem:v46+s2+$0x0], $0xffff  }
0x34e: {  	s31 =	sadd.s32 $0x1, s31  }
0x34f: {  	v46 =	vadd.s32 s28, v41;
	s0 =	sadd.s32 $0x1, s30  }
0x350: {  	s1 =	smulhi.u32 $0x5397829D, s0;
	_ =	sdelay $0x1  }
0x351: {  	s1 =	sshrl.u32 s1, $0x4  }
0x352: {  	[tilespmem:s25+$0x1B50] =	vst v45;
	s1 =	smul.u32 $0x31, s1  }
0x353: {  	v45 =	vld.idx.msk [tilespmem:v46+s2+$0x0], $0xffff  }
0x354: {  	v53 =	vadd.s32 s28, v33;
	s0 =	ssub.s32 s0, s1  }
0x355: {  	s1 =	sshll.u32 s0, $0x10  }
0x356: {  	s1 =	sshra.s32 s1, $0x10  }
0x357: {  	s1 =	smul.u32 $0x4925, s1  }
0x358: {  	s16 =	sadd.s32 s29, s14;
	[tilespmem:s25+$0x1B60] =	vst v45  }
0x359: {  	s17 =	sand.u32 $0xFFFF, s16;
	v45 =	vld.idx.msk [tilespmem:v53+s2+$0x0], $0xffff;
	s19 =	sshrl.u32 s1, $0x1F;
	s1 =	sshra.s32 s1, $0x11  }
0x35a: {  	v54 =	vadd.s32 s28, v36;
	s17 =	smul.u32 $0x4E5F, s17;
	s1 =	sadd.s32 s19, s1  }
0x35b: {  	s19 =	smul.u32 $0xFFFFFFF9, s1  }
0x35c: {  	s17 =	sshrl.u32 s17, $0x10;
	s20 =	ssub.s32 $0x0, s0  }
0x35d: {  	s16 =	ssub.s32 s16, s17;
	s20 =	sand.u32 $0xFFFF, s20;
	s19 =	sand.u32 $0xFFFF, s19  }
0x35e: {  	s16 =	sand.u32 $0xFFFE, s16;
	p0 =	slt.s32 s0, $0x1;
	[tilespmem:s25+$0x1B70] =	vst v45;
	p1 =	sne.s32 s19, s20  }
0x35f: {  	s16 =	sshrl.u32 s16, $0x1;
	v45 =	vld.idx.msk [tilespmem:v54+s2+$0x0], $0xffff;
	p0 =	por !p0, !p1  }
0x360: {  	v55 =	vadd.s32 s28, v42;
	s16 =	sadd.s32 s17, s16;
	s17 =	simm.s32 $0x1;
	p0 =	por !p0, !p0  }
0x361: {  	s16 =	sshrl.u32 s16, $0x5;
	s17 =	simm.s32 @!p0 $0x0  }
0x362: {  	s16 =	smul.u32 $0xA9, s16;
	s1 =	ssub.s32 s1, s17  }
0x363: {  	s19 =	sadd.s32 $0x30, s29;
	s1 =	smul.u32 $0x6, s1  }
0x364: {  	s0 =	sadd.s32 s16, s0;
	s17 =	sshrl.u32 s19, $0x3;
	[tilespmem:s25+$0x1B80] =	vst v45  }
0x365: {  	s20 =	smul.u32 $0x3000, s17;
	v45 =	vld.idx.msk [tilespmem:v55+s2+$0x0], $0xffff;
	s28 =	sadd.s32 s1, s0  }
0x366: {  	s17 =	sadd.s32 $0x80, s26;
	v56 =	vadd.s32 s28, v21  }
0x367: {  	s0 =	sand.u32 $0x380, s17;
	s19 =	sshra.s32 s20, $0x2  }
0x368: {  	[tilespmem:s25+$0x1334] =	vst v43;
	s20 =	sor.u32 s0, s19  }
0x369: {  	[tilespmem:s20+$0x1330] =	vst v44  }
0x36a: {  	[tilespmem:s25+$0x1B90] =	vst v45  }
0x36b: {  	v45 =	vld.idx.msk [tilespmem:v56+s2+$0x0], $0xffff  }
0x36c: {  	v57 =	vadd.s32 s28, v22;
	_ =	sdelay $0x3  }
0x36d: {  	[tilespmem:s20+$0x1340] =	vst v45  }
0x36e: {  	v45 =	vld.idx.msk [tilespmem:v57+s2+$0x0], $0xffff  }
0x36f: {  	v58 =	vadd.s32 s28, v23;
	_ =	sdelay $0x3  }
0x370: {  	[tilespmem:s20+$0x1350] =	vst v45  }
0x371: {  	v45 =	vld.idx.msk [tilespmem:v58+s2+$0x0], $0xffff  }
0x372: {  	v59 =	vadd.s32 s28, v24;
	_ =	sdelay $0x3  }
0x373: {  	[tilespmem:s20+$0x1360] =	vst v45  }
0x374: {  	v45 =	vld.idx.msk [tilespmem:v59+s2+$0x0], $0xffff  }
0x375: {  	v60 =	vadd.s32 s28, v25;
	_ =	sdelay $0x3  }
0x376: {  	[tilespmem:s20+$0x1370] =	vst v45  }
0x377: {  	v45 =	vld.idx.msk [tilespmem:v60+s2+$0x0], $0xffff  }
0x378: {  	v61 =	vadd.s32 s28, v26;
	_ =	sdelay $0x3  }
0x379: {  	[tilespmem:s20+$0x1380] =	vst v45  }
0x37a: {  	v45 =	vld.idx.msk [tilespmem:v61+s2+$0x0], $0xffff  }
0x37b: {  	v62 =	vadd.s32 s28, v27;
	_ =	sdelay $0x3  }
0x37c: {  	[tilespmem:s20+$0x1390] =	vst v45  }
0x37d: {  	v45 =	vld.idx.msk [tilespmem:v62+s2+$0x0], $0xffff  }
0x37e: {  	v63 =	vadd.s32 s28, v28;
	_ =	sdelay $0x3  }
0x37f: {  	[tilespmem:s20+$0x13A0] =	vst v45  }
0x380: {  	v45 =	vld.idx.msk [tilespmem:v63+s2+$0x0], $0xffff  }
0x381: {  	v48 =	vadd.s32 s28, v29;
	_ =	sdelay $0x3  }
0x382: {  	[tilespmem:s20+$0x1730] =	vst v45  }
0x383: {  	v45 =	vld.idx.msk [tilespmem:v48+s2+$0x0], $0xffff  }
0x384: {  	v49 =	vadd.s32 s28, v30;
	_ =	sdelay $0x3  }
0x385: {  	[tilespmem:s20+$0x1740] =	vst v45  }
0x386: {  	v45 =	vld.idx.msk [tilespmem:v49+s2+$0x0], $0xffff  }
0x387: {  	v50 =	vadd.s32 s28, v31;
	_ =	sdelay $0x3  }
0x388: {  	[tilespmem:s20+$0x1750] =	vst v45  }
0x389: {  	v45 =	vld.idx.msk [tilespmem:v50+s2+$0x0], $0xffff  }
0x38a: {  	v51 =	vadd.s32 s28, v32;
	_ =	sdelay $0x3  }
0x38b: {  	[tilespmem:s20+$0x1760] =	vst v45  }
0x38c: {  	v45 =	vld.idx.msk [tilespmem:v51+s2+$0x0], $0xffff  }
0x38d: {  	v52 =	vadd.s32 s28, v34;
	_ =	sdelay $0x3  }
0x38e: {  	[tilespmem:s20+$0x1770] =	vst v45  }
0x38f: {  	v45 =	vld.idx.msk [tilespmem:v52+s2+$0x0], $0xffff  }
0x390: {  	v53 =	vadd.s32 s28, v35;
	_ =	sdelay $0x3  }
0x391: {  	[tilespmem:s20+$0x1780] =	vst v45  }
0x392: {  	v45 =	vld.idx.msk [tilespmem:v53+s2+$0x0], $0xffff  }
0x393: {  	v54 =	vadd.s32 s28, v37;
	_ =	sdelay $0x3  }
0x394: {  	[tilespmem:s20+$0x1790] =	vst v45  }
0x395: {  	v45 =	vld.idx.msk [tilespmem:v54+s2+$0x0], $0xffff  }
0x396: {  	v55 =	vadd.s32 s28, v38;
	_ =	sdelay $0x3  }
0x397: {  	[tilespmem:s20+$0x17A0] =	vst v45  }
0x398: {  	v45 =	vld.idx.msk [tilespmem:v55+s2+$0x0], $0xffff  }
0x399: {  	v56 =	vadd.s32 s28, v39;
	_ =	sdelay $0x3  }
0x39a: {  	[tilespmem:s20+$0x1B30] =	vst v45  }
0x39b: {  	v45 =	vld.idx.msk [tilespmem:v56+s2+$0x0], $0xffff  }
0x39c: {  	v57 =	vadd.s32 s28, v40;
	_ =	sdelay $0x3  }
0x39d: {  	[tilespmem:s20+$0x1B40] =	vst v45  }
0x39e: {  	v45 =	vld.idx.msk [tilespmem:v57+s2+$0x0], $0xffff  }
0x39f: {  	v58 =	vadd.s32 s28, v41;
	_ =	sdelay $0x3  }
0x3a0: {  	[tilespmem:s20+$0x1B50] =	vst v45  }
0x3a1: {  	v45 =	vld.idx.msk [tilespmem:v58+s2+$0x0], $0xffff  }
0x3a2: {  	v59 =	vadd.s32 s28, v33;
	_ =	sdelay $0x3  }
0x3a3: {  	[tilespmem:s20+$0x1B60] =	vst v45  }
0x3a4: {  	v45 =	vld.idx.msk [tilespmem:v59+s2+$0x0], $0xffff  }
0x3a5: {  	v60 =	vadd.s32 s28, v36;
	_ =	sdelay $0x3  }
0x3a6: {  	[tilespmem:s20+$0x1B70] =	vst v45  }
0x3a7: {  	v45 =	vld.idx.msk [tilespmem:v60+s2+$0x0], $0xffff  }
0x3a8: {  	v61 =	vadd.s32 s28, v42;
	_ =	sdelay $0x1  }
0x3a9: {  	s1 =	smulhi.u32 $0x5397829D, s15;
	_ =	sdelay $0x1  }
0x3aa: {  	s0 =	sshrl.u32 s1, $0x4;
	[tilespmem:s20+$0x1B80] =	vst v45  }
0x3ab: {  	s0 =	smul.u32 $0x31, s0;
	v45 =	vld.idx.msk [tilespmem:v61+s2+$0x0], $0xffff;
	_ =	sdelay $0x1  }
0x3ac: {  	s0 =	ssub.s32 s15, s0  }
0x3ad: {  	s19 =	sshll.u32 s0, $0x10  }
0x3ae: {  	s1 =	sshra.s32 s19, $0x10;
	[tilespmem:s20+$0x1334] =	vst v43  }
0x3af: {  	s16 =	simm.s32 $0x0;
	s17 =	simm.s32 $0x5B30;
	s1 =	smul.u32 $0x4925, s1;
	[tilespmem:s20+$0x1B90] =	vst v45  }
0x3b0: {  	[hbm4b:s9+s16] =	stream.linear.scatter [tilespmem:s17], [sflag:$0x2], $0x4800, $0x38;
	[tilespmem:$0x12730] =	vst v63  }
0x3b1: {  	s16 =	sadd.s32 $0x0, s15  }
0x3b2: {  	s25 =	sshrl.u32 s1, $0x1F;
	s1 =	sshra.s32 s1, $0x11;
	s20 =	sand.u32 $0xFFFF, s16  }
0x3b3: {  	s1 =	sadd.s32 s25, s1;
	s17 =	smul.u32 $0x4E5F, s20  }
0x3b4: {  	s19 =	smul.u32 $0xFFFFFFF9, s1  }
0x3b5: {  	s26 =	ssub.s32 $0x0, s0;
	s17 =	sshrl.u32 s17, $0x10  }
0x3b6: {  	s19 =	sand.u32 $0xFFFF, s19;
	s20 =	sand.u32 $0xFFFF, s26;
	s16 =	ssub.s32 s16, s17  }
0x3b7: {  	p5 =	slt.s32 s0, $0x1;
	p6 =	sne.s32 s19, s20;
	s16 =	sand.u32 $0xFFFE, s16  }
0x3b8: {  	p0 =	por !p5, !p6;
	s16 =	sshrl.u32 s16, $0x1  }
0x3b9: {  	p0 =	por !p0, !p0;
	s16 =	sadd.s32 s17, s16;
	s17 =	simm.s32 $0x1  }
0x3ba: {  	s16 =	sshrl.u32 s16, $0x5;
	s17 =	simm.s32 @!p0 $0x0  }
0x3bb: {  	s1 =	ssub.s32 s1, s17;
	s16 =	smul.u32 $0xA9, s16  }
0x3bc: {  	s1 =	smul.u32 $0x6, s1  }
0x3bd: {  	s0 =	sadd.s32 s16, s0  }
0x3be: {  	s19 =	simm.s32 $0xC;
	s28 =	sadd.s32 s1, s0  }
0x3bf: {  	s20 =	smul.u32 $0x3000, s19;
	v62 =	vadd.s32 s28, v21  }
0x3c0: {  	s26 =	simm.s32 $0x3000  }
0x3c1: {  	s25 =	sand.u32 $0x380, s26;
	s0 =	sshra.s32 s20, $0x2  }
0x3c2: {  	s25 =	sor.u32 s25, s0  }
0x3c3: {  	[tilespmem:s25+$0x1330] =	vst v44  }
0x3c4: {  	v45 =	vld.idx.msk [tilespmem:v62+s2+$0x0], $0xffff  }
0x3c5: {  	v63 =	vadd.s32 s28, v22;
	_ =	sdelay $0x3  }
0x3c6: {  	[tilespmem:s25+$0x1340] =	vst v45  }
0x3c7: {  	v45 =	vld.idx.msk [tilespmem:v63+s2+$0x0], $0xffff  }
0x3c8: {  	v48 =	vadd.s32 s28, v23;
	_ =	sdelay $0x3  }
0x3c9: {  	[tilespmem:s25+$0x1350] =	vst v45  }
0x3ca: {  	v45 =	vld.idx.msk [tilespmem:v48+s2+$0x0], $0xffff  }
0x3cb: {  	v49 =	vadd.s32 s28, v24;
	_ =	sdelay $0x3  }
0x3cc: {  	[tilespmem:s25+$0x1360] =	vst v45  }
0x3cd: {  	v45 =	vld.idx.msk [tilespmem:v49+s2+$0x0], $0xffff  }
0x3ce: {  	v50 =	vadd.s32 s28, v25;
	_ =	sdelay $0x3  }
0x3cf: {  	[tilespmem:s25+$0x1370] =	vst v45  }
0x3d0: {  	v45 =	vld.idx.msk [tilespmem:v50+s2+$0x0], $0xffff  }
0x3d1: {  	v51 =	vadd.s32 s28, v26;
	_ =	sdelay $0x3  }
0x3d2: {  	[tilespmem:s25+$0x1380] =	vst v45  }
0x3d3: {  	v45 =	vld.idx.msk [tilespmem:v51+s2+$0x0], $0xffff  }
0x3d4: {  	v52 =	vadd.s32 s28, v27;
	_ =	sdelay $0x3  }
0x3d5: {  	[tilespmem:s25+$0x1390] =	vst v45  }
0x3d6: {  	v45 =	vld.idx.msk [tilespmem:v52+s2+$0x0], $0xffff  }
0x3d7: {  	v53 =	vadd.s32 s28, v28;
	_ =	sdelay $0x3  }
0x3d8: {  	[tilespmem:s25+$0x13A0] =	vst v45  }
0x3d9: {  	v45 =	vld.idx.msk [tilespmem:v53+s2+$0x0], $0xffff  }
0x3da: {  	v54 =	vadd.s32 s28, v29;
	_ =	sdelay $0x3  }
0x3db: {  	[tilespmem:s25+$0x1730] =	vst v45  }
0x3dc: {  	v45 =	vld.idx.msk [tilespmem:v54+s2+$0x0], $0xffff  }
0x3dd: {  	v55 =	vadd.s32 s28, v30;
	_ =	sdelay $0x3  }
0x3de: {  	[tilespmem:s25+$0x1740] =	vst v45  }
0x3df: {  	v45 =	vld.idx.msk [tilespmem:v55+s2+$0x0], $0xffff  }
0x3e0: {  	v56 =	vadd.s32 s28, v31;
	_ =	sdelay $0x3  }
0x3e1: {  	[tilespmem:s25+$0x1750] =	vst v45  }
0x3e2: {  	v45 =	vld.idx.msk [tilespmem:v56+s2+$0x0], $0xffff  }
0x3e3: {  	v57 =	vadd.s32 s28, v32;
	_ =	sdelay $0x3  }
0x3e4: {  	[tilespmem:s25+$0x1760] =	vst v45  }
0x3e5: {  	v45 =	vld.idx.msk [tilespmem:v57+s2+$0x0], $0xffff  }
0x3e6: {  	v58 =	vadd.s32 s28, v34;
	_ =	sdelay $0x3  }
0x3e7: {  	[tilespmem:s25+$0x1770] =	vst v45  }
0x3e8: {  	v45 =	vld.idx.msk [tilespmem:v58+s2+$0x0], $0xffff  }
0x3e9: {  	v59 =	vadd.s32 s28, v35;
	_ =	sdelay $0x3  }
0x3ea: {  	[tilespmem:s25+$0x1780] =	vst v45  }
0x3eb: {  	v45 =	vld.idx.msk [tilespmem:v59+s2+$0x0], $0xffff  }
0x3ec: {  	v60 =	vadd.s32 s28, v37;
	_ =	sdelay $0x3  }
0x3ed: {  	[tilespmem:s25+$0x1790] =	vst v45  }
0x3ee: {  	v45 =	vld.idx.msk [tilespmem:v60+s2+$0x0], $0xffff  }
0x3ef: {  	v61 =	vadd.s32 s28, v38;
	_ =	sdelay $0x3  }
0x3f0: {  	[tilespmem:s25+$0x17A0] =	vst v45  }
0x3f1: {  	v45 =	vld.idx.msk [tilespmem:v61+s2+$0x0], $0xffff  }
0x3f2: {  	v62 =	vadd.s32 s28, v39;
	_ =	sdelay $0x3  }
0x3f3: {  	[tilespmem:s25+$0x1B30] =	vst v45  }
0x3f4: {  	v45 =	vld.idx.msk [tilespmem:v62+s2+$0x0], $0xffff  }
0x3f5: {  	v63 =	vadd.s32 s28, v40;
	_ =	sdelay $0x3  }
0x3f6: {  	[tilespmem:s25+$0x1B40] =	vst v45  }
0x3f7: {  	s31 =	simm.s32 $0x2;
	s30 =	smov.u32 s15;
	s29 =	simm.s32 $0x1;
	v45 =	vld.idx.msk [tilespmem:v63+s2+$0x0], $0xffff  }
.LBB2_9:
0x3f8: {  	p0 =	sne.s32 s31, $0x2F;
	v46 =	vadd.s32 s28, v41;
	_ =	sdelay $0x3  }
0x3f9: {  	s30 =	sadd.s32 $0x1, s30;
	[tilespmem:s25+$0x1B50] =	vst v45  }
0x3fa: {  	s0 =	smulhi.u32 $0x5397829D, s30;
	v45 =	vld.idx.msk [tilespmem:v46+s2+$0x0], $0xffff;
	_ =	sdelay $0x1  }
0x3fb: {  	s0 =	sshrl.u32 s0, $0x4;
	v46 =	vadd.s32 s28, v33  }
0x3fc: {  	s0 =	smul.u32 $0x31, s0;
	_ =	sdelay $0x1  }
0x3fd: {  	s0 =	ssub.s32 s30, s0  }
0x3fe: {  	s1 =	sshll.u32 s0, $0x10;
	[tilespmem:s25+$0x1B60] =	vst v45  }
0x3ff: {  	s1 =	sshra.s32 s1, $0x10;
	v45 =	vld.idx.msk [tilespmem:v46+s2+$0x0], $0xffff  }
0x400: {  	s16 =	sadd.s32 s29, s15;
	s1 =	smul.u32 $0x4925, s1  }
0x401: {  	s17 =	sand.u32 $0xFFFF, s16;
	v46 =	vadd.s32 s28, v36  }
0x402: {  	s17 =	smul.u32 $0x4E5F, s17;
	s19 =	sshrl.u32 s1, $0x1F;
	s1 =	sshra.s32 s1, $0x11  }
0x403: {  	s1 =	sadd.s32 s19, s1  }
0x404: {  	s17 =	sshrl.u32 s17, $0x10;
	s19 =	smul.u32 $0xFFFFFFF9, s1  }
0x405: {  	s16 =	ssub.s32 s16, s17;
	s20 =	ssub.s32 $0x0, s0;
	[tilespmem:s25+$0x1B70] =	vst v45  }
0x406: {  	s16 =	sand.u32 $0xFFFE, s16;
	s20 =	sand.u32 $0xFFFF, s20;
	s19 =	sand.u32 $0xFFFF, s19;
	v45 =	vld.idx.msk [tilespmem:v46+s2+$0x0], $0xffff  }
0x407: {  	p1 =	slt.s32 s0, $0x1;
	s16 =	sshrl.u32 s16, $0x1;
	p2 =	sne.s32 s19, s20  }
0x408: {  	s16 =	sadd.s32 s17, s16;
	s19 =	sadd.s32 $0x60, s29;
	p1 =	por !p1, !p2;
	v46 =	vadd.s32 s28, v42  }
0x409: {  	s17 =	simm.s32 $0x1;
	s19 =	sshrl.u32 s19, $0x3;
	p1 =	por !p1, !p1  }
0x40a: {  	s16 =	sshrl.u32 s16, $0x5;
	s19 =	smul.u32 $0x3000, s19;
	s17 =	simm.s32 @!p1 $0x0  }
0x40b: {  	s26 =	sadd.s32 $0x80, s26;
	s16 =	smul.u32 $0xA9, s16;
	s1 =	ssub.s32 s1, s17  }
0x40c: {  	s17 =	sand.u32 $0x380, s26;
	s19 =	sshra.s32 s19, $0x2;
	s1 =	smul.u32 $0x6, s1;
	[tilespmem:s25+$0x1B80] =	vst v45  }
0x40d: {  	s0 =	sadd.s32 s16, s0;
	s29 =	smov.u32 s31;
	s16 =	sor.u32 s17, s19;
	v45 =	vld.idx.msk [tilespmem:v46+s2+$0x0], $0xffff;
	[tilespmem:s25+$0x1334] =	vst v43  }
0x40e: {  	s28 =	sadd.s32 s1, s0;
	[tilespmem:s16+$0x1330] =	vst v44  }
0x40f: {  	v46 =	vadd.s32 s28, v21;
	_ =	sdelay $0x3  }
0x410: {  	[tilespmem:s25+$0x1B90] =	vst v45;
	s25 =	smov.u32 s16  }
0x411: {  	v45 =	vld.idx.msk [tilespmem:v46+s2+$0x0], $0xffff;
	_ =	sdelay $0x1  }
0x412: {  	v46 =	vadd.s32 s28, v22;
	_ =	sdelay $0x3  }
0x413: {  	[tilespmem:s25+$0x1340] =	vst v45  }
0x414: {  	v45 =	vld.idx.msk [tilespmem:v46+s2+$0x0], $0xffff;
	_ =	sdelay $0x1  }
0x415: {  	v46 =	vadd.s32 s28, v23;
	_ =	sdelay $0x3  }
0x416: {  	[tilespmem:s25+$0x1350] =	vst v45  }
0x417: {  	v45 =	vld.idx.msk [tilespmem:v46+s2+$0x0], $0xffff;
	_ =	sdelay $0x1  }
0x418: {  	v46 =	vadd.s32 s28, v24;
	_ =	sdelay $0x3  }
0x419: {  	[tilespmem:s25+$0x1360] =	vst v45  }
0x41a: {  	v45 =	vld.idx.msk [tilespmem:v46+s2+$0x0], $0xffff;
	_ =	sdelay $0x1  }
0x41b: {  	v46 =	vadd.s32 s28, v25;
	_ =	sdelay $0x3  }
0x41c: {  	[tilespmem:s25+$0x1370] =	vst v45  }
0x41d: {  	v45 =	vld.idx.msk [tilespmem:v46+s2+$0x0], $0xffff;
	_ =	sdelay $0x1  }
0x41e: {  	v46 =	vadd.s32 s28, v26;
	_ =	sdelay $0x3  }
0x41f: {  	[tilespmem:s25+$0x1380] =	vst v45  }
0x420: {  	v45 =	vld.idx.msk [tilespmem:v46+s2+$0x0], $0xffff;
	_ =	sdelay $0x1  }
0x421: {  	v46 =	vadd.s32 s28, v27;
	_ =	sdelay $0x3  }
0x422: {  	[tilespmem:s25+$0x1390] =	vst v45  }
0x423: {  	v45 =	vld.idx.msk [tilespmem:v46+s2+$0x0], $0xffff;
	_ =	sdelay $0x1  }
0x424: {  	v46 =	vadd.s32 s28, v28;
	_ =	sdelay $0x3  }
0x425: {  	[tilespmem:s25+$0x13A0] =	vst v45  }
0x426: {  	v45 =	vld.idx.msk [tilespmem:v46+s2+$0x0], $0xffff;
	_ =	sdelay $0x1  }
0x427: {  	v46 =	vadd.s32 s28, v29;
	_ =	sdelay $0x3  }
0x428: {  	[tilespmem:s25+$0x1730] =	vst v45  }
0x429: {  	v45 =	vld.idx.msk [tilespmem:v46+s2+$0x0], $0xffff;
	_ =	sdelay $0x1  }
0x42a: {  	v46 =	vadd.s32 s28, v30;
	_ =	sdelay $0x3  }
0x42b: {  	[tilespmem:s25+$0x1740] =	vst v45  }
0x42c: {  	v45 =	vld.idx.msk [tilespmem:v46+s2+$0x0], $0xffff;
	_ =	sdelay $0x1  }
0x42d: {  	v46 =	vadd.s32 s28, v31;
	_ =	sdelay $0x3  }
0x42e: {  	[tilespmem:s25+$0x1750] =	vst v45  }
0x42f: {  	v45 =	vld.idx.msk [tilespmem:v46+s2+$0x0], $0xffff;
	_ =	sdelay $0x1  }
0x430: {  	v46 =	vadd.s32 s28, v32;
	_ =	sdelay $0x3  }
0x431: {  	[tilespmem:s25+$0x1760] =	vst v45  }
0x432: {  	v45 =	vld.idx.msk [tilespmem:v46+s2+$0x0], $0xffff;
	_ =	sdelay $0x1  }
0x433: {  	v46 =	vadd.s32 s28, v34;
	_ =	sdelay $0x3  }
0x434: {  	[tilespmem:s25+$0x1770] =	vst v45  }
0x435: {  	v45 =	vld.idx.msk [tilespmem:v46+s2+$0x0], $0xffff;
	_ =	sdelay $0x1  }
0x436: {  	v46 =	vadd.s32 s28, v35;
	_ =	sdelay $0x3  }
0x437: {  	[tilespmem:s25+$0x1780] =	vst v45  }
0x438: {  	v45 =	vld.idx.msk [tilespmem:v46+s2+$0x0], $0xffff;
	_ =	sdelay $0x1  }
0x439: {  	v46 =	vadd.s32 s28, v37;
	_ =	sdelay $0x3  }
0x43a: {  	[tilespmem:s25+$0x1790] =	vst v45  }
0x43b: {  	v45 =	vld.idx.msk [tilespmem:v46+s2+$0x0], $0xffff;
	_ =	sdelay $0x1  }
0x43c: {  	v46 =	vadd.s32 s28, v38;
	_ =	sdelay $0x3  }
0x43d: {  	[tilespmem:s25+$0x17A0] =	vst v45  }
0x43e: {  	v45 =	vld.idx.msk [tilespmem:v46+s2+$0x0], $0xffff;
	_ =	sdelay $0x1  }
0x43f: {  	v46 =	vadd.s32 s28, v39;
	_ =	sdelay $0x3  }
0x440: {  	[tilespmem:s25+$0x1B30] =	vst v45  }
0x441: {  	v45 =	vld.idx.msk [tilespmem:v46+s2+$0x0], $0xffff;
	_ =	sdelay $0x1  }
0x442: {  	v46 =	vadd.s32 s28, v40;
	_ =	sdelay $0x1  }
.Ltmp5:
0x443: {  	(pc) =	sbr.rel @p0 .LBB2_9-.Ltmp5, $4  }
0x444: {  	_ = 	snop  }
0x445: {  	[tilespmem:s25+$0x1B40] =	vst v45  }
0x446: {  	v45 =	vld.idx.msk [tilespmem:v46+s2+$0x0], $0xffff  }
0x447: {  	s31 =	sadd.s32 $0x1, s31  }
0x448: {  	v46 =	vadd.s32 s28, v41;
	s0 =	sadd.s32 $0x1, s30  }
0x449: {  	s1 =	smulhi.u32 $0x5397829D, s0;
	_ =	sdelay $0x1  }
0x44a: {  	s1 =	sshrl.u32 s1, $0x4  }
0x44b: {  	[tilespmem:s25+$0x1B50] =	vst v45;
	s1 =	smul.u32 $0x31, s1  }
0x44c: {  	v45 =	vld.idx.msk [tilespmem:v46+s2+$0x0], $0xffff  }
0x44d: {  	v55 =	vadd.s32 s28, v33;
	s0 =	ssub.s32 s0, s1  }
0x44e: {  	s1 =	sshll.u32 s0, $0x10  }
0x44f: {  	s1 =	sshra.s32 s1, $0x10  }
0x450: {  	s1 =	smul.u32 $0x4925, s1  }
0x451: {  	s16 =	sadd.s32 s29, s15;
	[tilespmem:s25+$0x1B60] =	vst v45  }
0x452: {  	s17 =	sand.u32 $0xFFFF, s16;
	v45 =	vld.idx.msk [tilespmem:v55+s2+$0x0], $0xffff;
	s19 =	sshrl.u32 s1, $0x1F;
	s1 =	sshra.s32 s1, $0x11  }
0x453: {  	v56 =	vadd.s32 s28, v36;
	s17 =	smul.u32 $0x4E5F, s17;
	s1 =	sadd.s32 s19, s1  }
0x454: {  	s19 =	smul.u32 $0xFFFFFFF9, s1  }
0x455: {  	s17 =	sshrl.u32 s17, $0x10;
	s20 =	ssub.s32 $0x0, s0  }
0x456: {  	s16 =	ssub.s32 s16, s17;
	s20 =	sand.u32 $0xFFFF, s20;
	s19 =	sand.u32 $0xFFFF, s19  }
0x457: {  	s16 =	sand.u32 $0xFFFE, s16;
	p0 =	slt.s32 s0, $0x1;
	[tilespmem:s25+$0x1B70] =	vst v45;
	p1 =	sne.s32 s19, s20  }
0x458: {  	s16 =	sshrl.u32 s16, $0x1;
	v45 =	vld.idx.msk [tilespmem:v56+s2+$0x0], $0xffff;
	p0 =	por !p0, !p1  }
0x459: {  	v57 =	vadd.s32 s28, v42;
	s16 =	sadd.s32 s17, s16;
	s17 =	simm.s32 $0x1;
	p0 =	por !p0, !p0  }
0x45a: {  	s16 =	sshrl.u32 s16, $0x5;
	s17 =	simm.s32 @!p0 $0x0  }
0x45b: {  	s16 =	smul.u32 $0xA9, s16;
	s1 =	ssub.s32 s1, s17  }
0x45c: {  	s31 =	sadd.s32 $0x60, s29;
	s1 =	smul.u32 $0x6, s1  }
0x45d: {  	s0 =	sadd.s32 s16, s0;
	s17 =	sshrl.u32 s31, $0x3;
	[tilespmem:s25+$0x1B80] =	vst v45  }
0x45e: {  	s19 =	smul.u32 $0x3000, s17;
	v45 =	vld.idx.msk [tilespmem:v57+s2+$0x0], $0xffff;
	s28 =	sadd.s32 s1, s0  }
0x45f: {  	s20 =	sadd.s32 $0x80, s26;
	v58 =	vadd.s32 s28, v21  }
0x460: {  	s0 =	sand.u32 $0x380, s20;
	s26 =	sshra.s32 s19, $0x2  }
0x461: {  	[tilespmem:s25+$0x1334] =	vst v43;
	s31 =	sor.u32 s0, s26  }
0x462: {  	[tilespmem:s31+$0x1330] =	vst v44  }
0x463: {  	[tilespmem:s25+$0x1B90] =	vst v45  }
0x464: {  	v45 =	vld.idx.msk [tilespmem:v58+s2+$0x0], $0xffff  }
0x465: {  	v59 =	vadd.s32 s28, v22;
	_ =	sdelay $0x3  }
0x466: {  	[tilespmem:s31+$0x1340] =	vst v45  }
0x467: {  	v45 =	vld.idx.msk [tilespmem:v59+s2+$0x0], $0xffff  }
0x468: {  	v60 =	vadd.s32 s28, v23;
	_ =	sdelay $0x3  }
0x469: {  	[tilespmem:s31+$0x1350] =	vst v45  }
0x46a: {  	v45 =	vld.idx.msk [tilespmem:v60+s2+$0x0], $0xffff  }
0x46b: {  	v61 =	vadd.s32 s28, v24;
	_ =	sdelay $0x3  }
0x46c: {  	[tilespmem:s31+$0x1360] =	vst v45  }
0x46d: {  	v45 =	vld.idx.msk [tilespmem:v61+s2+$0x0], $0xffff  }
0x46e: {  	v62 =	vadd.s32 s28, v25;
	_ =	sdelay $0x3  }
0x46f: {  	[tilespmem:s31+$0x1370] =	vst v45  }
0x470: {  	v45 =	vld.idx.msk [tilespmem:v62+s2+$0x0], $0xffff  }
0x471: {  	v63 =	vadd.s32 s28, v26;
	_ =	sdelay $0x3  }
0x472: {  	[tilespmem:s31+$0x1380] =	vst v45  }
0x473: {  	v45 =	vld.idx.msk [tilespmem:v63+s2+$0x0], $0xffff  }
0x474: {  	v48 =	vadd.s32 s28, v27;
	_ =	sdelay $0x3  }
0x475: {  	[tilespmem:s31+$0x1390] =	vst v45  }
0x476: {  	v45 =	vld.idx.msk [tilespmem:v48+s2+$0x0], $0xffff  }
0x477: {  	v49 =	vadd.s32 s28, v28;
	_ =	sdelay $0x3  }
0x478: {  	[tilespmem:s31+$0x13A0] =	vst v45  }
0x479: {  	v45 =	vld.idx.msk [tilespmem:v49+s2+$0x0], $0xffff  }
0x47a: {  	v50 =	vadd.s32 s28, v29;
	_ =	sdelay $0x3  }
0x47b: {  	[tilespmem:s31+$0x1730] =	vst v45  }
0x47c: {  	v45 =	vld.idx.msk [tilespmem:v50+s2+$0x0], $0xffff  }
0x47d: {  	v51 =	vadd.s32 s28, v30;
	_ =	sdelay $0x3  }
0x47e: {  	[tilespmem:s31+$0x1740] =	vst v45  }
0x47f: {  	v45 =	vld.idx.msk [tilespmem:v51+s2+$0x0], $0xffff  }
0x480: {  	v52 =	vadd.s32 s28, v31;
	_ =	sdelay $0x3  }
0x481: {  	[tilespmem:s31+$0x1750] =	vst v45  }
0x482: {  	v45 =	vld.idx.msk [tilespmem:v52+s2+$0x0], $0xffff  }
0x483: {  	v53 =	vadd.s32 s28, v32;
	_ =	sdelay $0x3  }
0x484: {  	[tilespmem:s31+$0x1760] =	vst v45  }
0x485: {  	v45 =	vld.idx.msk [tilespmem:v53+s2+$0x0], $0xffff  }
0x486: {  	v54 =	vadd.s32 s28, v34;
	_ =	sdelay $0x3  }
0x487: {  	[tilespmem:s31+$0x1770] =	vst v45  }
0x488: {  	v45 =	vld.idx.msk [tilespmem:v54+s2+$0x0], $0xffff  }
0x489: {  	v55 =	vadd.s32 s28, v35;
	_ =	sdelay $0x3  }
0x48a: {  	[tilespmem:s31+$0x1780] =	vst v45  }
0x48b: {  	v45 =	vld.idx.msk [tilespmem:v55+s2+$0x0], $0xffff  }
0x48c: {  	v56 =	vadd.s32 s28, v37;
	_ =	sdelay $0x3  }
0x48d: {  	[tilespmem:s31+$0x1790] =	vst v45  }
0x48e: {  	v45 =	vld.idx.msk [tilespmem:v56+s2+$0x0], $0xffff  }
0x48f: {  	v57 =	vadd.s32 s28, v38;
	_ =	sdelay $0x3  }
0x490: {  	[tilespmem:s31+$0x17A0] =	vst v45  }
0x491: {  	v45 =	vld.idx.msk [tilespmem:v57+s2+$0x0], $0xffff  }
0x492: {  	v58 =	vadd.s32 s28, v39;
	_ =	sdelay $0x3  }
0x493: {  	[tilespmem:s31+$0x1B30] =	vst v45  }
0x494: {  	v45 =	vld.idx.msk [tilespmem:v58+s2+$0x0], $0xffff  }
0x495: {  	v59 =	vadd.s32 s28, v40;
	_ =	sdelay $0x3  }
0x496: {  	[tilespmem:s31+$0x1B40] =	vst v45  }
0x497: {  	v45 =	vld.idx.msk [tilespmem:v59+s2+$0x0], $0xffff  }
0x498: {  	v60 =	vadd.s32 s28, v41;
	_ =	sdelay $0x3  }
0x499: {  	[tilespmem:s31+$0x1B50] =	vst v45  }
0x49a: {  	v45 =	vld.idx.msk [tilespmem:v60+s2+$0x0], $0xffff  }
0x49b: {  	s17 =	sadd.s32 $0x90, s4;
	v61 =	vadd.s32 s28, v33  }
0x49c: {  	s0 =	smin.u32 s17, $0x16A  }
0x49d: {  	s0 =	sadd.s32 $0xFFFFFFEC, s0  }
0x49e: {  	s19 =	sand.u32 $0xFFFF, s0  }
0x49f: {  	s1 =	smul.u32 $0x4E5F, s19;
	[tilespmem:s31+$0x1B60] =	vst v45  }
0x4a0: {  	v45 =	vld.idx.msk [tilespmem:v61+s2+$0x0], $0xffff  }
0x4a1: {  	s1 =	sshrl.u32 s1, $0x10;
	v62 =	vadd.s32 s28, v36  }
0x4a2: {  	s20 =	ssub.s32 s0, s1  }
0x4a3: {  	s16 =	sand.u32 $0xFFFE, s20  }
0x4a4: {  	s16 =	sshrl.u32 s16, $0x1  }
0x4a5: {  	s1 =	sadd.s32 s1, s16;
	[tilespmem:s31+$0x1B70] =	vst v45  }
0x4a6: {  	s1 =	sshrl.u32 s1, $0x5;
	v45 =	vld.idx.msk [tilespmem:v62+s2+$0x0], $0xffff  }
0x4a7: {  	s25 =	smul.u32 $0xFFFFFFCF, s1;
	v63 =	vadd.s32 s28, v42;
	_ =	sdelay $0x1  }
0x4a8: {  	s0 =	sadd.s32 s0, s25  }
0x4a9: {  	s16 =	sshll.u32 s0, $0x10  }
0x4aa: {  	s16 =	sshra.s32 s16, $0x10;
	[tilespmem:s31+$0x1B80] =	vst v45  }
0x4ab: {  	s16 =	smul.u32 $0x4925, s16;
	v45 =	vld.idx.msk [tilespmem:v63+s2+$0x0], $0xffff;
	_ =	sdelay $0x1  }
0x4ac: {  	s26 =	sshrl.u32 s16, $0x1F;
	s16 =	sshra.s32 s16, $0x11  }
0x4ad: {  	s16 =	sadd.s32 s26, s16  }
0x4ae: {  	s17 =	smul.u32 $0xFFFFFFF9, s16;
	[tilespmem:s31+$0x1334] =	vst v43  }
0x4af: {  	[tilespmem:s31+$0x1B90] =	vst v45;
	s31 =	ssub.s32 $0x0, s0  }
0x4b0: {  	s17 =	sand.u32 $0xFFFF, s17;
	s19 =	sand.u32 $0xFFFF, s31  }
0x4b1: {  	p5 =	slt.s32 s0, $0x1;
	p6 =	sne.s32 s17, s19  }
0x4b2: {  	p0 =	por !p5, !p6  }
0x4b3: {  	s17 =	simm.s32 $0x1;
	p0 =	por !p0, !p0  }
0x4b4: {  	s17 =	simm.s32 @!p0 $0x0  }
0x4b5: {  	s1 =	smul.u32 $0xA9, s1;
	s16 =	ssub.s32 s16, s17  }
0x4b6: {  	s16 =	smul.u32 $0x6, s16  }
0x4b7: {  	s20 =	simm.s32 $0x12;
	s0 =	sadd.s32 s1, s0  }
0x4b8: {  	s25 =	smul.u32 $0x3000, s20;
	s26 =	sadd.s32 s16, s0  }
0x4b9: {  	[hbm4b:s10+s2] =	stream.linear.scatter [tilespmem:s21], [sflag:$0x2], $0x4800, $0x38;
	v48 =	vadd.s32 s26, v21;
	[tilespmem:$0x12730] =	vst v63  }
0x4ba: {  	s31 =	simm.s32 $0x4800  }
0x4bb: {  	s1 =	sand.u32 $0x380, s31;
	s0 =	sshra.s32 s25, $0x2  }
0x4bc: {  	s25 =	sor.u32 s1, s0  }
0x4bd: {  	[tilespmem:s25+$0x1330] =	vst v44  }
0x4be: {  	v45 =	vld.idx.msk [tilespmem:v48+s2+$0x0], $0xffff  }
0x4bf: {  	v49 =	vadd.s32 s26, v22;
	_ =	sdelay $0x3  }
0x4c0: {  	[tilespmem:s25+$0x1340] =	vst v45  }
0x4c1: {  	v45 =	vld.idx.msk [tilespmem:v49+s2+$0x0], $0xffff  }
0x4c2: {  	v50 =	vadd.s32 s26, v23;
	_ =	sdelay $0x3  }
0x4c3: {  	[tilespmem:s25+$0x1350] =	vst v45  }
0x4c4: {  	v45 =	vld.idx.msk [tilespmem:v50+s2+$0x0], $0xffff  }
0x4c5: {  	v51 =	vadd.s32 s26, v24;
	_ =	sdelay $0x3  }
0x4c6: {  	[tilespmem:s25+$0x1360] =	vst v45  }
0x4c7: {  	v45 =	vld.idx.msk [tilespmem:v51+s2+$0x0], $0xffff  }
0x4c8: {  	v52 =	vadd.s32 s26, v25;
	_ =	sdelay $0x3  }
0x4c9: {  	[tilespmem:s25+$0x1370] =	vst v45  }
0x4ca: {  	v45 =	vld.idx.msk [tilespmem:v52+s2+$0x0], $0xffff  }
0x4cb: {  	v53 =	vadd.s32 s26, v26;
	_ =	sdelay $0x3  }
0x4cc: {  	[tilespmem:s25+$0x1380] =	vst v45  }
0x4cd: {  	v45 =	vld.idx.msk [tilespmem:v53+s2+$0x0], $0xffff  }
0x4ce: {  	v54 =	vadd.s32 s26, v27;
	_ =	sdelay $0x3  }
0x4cf: {  	[tilespmem:s25+$0x1390] =	vst v45  }
0x4d0: {  	v45 =	vld.idx.msk [tilespmem:v54+s2+$0x0], $0xffff  }
0x4d1: {  	v55 =	vadd.s32 s26, v28;
	_ =	sdelay $0x3  }
0x4d2: {  	[tilespmem:s25+$0x13A0] =	vst v45  }
0x4d3: {  	v45 =	vld.idx.msk [tilespmem:v55+s2+$0x0], $0xffff  }
0x4d4: {  	v56 =	vadd.s32 s26, v29;
	_ =	sdelay $0x3  }
0x4d5: {  	[tilespmem:s25+$0x1730] =	vst v45  }
0x4d6: {  	v45 =	vld.idx.msk [tilespmem:v56+s2+$0x0], $0xffff  }
0x4d7: {  	v57 =	vadd.s32 s26, v30;
	_ =	sdelay $0x3  }
0x4d8: {  	[tilespmem:s25+$0x1740] =	vst v45  }
0x4d9: {  	v45 =	vld.idx.msk [tilespmem:v57+s2+$0x0], $0xffff  }
0x4da: {  	v58 =	vadd.s32 s26, v31;
	_ =	sdelay $0x3  }
0x4db: {  	[tilespmem:s25+$0x1750] =	vst v45  }
0x4dc: {  	v45 =	vld.idx.msk [tilespmem:v58+s2+$0x0], $0xffff  }
0x4dd: {  	v59 =	vadd.s32 s26, v32;
	_ =	sdelay $0x3  }
0x4de: {  	[tilespmem:s25+$0x1760] =	vst v45  }
0x4df: {  	v45 =	vld.idx.msk [tilespmem:v59+s2+$0x0], $0xffff  }
0x4e0: {  	v60 =	vadd.s32 s26, v34;
	_ =	sdelay $0x3  }
0x4e1: {  	[tilespmem:s25+$0x1770] =	vst v45  }
0x4e2: {  	v45 =	vld.idx.msk [tilespmem:v60+s2+$0x0], $0xffff  }
0x4e3: {  	v61 =	vadd.s32 s26, v35;
	_ =	sdelay $0x3  }
0x4e4: {  	[tilespmem:s25+$0x1780] =	vst v45  }
0x4e5: {  	v45 =	vld.idx.msk [tilespmem:v61+s2+$0x0], $0xffff  }
0x4e6: {  	v62 =	vadd.s32 s26, v37;
	_ =	sdelay $0x3  }
0x4e7: {  	[tilespmem:s25+$0x1790] =	vst v45  }
0x4e8: {  	v45 =	vld.idx.msk [tilespmem:v62+s2+$0x0], $0xffff  }
0x4e9: {  	v63 =	vadd.s32 s26, v38;
	_ =	sdelay $0x3  }
0x4ea: {  	[tilespmem:s25+$0x17A0] =	vst v45  }
0x4eb: {  	v46 =	vld.idx.msk [tilespmem:v63+s2+$0x0], $0xffff  }
0x4ec: {  	v45 =	vadd.s32 s26, v39;
	_ =	sdelay $0x3  }
0x4ed: {  	s29 =	simm.s32 $0x90;
	s30 =	simm.s32 $0x4900;
	s28 =	simm.s32 $0x4880;
	[tilespmem:s25+$0x1B30] =	vst v46  }
.LBB2_11:
0x4ee: {  	p0 =	sne.s32 s30, $0x5B80;
	v45 =	vld.idx.msk [tilespmem:v45+s2+$0x0], $0xffff;
	_ =	sdelay $0x1  }
0x4ef: {  	v46 =	vadd.s32 s26, v40;
	_ =	sdelay $0x1  }
0x4f0: {  	s29 =	sadd.s32 $0x1, s29  }
0x4f1: {  	s0 =	sadd.s32 s29, s4  }
0x4f2: {  	s0 =	smin.u32 s0, $0x16A;
	[tilespmem:s25+$0x1B40] =	vst v45  }
0x4f3: {  	s0 =	sadd.s32 $0xFFFFFFEC, s0;
	v45 =	vld.idx.msk [tilespmem:v46+s2+$0x0], $0xffff  }
0x4f4: {  	s1 =	sand.u32 $0xFFFF, s0  }
0x4f5: {  	s1 =	smul.u32 $0x4E5F, s1;
	v46 =	vadd.s32 s26, v41;
	_ =	sdelay $0x1  }
0x4f6: {  	s1 =	sshrl.u32 s1, $0x10  }
0x4f7: {  	s16 =	ssub.s32 s0, s1  }
0x4f8: {  	s16 =	sand.u32 $0xFFFE, s16;
	[tilespmem:s25+$0x1B50] =	vst v45  }
0x4f9: {  	s16 =	sshrl.u32 s16, $0x1;
	v45 =	vld.idx.msk [tilespmem:v46+s2+$0x0], $0xffff  }
0x4fa: {  	s1 =	sadd.s32 s1, s16  }
0x4fb: {  	s1 =	sshrl.u32 s1, $0x5;
	v46 =	vadd.s32 s26, v33  }
0x4fc: {  	s16 =	smul.u32 $0xFFFFFFCF, s1;
	_ =	sdelay $0x1  }
0x4fd: {  	s0 =	sadd.s32 s0, s16  }
0x4fe: {  	s16 =	sshll.u32 s0, $0x10;
	[tilespmem:s25+$0x1B60] =	vst v45  }
0x4ff: {  	s16 =	sshra.s32 s16, $0x10;
	v45 =	vld.idx.msk [tilespmem:v46+s2+$0x0], $0xffff  }
0x500: {  	s16 =	smul.u32 $0x4925, s16  }
0x501: {  	v46 =	vadd.s32 s26, v36  }
0x502: {  	s17 =	sshrl.u32 s16, $0x1F;
	s16 =	sshra.s32 s16, $0x11  }
0x503: {  	s16 =	sadd.s32 s17, s16  }
0x504: {  	s17 =	smul.u32 $0xFFFFFFF9, s16  }
0x505: {  	s19 =	ssub.s32 $0x0, s0;
	[tilespmem:s25+$0x1B70] =	vst v45  }
0x506: {  	s19 =	sand.u32 $0xFFFF, s19;
	s17 =	sand.u32 $0xFFFF, s17;
	v45 =	vld.idx.msk [tilespmem:v46+s2+$0x0], $0xffff  }
0x507: {  	p1 =	slt.s32 s0, $0x1;
	p2 =	sne.s32 s17, s19  }
0x508: {  	p1 =	por !p1, !p2;
	v46 =	vadd.s32 s26, v42  }
0x509: {  	s17 =	sshrl.u32 s29, $0x3;
	s19 =	simm.s32 $0x1;
	p1 =	por !p1, !p1  }
0x50a: {  	s17 =	smul.u32 $0x3000, s17;
	s19 =	simm.s32 @!p1 $0x0  }
0x50b: {  	s1 =	smul.u32 $0xA9, s1;
	s16 =	ssub.s32 s16, s19  }
0x50c: {  	s17 =	sshra.s32 s17, $0x2;
	s19 =	sand.u32 $0x380, s28;
	s16 =	smul.u32 $0x6, s16;
	[tilespmem:s25+$0x1B80] =	vst v45  }
0x50d: {  	s0 =	sadd.s32 s1, s0;
	s28 =	smov.u32 s30;
	s1 =	sor.u32 s19, s17;
	v45 =	vld.idx.msk [tilespmem:v46+s2+$0x0], $0xffff;
	[tilespmem:s25+$0x1334] =	vst v43  }
0x50e: {  	s26 =	sadd.s32 s16, s0;
	[tilespmem:s1+$0x1330] =	vst v44  }
0x50f: {  	v46 =	vadd.s32 s26, v21;
	_ =	sdelay $0x3  }
0x510: {  	[tilespmem:s25+$0x1B90] =	vst v45;
	s25 =	smov.u32 s1  }
0x511: {  	v45 =	vld.idx.msk [tilespmem:v46+s2+$0x0], $0xffff;
	_ =	sdelay $0x1  }
0x512: {  	v46 =	vadd.s32 s26, v22;
	_ =	sdelay $0x3  }
0x513: {  	[tilespmem:s25+$0x1340] =	vst v45  }
0x514: {  	v45 =	vld.idx.msk [tilespmem:v46+s2+$0x0], $0xffff;
	_ =	sdelay $0x1  }
0x515: {  	v46 =	vadd.s32 s26, v23;
	_ =	sdelay $0x3  }
0x516: {  	[tilespmem:s25+$0x1350] =	vst v45  }
0x517: {  	v45 =	vld.idx.msk [tilespmem:v46+s2+$0x0], $0xffff;
	_ =	sdelay $0x1  }
0x518: {  	v46 =	vadd.s32 s26, v24;
	_ =	sdelay $0x3  }
0x519: {  	[tilespmem:s25+$0x1360] =	vst v45  }
0x51a: {  	v45 =	vld.idx.msk [tilespmem:v46+s2+$0x0], $0xffff;
	_ =	sdelay $0x1  }
0x51b: {  	v46 =	vadd.s32 s26, v25;
	_ =	sdelay $0x3  }
0x51c: {  	[tilespmem:s25+$0x1370] =	vst v45  }
0x51d: {  	v45 =	vld.idx.msk [tilespmem:v46+s2+$0x0], $0xffff;
	_ =	sdelay $0x1  }
0x51e: {  	v46 =	vadd.s32 s26, v26;
	_ =	sdelay $0x3  }
0x51f: {  	[tilespmem:s25+$0x1380] =	vst v45  }
0x520: {  	v45 =	vld.idx.msk [tilespmem:v46+s2+$0x0], $0xffff;
	_ =	sdelay $0x1  }
0x521: {  	v46 =	vadd.s32 s26, v27;
	_ =	sdelay $0x3  }
0x522: {  	[tilespmem:s25+$0x1390] =	vst v45  }
0x523: {  	v45 =	vld.idx.msk [tilespmem:v46+s2+$0x0], $0xffff;
	_ =	sdelay $0x1  }
0x524: {  	v46 =	vadd.s32 s26, v28;
	_ =	sdelay $0x3  }
0x525: {  	[tilespmem:s25+$0x13A0] =	vst v45  }
0x526: {  	v45 =	vld.idx.msk [tilespmem:v46+s2+$0x0], $0xffff;
	_ =	sdelay $0x1  }
0x527: {  	v46 =	vadd.s32 s26, v29;
	_ =	sdelay $0x3  }
0x528: {  	[tilespmem:s25+$0x1730] =	vst v45  }
0x529: {  	v45 =	vld.idx.msk [tilespmem:v46+s2+$0x0], $0xffff;
	_ =	sdelay $0x1  }
0x52a: {  	v46 =	vadd.s32 s26, v30;
	_ =	sdelay $0x3  }
0x52b: {  	[tilespmem:s25+$0x1740] =	vst v45  }
0x52c: {  	v45 =	vld.idx.msk [tilespmem:v46+s2+$0x0], $0xffff;
	_ =	sdelay $0x1  }
0x52d: {  	v46 =	vadd.s32 s26, v31;
	_ =	sdelay $0x3  }
0x52e: {  	[tilespmem:s25+$0x1750] =	vst v45  }
0x52f: {  	v45 =	vld.idx.msk [tilespmem:v46+s2+$0x0], $0xffff;
	_ =	sdelay $0x1  }
0x530: {  	v46 =	vadd.s32 s26, v32;
	_ =	sdelay $0x3  }
0x531: {  	[tilespmem:s25+$0x1760] =	vst v45  }
0x532: {  	v45 =	vld.idx.msk [tilespmem:v46+s2+$0x0], $0xffff;
	_ =	sdelay $0x1  }
0x533: {  	v46 =	vadd.s32 s26, v34;
	_ =	sdelay $0x3  }
0x534: {  	[tilespmem:s25+$0x1770] =	vst v45  }
0x535: {  	v45 =	vld.idx.msk [tilespmem:v46+s2+$0x0], $0xffff;
	_ =	sdelay $0x1  }
0x536: {  	v46 =	vadd.s32 s26, v35;
	_ =	sdelay $0x3  }
0x537: {  	[tilespmem:s25+$0x1780] =	vst v45  }
0x538: {  	v45 =	vld.idx.msk [tilespmem:v46+s2+$0x0], $0xffff;
	_ =	sdelay $0x1  }
0x539: {  	v46 =	vadd.s32 s26, v37;
	_ =	sdelay $0x3  }
0x53a: {  	[tilespmem:s25+$0x1790] =	vst v45  }
0x53b: {  	v45 =	vld.idx.msk [tilespmem:v46+s2+$0x0], $0xffff;
	_ =	sdelay $0x1  }
0x53c: {  	v46 =	vadd.s32 s26, v38;
	_ =	sdelay $0x3  }
0x53d: {  	[tilespmem:s25+$0x17A0] =	vst v45  }
0x53e: {  	v46 =	vld.idx.msk [tilespmem:v46+s2+$0x0], $0xffff;
	_ =	sdelay $0x1  }
.Ltmp6:
0x53f: {  	v45 =	vadd.s32 s26, v39;
	(pc) =	sbr.rel @p0 .LBB2_11-.Ltmp6, $2  }
0x540: {  	_ =	sdelay $0x2  }
0x541: {  	s30 =	sadd.s32 $0x80, s30;
	[tilespmem:s25+$0x1B30] =	vst v46  }
0x542: {  	_ =	sdelay $0x1  }
0x543: {  	s0 =	sadd.s32 $0x1, s29  }
0x544: {  	s1 =	sadd.s32 s0, s4  }
0x545: {  	v45 =	vld.idx.msk [tilespmem:v45+s2+$0x0], $0xffff;
	s1 =	smin.u32 s1, $0x16A  }
0x546: {  	v46 =	vadd.s32 s26, v40;
	s1 =	sadd.s32 $0xFFFFFFEC, s1  }
0x547: {  	s16 =	sand.u32 $0xFFFF, s1  }
0x548: {  	s16 =	smul.u32 $0x4E5F, s16;
	_ =	sdelay $0x1  }
0x549: {  	[tilespmem:s25+$0x1B40] =	vst v45;
	s16 =	sshrl.u32 s16, $0x10  }
0x54a: {  	v45 =	vld.idx.msk [tilespmem:v46+s2+$0x0], $0xffff;
	s17 =	ssub.s32 s1, s16  }
0x54b: {  	v54 =	vadd.s32 s26, v41;
	s17 =	sand.u32 $0xFFFE, s17  }
0x54c: {  	s17 =	sshrl.u32 s17, $0x1  }
0x54d: {  	s16 =	sadd.s32 s16, s17  }
0x54e: {  	s16 =	sshrl.u32 s16, $0x5  }
0x54f: {  	[tilespmem:s25+$0x1B50] =	vst v45;
	s20 =	smul.u32 $0xFFFFFFCF, s16  }
0x550: {  	v45 =	vld.idx.msk [tilespmem:v54+s2+$0x0], $0xffff  }
0x551: {  	v55 =	vadd.s32 s26, v33;
	s1 =	sadd.s32 s1, s20  }
0x552: {  	s17 =	sshll.u32 s1, $0x10  }
0x553: {  	s17 =	sshra.s32 s17, $0x10  }
0x554: {  	s17 =	smul.u32 $0x4925, s17  }
0x555: {  	[tilespmem:s25+$0x1B60] =	vst v45  }
0x556: {  	v45 =	vld.idx.msk [tilespmem:v55+s2+$0x0], $0xffff;
	s19 =	sshrl.u32 s17, $0x1F;
	s17 =	sshra.s32 s17, $0x11  }
0x557: {  	v56 =	vadd.s32 s26, v36;
	s17 =	sadd.s32 s19, s17  }
0x558: {  	s19 =	smul.u32 $0xFFFFFFF9, s17  }
0x559: {  	s20 =	ssub.s32 $0x0, s1  }
0x55a: {  	s20 =	sand.u32 $0xFFFF, s20;
	s19 =	sand.u32 $0xFFFF, s19  }
0x55b: {  	p0 =	slt.s32 s1, $0x1;
	[tilespmem:s25+$0x1B70] =	vst v45;
	p1 =	sne.s32 s19, s20  }
0x55c: {  	v45 =	vld.idx.msk [tilespmem:v56+s2+$0x0], $0xffff;
	p0 =	por !p0, !p1  }
0x55d: {  	v57 =	vadd.s32 s26, v42;
	s19 =	simm.s32 $0x1;
	p0 =	por !p0, !p0  }
0x55e: {  	s19 =	simm.s32 @!p0 $0x0  }
0x55f: {  	s16 =	smul.u32 $0xA9, s16;
	s17 =	ssub.s32 s17, s19  }
0x560: {  	s17 =	smul.u32 $0x6, s17  }
0x561: {  	s0 =	sshrl.u32 s0, $0x3;
	s1 =	sadd.s32 s16, s1;
	[tilespmem:s25+$0x1B80] =	vst v45  }
0x562: {  	s0 =	smul.u32 $0x3000, s0;
	v45 =	vld.idx.msk [tilespmem:v57+s2+$0x0], $0xffff;
	s26 =	sadd.s32 s17, s1  }
0x563: {  	v58 =	vadd.s32 s26, v21  }
0x564: {  	s30 =	sand.u32 $0x380, s28;
	s0 =	sshra.s32 s0, $0x2  }
0x565: {  	s31 =	sor.u32 s30, s0;
	[tilespmem:s25+$0x1334] =	vst v43  }
0x566: {  	[tilespmem:s31+$0x1330] =	vst v44  }
0x567: {  	[tilespmem:s25+$0x1B90] =	vst v45  }
0x568: {  	v44 =	vld.idx.msk [tilespmem:v58+s2+$0x0], $0xffff  }
0x569: {  	v59 =	vadd.s32 s26, v22;
	_ =	sdelay $0x3  }
0x56a: {  	[tilespmem:s31+$0x1340] =	vst v44  }
0x56b: {  	v44 =	vld.idx.msk [tilespmem:v59+s2+$0x0], $0xffff  }
0x56c: {  	v60 =	vadd.s32 s26, v23;
	_ =	sdelay $0x3  }
0x56d: {  	[tilespmem:s31+$0x1350] =	vst v44  }
0x56e: {  	v44 =	vld.idx.msk [tilespmem:v60+s2+$0x0], $0xffff  }
0x56f: {  	v61 =	vadd.s32 s26, v24;
	_ =	sdelay $0x3  }
0x570: {  	[tilespmem:s31+$0x1360] =	vst v44  }
0x571: {  	v44 =	vld.idx.msk [tilespmem:v61+s2+$0x0], $0xffff  }
0x572: {  	v62 =	vadd.s32 s26, v25;
	_ =	sdelay $0x3  }
0x573: {  	[tilespmem:s31+$0x1370] =	vst v44  }
0x574: {  	v44 =	vld.idx.msk [tilespmem:v62+s2+$0x0], $0xffff  }
0x575: {  	v63 =	vadd.s32 s26, v26;
	_ =	sdelay $0x3  }
0x576: {  	[tilespmem:s31+$0x1380] =	vst v44  }
0x577: {  	v44 =	vld.idx.msk [tilespmem:v63+s2+$0x0], $0xffff  }
0x578: {  	v48 =	vadd.s32 s26, v27;
	_ =	sdelay $0x3  }
0x579: {  	[tilespmem:s31+$0x1390] =	vst v44  }
0x57a: {  	v44 =	vld.idx.msk [tilespmem:v48+s2+$0x0], $0xffff  }
0x57b: {  	v49 =	vadd.s32 s26, v28;
	_ =	sdelay $0x3  }
0x57c: {  	[tilespmem:s31+$0x13A0] =	vst v44  }
0x57d: {  	v44 =	vld.idx.msk [tilespmem:v49+s2+$0x0], $0xffff  }
0x57e: {  	v50 =	vadd.s32 s26, v29;
	_ =	sdelay $0x3  }
0x57f: {  	[tilespmem:s31+$0x1730] =	vst v44  }
0x580: {  	v44 =	vld.idx.msk [tilespmem:v50+s2+$0x0], $0xffff  }
0x581: {  	v51 =	vadd.s32 s26, v30;
	_ =	sdelay $0x3  }
0x582: {  	[tilespmem:s31+$0x1740] =	vst v44  }
0x583: {  	v44 =	vld.idx.msk [tilespmem:v51+s2+$0x0], $0xffff  }
0x584: {  	v52 =	vadd.s32 s26, v31;
	_ =	sdelay $0x3  }
0x585: {  	[tilespmem:s31+$0x1750] =	vst v44  }
0x586: {  	v44 =	vld.idx.msk [tilespmem:v52+s2+$0x0], $0xffff  }
0x587: {  	v53 =	vadd.s32 s26, v32;
	_ =	sdelay $0x3  }
0x588: {  	[tilespmem:s31+$0x1760] =	vst v44  }
0x589: {  	v44 =	vld.idx.msk [tilespmem:v53+s2+$0x0], $0xffff  }
0x58a: {  	v54 =	vadd.s32 s26, v34;
	_ =	sdelay $0x3  }
0x58b: {  	[tilespmem:s31+$0x1770] =	vst v44  }
0x58c: {  	v44 =	vld.idx.msk [tilespmem:v54+s2+$0x0], $0xffff  }
0x58d: {  	v55 =	vadd.s32 s26, v35;
	_ =	sdelay $0x3  }
0x58e: {  	[tilespmem:s31+$0x1780] =	vst v44  }
0x58f: {  	v44 =	vld.idx.msk [tilespmem:v55+s2+$0x0], $0xffff  }
0x590: {  	v56 =	vadd.s32 s26, v37;
	_ =	sdelay $0x3  }
0x591: {  	[tilespmem:s31+$0x1790] =	vst v44  }
0x592: {  	v44 =	vld.idx.msk [tilespmem:v56+s2+$0x0], $0xffff  }
0x593: {  	v57 =	vadd.s32 s26, v38;
	_ =	sdelay $0x3  }
0x594: {  	[tilespmem:s31+$0x17A0] =	vst v44  }
0x595: {  	v44 =	vld.idx.msk [tilespmem:v57+s2+$0x0], $0xffff  }
0x596: {  	v58 =	vadd.s32 s26, v39;
	_ =	sdelay $0x3  }
0x597: {  	[tilespmem:s31+$0x1B30] =	vst v44  }
0x598: {  	v44 =	vld.idx.msk [tilespmem:v58+s2+$0x0], $0xffff  }
0x599: {  	v59 =	vadd.s32 s26, v40;
	_ =	sdelay $0x3  }
0x59a: {  	[tilespmem:s31+$0x1B40] =	vst v44  }
0x59b: {  	v44 =	vld.idx.msk [tilespmem:v59+s2+$0x0], $0xffff  }
0x59c: {  	v60 =	vadd.s32 s26, v41;
	_ =	sdelay $0x3  }
0x59d: {  	[tilespmem:s31+$0x1B50] =	vst v44  }
0x59e: {  	v44 =	vld.idx.msk [tilespmem:v60+s2+$0x0], $0xffff  }
0x59f: {  	v61 =	vadd.s32 s26, v33;
	_ =	sdelay $0x3  }
0x5a0: {  	[tilespmem:s31+$0x1B60] =	vst v44  }
0x5a1: {  	v44 =	vld.idx.msk [tilespmem:v61+s2+$0x0], $0xffff  }
0x5a2: {  	v62 =	vadd.s32 s26, v36;
	_ =	sdelay $0x3  }
0x5a3: {  	[tilespmem:s31+$0x1B70] =	vst v44  }
0x5a4: {  	v44 =	vld.idx.msk [tilespmem:v62+s2+$0x0], $0xffff  }
0x5a5: {  	v63 =	vadd.s32 s26, v42;
	_ =	sdelay $0x3  }
0x5a6: {  	[tilespmem:s31+$0x1B80] =	vst v44  }
0x5a7: {  	v44 =	vld.idx.msk [tilespmem:v63+s2+$0x0], $0xffff;
	_ =	sdelay $0x3  }
0x5a8: {  	[tilespmem:s31+$0x1334] =	vst v43  }
0x5a9: {  	[tilespmem:s31+$0x1B90] =	vst v44  }
0x5aa: {  	[hbm4b:s11+s2] =	stream.linear.scatter [tilespmem:s22], [sflag:$0x2], $0x3C00, $0x38;
	[tilespmem:$0x12730] =	vst v63  }
0x5ab: {  	_ =	swait.ge [sflag:s23], $0x4800  }
0x5ac: {  	[sflag:s23] =	ssyncset.done $0x0  }
0x5ad: {  	[sflag:s23] =	ssyncadd.s32 $0xFFFFB800  }
0x5ae: {  	_ =	swait.ge [sflag:s23], $0x4800  }
0x5af: {  	[sflag:s23] =	ssyncset.done $0x0  }
0x5b0: {  	s24 =	sadd.s32 $0x1, s24;
	[sflag:s23] =	ssyncadd.s32 $0xFFFFB800  }
0x5b1: {  	p0 =	sne.s32 s24, s12;
	_ =	swait.ge [sflag:s23], $0x4800  }
.Ltmp7:
0x5b2: {  	[sflag:s23] =	ssyncset.done $0x0;
	(pc) =	sbr.rel @p0 .LBB2_1-.Ltmp7, $4  }
0x5b3: {  	[sflag:s23] =	ssyncadd.s32 $0xFFFFB800  }
0x5b4: {  	_ =	swait.ge [sflag:s23], $0x3C00  }
0x5b5: {  	[sflag:s23] =	ssyncset.done $0x0  }
0x5b6: {  	[sflag:s23] =	ssyncadd.s32 $0xFFFFC400  }
0x5b7: {  	_ =	sfence.sel $0x180000  }
0x5b8: {  	[bflag:$0x0] =	sbarrier.arrive $0xFFFF  }
0x5b9: {  	_ =	strace $0x90000047  }
0x5ba: {  	s0 =	stileid.u32;
	[bflag:$0x2] =	sbarrier.arrive $0xFFFF  }
0x5bb: {  	p0 =	sne.s32 s0, $0x0;
	s0 =	rddreg [dreg:$0x3]  }
0x5bc: {  	s0 =	sadd.s32 @!p0 $0x100000, s0  }
0x5bd: {  	[sflag:s0] =	ssyncadd.tile.s32 @!p0 $0x1;
	_ =	shalt  }
.Lfunc_end2:
_tile_overlayer_lowered:
.L_overlay_start_2:
0x5be: {  	(tag) =	ssettag $0x2  }
0x5bf: {  	s0 =	rddreg [dreg:$0x0];
	s2 =	stileid.u32  }
0x5c0: {  	s1 =	rddreg [dreg:$0x1];
	p0 =	sne.s32 s2, $0x0  }
0x5c1: {  	s3 =	rddreg [dreg:$0x2];
	[bflag:$0x3] =	sbarrier.arrive $0xFFFF;
	s2 =	simm.s32 @!p0 $0x1C03  }
0x5c2: {  	[timem:s3], [sflag:s2] =	dma.local @!p0 [hbm:s0], s1  }
0x5c3: {  	s0 =	simm.s32 @!p0 $0x3  }
0x5c4: {  	_ =	swait.ge @!p0 [sflag:s0], s1  }
0x5c5: {  	s1 =	ssub.s32 @!p0 $0x0, s1;
	[sflag:s0] =	ssyncset.done @!p0 $0x0  }
0x5c6: {  	[sflag:s0] =	ssyncadd.s32 @!p0 s1  }
0x5c7: {  	[bflag:$0x3] =	sbarrier.arrive $0xFFFF  }
0x5c8: {  	_ =	shalt  }

</sc_bundles>
